<compile_context>
chip_gen: v7x
topology: tpu7x:2x2x1
jax: 0.10.2.dev20260603
libtpu: 0.0.44.dev20260713+nightly
codegen_flags: <defaults>
</compile_context>

<pallas_src>
import jax
import jax.numpy as jnp
from jax import lax
from jax.experimental import pallas as pl
from jax.experimental.pallas import tpu as pltpu
from jax.experimental.pallas import tpu_sc as plsc

DIM = 64
LUT_SIZE = 65536
NUM_CORES = 2
NUM_SUBCORES = 16
NUM_WORKERS = NUM_CORES * NUM_SUBCORES
LANES = 16
BCHUNK = 128
NBUF = 2
SKEW = 33


def _sc_body(ids_hbm, lut_hbm, bf_hbm, out_hbm,
             ids_v, lut_sh, lut_v, bf_v, c_v, out_v,
             sem_l, sems_b, sems_o):
    hist = ids_hbm.shape[0]
    sid = lax.axis_index("s")
    wid = sid * NUM_CORES + lax.axis_index("c")
    b0 = wid * BCHUNK

    pltpu.sync_copy(ids_hbm.at[:, pl.ds(b0, BCHUNK)], ids_v)

    def issue(h, slot):
        pltpu.async_copy(bf_hbm.at[ids_v.at[h]], bf_v.at[slot], sems_b[slot])

    def wait_in(slot):
        pltpu.make_async_copy(
            bf_hbm.at[ids_v.at[0]], bf_v.at[slot], sems_b[slot]).wait()

    def wait_out(slot):
        pltpu.make_async_copy(
            out_v.at[slot],
            out_hbm.at[0, :, 0, :], sems_o[slot]).wait()

    issue(0, 0)

    with jax.named_scope("lut_stage"):
        @pl.when(sid == 0)
        def _():
            pltpu.sync_copy(lut_hbm, lut_sh)
        plsc.subcore_barrier()
        pltpu.async_copy(lut_sh, lut_v, sem_l).wait()

    HALF = BCHUNK // 2
    tskew = [(jax.lax.iota(jnp.int32, 16) + tb * LANES) * SKEW
             for tb in range(HALF // LANES)]

    def outer(g, carry):
        for b in range(NBUF):
            cur = g * NBUF + b
            nxt = cur + 1

            @pl.when(nxt < hist)
            def _():
                issue(nxt, (b + 1) % NBUF)

            wait_in(b)

            @pl.when(cur >= NBUF)
            def _():
                wait_out(b)

            for half in range(2):
                t_off = half * HALF

                @plsc.parallel_loop(0, HALF, 1, unroll=8)
                def _(t):
                    row = t * SKEW
                    c = [bf_v[b, t_off + t, pl.ds(j * LANES, LANES)] * 256
                         + bf_v[b, t_off + t, pl.ds(DIM + j * LANES, LANES)]
                         for j in range(DIM // LANES)]
                    c_v[pl.ds(row, LANES)] = c[0] | (c[1] << 16)
                    c_v[pl.ds(row + LANES, LANES)] = c[2] | (c[3] << 16)

                @plsc.parallel_loop(0, DIM // 2, 1, unroll=4)
                def _(p):
                    d_lo = p + (p & 16)
                    off_lo = (d_lo % 8) * BCHUNK + t_off
                    off_hi = ((d_lo + 16) % 8) * BCHUNK + t_off
                    p_vec = jnp.full((16,), p, dtype=jnp.int32)
                    for tb in range(HALF // LANES):
                        w = plsc.load_gather(c_v, [tskew[tb] + p_vec])
                        lo = w & 0xFFFF
                        hi = lax.shift_right_logical(w, 16)
                        out_v[b, d_lo // 8,
                              pl.ds(off_lo + tb * LANES, LANES)] = (
                            plsc.load_gather(lut_v, [lo]))
                        out_v[b, (d_lo + 16) // 8,
                              pl.ds(off_hi + tb * LANES, LANES)] = (
                            plsc.load_gather(lut_v, [hi]))

            pltpu.async_copy(
                out_v.at[b],
                out_hbm.at[cur, :, wid, :],
                sems_o[b])
        return carry

    with jax.named_scope("main_loop"):
        lax.fori_loop(0, hist // NBUF, outer, 0)
    for b in range(NBUF):
        wait_out(b)


@jax.jit
def _sc_embed(ids_hb, lut, bf):
    hist, batch = ids_hb.shape
    mesh = plsc.VectorSubcoreMesh(core_axis_name="c", subcore_axis_name="s")
    n_btiles = batch // BCHUNK
    kern = pl.kernel(
        _sc_body,
        out_type=jax.ShapeDtypeStruct((hist, DIM // 8, n_btiles, 8 * BCHUNK),
                                      jnp.float32),
        mesh=mesh,
        scratch_types=[
            pltpu.VMEM((hist, BCHUNK), jnp.int32),
            pltpu.MemorySpace.VMEM_SHARED((LUT_SIZE,), jnp.float32),
            pltpu.VMEM((LUT_SIZE,), jnp.float32),
            pltpu.VMEM((NBUF, BCHUNK, 2 * DIM), jnp.int32),
            pltpu.VMEM((BCHUNK // 2 * SKEW,), jnp.int32),
            pltpu.VMEM((NBUF, DIM // 8, 8 * BCHUNK), jnp.float32),
            pltpu.SemaphoreType.DMA,
            [pltpu.SemaphoreType.DMA] * NBUF,
            [pltpu.SemaphoreType.DMA] * NBUF,
        ],
        compiler_params=pltpu.CompilerParams(
            needs_layout_passes=False, use_tc_tiling_on_sc=False),
    )
    return kern(ids_hb, lut, bf)


def kernel(input_ids, lut, base_idx, fine_idx):
    ids_hb = jnp.transpose(input_ids.astype(jnp.int32), (1, 0))
    bf = jnp.concatenate(
        [base_idx.astype(jnp.int32), fine_idx.astype(jnp.int32)], axis=1)
    out4 = _sc_embed(ids_hb, lut, bf)
    hist, batch = ids_hb.shape
    x = out4.reshape(hist, DIM // 8, batch // BCHUNK, 8, BCHUNK)
    return jnp.transpose(x, (2, 4, 0, 1, 3)).reshape(batch, hist, DIM)

# --- scband reference (transcript-rebuilt; emitter-appended) ---
"""Pipeline reference for scband-true-shadowless-embedding-40518721471147 (READ-ONLY COPY).

The authoritative reference and input builder live on the scoring server;
editing this copy changes nothing except your own understanding.
"""

import jax, jax.numpy as jnp
import numpy as np
import math

VOCAB = 100000
DIM = 64
BATCH = 4096
HIST = 50
LUT_SIZE = 65536


def setup_inputs(seed: int = 0) -> dict:
    key = jax.random.key(seed)
    k1, k2, k3 = jax.random.split(key, 3)
    input_ids = jax.random.randint(k1, (BATCH, HIST), 0, VOCAB, dtype=jnp.int32)
    lut = jax.random.normal(k2, (LUT_SIZE,), dtype=jnp.float32)
    # replicate torch init: random_combined ~ U[32768-bound, 32768+bound)
    bound = int(math.sqrt(6.0 / (VOCAB + DIM)) * 32768)
    lo = max(0, 32768 - bound)
    hi = min(65535, 32768 + bound)
    random_combined = jax.random.randint(k3, (VOCAB, DIM), lo, hi, dtype=jnp.int32)
    base_idx = random_combined // 256  # stored as uint8 in torch; keep int32 here
    fine_idx = random_combined % 256
    return {"input_ids": input_ids, "lut": lut, "base_idx": base_idx, "fine_idx": fine_idx}


def reference(input_ids, lut, base_idx, fine_idx):
    # combined_idx = base_idx * 256 + fine_idx  -> indices into the 65536-entry LUT
    combined_idx = base_idx.astype(jnp.int32) * 256 + fine_idx.astype(jnp.int32)
    # proxy_weight = lut[combined_idx]  -> materialized [vocab, dim] embedding table
    proxy_weight = jnp.take(lut, combined_idx, axis=0)
    # F.embedding(input_ids, proxy_weight)
    out = jnp.take(proxy_weight, input_ids, axis=0)
    return out

if __name__ == "__main__":
    import jax
    _d = setup_inputs()
    print(jax.jit(kernel)(*tuple(_d.values())))

</pallas_src>

<mosaic_0001>
#map = affine_map<(d0, d1) -> (0, 0)>
#map1 = affine_map<(d0, d1) -> (0)>
#map2 = affine_map<(d0, d1) -> (0, 0, 0, 0)>
module attributes {stable_mosaic.version = 14 : i64} {
  func.func @_sc_body(%arg0: i32, %arg1: i32, %arg2: memref<50x4096xi32, #tpu.memory_space<hbm>>, %arg3: memref<65536xf32, #tpu.memory_space<hbm>>, %arg4: memref<100000x128xi32, #tpu.memory_space<hbm>>, %arg5: memref<50x8x32x1024xf32, #tpu.memory_space<hbm>>, %arg6: memref<50x128xi32, #tpu.memory_space<vmem>>, %arg7: memref<65536xf32, #tpu.memory_space<vmem_shared>>, %arg8: memref<65536xf32, #tpu.memory_space<vmem>>, %arg9: memref<2x128x128xi32, #tpu.memory_space<vmem>>, %arg10: memref<2112xi32, #tpu.memory_space<vmem>>, %arg11: memref<2x8x1024xf32, #tpu.memory_space<vmem>>, %arg12: memref<!tpu.dma_semaphore, #tpu.memory_space<semaphore_mem>>, %arg13: memref<!tpu.dma_semaphore, #tpu.memory_space<semaphore_mem>>, %arg14: memref<!tpu.dma_semaphore, #tpu.memory_space<semaphore_mem>>, %arg15: memref<!tpu.dma_semaphore, #tpu.memory_space<semaphore_mem>>, %arg16: memref<!tpu.dma_semaphore, #tpu.memory_space<semaphore_mem>>) attributes {dimension_semantics = [#tpu.dimension_semantics<core_parallel>, #tpu.dimension_semantics<subcore_parallel>], iteration_bounds = array<i64: 2, 16>, scalar_prefetch = 0 : i64, scratch_operands = 11 : i64, tpu.core_type = #tpu.core_type<sc_vector_subcore>, window_params = [{transform_indices = #map}, {transform_indices = #map1}, {transform_indices = #map}, {transform_indices = #map2}]} {
    %mul3A = arith.constant 2 : i32
    %mul3A_0 = arith.muli %arg1, %mul3A : i32
    %add3A = arith.addi %mul3A_0, %arg0 : i32
    %mul3A_1 = arith.constant 128 : i32
    %mul3A_2 = arith.muli %add3A, %mul3A_1 : i32
    "tpu.region"() ({
      %run_scoped3A = tpu.sem_alloc : memref<!tpu.dma_semaphore, #tpu.memory_space<semaphore_mem>>
      %dma_start3A_85 = arith.constant 0 : i32
      %dma_start3A_86 = tpu.memref_slice %arg2[%dma_start3A_85, %mul3A_2] : memref<50x4096xi32, #tpu.memory_space<hbm>> -> memref<50x128xi32, #tpu.memory_space<hbm>>
      %dma_start3A_87 = arith.constant 0 : i32
      %dma_start3A_88 = tpu.memref_slice %arg2[%dma_start3A_87, %mul3A_2] : memref<50x4096xi32, #tpu.memory_space<hbm>> -> memref<50x128xi32, #tpu.memory_space<hbm>>
      tpu.enqueue_dma source(%dma_start3A_88 : memref<50x128xi32, #tpu.memory_space<hbm>>) target(%arg6 : memref<50x128xi32, #tpu.memory_space<vmem>>) target_semaphore(%run_scoped3A : memref<!tpu.dma_semaphore, #tpu.memory_space<semaphore_mem>>)
      %dma_wait3A_89 = arith.constant 0 : i32
      %dma_wait3A_90 = tpu.memref_slice %arg2[%dma_wait3A_89, %mul3A_2] : memref<50x4096xi32, #tpu.memory_space<hbm>> -> memref<50x128xi32, #tpu.memory_space<hbm>>
      %dma_wait3A_91 = arith.constant 0 : i32
      %dma_wait3A_92 = tpu.memref_slice %arg2[%dma_wait3A_91, %mul3A_2] : memref<50x4096xi32, #tpu.memory_space<hbm>> -> memref<50x128xi32, #tpu.memory_space<hbm>>
      tpu.wait_dma2 semaphore(%run_scoped3A : memref<!tpu.dma_semaphore, #tpu.memory_space<semaphore_mem>>) src(%dma_wait3A_92 : memref<50x128xi32, #tpu.memory_space<hbm>>) dst(%arg6 : memref<50x128xi32, #tpu.memory_space<vmem>>)
      tpu.yield
    }) : () -> ()
    %dma_start3A = arith.constant 0 : i32
    %dma_start3A_3 = arith.constant 0 : i32
    %dma_start3A_4 = arith.constant 0 : i32
    %dma_start3A_5 = arith.constant 0 : i32
    %dma_start3A_6 = tpu.memref_slice %arg9[%dma_start3A_3, %dma_start3A_4, %dma_start3A_5] : memref<2x128x128xi32, #tpu.memory_space<vmem>> -> memref<1x128x128xi32, #tpu.memory_space<vmem>>
    %dma_start3A_7 = tpu.memref_squeeze %dma_start3A_6 : memref<1x128x128xi32, #tpu.memory_space<vmem>> -> memref<128x128xi32, #tpu.memory_space<vmem>>
    %dma_start3A_8 = arith.constant 0 : i32
    %dma_start3A_9 = tpu.memref_slice %arg6[%dma_start3A, %dma_start3A_8] : memref<50x128xi32, #tpu.memory_space<vmem>> -> memref<1x128xi32, #tpu.memory_space<vmem>>
    %dma_start3A_10 = tpu.memref_squeeze %dma_start3A_9 : memref<1x128xi32, #tpu.memory_space<vmem>> -> memref<128xi32, #tpu.memory_space<vmem>>
    %dma_start3A_11 = arith.constant 0 : i32
    %dma_start3A_12 = arith.constant 0 : i32
    %dma_start3A_13 = tpu.memref_slice %arg4[%dma_start3A_11, %dma_start3A_12] : memref<100000x128xi32, #tpu.memory_space<hbm>> -> memref<100000x128xi32, #tpu.memory_space<hbm>>
    tpu.enqueue_indirect_dma source(%dma_start3A_13 : memref<100000x128xi32, #tpu.memory_space<hbm>>) target(%dma_start3A_7 : memref<128x128xi32, #tpu.memory_space<vmem>>) offsets(%dma_start3A_10 : memref<128xi32, #tpu.memory_space<vmem>>) semaphore(%arg13 : memref<!tpu.dma_semaphore, #tpu.memory_space<semaphore_mem>>)
    %eq3A = arith.constant 0 : i32
    "tpu.trace_start"() <{level = 10 : i32, message = "lut_stage"}> : () -> ()
    %eq3A_14 = arith.cmpi eq, %arg1, %eq3A : i32
    %convert_element_type3A = arith.extui %eq3A_14 : i1 to i32
    %cond3A = arith.constant 0 : i32
    %cond3A_15 = arith.cmpi ne, %convert_element_type3A, %cond3A : i32
    scf.if %cond3A_15 {
      "tpu.region"() ({
        %run_scoped3A = tpu.sem_alloc : memref<!tpu.dma_semaphore, #tpu.memory_space<semaphore_mem>>
        tpu.enqueue_dma source(%arg3 : memref<65536xf32, #tpu.memory_space<hbm>>) target(%arg7 : memref<65536xf32, #tpu.memory_space<vmem_shared>>) target_semaphore(%run_scoped3A : memref<!tpu.dma_semaphore, #tpu.memory_space<semaphore_mem>>)
        tpu.wait_dma2 semaphore(%run_scoped3A : memref<!tpu.dma_semaphore, #tpu.memory_space<semaphore_mem>>) src(%arg3 : memref<65536xf32, #tpu.memory_space<hbm>>) dst(%arg7 : memref<65536xf32, #tpu.memory_space<vmem_shared>>)
        tpu.yield
      }) : () -> ()
    } else {
    }
    %barrier3A = arith.constant 0 : index
    tpu.barrier barrier_id(%barrier3A)
    tpu.enqueue_dma source(%arg7 : memref<65536xf32, #tpu.memory_space<vmem_shared>>) target(%arg8 : memref<65536xf32, #tpu.memory_space<vmem>>) target_semaphore(%arg12 : memref<!tpu.dma_semaphore, #tpu.memory_space<semaphore_mem>>)
    tpu.wait_dma2 semaphore(%arg12 : memref<!tpu.dma_semaphore, #tpu.memory_space<semaphore_mem>>) src(%arg7 : memref<65536xf32, #tpu.memory_space<vmem_shared>>) dst(%arg8 : memref<65536xf32, #tpu.memory_space<vmem>>)
    "tpu.trace_stop"() : () -> ()
    %iota3A = tpu.iota {dimensions = array<i32: 0>} : vector<16xi32>
    %add3A_16 = arith.constant 0 : i32
    %add3A_17 = vector.broadcast %add3A_16 : i32 to vector<16xi32>
    %add3A_18 = arith.addi %iota3A, %add3A_17 : vector<16xi32>
    %mul3A_19 = arith.constant 33 : i32
    %mul3A_20 = vector.broadcast %mul3A_19 : i32 to vector<16xi32>
    %mul3A_21 = arith.muli %add3A_18, %mul3A_20 : vector<16xi32>
    %iota3A_22 = tpu.iota {dimensions = array<i32: 0>} : vector<16xi32>
    %add3A_23 = arith.constant 16 : i32
    %add3A_24 = vector.broadcast %add3A_23 : i32 to vector<16xi32>
    %add3A_25 = arith.addi %iota3A_22, %add3A_24 : vector<16xi32>
    %mul3A_26 = arith.constant 33 : i32
    %mul3A_27 = vector.broadcast %mul3A_26 : i32 to vector<16xi32>
    %mul3A_28 = arith.muli %add3A_25, %mul3A_27 : vector<16xi32>
    %iota3A_29 = tpu.iota {dimensions = array<i32: 0>} : vector<16xi32>
    %add3A_30 = arith.constant 32 : i32
    %add3A_31 = vector.broadcast %add3A_30 : i32 to vector<16xi32>
    %add3A_32 = arith.addi %iota3A_29, %add3A_31 : vector<16xi32>
    %mul3A_33 = arith.constant 33 : i32
    %mul3A_34 = vector.broadcast %mul3A_33 : i32 to vector<16xi32>
    %mul3A_35 = arith.muli %add3A_32, %mul3A_34 : vector<16xi32>
    %iota3A_36 = tpu.iota {dimensions = array<i32: 0>} : vector<16xi32>
    %add3A_37 = arith.constant 48 : i32
    %add3A_38 = vector.broadcast %add3A_37 : i32 to vector<16xi32>
    %add3A_39 = arith.addi %iota3A_36, %add3A_38 : vector<16xi32>
    %mul3A_40 = arith.constant 33 : i32
    %mul3A_41 = vector.broadcast %mul3A_40 : i32 to vector<16xi32>
    %mul3A_42 = arith.muli %add3A_39, %mul3A_41 : vector<16xi32>
    "tpu.trace_start"() <{level = 10 : i32, message = "main_loop"}> : () -> ()
    %scan3A = arith.constant 0 : i32
    %scan3A_43 = arith.constant 0 : i32
    %scan3A_44 = arith.constant 25 : i32
    %scan3A_45 = arith.addi %scan3A_43, %scan3A_44 : i32
    %scan3A_46 = arith.constant 1 : i32
    scf.for %scan3A_85 = %scan3A_43 to %scan3A_45 step %scan3A_46  : i32 {
      %mul3A_86 = arith.constant 2 : i32
      %mul3A_87 = arith.muli %scan3A_85, %mul3A_86 : i32
      %add3A_88 = arith.constant 0 : i32
      %add3A_89 = arith.addi %mul3A_87, %add3A_88 : i32
      %add3A_90 = arith.constant 1 : i32
      %add3A_91 = arith.addi %add3A_89, %add3A_90 : i32
      %lt3A = arith.constant 50 : i32
      %lt3A_92 = arith.cmpi slt, %add3A_91, %lt3A : i32
      %convert_element_type3A_93 = arith.extui %lt3A_92 : i1 to i32
      %cond3A_94 = arith.constant 0 : i32
      %cond3A_95 = arith.cmpi ne, %convert_element_type3A_93, %cond3A_94 : i32
      scf.if %cond3A_95 {
        %dma_start3A_197 = arith.constant 1 : i32
        %dma_start3A_198 = arith.constant 0 : i32
        %dma_start3A_199 = arith.constant 0 : i32
        %dma_start3A_200 = tpu.memref_slice %arg9[%dma_start3A_197, %dma_start3A_198, %dma_start3A_199] : memref<2x128x128xi32, #tpu.memory_space<vmem>> -> memref<1x128x128xi32, #tpu.memory_space<vmem>>
        %dma_start3A_201 = tpu.memref_squeeze %dma_start3A_200 : memref<1x128x128xi32, #tpu.memory_space<vmem>> -> memref<128x128xi32, #tpu.memory_space<vmem>>
        %dma_start3A_202 = arith.constant 0 : i32
        %dma_start3A_203 = tpu.memref_slice %arg6[%add3A_91, %dma_start3A_202] : memref<50x128xi32, #tpu.memory_space<vmem>> -> memref<1x128xi32, #tpu.memory_space<vmem>>
        %dma_start3A_204 = tpu.memref_squeeze %dma_start3A_203 : memref<1x128xi32, #tpu.memory_space<vmem>> -> memref<128xi32, #tpu.memory_space<vmem>>
        %dma_start3A_205 = arith.constant 0 : i32
        %dma_start3A_206 = arith.constant 0 : i32
        %dma_start3A_207 = tpu.memref_slice %arg4[%dma_start3A_205, %dma_start3A_206] : memref<100000x128xi32, #tpu.memory_space<hbm>> -> memref<100000x128xi32, #tpu.memory_space<hbm>>
        tpu.enqueue_indirect_dma source(%dma_start3A_207 : memref<100000x128xi32, #tpu.memory_space<hbm>>) target(%dma_start3A_201 : memref<128x128xi32, #tpu.memory_space<vmem>>) offsets(%dma_start3A_204 : memref<128xi32, #tpu.memory_space<vmem>>) semaphore(%arg14 : memref<!tpu.dma_semaphore, #tpu.memory_space<semaphore_mem>>)
      } else {
      }
      %dma_wait3A_96 = arith.constant 0 : i32
      %dma_wait3A_97 = arith.constant 0 : i32
      %dma_wait3A_98 = arith.constant 0 : i32
      %dma_wait3A_99 = arith.constant 0 : i32
      %dma_wait3A_100 = tpu.memref_slice %arg9[%dma_wait3A_97, %dma_wait3A_98, %dma_wait3A_99] : memref<2x128x128xi32, #tpu.memory_space<vmem>> -> memref<1x128x128xi32, #tpu.memory_space<vmem>>
      %dma_wait3A_101 = tpu.memref_squeeze %dma_wait3A_100 : memref<1x128x128xi32, #tpu.memory_space<vmem>> -> memref<128x128xi32, #tpu.memory_space<vmem>>
      %dma_wait3A_102 = arith.constant 0 : i32
      %dma_wait3A_103 = tpu.memref_slice %arg6[%dma_wait3A_96, %dma_wait3A_102] : memref<50x128xi32, #tpu.memory_space<vmem>> -> memref<1x128xi32, #tpu.memory_space<vmem>>
      %dma_wait3A_104 = tpu.memref_squeeze %dma_wait3A_103 : memref<1x128xi32, #tpu.memory_space<vmem>> -> memref<128xi32, #tpu.memory_space<vmem>>
      %dma_wait3A_105 = arith.constant 0 : i32
      %dma_wait3A_106 = arith.constant 0 : i32
      %dma_wait3A_107 = tpu.memref_slice %arg4[%dma_wait3A_105, %dma_wait3A_106] : memref<100000x128xi32, #tpu.memory_space<hbm>> -> memref<100000x128xi32, #tpu.memory_space<hbm>>
      tpu.wait_indirect_dma semaphore(%arg13 : memref<!tpu.dma_semaphore, #tpu.memory_space<semaphore_mem>>) src(%dma_wait3A_107 : memref<100000x128xi32, #tpu.memory_space<hbm>>) dst(%dma_wait3A_101 : memref<128x128xi32, #tpu.memory_space<vmem>>)
      %ge3A = arith.constant 2 : i32
      %ge3A_108 = arith.cmpi sge, %add3A_89, %ge3A : i32
      %convert_element_type3A_109 = arith.extui %ge3A_108 : i1 to i32
      %cond3A_110 = arith.constant 0 : i32
      %cond3A_111 = arith.cmpi ne, %convert_element_type3A_109, %cond3A_110 : i32
      scf.if %cond3A_111 {
        %dma_wait3A_197 = arith.constant 0 : i32
        %dma_wait3A_198 = arith.constant 0 : i32
        %dma_wait3A_199 = arith.constant 0 : i32
        %dma_wait3A_200 = arith.constant 0 : i32
        %dma_wait3A_201 = arith.constant 0 : i32
        %dma_wait3A_202 = tpu.memref_slice %arg11[%dma_wait3A_197, %dma_wait3A_200, %dma_wait3A_201] : memref<2x8x1024xf32, #tpu.memory_space<vmem>> -> memref<1x8x1024xf32, #tpu.memory_space<vmem>>
        %dma_wait3A_203 = tpu.memref_squeeze %dma_wait3A_202 : memref<1x8x1024xf32, #tpu.memory_space<vmem>> -> memref<8x1024xf32, #tpu.memory_space<vmem>>
        %dma_wait3A_204 = arith.constant 0 : i32
        %dma_wait3A_205 = arith.constant 0 : i32
        %dma_wait3A_206 = tpu.memref_slice %arg5[%dma_wait3A_198, %dma_wait3A_204, %dma_wait3A_199, %dma_wait3A_205] : memref<50x8x32x1024xf32, #tpu.memory_space<hbm>> -> memref<1x8x1x1024xf32, #tpu.memory_space<hbm>>
        %dma_wait3A_207 = tpu.memref_squeeze %dma_wait3A_206 : memref<1x8x1x1024xf32, #tpu.memory_space<hbm>> -> memref<8x1024xf32, #tpu.memory_space<hbm>>
        %dma_wait3A_208 = arith.constant 0 : i32
        %dma_wait3A_209 = arith.constant 0 : i32
        %dma_wait3A_210 = tpu.memref_slice %arg5[%dma_wait3A_198, %dma_wait3A_208, %dma_wait3A_199, %dma_wait3A_209] : memref<50x8x32x1024xf32, #tpu.memory_space<hbm>> -> memref<1x8x1x1024xf32, #tpu.memory_space<hbm>>
        %dma_wait3A_211 = tpu.memref_squeeze %dma_wait3A_210 : memref<1x8x1x1024xf32, #tpu.memory_space<hbm>> -> memref<8x1024xf32, #tpu.memory_space<hbm>>
        %dma_wait3A_212 = arith.constant 0 : i32
        %dma_wait3A_213 = arith.constant 0 : i32
        %dma_wait3A_214 = tpu.memref_slice %arg11[%dma_wait3A_197, %dma_wait3A_212, %dma_wait3A_213] : memref<2x8x1024xf32, #tpu.memory_space<vmem>> -> memref<1x8x1024xf32, #tpu.memory_space<vmem>>
        %dma_wait3A_215 = tpu.memref_squeeze %dma_wait3A_214 : memref<1x8x1024xf32, #tpu.memory_space<vmem>> -> memref<8x1024xf32, #tpu.memory_space<vmem>>
        tpu.wait_dma2 semaphore(%arg15 : memref<!tpu.dma_semaphore, #tpu.memory_space<semaphore_mem>>) src(%dma_wait3A_215 : memref<8x1024xf32, #tpu.memory_space<vmem>>) dst(%dma_wait3A_211 : memref<8x1024xf32, #tpu.memory_space<hbm>>)
      } else {
      }
      %parallel_loop3A = arith.constant 0 : i32
      %parallel_loop3A_112 = arith.constant 64 : i32
      %parallel_loop3A_113 = arith.constant 1 : i32
      scf.for %parallel_loop3A_197 = %parallel_loop3A to %parallel_loop3A_112 step %parallel_loop3A_113  : i32 {
        %parallel_loop3A_198 = arith.constant 33 : i32
        %parallel_loop3A_199 = arith.muli %parallel_loop3A_197, %parallel_loop3A_198 : i32
        %parallel_loop3A_200 = arith.constant 0 : i32
        %parallel_loop3A_201 = arith.addi %parallel_loop3A_200, %parallel_loop3A_197 : i32
        %parallel_loop3A_202 = arith.constant 0 : i32
        %parallel_loop3A_203 = arith.index_cast %parallel_loop3A_202 : i32 to index
        %parallel_loop3A_204 = arith.index_cast %parallel_loop3A_201 : i32 to index
        %parallel_loop3A_205 = arith.constant 0 : index
        %parallel_loop3A_206 = tpu.vector_load %arg9[%parallel_loop3A_203, %parallel_loop3A_204, %parallel_loop3A_205] {strides = array<i32>} : memref<2x128x128xi32, #tpu.memory_space<vmem>>, vector<16xi32>,
        %parallel_loop3A_207 = arith.constant 256 : i32
        %parallel_loop3A_208 = vector.broadcast %parallel_loop3A_207 : i32 to vector<16xi32>
        %parallel_loop3A_209 = arith.muli %parallel_loop3A_206, %parallel_loop3A_208 : vector<16xi32>
        %parallel_loop3A_210 = arith.constant 0 : i32
        %parallel_loop3A_211 = arith.addi %parallel_loop3A_210, %parallel_loop3A_197 : i32
        %parallel_loop3A_212 = arith.constant 0 : i32
        %parallel_loop3A_213 = arith.index_cast %parallel_loop3A_212 : i32 to index
        %parallel_loop3A_214 = arith.index_cast %parallel_loop3A_211 : i32 to index
        %parallel_loop3A_215 = arith.constant 64 : index
        %parallel_loop3A_216 = tpu.vector_load %arg9[%parallel_loop3A_213, %parallel_loop3A_214, %parallel_loop3A_215] {strides = array<i32>} : memref<2x128x128xi32, #tpu.memory_space<vmem>>, vector<16xi32>,
        %parallel_loop3A_217 = arith.addi %parallel_loop3A_209, %parallel_loop3A_216 : vector<16xi32>
        %parallel_loop3A_218 = arith.constant 0 : i32
        %parallel_loop3A_219 = arith.addi %parallel_loop3A_218, %parallel_loop3A_197 : i32
        %parallel_loop3A_220 = arith.constant 0 : i32
        %parallel_loop3A_221 = arith.index_cast %parallel_loop3A_220 : i32 to index
        %parallel_loop3A_222 = arith.index_cast %parallel_loop3A_219 : i32 to index
        %parallel_loop3A_223 = arith.constant 16 : index
        %parallel_loop3A_224 = tpu.vector_load %arg9[%parallel_loop3A_221, %parallel_loop3A_222, %parallel_loop3A_223] {strides = array<i32>} : memref<2x128x128xi32, #tpu.memory_space<vmem>>, vector<16xi32>,
        %parallel_loop3A_225 = arith.constant 256 : i32
        %parallel_loop3A_226 = vector.broadcast %parallel_loop3A_225 : i32 to vector<16xi32>
        %parallel_loop3A_227 = arith.muli %parallel_loop3A_224, %parallel_loop3A_226 : vector<16xi32>
        %parallel_loop3A_228 = arith.constant 0 : i32
        %parallel_loop3A_229 = arith.addi %parallel_loop3A_228, %parallel_loop3A_197 : i32
        %parallel_loop3A_230 = arith.constant 0 : i32
        %parallel_loop3A_231 = arith.index_cast %parallel_loop3A_230 : i32 to index
        %parallel_loop3A_232 = arith.index_cast %parallel_loop3A_229 : i32 to index
        %parallel_loop3A_233 = arith.constant 80 : index
        %parallel_loop3A_234 = tpu.vector_load %arg9[%parallel_loop3A_231, %parallel_loop3A_232, %parallel_loop3A_233] {strides = array<i32>} : memref<2x128x128xi32, #tpu.memory_space<vmem>>, vector<16xi32>,
        %parallel_loop3A_235 = arith.addi %parallel_loop3A_227, %parallel_loop3A_234 : vector<16xi32>
        %parallel_loop3A_236 = arith.constant 0 : i32
        %parallel_loop3A_237 = arith.addi %parallel_loop3A_236, %parallel_loop3A_197 : i32
        %parallel_loop3A_238 = arith.constant 0 : i32
        %parallel_loop3A_239 = arith.index_cast %parallel_loop3A_238 : i32 to index
        %parallel_loop3A_240 = arith.index_cast %parallel_loop3A_237 : i32 to index
        %parallel_loop3A_241 = arith.constant 32 : index
        %parallel_loop3A_242 = tpu.vector_load %arg9[%parallel_loop3A_239, %parallel_loop3A_240, %parallel_loop3A_241] {strides = array<i32>} : memref<2x128x128xi32, #tpu.memory_space<vmem>>, vector<16xi32>,
        %parallel_loop3A_243 = arith.constant 256 : i32
        %parallel_loop3A_244 = vector.broadcast %parallel_loop3A_243 : i32 to vector<16xi32>
        %parallel_loop3A_245 = arith.muli %parallel_loop3A_242, %parallel_loop3A_244 : vector<16xi32>
        %parallel_loop3A_246 = arith.constant 0 : i32
        %parallel_loop3A_247 = arith.addi %parallel_loop3A_246, %parallel_loop3A_197 : i32
        %parallel_loop3A_248 = arith.constant 0 : i32
        %parallel_loop3A_249 = arith.index_cast %parallel_loop3A_248 : i32 to index
        %parallel_loop3A_250 = arith.index_cast %parallel_loop3A_247 : i32 to index
        %parallel_loop3A_251 = arith.constant 96 : index
        %parallel_loop3A_252 = tpu.vector_load %arg9[%parallel_loop3A_249, %parallel_loop3A_250, %parallel_loop3A_251] {strides = array<i32>} : memref<2x128x128xi32, #tpu.memory_space<vmem>>, vector<16xi32>,
        %parallel_loop3A_253 = arith.addi %parallel_loop3A_245, %parallel_loop3A_252 : vector<16xi32>
        %parallel_loop3A_254 = arith.constant 0 : i32
        %parallel_loop3A_255 = arith.addi %parallel_loop3A_254, %parallel_loop3A_197 : i32
        %parallel_loop3A_256 = arith.constant 0 : i32
        %parallel_loop3A_257 = arith.index_cast %parallel_loop3A_256 : i32 to index
        %parallel_loop3A_258 = arith.index_cast %parallel_loop3A_255 : i32 to index
        %parallel_loop3A_259 = arith.constant 48 : index
        %parallel_loop3A_260 = tpu.vector_load %arg9[%parallel_loop3A_257, %parallel_loop3A_258, %parallel_loop3A_259] {strides = array<i32>} : memref<2x128x128xi32, #tpu.memory_space<vmem>>, vector<16xi32>,
        %parallel_loop3A_261 = arith.constant 256 : i32
        %parallel_loop3A_262 = vector.broadcast %parallel_loop3A_261 : i32 to vector<16xi32>
        %parallel_loop3A_263 = arith.muli %parallel_loop3A_260, %parallel_loop3A_262 : vector<16xi32>
        %parallel_loop3A_264 = arith.constant 0 : i32
        %parallel_loop3A_265 = arith.addi %parallel_loop3A_264, %parallel_loop3A_197 : i32
        %parallel_loop3A_266 = arith.constant 0 : i32
        %parallel_loop3A_267 = arith.index_cast %parallel_loop3A_266 : i32 to index
        %parallel_loop3A_268 = arith.index_cast %parallel_loop3A_265 : i32 to index
        %parallel_loop3A_269 = arith.constant 112 : index
        %parallel_loop3A_270 = tpu.vector_load %arg9[%parallel_loop3A_267, %parallel_loop3A_268, %parallel_loop3A_269] {strides = array<i32>} : memref<2x128x128xi32, #tpu.memory_space<vmem>>, vector<16xi32>,
        %parallel_loop3A_271 = arith.addi %parallel_loop3A_263, %parallel_loop3A_270 : vector<16xi32>
        %parallel_loop3A_272 = arith.constant 16 : i32
        %parallel_loop3A_273 = vector.broadcast %parallel_loop3A_272 : i32 to vector<16xi32>
        %parallel_loop3A_274 = arith.shli %parallel_loop3A_235, %parallel_loop3A_273 : vector<16xi32>
        %parallel_loop3A_275 = arith.ori %parallel_loop3A_217, %parallel_loop3A_274 : vector<16xi32>
        %parallel_loop3A_276 = arith.index_cast %parallel_loop3A_199 : i32 to index
        %parallel_loop3A_277 = tpu.vector_load %arg10[%parallel_loop3A_276] {strides = array<i32>} : memref<2112xi32, #tpu.memory_space<vmem>>, vector<16xi32>,
        tpu.vector_store %arg10[%parallel_loop3A_276], %parallel_loop3A_275 {strides = array<i32>} : memref<2112xi32, #tpu.memory_space<vmem>>, vector<16xi32>,
        %parallel_loop3A_278 = arith.constant 16 : i32
        %parallel_loop3A_279 = vector.broadcast %parallel_loop3A_278 : i32 to vector<16xi32>
        %parallel_loop3A_280 = arith.shli %parallel_loop3A_271, %parallel_loop3A_279 : vector<16xi32>
        %parallel_loop3A_281 = arith.ori %parallel_loop3A_253, %parallel_loop3A_280 : vector<16xi32>
        %parallel_loop3A_282 = arith.constant 16 : i32
        %parallel_loop3A_283 = arith.addi %parallel_loop3A_199, %parallel_loop3A_282 : i32
        %parallel_loop3A_284 = arith.index_cast %parallel_loop3A_283 : i32 to index
        %parallel_loop3A_285 = tpu.vector_load %arg10[%parallel_loop3A_284] {strides = array<i32>} : memref<2112xi32, #tpu.memory_space<vmem>>, vector<16xi32>,
        tpu.vector_store %arg10[%parallel_loop3A_284], %parallel_loop3A_281 {strides = array<i32>} : memref<2112xi32, #tpu.memory_space<vmem>>, vector<16xi32>,
      } {sc.loop_unroll_factor = 8 : i64, sc.parallel_access}
      %parallel_loop3A_114 = arith.constant 0 : i32
      %parallel_loop3A_115 = arith.constant 32 : i32
      %parallel_loop3A_116 = arith.constant 1 : i32
      scf.for %parallel_loop3A_197 = %parallel_loop3A_114 to %parallel_loop3A_115 step %parallel_loop3A_116  : i32 {
        %parallel_loop3A_198 = arith.constant 16 : i32
        %parallel_loop3A_199 = arith.andi %parallel_loop3A_197, %parallel_loop3A_198 : i32
        %parallel_loop3A_200 = arith.addi %parallel_loop3A_197, %parallel_loop3A_199 : i32
        %parallel_loop3A_201 = arith.constant 8 : i32
        %parallel_loop3A_202 = arith.constant 0 : i32
        %parallel_loop3A_203 = arith.cmpi eq, %parallel_loop3A_201, %parallel_loop3A_202 : i32
        %parallel_loop3A_204 = arith.constant 1 : i32
        %parallel_loop3A_205 = arith.select %parallel_loop3A_203, %parallel_loop3A_204, %parallel_loop3A_201 : i32
        %parallel_loop3A_206 = arith.remsi %parallel_loop3A_200, %parallel_loop3A_205 : i32
        %parallel_loop3A_207 = arith.constant 0 : i32
        %parallel_loop3A_208 = arith.cmpi ne, %parallel_loop3A_206, %parallel_loop3A_207 : i32
        %parallel_loop3A_209 = arith.constant 0 : i32
        %parallel_loop3A_210 = arith.cmpi slt, %parallel_loop3A_206, %parallel_loop3A_209 : i32
        %parallel_loop3A_211 = arith.constant 0 : i32
        %parallel_loop3A_212 = arith.cmpi slt, %parallel_loop3A_205, %parallel_loop3A_211 : i32
        %parallel_loop3A_213 = arith.xori %parallel_loop3A_210, %parallel_loop3A_212 : i1
        %parallel_loop3A_214 = arith.andi %parallel_loop3A_213, %parallel_loop3A_208 : i1
        %parallel_loop3A_215 = arith.addi %parallel_loop3A_206, %parallel_loop3A_205 : i32
        %parallel_loop3A_216 = arith.select %parallel_loop3A_214, %parallel_loop3A_215, %parallel_loop3A_206 : i32
        %parallel_loop3A_217 = arith.constant 128 : i32
        %parallel_loop3A_218 = arith.muli %parallel_loop3A_216, %parallel_loop3A_217 : i32
        %parallel_loop3A_219 = arith.constant 0 : i32
        %parallel_loop3A_220 = arith.addi %parallel_loop3A_218, %parallel_loop3A_219 : i32
        %parallel_loop3A_221 = arith.constant 16 : i32
        %parallel_loop3A_222 = arith.addi %parallel_loop3A_200, %parallel_loop3A_221 : i32
        %parallel_loop3A_223 = arith.constant 8 : i32
        %parallel_loop3A_224 = arith.constant 0 : i32
        %parallel_loop3A_225 = arith.cmpi eq, %parallel_loop3A_223, %parallel_loop3A_224 : i32
        %parallel_loop3A_226 = arith.constant 1 : i32
        %parallel_loop3A_227 = arith.select %parallel_loop3A_225, %parallel_loop3A_226, %parallel_loop3A_223 : i32
        %parallel_loop3A_228 = arith.remsi %parallel_loop3A_222, %parallel_loop3A_227 : i32
        %parallel_loop3A_229 = arith.constant 0 : i32
        %parallel_loop3A_230 = arith.cmpi ne, %parallel_loop3A_228, %parallel_loop3A_229 : i32
        %parallel_loop3A_231 = arith.constant 0 : i32
        %parallel_loop3A_232 = arith.cmpi slt, %parallel_loop3A_228, %parallel_loop3A_231 : i32
        %parallel_loop3A_233 = arith.constant 0 : i32
        %parallel_loop3A_234 = arith.cmpi slt, %parallel_loop3A_227, %parallel_loop3A_233 : i32
        %parallel_loop3A_235 = arith.xori %parallel_loop3A_232, %parallel_loop3A_234 : i1
        %parallel_loop3A_236 = arith.andi %parallel_loop3A_235, %parallel_loop3A_230 : i1
        %parallel_loop3A_237 = arith.addi %parallel_loop3A_228, %parallel_loop3A_227 : i32
        %parallel_loop3A_238 = arith.select %parallel_loop3A_236, %parallel_loop3A_237, %parallel_loop3A_228 : i32
        %parallel_loop3A_239 = arith.constant 128 : i32
        %parallel_loop3A_240 = arith.muli %parallel_loop3A_238, %parallel_loop3A_239 : i32
        %parallel_loop3A_241 = arith.constant 0 : i32
        %parallel_loop3A_242 = arith.addi %parallel_loop3A_240, %parallel_loop3A_241 : i32
        %parallel_loop3A_243 = vector.broadcast %parallel_loop3A_197 : i32 to vector<16xi32>
        %parallel_loop3A_244 = arith.addi %mul3A_21, %parallel_loop3A_243 : vector<16xi32>
        %parallel_loop3A_245 = tpu.vector_load_idx %arg10[%parallel_loop3A_244] : memref<2112xi32, #tpu.memory_space<vmem>>[vector<16xi32>], vector<16xi32>,
        %parallel_loop3A_246 = arith.constant 65535 : i32
        %parallel_loop3A_247 = vector.broadcast %parallel_loop3A_246 : i32 to vector<16xi32>
        %parallel_loop3A_248 = arith.andi %parallel_loop3A_245, %parallel_loop3A_247 : vector<16xi32>
        %parallel_loop3A_249 = arith.constant 16 : i32
        %parallel_loop3A_250 = vector.broadcast %parallel_loop3A_249 : i32 to vector<16xi32>
        %parallel_loop3A_251 = arith.shrui %parallel_loop3A_245, %parallel_loop3A_250 : vector<16xi32>
        %parallel_loop3A_252 = tpu.vector_load_idx %arg8[%parallel_loop3A_248] : memref<65536xf32, #tpu.memory_space<vmem>>[vector<16xi32>], vector<16xf32>,
        %parallel_loop3A_253 = arith.constant 8 : i32
        %parallel_loop3A_254 = arith.divsi %parallel_loop3A_200, %parallel_loop3A_253 : i32
        %parallel_loop3A_255 = arith.constant 0 : i32
        %parallel_loop3A_256 = arith.cmpi sgt, %parallel_loop3A_200, %parallel_loop3A_255 : i32
        %parallel_loop3A_257 = arith.extui %parallel_loop3A_256 : i1 to i32
        %parallel_loop3A_258 = arith.constant 0 : i32
        %parallel_loop3A_259 = arith.cmpi slt, %parallel_loop3A_200, %parallel_loop3A_258 : i32
        %parallel_loop3A_260 = arith.extui %parallel_loop3A_259 : i1 to i32
        %parallel_loop3A_261 = arith.subi %parallel_loop3A_257, %parallel_loop3A_260 : i32
        %parallel_loop3A_262 = arith.constant 0 : i32
        %parallel_loop3A_263 = arith.cmpi sgt, %parallel_loop3A_253, %parallel_loop3A_262 : i32
        %parallel_loop3A_264 = arith.extui %parallel_loop3A_263 : i1 to i32
        %parallel_loop3A_265 = arith.constant 0 : i32
        %parallel_loop3A_266 = arith.cmpi slt, %parallel_loop3A_253, %parallel_loop3A_265 : i32
        %parallel_loop3A_267 = arith.extui %parallel_loop3A_266 : i1 to i32
        %parallel_loop3A_268 = arith.subi %parallel_loop3A_264, %parallel_loop3A_267 : i32
        %parallel_loop3A_269 = arith.cmpi ne, %parallel_loop3A_261, %parallel_loop3A_268 : i32
        %parallel_loop3A_270 = arith.remsi %parallel_loop3A_200, %parallel_loop3A_253 : i32
        %parallel_loop3A_271 = arith.constant 0 : i32
        %parallel_loop3A_272 = arith.cmpi ne, %parallel_loop3A_270, %parallel_loop3A_271 : i32
        %parallel_loop3A_273 = arith.andi %parallel_loop3A_269, %parallel_loop3A_272 : i1
        %parallel_loop3A_274 = arith.constant 1 : i32
        %parallel_loop3A_275 = arith.subi %parallel_loop3A_254, %parallel_loop3A_274 : i32
        %parallel_loop3A_276 = arith.select %parallel_loop3A_273, %parallel_loop3A_275, %parallel_loop3A_254 : i32
        %parallel_loop3A_277 = arith.constant 0 : i32
        %parallel_loop3A_278 = arith.addi %parallel_loop3A_220, %parallel_loop3A_277 : i32
        %parallel_loop3A_279 = arith.constant 0 : i32
        %parallel_loop3A_280 = arith.index_cast %parallel_loop3A_279 : i32 to index
        %parallel_loop3A_281 = arith.index_cast %parallel_loop3A_276 : i32 to index
        %parallel_loop3A_282 = arith.index_cast %parallel_loop3A_278 : i32 to index
        %parallel_loop3A_283 = tpu.vector_load %arg11[%parallel_loop3A_280, %parallel_loop3A_281, %parallel_loop3A_282] {strides = array<i32>} : memref<2x8x1024xf32, #tpu.memory_space<vmem>>, vector<16xf32>,
        tpu.vector_store %arg11[%parallel_loop3A_280, %parallel_loop3A_281, %parallel_loop3A_282], %parallel_loop3A_252 {strides = array<i32>} : memref<2x8x1024xf32, #tpu.memory_space<vmem>>, vector<16xf32>,
        %parallel_loop3A_284 = tpu.vector_load_idx %arg8[%parallel_loop3A_251] : memref<65536xf32, #tpu.memory_space<vmem>>[vector<16xi32>], vector<16xf32>,
        %parallel_loop3A_285 = arith.constant 16 : i32
        %parallel_loop3A_286 = arith.addi %parallel_loop3A_200, %parallel_loop3A_285 : i32
        %parallel_loop3A_287 = arith.constant 8 : i32
        %parallel_loop3A_288 = arith.divsi %parallel_loop3A_286, %parallel_loop3A_287 : i32
        %parallel_loop3A_289 = arith.constant 0 : i32
        %parallel_loop3A_290 = arith.cmpi sgt, %parallel_loop3A_286, %parallel_loop3A_289 : i32
        %parallel_loop3A_291 = arith.extui %parallel_loop3A_290 : i1 to i32
        %parallel_loop3A_292 = arith.constant 0 : i32
        %parallel_loop3A_293 = arith.cmpi slt, %parallel_loop3A_286, %parallel_loop3A_292 : i32
        %parallel_loop3A_294 = arith.extui %parallel_loop3A_293 : i1 to i32
        %parallel_loop3A_295 = arith.subi %parallel_loop3A_291, %parallel_loop3A_294 : i32
        %parallel_loop3A_296 = arith.constant 0 : i32
        %parallel_loop3A_297 = arith.cmpi sgt, %parallel_loop3A_287, %parallel_loop3A_296 : i32
        %parallel_loop3A_298 = arith.extui %parallel_loop3A_297 : i1 to i32
        %parallel_loop3A_299 = arith.constant 0 : i32
        %parallel_loop3A_300 = arith.cmpi slt, %parallel_loop3A_287, %parallel_loop3A_299 : i32
        %parallel_loop3A_301 = arith.extui %parallel_loop3A_300 : i1 to i32
        %parallel_loop3A_302 = arith.subi %parallel_loop3A_298, %parallel_loop3A_301 : i32
        %parallel_loop3A_303 = arith.cmpi ne, %parallel_loop3A_295, %parallel_loop3A_302 : i32
        %parallel_loop3A_304 = arith.remsi %parallel_loop3A_286, %parallel_loop3A_287 : i32
        %parallel_loop3A_305 = arith.constant 0 : i32
        %parallel_loop3A_306 = arith.cmpi ne, %parallel_loop3A_304, %parallel_loop3A_305 : i32
        %parallel_loop3A_307 = arith.andi %parallel_loop3A_303, %parallel_loop3A_306 : i1
        %parallel_loop3A_308 = arith.constant 1 : i32
        %parallel_loop3A_309 = arith.subi %parallel_loop3A_288, %parallel_loop3A_308 : i32
        %parallel_loop3A_310 = arith.select %parallel_loop3A_307, %parallel_loop3A_309, %parallel_loop3A_288 : i32
        %parallel_loop3A_311 = arith.constant 0 : i32
        %parallel_loop3A_312 = arith.addi %parallel_loop3A_242, %parallel_loop3A_311 : i32
        %parallel_loop3A_313 = arith.constant 0 : i32
        %parallel_loop3A_314 = arith.index_cast %parallel_loop3A_313 : i32 to index
        %parallel_loop3A_315 = arith.index_cast %parallel_loop3A_310 : i32 to index
        %parallel_loop3A_316 = arith.index_cast %parallel_loop3A_312 : i32 to index
        %parallel_loop3A_317 = tpu.vector_load %arg11[%parallel_loop3A_314, %parallel_loop3A_315, %parallel_loop3A_316] {strides = array<i32>} : memref<2x8x1024xf32, #tpu.memory_space<vmem>>, vector<16xf32>,
        tpu.vector_store %arg11[%parallel_loop3A_314, %parallel_loop3A_315, %parallel_loop3A_316], %parallel_loop3A_284 {strides = array<i32>} : memref<2x8x1024xf32, #tpu.memory_space<vmem>>, vector<16xf32>,
        %parallel_loop3A_318 = arith.addi %mul3A_28, %parallel_loop3A_243 : vector<16xi32>
        %parallel_loop3A_319 = tpu.vector_load_idx %arg10[%parallel_loop3A_318] : memref<2112xi32, #tpu.memory_space<vmem>>[vector<16xi32>], vector<16xi32>,
        %parallel_loop3A_320 = arith.constant 65535 : i32
        %parallel_loop3A_321 = vector.broadcast %parallel_loop3A_320 : i32 to vector<16xi32>
        %parallel_loop3A_322 = arith.andi %parallel_loop3A_319, %parallel_loop3A_321 : vector<16xi32>
        %parallel_loop3A_323 = arith.constant 16 : i32
        %parallel_loop3A_324 = vector.broadcast %parallel_loop3A_323 : i32 to vector<16xi32>
        %parallel_loop3A_325 = arith.shrui %parallel_loop3A_319, %parallel_loop3A_324 : vector<16xi32>
        %parallel_loop3A_326 = tpu.vector_load_idx %arg8[%parallel_loop3A_322] : memref<65536xf32, #tpu.memory_space<vmem>>[vector<16xi32>], vector<16xf32>,
        %parallel_loop3A_327 = arith.constant 8 : i32
        %parallel_loop3A_328 = arith.divsi %parallel_loop3A_200, %parallel_loop3A_327 : i32
        %parallel_loop3A_329 = arith.constant 0 : i32
        %parallel_loop3A_330 = arith.cmpi sgt, %parallel_loop3A_200, %parallel_loop3A_329 : i32
        %parallel_loop3A_331 = arith.extui %parallel_loop3A_330 : i1 to i32
        %parallel_loop3A_332 = arith.constant 0 : i32
        %parallel_loop3A_333 = arith.cmpi slt, %parallel_loop3A_200, %parallel_loop3A_332 : i32
        %parallel_loop3A_334 = arith.extui %parallel_loop3A_333 : i1 to i32
        %parallel_loop3A_335 = arith.subi %parallel_loop3A_331, %parallel_loop3A_334 : i32
        %parallel_loop3A_336 = arith.constant 0 : i32
        %parallel_loop3A_337 = arith.cmpi sgt, %parallel_loop3A_327, %parallel_loop3A_336 : i32
        %parallel_loop3A_338 = arith.extui %parallel_loop3A_337 : i1 to i32
        %parallel_loop3A_339 = arith.constant 0 : i32
        %parallel_loop3A_340 = arith.cmpi slt, %parallel_loop3A_327, %parallel_loop3A_339 : i32
        %parallel_loop3A_341 = arith.extui %parallel_loop3A_340 : i1 to i32
        %parallel_loop3A_342 = arith.subi %parallel_loop3A_338, %parallel_loop3A_341 : i32
        %parallel_loop3A_343 = arith.cmpi ne, %parallel_loop3A_335, %parallel_loop3A_342 : i32
        %parallel_loop3A_344 = arith.remsi %parallel_loop3A_200, %parallel_loop3A_327 : i32
        %parallel_loop3A_345 = arith.constant 0 : i32
        %parallel_loop3A_346 = arith.cmpi ne, %parallel_loop3A_344, %parallel_loop3A_345 : i32
        %parallel_loop3A_347 = arith.andi %parallel_loop3A_343, %parallel_loop3A_346 : i1
        %parallel_loop3A_348 = arith.constant 1 : i32
        %parallel_loop3A_349 = arith.subi %parallel_loop3A_328, %parallel_loop3A_348 : i32
        %parallel_loop3A_350 = arith.select %parallel_loop3A_347, %parallel_loop3A_349, %parallel_loop3A_328 : i32
        %parallel_loop3A_351 = arith.constant 16 : i32
        %parallel_loop3A_352 = arith.addi %parallel_loop3A_220, %parallel_loop3A_351 : i32
        %parallel_loop3A_353 = arith.constant 0 : i32
        %parallel_loop3A_354 = arith.index_cast %parallel_loop3A_353 : i32 to index
        %parallel_loop3A_355 = arith.index_cast %parallel_loop3A_350 : i32 to index
        %parallel_loop3A_356 = arith.index_cast %parallel_loop3A_352 : i32 to index
        %parallel_loop3A_357 = tpu.vector_load %arg11[%parallel_loop3A_354, %parallel_loop3A_355, %parallel_loop3A_356] {strides = array<i32>} : memref<2x8x1024xf32, #tpu.memory_space<vmem>>, vector<16xf32>,
        tpu.vector_store %arg11[%parallel_loop3A_354, %parallel_loop3A_355, %parallel_loop3A_356], %parallel_loop3A_326 {strides = array<i32>} : memref<2x8x1024xf32, #tpu.memory_space<vmem>>, vector<16xf32>,
        %parallel_loop3A_358 = tpu.vector_load_idx %arg8[%parallel_loop3A_325] : memref<65536xf32, #tpu.memory_space<vmem>>[vector<16xi32>], vector<16xf32>,
        %parallel_loop3A_359 = arith.constant 16 : i32
        %parallel_loop3A_360 = arith.addi %parallel_loop3A_200, %parallel_loop3A_359 : i32
        %parallel_loop3A_361 = arith.constant 8 : i32
        %parallel_loop3A_362 = arith.divsi %parallel_loop3A_360, %parallel_loop3A_361 : i32
        %parallel_loop3A_363 = arith.constant 0 : i32
        %parallel_loop3A_364 = arith.cmpi sgt, %parallel_loop3A_360, %parallel_loop3A_363 : i32
        %parallel_loop3A_365 = arith.extui %parallel_loop3A_364 : i1 to i32
        %parallel_loop3A_366 = arith.constant 0 : i32
        %parallel_loop3A_367 = arith.cmpi slt, %parallel_loop3A_360, %parallel_loop3A_366 : i32
        %parallel_loop3A_368 = arith.extui %parallel_loop3A_367 : i1 to i32
        %parallel_loop3A_369 = arith.subi %parallel_loop3A_365, %parallel_loop3A_368 : i32
        %parallel_loop3A_370 = arith.constant 0 : i32
        %parallel_loop3A_371 = arith.cmpi sgt, %parallel_loop3A_361, %parallel_loop3A_370 : i32
        %parallel_loop3A_372 = arith.extui %parallel_loop3A_371 : i1 to i32
        %parallel_loop3A_373 = arith.constant 0 : i32
        %parallel_loop3A_374 = arith.cmpi slt, %parallel_loop3A_361, %parallel_loop3A_373 : i32
        %parallel_loop3A_375 = arith.extui %parallel_loop3A_374 : i1 to i32
        %parallel_loop3A_376 = arith.subi %parallel_loop3A_372, %parallel_loop3A_375 : i32
        %parallel_loop3A_377 = arith.cmpi ne, %parallel_loop3A_369, %parallel_loop3A_376 : i32
        %parallel_loop3A_378 = arith.remsi %parallel_loop3A_360, %parallel_loop3A_361 : i32
        %parallel_loop3A_379 = arith.constant 0 : i32
        %parallel_loop3A_380 = arith.cmpi ne, %parallel_loop3A_378, %parallel_loop3A_379 : i32
        %parallel_loop3A_381 = arith.andi %parallel_loop3A_377, %parallel_loop3A_380 : i1
        %parallel_loop3A_382 = arith.constant 1 : i32
        %parallel_loop3A_383 = arith.subi %parallel_loop3A_362, %parallel_loop3A_382 : i32
        %parallel_loop3A_384 = arith.select %parallel_loop3A_381, %parallel_loop3A_383, %parallel_loop3A_362 : i32
        %parallel_loop3A_385 = arith.constant 16 : i32
        %parallel_loop3A_386 = arith.addi %parallel_loop3A_242, %parallel_loop3A_385 : i32
        %parallel_loop3A_387 = arith.constant 0 : i32
        %parallel_loop3A_388 = arith.index_cast %parallel_loop3A_387 : i32 to index
        %parallel_loop3A_389 = arith.index_cast %parallel_loop3A_384 : i32 to index
        %parallel_loop3A_390 = arith.index_cast %parallel_loop3A_386 : i32 to index
        %parallel_loop3A_391 = tpu.vector_load %arg11[%parallel_loop3A_388, %parallel_loop3A_389, %parallel_loop3A_390] {strides = array<i32>} : memref<2x8x1024xf32, #tpu.memory_space<vmem>>, vector<16xf32>,
        tpu.vector_store %arg11[%parallel_loop3A_388, %parallel_loop3A_389, %parallel_loop3A_390], %parallel_loop3A_358 {strides = array<i32>} : memref<2x8x1024xf32, #tpu.memory_space<vmem>>, vector<16xf32>,
        %parallel_loop3A_392 = arith.addi %mul3A_35, %parallel_loop3A_243 : vector<16xi32>
        %parallel_loop3A_393 = tpu.vector_load_idx %arg10[%parallel_loop3A_392] : memref<2112xi32, #tpu.memory_space<vmem>>[vector<16xi32>], vector<16xi32>,
        %parallel_loop3A_394 = arith.constant 65535 : i32
        %parallel_loop3A_395 = vector.broadcast %parallel_loop3A_394 : i32 to vector<16xi32>
        %parallel_loop3A_396 = arith.andi %parallel_loop3A_393, %parallel_loop3A_395 : vector<16xi32>
        %parallel_loop3A_397 = arith.constant 16 : i32
        %parallel_loop3A_398 = vector.broadcast %parallel_loop3A_397 : i32 to vector<16xi32>
        %parallel_loop3A_399 = arith.shrui %parallel_loop3A_393, %parallel_loop3A_398 : vector<16xi32>
        %parallel_loop3A_400 = tpu.vector_load_idx %arg8[%parallel_loop3A_396] : memref<65536xf32, #tpu.memory_space<vmem>>[vector<16xi32>], vector<16xf32>,
        %parallel_loop3A_401 = arith.constant 8 : i32
        %parallel_loop3A_402 = arith.divsi %parallel_loop3A_200, %parallel_loop3A_401 : i32
        %parallel_loop3A_403 = arith.constant 0 : i32
        %parallel_loop3A_404 = arith.cmpi sgt, %parallel_loop3A_200, %parallel_loop3A_403 : i32
        %parallel_loop3A_405 = arith.extui %parallel_loop3A_404 : i1 to i32
        %parallel_loop3A_406 = arith.constant 0 : i32
        %parallel_loop3A_407 = arith.cmpi slt, %parallel_loop3A_200, %parallel_loop3A_406 : i32
        %parallel_loop3A_408 = arith.extui %parallel_loop3A_407 : i1 to i32
        %parallel_loop3A_409 = arith.subi %parallel_loop3A_405, %parallel_loop3A_408 : i32
        %parallel_loop3A_410 = arith.constant 0 : i32
        %parallel_loop3A_411 = arith.cmpi sgt, %parallel_loop3A_401, %parallel_loop3A_410 : i32
        %parallel_loop3A_412 = arith.extui %parallel_loop3A_411 : i1 to i32
        %parallel_loop3A_413 = arith.constant 0 : i32
        %parallel_loop3A_414 = arith.cmpi slt, %parallel_loop3A_401, %parallel_loop3A_413 : i32
        %parallel_loop3A_415 = arith.extui %parallel_loop3A_414 : i1 to i32
        %parallel_loop3A_416 = arith.subi %parallel_loop3A_412, %parallel_loop3A_415 : i32
        %parallel_loop3A_417 = arith.cmpi ne, %parallel_loop3A_409, %parallel_loop3A_416 : i32
        %parallel_loop3A_418 = arith.remsi %parallel_loop3A_200, %parallel_loop3A_401 : i32
        %parallel_loop3A_419 = arith.constant 0 : i32
        %parallel_loop3A_420 = arith.cmpi ne, %parallel_loop3A_418, %parallel_loop3A_419 : i32
        %parallel_loop3A_421 = arith.andi %parallel_loop3A_417, %parallel_loop3A_420 : i1
        %parallel_loop3A_422 = arith.constant 1 : i32
        %parallel_loop3A_423 = arith.subi %parallel_loop3A_402, %parallel_loop3A_422 : i32
        %parallel_loop3A_424 = arith.select %parallel_loop3A_421, %parallel_loop3A_423, %parallel_loop3A_402 : i32
        %parallel_loop3A_425 = arith.constant 32 : i32
        %parallel_loop3A_426 = arith.addi %parallel_loop3A_220, %parallel_loop3A_425 : i32
        %parallel_loop3A_427 = arith.constant 0 : i32
        %parallel_loop3A_428 = arith.index_cast %parallel_loop3A_427 : i32 to index
        %parallel_loop3A_429 = arith.index_cast %parallel_loop3A_424 : i32 to index
        %parallel_loop3A_430 = arith.index_cast %parallel_loop3A_426 : i32 to index
        %parallel_loop3A_431 = tpu.vector_load %arg11[%parallel_loop3A_428, %parallel_loop3A_429, %parallel_loop3A_430] {strides = array<i32>} : memref<2x8x1024xf32, #tpu.memory_space<vmem>>, vector<16xf32>,
        tpu.vector_store %arg11[%parallel_loop3A_428, %parallel_loop3A_429, %parallel_loop3A_430], %parallel_loop3A_400 {strides = array<i32>} : memref<2x8x1024xf32, #tpu.memory_space<vmem>>, vector<16xf32>,
        %parallel_loop3A_432 = tpu.vector_load_idx %arg8[%parallel_loop3A_399] : memref<65536xf32, #tpu.memory_space<vmem>>[vector<16xi32>], vector<16xf32>,
        %parallel_loop3A_433 = arith.constant 16 : i32
        %parallel_loop3A_434 = arith.addi %parallel_loop3A_200, %parallel_loop3A_433 : i32
        %parallel_loop3A_435 = arith.constant 8 : i32
        %parallel_loop3A_436 = arith.divsi %parallel_loop3A_434, %parallel_loop3A_435 : i32
        %parallel_loop3A_437 = arith.constant 0 : i32
        %parallel_loop3A_438 = arith.cmpi sgt, %parallel_loop3A_434, %parallel_loop3A_437 : i32
        %parallel_loop3A_439 = arith.extui %parallel_loop3A_438 : i1 to i32
        %parallel_loop3A_440 = arith.constant 0 : i32
        %parallel_loop3A_441 = arith.cmpi slt, %parallel_loop3A_434, %parallel_loop3A_440 : i32
        %parallel_loop3A_442 = arith.extui %parallel_loop3A_441 : i1 to i32
        %parallel_loop3A_443 = arith.subi %parallel_loop3A_439, %parallel_loop3A_442 : i32
        %parallel_loop3A_444 = arith.constant 0 : i32
        %parallel_loop3A_445 = arith.cmpi sgt, %parallel_loop3A_435, %parallel_loop3A_444 : i32
        %parallel_loop3A_446 = arith.extui %parallel_loop3A_445 : i1 to i32
        %parallel_loop3A_447 = arith.constant 0 : i32
        %parallel_loop3A_448 = arith.cmpi slt, %parallel_loop3A_435, %parallel_loop3A_447 : i32
        %parallel_loop3A_449 = arith.extui %parallel_loop3A_448 : i1 to i32
        %parallel_loop3A_450 = arith.subi %parallel_loop3A_446, %parallel_loop3A_449 : i32
        %parallel_loop3A_451 = arith.cmpi ne, %parallel_loop3A_443, %parallel_loop3A_450 : i32
        %parallel_loop3A_452 = arith.remsi %parallel_loop3A_434, %parallel_loop3A_435 : i32
        %parallel_loop3A_453 = arith.constant 0 : i32
        %parallel_loop3A_454 = arith.cmpi ne, %parallel_loop3A_452, %parallel_loop3A_453 : i32
        %parallel_loop3A_455 = arith.andi %parallel_loop3A_451, %parallel_loop3A_454 : i1
        %parallel_loop3A_456 = arith.constant 1 : i32
        %parallel_loop3A_457 = arith.subi %parallel_loop3A_436, %parallel_loop3A_456 : i32
        %parallel_loop3A_458 = arith.select %parallel_loop3A_455, %parallel_loop3A_457, %parallel_loop3A_436 : i32
        %parallel_loop3A_459 = arith.constant 32 : i32
        %parallel_loop3A_460 = arith.addi %parallel_loop3A_242, %parallel_loop3A_459 : i32
        %parallel_loop3A_461 = arith.constant 0 : i32
        %parallel_loop3A_462 = arith.index_cast %parallel_loop3A_461 : i32 to index
        %parallel_loop3A_463 = arith.index_cast %parallel_loop3A_458 : i32 to index
        %parallel_loop3A_464 = arith.index_cast %parallel_loop3A_460 : i32 to index
        %parallel_loop3A_465 = tpu.vector_load %arg11[%parallel_loop3A_462, %parallel_loop3A_463, %parallel_loop3A_464] {strides = array<i32>} : memref<2x8x1024xf32, #tpu.memory_space<vmem>>, vector<16xf32>,
        tpu.vector_store %arg11[%parallel_loop3A_462, %parallel_loop3A_463, %parallel_loop3A_464], %parallel_loop3A_432 {strides = array<i32>} : memref<2x8x1024xf32, #tpu.memory_space<vmem>>, vector<16xf32>,
        %parallel_loop3A_466 = arith.addi %mul3A_42, %parallel_loop3A_243 : vector<16xi32>
        %parallel_loop3A_467 = tpu.vector_load_idx %arg10[%parallel_loop3A_466] : memref<2112xi32, #tpu.memory_space<vmem>>[vector<16xi32>], vector<16xi32>,
        %parallel_loop3A_468 = arith.constant 65535 : i32
        %parallel_loop3A_469 = vector.broadcast %parallel_loop3A_468 : i32 to vector<16xi32>
        %parallel_loop3A_470 = arith.andi %parallel_loop3A_467, %parallel_loop3A_469 : vector<16xi32>
        %parallel_loop3A_471 = arith.constant 16 : i32
        %parallel_loop3A_472 = vector.broadcast %parallel_loop3A_471 : i32 to vector<16xi32>
        %parallel_loop3A_473 = arith.shrui %parallel_loop3A_467, %parallel_loop3A_472 : vector<16xi32>
        %parallel_loop3A_474 = tpu.vector_load_idx %arg8[%parallel_loop3A_470] : memref<65536xf32, #tpu.memory_space<vmem>>[vector<16xi32>], vector<16xf32>,
        %parallel_loop3A_475 = arith.constant 8 : i32
        %parallel_loop3A_476 = arith.divsi %parallel_loop3A_200, %parallel_loop3A_475 : i32
        %parallel_loop3A_477 = arith.constant 0 : i32
        %parallel_loop3A_478 = arith.cmpi sgt, %parallel_loop3A_200, %parallel_loop3A_477 : i32
        %parallel_loop3A_479 = arith.extui %parallel_loop3A_478 : i1 to i32
        %parallel_loop3A_480 = arith.constant 0 : i32
        %parallel_loop3A_481 = arith.cmpi slt, %parallel_loop3A_200, %parallel_loop3A_480 : i32
        %parallel_loop3A_482 = arith.extui %parallel_loop3A_481 : i1 to i32
        %parallel_loop3A_483 = arith.subi %parallel_loop3A_479, %parallel_loop3A_482 : i32
        %parallel_loop3A_484 = arith.constant 0 : i32
        %parallel_loop3A_485 = arith.cmpi sgt, %parallel_loop3A_475, %parallel_loop3A_484 : i32
        %parallel_loop3A_486 = arith.extui %parallel_loop3A_485 : i1 to i32
        %parallel_loop3A_487 = arith.constant 0 : i32
        %parallel_loop3A_488 = arith.cmpi slt, %parallel_loop3A_475, %parallel_loop3A_487 : i32
        %parallel_loop3A_489 = arith.extui %parallel_loop3A_488 : i1 to i32
        %parallel_loop3A_490 = arith.subi %parallel_loop3A_486, %parallel_loop3A_489 : i32
        %parallel_loop3A_491 = arith.cmpi ne, %parallel_loop3A_483, %parallel_loop3A_490 : i32
        %parallel_loop3A_492 = arith.remsi %parallel_loop3A_200, %parallel_loop3A_475 : i32
        %parallel_loop3A_493 = arith.constant 0 : i32
        %parallel_loop3A_494 = arith.cmpi ne, %parallel_loop3A_492, %parallel_loop3A_493 : i32
        %parallel_loop3A_495 = arith.andi %parallel_loop3A_491, %parallel_loop3A_494 : i1
        %parallel_loop3A_496 = arith.constant 1 : i32
        %parallel_loop3A_497 = arith.subi %parallel_loop3A_476, %parallel_loop3A_496 : i32
        %parallel_loop3A_498 = arith.select %parallel_loop3A_495, %parallel_loop3A_497, %parallel_loop3A_476 : i32
        %parallel_loop3A_499 = arith.constant 48 : i32
        %parallel_loop3A_500 = arith.addi %parallel_loop3A_220, %parallel_loop3A_499 : i32
        %parallel_loop3A_501 = arith.constant 0 : i32
        %parallel_loop3A_502 = arith.index_cast %parallel_loop3A_501 : i32 to index
        %parallel_loop3A_503 = arith.index_cast %parallel_loop3A_498 : i32 to index
        %parallel_loop3A_504 = arith.index_cast %parallel_loop3A_500 : i32 to index
        %parallel_loop3A_505 = tpu.vector_load %arg11[%parallel_loop3A_502, %parallel_loop3A_503, %parallel_loop3A_504] {strides = array<i32>} : memref<2x8x1024xf32, #tpu.memory_space<vmem>>, vector<16xf32>,
        tpu.vector_store %arg11[%parallel_loop3A_502, %parallel_loop3A_503, %parallel_loop3A_504], %parallel_loop3A_474 {strides = array<i32>} : memref<2x8x1024xf32, #tpu.memory_space<vmem>>, vector<16xf32>,
        %parallel_loop3A_506 = tpu.vector_load_idx %arg8[%parallel_loop3A_473] : memref<65536xf32, #tpu.memory_space<vmem>>[vector<16xi32>], vector<16xf32>,
        %parallel_loop3A_507 = arith.constant 16 : i32
        %parallel_loop3A_508 = arith.addi %parallel_loop3A_200, %parallel_loop3A_507 : i32
        %parallel_loop3A_509 = arith.constant 8 : i32
        %parallel_loop3A_510 = arith.divsi %parallel_loop3A_508, %parallel_loop3A_509 : i32
        %parallel_loop3A_511 = arith.constant 0 : i32
        %parallel_loop3A_512 = arith.cmpi sgt, %parallel_loop3A_508, %parallel_loop3A_511 : i32
        %parallel_loop3A_513 = arith.extui %parallel_loop3A_512 : i1 to i32
        %parallel_loop3A_514 = arith.constant 0 : i32
        %parallel_loop3A_515 = arith.cmpi slt, %parallel_loop3A_508, %parallel_loop3A_514 : i32
        %parallel_loop3A_516 = arith.extui %parallel_loop3A_515 : i1 to i32
        %parallel_loop3A_517 = arith.subi %parallel_loop3A_513, %parallel_loop3A_516 : i32
        %parallel_loop3A_518 = arith.constant 0 : i32
        %parallel_loop3A_519 = arith.cmpi sgt, %parallel_loop3A_509, %parallel_loop3A_518 : i32
        %parallel_loop3A_520 = arith.extui %parallel_loop3A_519 : i1 to i32
        %parallel_loop3A_521 = arith.constant 0 : i32
        %parallel_loop3A_522 = arith.cmpi slt, %parallel_loop3A_509, %parallel_loop3A_521 : i32
        %parallel_loop3A_523 = arith.extui %parallel_loop3A_522 : i1 to i32
        %parallel_loop3A_524 = arith.subi %parallel_loop3A_520, %parallel_loop3A_523 : i32
        %parallel_loop3A_525 = arith.cmpi ne, %parallel_loop3A_517, %parallel_loop3A_524 : i32
        %parallel_loop3A_526 = arith.remsi %parallel_loop3A_508, %parallel_loop3A_509 : i32
        %parallel_loop3A_527 = arith.constant 0 : i32
        %parallel_loop3A_528 = arith.cmpi ne, %parallel_loop3A_526, %parallel_loop3A_527 : i32
        %parallel_loop3A_529 = arith.andi %parallel_loop3A_525, %parallel_loop3A_528 : i1
        %parallel_loop3A_530 = arith.constant 1 : i32
        %parallel_loop3A_531 = arith.subi %parallel_loop3A_510, %parallel_loop3A_530 : i32
        %parallel_loop3A_532 = arith.select %parallel_loop3A_529, %parallel_loop3A_531, %parallel_loop3A_510 : i32
        %parallel_loop3A_533 = arith.constant 48 : i32
        %parallel_loop3A_534 = arith.addi %parallel_loop3A_242, %parallel_loop3A_533 : i32
        %parallel_loop3A_535 = arith.constant 0 : i32
        %parallel_loop3A_536 = arith.index_cast %parallel_loop3A_535 : i32 to index
        %parallel_loop3A_537 = arith.index_cast %parallel_loop3A_532 : i32 to index
        %parallel_loop3A_538 = arith.index_cast %parallel_loop3A_534 : i32 to index
        %parallel_loop3A_539 = tpu.vector_load %arg11[%parallel_loop3A_536, %parallel_loop3A_537, %parallel_loop3A_538] {strides = array<i32>} : memref<2x8x1024xf32, #tpu.memory_space<vmem>>, vector<16xf32>,
        tpu.vector_store %arg11[%parallel_loop3A_536, %parallel_loop3A_537, %parallel_loop3A_538], %parallel_loop3A_506 {strides = array<i32>} : memref<2x8x1024xf32, #tpu.memory_space<vmem>>, vector<16xf32>,
      } {sc.loop_unroll_factor = 4 : i64, sc.parallel_access}
      %parallel_loop3A_117 = arith.constant 0 : i32
      %parallel_loop3A_118 = arith.constant 64 : i32
      %parallel_loop3A_119 = arith.constant 1 : i32
      scf.for %parallel_loop3A_197 = %parallel_loop3A_117 to %parallel_loop3A_118 step %parallel_loop3A_119  : i32 {
        %parallel_loop3A_198 = arith.constant 33 : i32
        %parallel_loop3A_199 = arith.muli %parallel_loop3A_197, %parallel_loop3A_198 : i32
        %parallel_loop3A_200 = arith.constant 64 : i32
        %parallel_loop3A_201 = arith.addi %parallel_loop3A_200, %parallel_loop3A_197 : i32
        %parallel_loop3A_202 = arith.constant 0 : i32
        %parallel_loop3A_203 = arith.index_cast %parallel_loop3A_202 : i32 to index
        %parallel_loop3A_204 = arith.index_cast %parallel_loop3A_201 : i32 to index
        %parallel_loop3A_205 = arith.constant 0 : index
        %parallel_loop3A_206 = tpu.vector_load %arg9[%parallel_loop3A_203, %parallel_loop3A_204, %parallel_loop3A_205] {strides = array<i32>} : memref<2x128x128xi32, #tpu.memory_space<vmem>>, vector<16xi32>,
        %parallel_loop3A_207 = arith.constant 256 : i32
        %parallel_loop3A_208 = vector.broadcast %parallel_loop3A_207 : i32 to vector<16xi32>
        %parallel_loop3A_209 = arith.muli %parallel_loop3A_206, %parallel_loop3A_208 : vector<16xi32>
        %parallel_loop3A_210 = arith.constant 64 : i32
        %parallel_loop3A_211 = arith.addi %parallel_loop3A_210, %parallel_loop3A_197 : i32
        %parallel_loop3A_212 = arith.constant 0 : i32
        %parallel_loop3A_213 = arith.index_cast %parallel_loop3A_212 : i32 to index
        %parallel_loop3A_214 = arith.index_cast %parallel_loop3A_211 : i32 to index
        %parallel_loop3A_215 = arith.constant 64 : index
        %parallel_loop3A_216 = tpu.vector_load %arg9[%parallel_loop3A_213, %parallel_loop3A_214, %parallel_loop3A_215] {strides = array<i32>} : memref<2x128x128xi32, #tpu.memory_space<vmem>>, vector<16xi32>,
        %parallel_loop3A_217 = arith.addi %parallel_loop3A_209, %parallel_loop3A_216 : vector<16xi32>
        %parallel_loop3A_218 = arith.constant 64 : i32
        %parallel_loop3A_219 = arith.addi %parallel_loop3A_218, %parallel_loop3A_197 : i32
        %parallel_loop3A_220 = arith.constant 0 : i32
        %parallel_loop3A_221 = arith.index_cast %parallel_loop3A_220 : i32 to index
        %parallel_loop3A_222 = arith.index_cast %parallel_loop3A_219 : i32 to index
        %parallel_loop3A_223 = arith.constant 16 : index
        %parallel_loop3A_224 = tpu.vector_load %arg9[%parallel_loop3A_221, %parallel_loop3A_222, %parallel_loop3A_223] {strides = array<i32>} : memref<2x128x128xi32, #tpu.memory_space<vmem>>, vector<16xi32>,
        %parallel_loop3A_225 = arith.constant 256 : i32
        %parallel_loop3A_226 = vector.broadcast %parallel_loop3A_225 : i32 to vector<16xi32>
        %parallel_loop3A_227 = arith.muli %parallel_loop3A_224, %parallel_loop3A_226 : vector<16xi32>
        %parallel_loop3A_228 = arith.constant 64 : i32
        %parallel_loop3A_229 = arith.addi %parallel_loop3A_228, %parallel_loop3A_197 : i32
        %parallel_loop3A_230 = arith.constant 0 : i32
        %parallel_loop3A_231 = arith.index_cast %parallel_loop3A_230 : i32 to index
        %parallel_loop3A_232 = arith.index_cast %parallel_loop3A_229 : i32 to index
        %parallel_loop3A_233 = arith.constant 80 : index
        %parallel_loop3A_234 = tpu.vector_load %arg9[%parallel_loop3A_231, %parallel_loop3A_232, %parallel_loop3A_233] {strides = array<i32>} : memref<2x128x128xi32, #tpu.memory_space<vmem>>, vector<16xi32>,
        %parallel_loop3A_235 = arith.addi %parallel_loop3A_227, %parallel_loop3A_234 : vector<16xi32>
        %parallel_loop3A_236 = arith.constant 64 : i32
        %parallel_loop3A_237 = arith.addi %parallel_loop3A_236, %parallel_loop3A_197 : i32
        %parallel_loop3A_238 = arith.constant 0 : i32
        %parallel_loop3A_239 = arith.index_cast %parallel_loop3A_238 : i32 to index
        %parallel_loop3A_240 = arith.index_cast %parallel_loop3A_237 : i32 to index
        %parallel_loop3A_241 = arith.constant 32 : index
        %parallel_loop3A_242 = tpu.vector_load %arg9[%parallel_loop3A_239, %parallel_loop3A_240, %parallel_loop3A_241] {strides = array<i32>} : memref<2x128x128xi32, #tpu.memory_space<vmem>>, vector<16xi32>,
        %parallel_loop3A_243 = arith.constant 256 : i32
        %parallel_loop3A_244 = vector.broadcast %parallel_loop3A_243 : i32 to vector<16xi32>
        %parallel_loop3A_245 = arith.muli %parallel_loop3A_242, %parallel_loop3A_244 : vector<16xi32>
        %parallel_loop3A_246 = arith.constant 64 : i32
        %parallel_loop3A_247 = arith.addi %parallel_loop3A_246, %parallel_loop3A_197 : i32
        %parallel_loop3A_248 = arith.constant 0 : i32
        %parallel_loop3A_249 = arith.index_cast %parallel_loop3A_248 : i32 to index
        %parallel_loop3A_250 = arith.index_cast %parallel_loop3A_247 : i32 to index
        %parallel_loop3A_251 = arith.constant 96 : index
        %parallel_loop3A_252 = tpu.vector_load %arg9[%parallel_loop3A_249, %parallel_loop3A_250, %parallel_loop3A_251] {strides = array<i32>} : memref<2x128x128xi32, #tpu.memory_space<vmem>>, vector<16xi32>,
        %parallel_loop3A_253 = arith.addi %parallel_loop3A_245, %parallel_loop3A_252 : vector<16xi32>
        %parallel_loop3A_254 = arith.constant 64 : i32
        %parallel_loop3A_255 = arith.addi %parallel_loop3A_254, %parallel_loop3A_197 : i32
        %parallel_loop3A_256 = arith.constant 0 : i32
        %parallel_loop3A_257 = arith.index_cast %parallel_loop3A_256 : i32 to index
        %parallel_loop3A_258 = arith.index_cast %parallel_loop3A_255 : i32 to index
        %parallel_loop3A_259 = arith.constant 48 : index
        %parallel_loop3A_260 = tpu.vector_load %arg9[%parallel_loop3A_257, %parallel_loop3A_258, %parallel_loop3A_259] {strides = array<i32>} : memref<2x128x128xi32, #tpu.memory_space<vmem>>, vector<16xi32>,
        %parallel_loop3A_261 = arith.constant 256 : i32
        %parallel_loop3A_262 = vector.broadcast %parallel_loop3A_261 : i32 to vector<16xi32>
        %parallel_loop3A_263 = arith.muli %parallel_loop3A_260, %parallel_loop3A_262 : vector<16xi32>
        %parallel_loop3A_264 = arith.constant 64 : i32
        %parallel_loop3A_265 = arith.addi %parallel_loop3A_264, %parallel_loop3A_197 : i32
        %parallel_loop3A_266 = arith.constant 0 : i32
        %parallel_loop3A_267 = arith.index_cast %parallel_loop3A_266 : i32 to index
        %parallel_loop3A_268 = arith.index_cast %parallel_loop3A_265 : i32 to index
        %parallel_loop3A_269 = arith.constant 112 : index
        %parallel_loop3A_270 = tpu.vector_load %arg9[%parallel_loop3A_267, %parallel_loop3A_268, %parallel_loop3A_269] {strides = array<i32>} : memref<2x128x128xi32, #tpu.memory_space<vmem>>, vector<16xi32>,
        %parallel_loop3A_271 = arith.addi %parallel_loop3A_263, %parallel_loop3A_270 : vector<16xi32>
        %parallel_loop3A_272 = arith.constant 16 : i32
        %parallel_loop3A_273 = vector.broadcast %parallel_loop3A_272 : i32 to vector<16xi32>
        %parallel_loop3A_274 = arith.shli %parallel_loop3A_235, %parallel_loop3A_273 : vector<16xi32>
        %parallel_loop3A_275 = arith.ori %parallel_loop3A_217, %parallel_loop3A_274 : vector<16xi32>
        %parallel_loop3A_276 = arith.index_cast %parallel_loop3A_199 : i32 to index
        %parallel_loop3A_277 = tpu.vector_load %arg10[%parallel_loop3A_276] {strides = array<i32>} : memref<2112xi32, #tpu.memory_space<vmem>>, vector<16xi32>,
        tpu.vector_store %arg10[%parallel_loop3A_276], %parallel_loop3A_275 {strides = array<i32>} : memref<2112xi32, #tpu.memory_space<vmem>>, vector<16xi32>,
        %parallel_loop3A_278 = arith.constant 16 : i32
        %parallel_loop3A_279 = vector.broadcast %parallel_loop3A_278 : i32 to vector<16xi32>
        %parallel_loop3A_280 = arith.shli %parallel_loop3A_271, %parallel_loop3A_279 : vector<16xi32>
        %parallel_loop3A_281 = arith.ori %parallel_loop3A_253, %parallel_loop3A_280 : vector<16xi32>
        %parallel_loop3A_282 = arith.constant 16 : i32
        %parallel_loop3A_283 = arith.addi %parallel_loop3A_199, %parallel_loop3A_282 : i32
        %parallel_loop3A_284 = arith.index_cast %parallel_loop3A_283 : i32 to index
        %parallel_loop3A_285 = tpu.vector_load %arg10[%parallel_loop3A_284] {strides = array<i32>} : memref<2112xi32, #tpu.memory_space<vmem>>, vector<16xi32>,
        tpu.vector_store %arg10[%parallel_loop3A_284], %parallel_loop3A_281 {strides = array<i32>} : memref<2112xi32, #tpu.memory_space<vmem>>, vector<16xi32>,
      } {sc.loop_unroll_factor = 8 : i64, sc.parallel_access}
      %parallel_loop3A_120 = arith.constant 0 : i32
      %parallel_loop3A_121 = arith.constant 32 : i32
      %parallel_loop3A_122 = arith.constant 1 : i32
      scf.for %parallel_loop3A_197 = %parallel_loop3A_120 to %parallel_loop3A_121 step %parallel_loop3A_122  : i32 {
        %parallel_loop3A_198 = arith.constant 16 : i32
        %parallel_loop3A_199 = arith.andi %parallel_loop3A_197, %parallel_loop3A_198 : i32
        %parallel_loop3A_200 = arith.addi %parallel_loop3A_197, %parallel_loop3A_199 : i32
        %parallel_loop3A_201 = arith.constant 8 : i32
        %parallel_loop3A_202 = arith.constant 0 : i32
        %parallel_loop3A_203 = arith.cmpi eq, %parallel_loop3A_201, %parallel_loop3A_202 : i32
        %parallel_loop3A_204 = arith.constant 1 : i32
        %parallel_loop3A_205 = arith.select %parallel_loop3A_203, %parallel_loop3A_204, %parallel_loop3A_201 : i32
        %parallel_loop3A_206 = arith.remsi %parallel_loop3A_200, %parallel_loop3A_205 : i32
        %parallel_loop3A_207 = arith.constant 0 : i32
        %parallel_loop3A_208 = arith.cmpi ne, %parallel_loop3A_206, %parallel_loop3A_207 : i32
        %parallel_loop3A_209 = arith.constant 0 : i32
        %parallel_loop3A_210 = arith.cmpi slt, %parallel_loop3A_206, %parallel_loop3A_209 : i32
        %parallel_loop3A_211 = arith.constant 0 : i32
        %parallel_loop3A_212 = arith.cmpi slt, %parallel_loop3A_205, %parallel_loop3A_211 : i32
        %parallel_loop3A_213 = arith.xori %parallel_loop3A_210, %parallel_loop3A_212 : i1
        %parallel_loop3A_214 = arith.andi %parallel_loop3A_213, %parallel_loop3A_208 : i1
        %parallel_loop3A_215 = arith.addi %parallel_loop3A_206, %parallel_loop3A_205 : i32
        %parallel_loop3A_216 = arith.select %parallel_loop3A_214, %parallel_loop3A_215, %parallel_loop3A_206 : i32
        %parallel_loop3A_217 = arith.constant 128 : i32
        %parallel_loop3A_218 = arith.muli %parallel_loop3A_216, %parallel_loop3A_217 : i32
        %parallel_loop3A_219 = arith.constant 64 : i32
        %parallel_loop3A_220 = arith.addi %parallel_loop3A_218, %parallel_loop3A_219 : i32
        %parallel_loop3A_221 = arith.constant 16 : i32
        %parallel_loop3A_222 = arith.addi %parallel_loop3A_200, %parallel_loop3A_221 : i32
        %parallel_loop3A_223 = arith.constant 8 : i32
        %parallel_loop3A_224 = arith.constant 0 : i32
        %parallel_loop3A_225 = arith.cmpi eq, %parallel_loop3A_223, %parallel_loop3A_224 : i32
        %parallel_loop3A_226 = arith.constant 1 : i32
        %parallel_loop3A_227 = arith.select %parallel_loop3A_225, %parallel_loop3A_226, %parallel_loop3A_223 : i32
        %parallel_loop3A_228 = arith.remsi %parallel_loop3A_222, %parallel_loop3A_227 : i32
        %parallel_loop3A_229 = arith.constant 0 : i32
        %parallel_loop3A_230 = arith.cmpi ne, %parallel_loop3A_228, %parallel_loop3A_229 : i32
        %parallel_loop3A_231 = arith.constant 0 : i32
        %parallel_loop3A_232 = arith.cmpi slt, %parallel_loop3A_228, %parallel_loop3A_231 : i32
        %parallel_loop3A_233 = arith.constant 0 : i32
        %parallel_loop3A_234 = arith.cmpi slt, %parallel_loop3A_227, %parallel_loop3A_233 : i32
        %parallel_loop3A_235 = arith.xori %parallel_loop3A_232, %parallel_loop3A_234 : i1
        %parallel_loop3A_236 = arith.andi %parallel_loop3A_235, %parallel_loop3A_230 : i1
        %parallel_loop3A_237 = arith.addi %parallel_loop3A_228, %parallel_loop3A_227 : i32
        %parallel_loop3A_238 = arith.select %parallel_loop3A_236, %parallel_loop3A_237, %parallel_loop3A_228 : i32
        %parallel_loop3A_239 = arith.constant 128 : i32
        %parallel_loop3A_240 = arith.muli %parallel_loop3A_238, %parallel_loop3A_239 : i32
        %parallel_loop3A_241 = arith.constant 64 : i32
        %parallel_loop3A_242 = arith.addi %parallel_loop3A_240, %parallel_loop3A_241 : i32
        %parallel_loop3A_243 = vector.broadcast %parallel_loop3A_197 : i32 to vector<16xi32>
        %parallel_loop3A_244 = arith.addi %mul3A_21, %parallel_loop3A_243 : vector<16xi32>
        %parallel_loop3A_245 = tpu.vector_load_idx %arg10[%parallel_loop3A_244] : memref<2112xi32, #tpu.memory_space<vmem>>[vector<16xi32>], vector<16xi32>,
        %parallel_loop3A_246 = arith.constant 65535 : i32
        %parallel_loop3A_247 = vector.broadcast %parallel_loop3A_246 : i32 to vector<16xi32>
        %parallel_loop3A_248 = arith.andi %parallel_loop3A_245, %parallel_loop3A_247 : vector<16xi32>
        %parallel_loop3A_249 = arith.constant 16 : i32
        %parallel_loop3A_250 = vector.broadcast %parallel_loop3A_249 : i32 to vector<16xi32>
        %parallel_loop3A_251 = arith.shrui %parallel_loop3A_245, %parallel_loop3A_250 : vector<16xi32>
        %parallel_loop3A_252 = tpu.vector_load_idx %arg8[%parallel_loop3A_248] : memref<65536xf32, #tpu.memory_space<vmem>>[vector<16xi32>], vector<16xf32>,
        %parallel_loop3A_253 = arith.constant 8 : i32
        %parallel_loop3A_254 = arith.divsi %parallel_loop3A_200, %parallel_loop3A_253 : i32
        %parallel_loop3A_255 = arith.constant 0 : i32
        %parallel_loop3A_256 = arith.cmpi sgt, %parallel_loop3A_200, %parallel_loop3A_255 : i32
        %parallel_loop3A_257 = arith.extui %parallel_loop3A_256 : i1 to i32
        %parallel_loop3A_258 = arith.constant 0 : i32
        %parallel_loop3A_259 = arith.cmpi slt, %parallel_loop3A_200, %parallel_loop3A_258 : i32
        %parallel_loop3A_260 = arith.extui %parallel_loop3A_259 : i1 to i32
        %parallel_loop3A_261 = arith.subi %parallel_loop3A_257, %parallel_loop3A_260 : i32
        %parallel_loop3A_262 = arith.constant 0 : i32
        %parallel_loop3A_263 = arith.cmpi sgt, %parallel_loop3A_253, %parallel_loop3A_262 : i32
        %parallel_loop3A_264 = arith.extui %parallel_loop3A_263 : i1 to i32
        %parallel_loop3A_265 = arith.constant 0 : i32
        %parallel_loop3A_266 = arith.cmpi slt, %parallel_loop3A_253, %parallel_loop3A_265 : i32
        %parallel_loop3A_267 = arith.extui %parallel_loop3A_266 : i1 to i32
        %parallel_loop3A_268 = arith.subi %parallel_loop3A_264, %parallel_loop3A_267 : i32
        %parallel_loop3A_269 = arith.cmpi ne, %parallel_loop3A_261, %parallel_loop3A_268 : i32
        %parallel_loop3A_270 = arith.remsi %parallel_loop3A_200, %parallel_loop3A_253 : i32
        %parallel_loop3A_271 = arith.constant 0 : i32
        %parallel_loop3A_272 = arith.cmpi ne, %parallel_loop3A_270, %parallel_loop3A_271 : i32
        %parallel_loop3A_273 = arith.andi %parallel_loop3A_269, %parallel_loop3A_272 : i1
        %parallel_loop3A_274 = arith.constant 1 : i32
        %parallel_loop3A_275 = arith.subi %parallel_loop3A_254, %parallel_loop3A_274 : i32
        %parallel_loop3A_276 = arith.select %parallel_loop3A_273, %parallel_loop3A_275, %parallel_loop3A_254 : i32
        %parallel_loop3A_277 = arith.constant 0 : i32
        %parallel_loop3A_278 = arith.addi %parallel_loop3A_220, %parallel_loop3A_277 : i32
        %parallel_loop3A_279 = arith.constant 0 : i32
        %parallel_loop3A_280 = arith.index_cast %parallel_loop3A_279 : i32 to index
        %parallel_loop3A_281 = arith.index_cast %parallel_loop3A_276 : i32 to index
        %parallel_loop3A_282 = arith.index_cast %parallel_loop3A_278 : i32 to index
        %parallel_loop3A_283 = tpu.vector_load %arg11[%parallel_loop3A_280, %parallel_loop3A_281, %parallel_loop3A_282] {strides = array<i32>} : memref<2x8x1024xf32, #tpu.memory_space<vmem>>, vector<16xf32>,
        tpu.vector_store %arg11[%parallel_loop3A_280, %parallel_loop3A_281, %parallel_loop3A_282], %parallel_loop3A_252 {strides = array<i32>} : memref<2x8x1024xf32, #tpu.memory_space<vmem>>, vector<16xf32>,
        %parallel_loop3A_284 = tpu.vector_load_idx %arg8[%parallel_loop3A_251] : memref<65536xf32, #tpu.memory_space<vmem>>[vector<16xi32>], vector<16xf32>,
        %parallel_loop3A_285 = arith.constant 16 : i32
        %parallel_loop3A_286 = arith.addi %parallel_loop3A_200, %parallel_loop3A_285 : i32
        %parallel_loop3A_287 = arith.constant 8 : i32
        %parallel_loop3A_288 = arith.divsi %parallel_loop3A_286, %parallel_loop3A_287 : i32
        %parallel_loop3A_289 = arith.constant 0 : i32
        %parallel_loop3A_290 = arith.cmpi sgt, %parallel_loop3A_286, %parallel_loop3A_289 : i32
        %parallel_loop3A_291 = arith.extui %parallel_loop3A_290 : i1 to i32
        %parallel_loop3A_292 = arith.constant 0 : i32
        %parallel_loop3A_293 = arith.cmpi slt, %parallel_loop3A_286, %parallel_loop3A_292 : i32
        %parallel_loop3A_294 = arith.extui %parallel_loop3A_293 : i1 to i32
        %parallel_loop3A_295 = arith.subi %parallel_loop3A_291, %parallel_loop3A_294 : i32
        %parallel_loop3A_296 = arith.constant 0 : i32
        %parallel_loop3A_297 = arith.cmpi sgt, %parallel_loop3A_287, %parallel_loop3A_296 : i32
        %parallel_loop3A_298 = arith.extui %parallel_loop3A_297 : i1 to i32
        %parallel_loop3A_299 = arith.constant 0 : i32
        %parallel_loop3A_300 = arith.cmpi slt, %parallel_loop3A_287, %parallel_loop3A_299 : i32
        %parallel_loop3A_301 = arith.extui %parallel_loop3A_300 : i1 to i32
        %parallel_loop3A_302 = arith.subi %parallel_loop3A_298, %parallel_loop3A_301 : i32
        %parallel_loop3A_303 = arith.cmpi ne, %parallel_loop3A_295, %parallel_loop3A_302 : i32
        %parallel_loop3A_304 = arith.remsi %parallel_loop3A_286, %parallel_loop3A_287 : i32
        %parallel_loop3A_305 = arith.constant 0 : i32
        %parallel_loop3A_306 = arith.cmpi ne, %parallel_loop3A_304, %parallel_loop3A_305 : i32
        %parallel_loop3A_307 = arith.andi %parallel_loop3A_303, %parallel_loop3A_306 : i1
        %parallel_loop3A_308 = arith.constant 1 : i32
        %parallel_loop3A_309 = arith.subi %parallel_loop3A_288, %parallel_loop3A_308 : i32
        %parallel_loop3A_310 = arith.select %parallel_loop3A_307, %parallel_loop3A_309, %parallel_loop3A_288 : i32
        %parallel_loop3A_311 = arith.constant 0 : i32
        %parallel_loop3A_312 = arith.addi %parallel_loop3A_242, %parallel_loop3A_311 : i32
        %parallel_loop3A_313 = arith.constant 0 : i32
        %parallel_loop3A_314 = arith.index_cast %parallel_loop3A_313 : i32 to index
        %parallel_loop3A_315 = arith.index_cast %parallel_loop3A_310 : i32 to index
        %parallel_loop3A_316 = arith.index_cast %parallel_loop3A_312 : i32 to index
        %parallel_loop3A_317 = tpu.vector_load %arg11[%parallel_loop3A_314, %parallel_loop3A_315, %parallel_loop3A_316] {strides = array<i32>} : memref<2x8x1024xf32, #tpu.memory_space<vmem>>, vector<16xf32>,
        tpu.vector_store %arg11[%parallel_loop3A_314, %parallel_loop3A_315, %parallel_loop3A_316], %parallel_loop3A_284 {strides = array<i32>} : memref<2x8x1024xf32, #tpu.memory_space<vmem>>, vector<16xf32>,
        %parallel_loop3A_318 = arith.addi %mul3A_28, %parallel_loop3A_243 : vector<16xi32>
        %parallel_loop3A_319 = tpu.vector_load_idx %arg10[%parallel_loop3A_318] : memref<2112xi32, #tpu.memory_space<vmem>>[vector<16xi32>], vector<16xi32>,
        %parallel_loop3A_320 = arith.constant 65535 : i32
        %parallel_loop3A_321 = vector.broadcast %parallel_loop3A_320 : i32 to vector<16xi32>
        %parallel_loop3A_322 = arith.andi %parallel_loop3A_319, %parallel_loop3A_321 : vector<16xi32>
        %parallel_loop3A_323 = arith.constant 16 : i32
        %parallel_loop3A_324 = vector.broadcast %parallel_loop3A_323 : i32 to vector<16xi32>
        %parallel_loop3A_325 = arith.shrui %parallel_loop3A_319, %parallel_loop3A_324 : vector<16xi32>
        %parallel_loop3A_326 = tpu.vector_load_idx %arg8[%parallel_loop3A_322] : memref<65536xf32, #tpu.memory_space<vmem>>[vector<16xi32>], vector<16xf32>,
        %parallel_loop3A_327 = arith.constant 8 : i32
        %parallel_loop3A_328 = arith.divsi %parallel_loop3A_200, %parallel_loop3A_327 : i32
        %parallel_loop3A_329 = arith.constant 0 : i32
        %parallel_loop3A_330 = arith.cmpi sgt, %parallel_loop3A_200, %parallel_loop3A_329 : i32
        %parallel_loop3A_331 = arith.extui %parallel_loop3A_330 : i1 to i32
        %parallel_loop3A_332 = arith.constant 0 : i32
        %parallel_loop3A_333 = arith.cmpi slt, %parallel_loop3A_200, %parallel_loop3A_332 : i32
        %parallel_loop3A_334 = arith.extui %parallel_loop3A_333 : i1 to i32
        %parallel_loop3A_335 = arith.subi %parallel_loop3A_331, %parallel_loop3A_334 : i32
        %parallel_loop3A_336 = arith.constant 0 : i32
        %parallel_loop3A_337 = arith.cmpi sgt, %parallel_loop3A_327, %parallel_loop3A_336 : i32
        %parallel_loop3A_338 = arith.extui %parallel_loop3A_337 : i1 to i32
        %parallel_loop3A_339 = arith.constant 0 : i32
        %parallel_loop3A_340 = arith.cmpi slt, %parallel_loop3A_327, %parallel_loop3A_339 : i32
        %parallel_loop3A_341 = arith.extui %parallel_loop3A_340 : i1 to i32
        %parallel_loop3A_342 = arith.subi %parallel_loop3A_338, %parallel_loop3A_341 : i32
        %parallel_loop3A_343 = arith.cmpi ne, %parallel_loop3A_335, %parallel_loop3A_342 : i32
        %parallel_loop3A_344 = arith.remsi %parallel_loop3A_200, %parallel_loop3A_327 : i32
        %parallel_loop3A_345 = arith.constant 0 : i32
        %parallel_loop3A_346 = arith.cmpi ne, %parallel_loop3A_344, %parallel_loop3A_345 : i32
        %parallel_loop3A_347 = arith.andi %parallel_loop3A_343, %parallel_loop3A_346 : i1
        %parallel_loop3A_348 = arith.constant 1 : i32
        %parallel_loop3A_349 = arith.subi %parallel_loop3A_328, %parallel_loop3A_348 : i32
        %parallel_loop3A_350 = arith.select %parallel_loop3A_347, %parallel_loop3A_349, %parallel_loop3A_328 : i32
        %parallel_loop3A_351 = arith.constant 16 : i32
        %parallel_loop3A_352 = arith.addi %parallel_loop3A_220, %parallel_loop3A_351 : i32
        %parallel_loop3A_353 = arith.constant 0 : i32
        %parallel_loop3A_354 = arith.index_cast %parallel_loop3A_353 : i32 to index
        %parallel_loop3A_355 = arith.index_cast %parallel_loop3A_350 : i32 to index
        %parallel_loop3A_356 = arith.index_cast %parallel_loop3A_352 : i32 to index
        %parallel_loop3A_357 = tpu.vector_load %arg11[%parallel_loop3A_354, %parallel_loop3A_355, %parallel_loop3A_356] {strides = array<i32>} : memref<2x8x1024xf32, #tpu.memory_space<vmem>>, vector<16xf32>,
        tpu.vector_store %arg11[%parallel_loop3A_354, %parallel_loop3A_355, %parallel_loop3A_356], %parallel_loop3A_326 {strides = array<i32>} : memref<2x8x1024xf32, #tpu.memory_space<vmem>>, vector<16xf32>,
        %parallel_loop3A_358 = tpu.vector_load_idx %arg8[%parallel_loop3A_325] : memref<65536xf32, #tpu.memory_space<vmem>>[vector<16xi32>], vector<16xf32>,
        %parallel_loop3A_359 = arith.constant 16 : i32
        %parallel_loop3A_360 = arith.addi %parallel_loop3A_200, %parallel_loop3A_359 : i32
        %parallel_loop3A_361 = arith.constant 8 : i32
        %parallel_loop3A_362 = arith.divsi %parallel_loop3A_360, %parallel_loop3A_361 : i32
        %parallel_loop3A_363 = arith.constant 0 : i32
        %parallel_loop3A_364 = arith.cmpi sgt, %parallel_loop3A_360, %parallel_loop3A_363 : i32
        %parallel_loop3A_365 = arith.extui %parallel_loop3A_364 : i1 to i32
        %parallel_loop3A_366 = arith.constant 0 : i32
        %parallel_loop3A_367 = arith.cmpi slt, %parallel_loop3A_360, %parallel_loop3A_366 : i32
        %parallel_loop3A_368 = arith.extui %parallel_loop3A_367 : i1 to i32
        %parallel_loop3A_369 = arith.subi %parallel_loop3A_365, %parallel_loop3A_368 : i32
        %parallel_loop3A_370 = arith.constant 0 : i32
        %parallel_loop3A_371 = arith.cmpi sgt, %parallel_loop3A_361, %parallel_loop3A_370 : i32
        %parallel_loop3A_372 = arith.extui %parallel_loop3A_371 : i1 to i32
        %parallel_loop3A_373 = arith.constant 0 : i32
        %parallel_loop3A_374 = arith.cmpi slt, %parallel_loop3A_361, %parallel_loop3A_373 : i32
        %parallel_loop3A_375 = arith.extui %parallel_loop3A_374 : i1 to i32
        %parallel_loop3A_376 = arith.subi %parallel_loop3A_372, %parallel_loop3A_375 : i32
        %parallel_loop3A_377 = arith.cmpi ne, %parallel_loop3A_369, %parallel_loop3A_376 : i32
        %parallel_loop3A_378 = arith.remsi %parallel_loop3A_360, %parallel_loop3A_361 : i32
        %parallel_loop3A_379 = arith.constant 0 : i32
        %parallel_loop3A_380 = arith.cmpi ne, %parallel_loop3A_378, %parallel_loop3A_379 : i32
        %parallel_loop3A_381 = arith.andi %parallel_loop3A_377, %parallel_loop3A_380 : i1
        %parallel_loop3A_382 = arith.constant 1 : i32
        %parallel_loop3A_383 = arith.subi %parallel_loop3A_362, %parallel_loop3A_382 : i32
        %parallel_loop3A_384 = arith.select %parallel_loop3A_381, %parallel_loop3A_383, %parallel_loop3A_362 : i32
        %parallel_loop3A_385 = arith.constant 16 : i32
        %parallel_loop3A_386 = arith.addi %parallel_loop3A_242, %parallel_loop3A_385 : i32
        %parallel_loop3A_387 = arith.constant 0 : i32
        %parallel_loop3A_388 = arith.index_cast %parallel_loop3A_387 : i32 to index
        %parallel_loop3A_389 = arith.index_cast %parallel_loop3A_384 : i32 to index
        %parallel_loop3A_390 = arith.index_cast %parallel_loop3A_386 : i32 to index
        %parallel_loop3A_391 = tpu.vector_load %arg11[%parallel_loop3A_388, %parallel_loop3A_389, %parallel_loop3A_390] {strides = array<i32>} : memref<2x8x1024xf32, #tpu.memory_space<vmem>>, vector<16xf32>,
        tpu.vector_store %arg11[%parallel_loop3A_388, %parallel_loop3A_389, %parallel_loop3A_390], %parallel_loop3A_358 {strides = array<i32>} : memref<2x8x1024xf32, #tpu.memory_space<vmem>>, vector<16xf32>,
        %parallel_loop3A_392 = arith.addi %mul3A_35, %parallel_loop3A_243 : vector<16xi32>
        %parallel_loop3A_393 = tpu.vector_load_idx %arg10[%parallel_loop3A_392] : memref<2112xi32, #tpu.memory_space<vmem>>[vector<16xi32>], vector<16xi32>,
        %parallel_loop3A_394 = arith.constant 65535 : i32
        %parallel_loop3A_395 = vector.broadcast %parallel_loop3A_394 : i32 to vector<16xi32>
        %parallel_loop3A_396 = arith.andi %parallel_loop3A_393, %parallel_loop3A_395 : vector<16xi32>
        %parallel_loop3A_397 = arith.constant 16 : i32
        %parallel_loop3A_398 = vector.broadcast %parallel_loop3A_397 : i32 to vector<16xi32>
        %parallel_loop3A_399 = arith.shrui %parallel_loop3A_393, %parallel_loop3A_398 : vector<16xi32>
        %parallel_loop3A_400 = tpu.vector_load_idx %arg8[%parallel_loop3A_396] : memref<65536xf32, #tpu.memory_space<vmem>>[vector<16xi32>], vector<16xf32>,
        %parallel_loop3A_401 = arith.constant 8 : i32
        %parallel_loop3A_402 = arith.divsi %parallel_loop3A_200, %parallel_loop3A_401 : i32
        %parallel_loop3A_403 = arith.constant 0 : i32
        %parallel_loop3A_404 = arith.cmpi sgt, %parallel_loop3A_200, %parallel_loop3A_403 : i32
        %parallel_loop3A_405 = arith.extui %parallel_loop3A_404 : i1 to i32
        %parallel_loop3A_406 = arith.constant 0 : i32
        %parallel_loop3A_407 = arith.cmpi slt, %parallel_loop3A_200, %parallel_loop3A_406 : i32
        %parallel_loop3A_408 = arith.extui %parallel_loop3A_407 : i1 to i32
        %parallel_loop3A_409 = arith.subi %parallel_loop3A_405, %parallel_loop3A_408 : i32
        %parallel_loop3A_410 = arith.constant 0 : i32
        %parallel_loop3A_411 = arith.cmpi sgt, %parallel_loop3A_401, %parallel_loop3A_410 : i32
        %parallel_loop3A_412 = arith.extui %parallel_loop3A_411 : i1 to i32
        %parallel_loop3A_413 = arith.constant 0 : i32
        %parallel_loop3A_414 = arith.cmpi slt, %parallel_loop3A_401, %parallel_loop3A_413 : i32
        %parallel_loop3A_415 = arith.extui %parallel_loop3A_414 : i1 to i32
        %parallel_loop3A_416 = arith.subi %parallel_loop3A_412, %parallel_loop3A_415 : i32
        %parallel_loop3A_417 = arith.cmpi ne, %parallel_loop3A_409, %parallel_loop3A_416 : i32
        %parallel_loop3A_418 = arith.remsi %parallel_loop3A_200, %parallel_loop3A_401 : i32
        %parallel_loop3A_419 = arith.constant 0 : i32
        %parallel_loop3A_420 = arith.cmpi ne, %parallel_loop3A_418, %parallel_loop3A_419 : i32
        %parallel_loop3A_421 = arith.andi %parallel_loop3A_417, %parallel_loop3A_420 : i1
        %parallel_loop3A_422 = arith.constant 1 : i32
        %parallel_loop3A_423 = arith.subi %parallel_loop3A_402, %parallel_loop3A_422 : i32
        %parallel_loop3A_424 = arith.select %parallel_loop3A_421, %parallel_loop3A_423, %parallel_loop3A_402 : i32
        %parallel_loop3A_425 = arith.constant 32 : i32
        %parallel_loop3A_426 = arith.addi %parallel_loop3A_220, %parallel_loop3A_425 : i32
        %parallel_loop3A_427 = arith.constant 0 : i32
        %parallel_loop3A_428 = arith.index_cast %parallel_loop3A_427 : i32 to index
        %parallel_loop3A_429 = arith.index_cast %parallel_loop3A_424 : i32 to index
        %parallel_loop3A_430 = arith.index_cast %parallel_loop3A_426 : i32 to index
        %parallel_loop3A_431 = tpu.vector_load %arg11[%parallel_loop3A_428, %parallel_loop3A_429, %parallel_loop3A_430] {strides = array<i32>} : memref<2x8x1024xf32, #tpu.memory_space<vmem>>, vector<16xf32>,
        tpu.vector_store %arg11[%parallel_loop3A_428, %parallel_loop3A_429, %parallel_loop3A_430], %parallel_loop3A_400 {strides = array<i32>} : memref<2x8x1024xf32, #tpu.memory_space<vmem>>, vector<16xf32>,
        %parallel_loop3A_432 = tpu.vector_load_idx %arg8[%parallel_loop3A_399] : memref<65536xf32, #tpu.memory_space<vmem>>[vector<16xi32>], vector<16xf32>,
        %parallel_loop3A_433 = arith.constant 16 : i32
        %parallel_loop3A_434 = arith.addi %parallel_loop3A_200, %parallel_loop3A_433 : i32
        %parallel_loop3A_435 = arith.constant 8 : i32
        %parallel_loop3A_436 = arith.divsi %parallel_loop3A_434, %parallel_loop3A_435 : i32
        %parallel_loop3A_437 = arith.constant 0 : i32
        %parallel_loop3A_438 = arith.cmpi sgt, %parallel_loop3A_434, %parallel_loop3A_437 : i32
        %parallel_loop3A_439 = arith.extui %parallel_loop3A_438 : i1 to i32
        %parallel_loop3A_440 = arith.constant 0 : i32
        %parallel_loop3A_441 = arith.cmpi slt, %parallel_loop3A_434, %parallel_loop3A_440 : i32
        %parallel_loop3A_442 = arith.extui %parallel_loop3A_441 : i1 to i32
        %parallel_loop3A_443 = arith.subi %parallel_loop3A_439, %parallel_loop3A_442 : i32
        %parallel_loop3A_444 = arith.constant 0 : i32
        %parallel_loop3A_445 = arith.cmpi sgt, %parallel_loop3A_435, %parallel_loop3A_444 : i32
        %parallel_loop3A_446 = arith.extui %parallel_loop3A_445 : i1 to i32
        %parallel_loop3A_447 = arith.constant 0 : i32
        %parallel_loop3A_448 = arith.cmpi slt, %parallel_loop3A_435, %parallel_loop3A_447 : i32
        %parallel_loop3A_449 = arith.extui %parallel_loop3A_448 : i1 to i32
        %parallel_loop3A_450 = arith.subi %parallel_loop3A_446, %parallel_loop3A_449 : i32
        %parallel_loop3A_451 = arith.cmpi ne, %parallel_loop3A_443, %parallel_loop3A_450 : i32
        %parallel_loop3A_452 = arith.remsi %parallel_loop3A_434, %parallel_loop3A_435 : i32
        %parallel_loop3A_453 = arith.constant 0 : i32
        %parallel_loop3A_454 = arith.cmpi ne, %parallel_loop3A_452, %parallel_loop3A_453 : i32
        %parallel_loop3A_455 = arith.andi %parallel_loop3A_451, %parallel_loop3A_454 : i1
        %parallel_loop3A_456 = arith.constant 1 : i32
        %parallel_loop3A_457 = arith.subi %parallel_loop3A_436, %parallel_loop3A_456 : i32
        %parallel_loop3A_458 = arith.select %parallel_loop3A_455, %parallel_loop3A_457, %parallel_loop3A_436 : i32
        %parallel_loop3A_459 = arith.constant 32 : i32
        %parallel_loop3A_460 = arith.addi %parallel_loop3A_242, %parallel_loop3A_459 : i32
        %parallel_loop3A_461 = arith.constant 0 : i32
        %parallel_loop3A_462 = arith.index_cast %parallel_loop3A_461 : i32 to index
        %parallel_loop3A_463 = arith.index_cast %parallel_loop3A_458 : i32 to index
        %parallel_loop3A_464 = arith.index_cast %parallel_loop3A_460 : i32 to index
        %parallel_loop3A_465 = tpu.vector_load %arg11[%parallel_loop3A_462, %parallel_loop3A_463, %parallel_loop3A_464] {strides = array<i32>} : memref<2x8x1024xf32, #tpu.memory_space<vmem>>, vector<16xf32>,
        tpu.vector_store %arg11[%parallel_loop3A_462, %parallel_loop3A_463, %parallel_loop3A_464], %parallel_loop3A_432 {strides = array<i32>} : memref<2x8x1024xf32, #tpu.memory_space<vmem>>, vector<16xf32>,
        %parallel_loop3A_466 = arith.addi %mul3A_42, %parallel_loop3A_243 : vector<16xi32>
        %parallel_loop3A_467 = tpu.vector_load_idx %arg10[%parallel_loop3A_466] : memref<2112xi32, #tpu.memory_space<vmem>>[vector<16xi32>], vector<16xi32>,
        %parallel_loop3A_468 = arith.constant 65535 : i32
        %parallel_loop3A_469 = vector.broadcast %parallel_loop3A_468 : i32 to vector<16xi32>
        %parallel_loop3A_470 = arith.andi %parallel_loop3A_467, %parallel_loop3A_469 : vector<16xi32>
        %parallel_loop3A_471 = arith.constant 16 : i32
        %parallel_loop3A_472 = vector.broadcast %parallel_loop3A_471 : i32 to vector<16xi32>
        %parallel_loop3A_473 = arith.shrui %parallel_loop3A_467, %parallel_loop3A_472 : vector<16xi32>
        %parallel_loop3A_474 = tpu.vector_load_idx %arg8[%parallel_loop3A_470] : memref<65536xf32, #tpu.memory_space<vmem>>[vector<16xi32>], vector<16xf32>,
        %parallel_loop3A_475 = arith.constant 8 : i32
        %parallel_loop3A_476 = arith.divsi %parallel_loop3A_200, %parallel_loop3A_475 : i32
        %parallel_loop3A_477 = arith.constant 0 : i32
        %parallel_loop3A_478 = arith.cmpi sgt, %parallel_loop3A_200, %parallel_loop3A_477 : i32
        %parallel_loop3A_479 = arith.extui %parallel_loop3A_478 : i1 to i32
        %parallel_loop3A_480 = arith.constant 0 : i32
        %parallel_loop3A_481 = arith.cmpi slt, %parallel_loop3A_200, %parallel_loop3A_480 : i32
        %parallel_loop3A_482 = arith.extui %parallel_loop3A_481 : i1 to i32
        %parallel_loop3A_483 = arith.subi %parallel_loop3A_479, %parallel_loop3A_482 : i32
        %parallel_loop3A_484 = arith.constant 0 : i32
        %parallel_loop3A_485 = arith.cmpi sgt, %parallel_loop3A_475, %parallel_loop3A_484 : i32
        %parallel_loop3A_486 = arith.extui %parallel_loop3A_485 : i1 to i32
        %parallel_loop3A_487 = arith.constant 0 : i32
        %parallel_loop3A_488 = arith.cmpi slt, %parallel_loop3A_475, %parallel_loop3A_487 : i32
        %parallel_loop3A_489 = arith.extui %parallel_loop3A_488 : i1 to i32
        %parallel_loop3A_490 = arith.subi %parallel_loop3A_486, %parallel_loop3A_489 : i32
        %parallel_loop3A_491 = arith.cmpi ne, %parallel_loop3A_483, %parallel_loop3A_490 : i32
        %parallel_loop3A_492 = arith.remsi %parallel_loop3A_200, %parallel_loop3A_475 : i32
        %parallel_loop3A_493 = arith.constant 0 : i32
        %parallel_loop3A_494 = arith.cmpi ne, %parallel_loop3A_492, %parallel_loop3A_493 : i32
        %parallel_loop3A_495 = arith.andi %parallel_loop3A_491, %parallel_loop3A_494 : i1
        %parallel_loop3A_496 = arith.constant 1 : i32
        %parallel_loop3A_497 = arith.subi %parallel_loop3A_476, %parallel_loop3A_496 : i32
        %parallel_loop3A_498 = arith.select %parallel_loop3A_495, %parallel_loop3A_497, %parallel_loop3A_476 : i32
        %parallel_loop3A_499 = arith.constant 48 : i32
        %parallel_loop3A_500 = arith.addi %parallel_loop3A_220, %parallel_loop3A_499 : i32
        %parallel_loop3A_501 = arith.constant 0 : i32
        %parallel_loop3A_502 = arith.index_cast %parallel_loop3A_501 : i32 to index
        %parallel_loop3A_503 = arith.index_cast %parallel_loop3A_498 : i32 to index
        %parallel_loop3A_504 = arith.index_cast %parallel_loop3A_500 : i32 to index
        %parallel_loop3A_505 = tpu.vector_load %arg11[%parallel_loop3A_502, %parallel_loop3A_503, %parallel_loop3A_504] {strides = array<i32>} : memref<2x8x1024xf32, #tpu.memory_space<vmem>>, vector<16xf32>,
        tpu.vector_store %arg11[%parallel_loop3A_502, %parallel_loop3A_503, %parallel_loop3A_504], %parallel_loop3A_474 {strides = array<i32>} : memref<2x8x1024xf32, #tpu.memory_space<vmem>>, vector<16xf32>,
        %parallel_loop3A_506 = tpu.vector_load_idx %arg8[%parallel_loop3A_473] : memref<65536xf32, #tpu.memory_space<vmem>>[vector<16xi32>], vector<16xf32>,
        %parallel_loop3A_507 = arith.constant 16 : i32
        %parallel_loop3A_508 = arith.addi %parallel_loop3A_200, %parallel_loop3A_507 : i32
        %parallel_loop3A_509 = arith.constant 8 : i32
        %parallel_loop3A_510 = arith.divsi %parallel_loop3A_508, %parallel_loop3A_509 : i32
        %parallel_loop3A_511 = arith.constant 0 : i32
        %parallel_loop3A_512 = arith.cmpi sgt, %parallel_loop3A_508, %parallel_loop3A_511 : i32
        %parallel_loop3A_513 = arith.extui %parallel_loop3A_512 : i1 to i32
        %parallel_loop3A_514 = arith.constant 0 : i32
        %parallel_loop3A_515 = arith.cmpi slt, %parallel_loop3A_508, %parallel_loop3A_514 : i32
        %parallel_loop3A_516 = arith.extui %parallel_loop3A_515 : i1 to i32
        %parallel_loop3A_517 = arith.subi %parallel_loop3A_513, %parallel_loop3A_516 : i32
        %parallel_loop3A_518 = arith.constant 0 : i32
        %parallel_loop3A_519 = arith.cmpi sgt, %parallel_loop3A_509, %parallel_loop3A_518 : i32
        %parallel_loop3A_520 = arith.extui %parallel_loop3A_519 : i1 to i32
        %parallel_loop3A_521 = arith.constant 0 : i32
        %parallel_loop3A_522 = arith.cmpi slt, %parallel_loop3A_509, %parallel_loop3A_521 : i32
        %parallel_loop3A_523 = arith.extui %parallel_loop3A_522 : i1 to i32
        %parallel_loop3A_524 = arith.subi %parallel_loop3A_520, %parallel_loop3A_523 : i32
        %parallel_loop3A_525 = arith.cmpi ne, %parallel_loop3A_517, %parallel_loop3A_524 : i32
        %parallel_loop3A_526 = arith.remsi %parallel_loop3A_508, %parallel_loop3A_509 : i32
        %parallel_loop3A_527 = arith.constant 0 : i32
        %parallel_loop3A_528 = arith.cmpi ne, %parallel_loop3A_526, %parallel_loop3A_527 : i32
        %parallel_loop3A_529 = arith.andi %parallel_loop3A_525, %parallel_loop3A_528 : i1
        %parallel_loop3A_530 = arith.constant 1 : i32
        %parallel_loop3A_531 = arith.subi %parallel_loop3A_510, %parallel_loop3A_530 : i32
        %parallel_loop3A_532 = arith.select %parallel_loop3A_529, %parallel_loop3A_531, %parallel_loop3A_510 : i32
        %parallel_loop3A_533 = arith.constant 48 : i32
        %parallel_loop3A_534 = arith.addi %parallel_loop3A_242, %parallel_loop3A_533 : i32
        %parallel_loop3A_535 = arith.constant 0 : i32
        %parallel_loop3A_536 = arith.index_cast %parallel_loop3A_535 : i32 to index
        %parallel_loop3A_537 = arith.index_cast %parallel_loop3A_532 : i32 to index
        %parallel_loop3A_538 = arith.index_cast %parallel_loop3A_534 : i32 to index
        %parallel_loop3A_539 = tpu.vector_load %arg11[%parallel_loop3A_536, %parallel_loop3A_537, %parallel_loop3A_538] {strides = array<i32>} : memref<2x8x1024xf32, #tpu.memory_space<vmem>>, vector<16xf32>,
        tpu.vector_store %arg11[%parallel_loop3A_536, %parallel_loop3A_537, %parallel_loop3A_538], %parallel_loop3A_506 {strides = array<i32>} : memref<2x8x1024xf32, #tpu.memory_space<vmem>>, vector<16xf32>,
      } {sc.loop_unroll_factor = 4 : i64, sc.parallel_access}
      %dma_start3A_123 = arith.constant 0 : i32
      %dma_start3A_124 = arith.constant 0 : i32
      %dma_start3A_125 = arith.constant 0 : i32
      %dma_start3A_126 = tpu.memref_slice %arg11[%dma_start3A_123, %dma_start3A_124, %dma_start3A_125] : memref<2x8x1024xf32, #tpu.memory_space<vmem>> -> memref<1x8x1024xf32, #tpu.memory_space<vmem>>
      %dma_start3A_127 = tpu.memref_squeeze %dma_start3A_126 : memref<1x8x1024xf32, #tpu.memory_space<vmem>> -> memref<8x1024xf32, #tpu.memory_space<vmem>>
      %dma_start3A_128 = arith.constant 0 : i32
      %dma_start3A_129 = arith.constant 0 : i32
      %dma_start3A_130 = tpu.memref_slice %arg5[%add3A_89, %dma_start3A_128, %add3A, %dma_start3A_129] : memref<50x8x32x1024xf32, #tpu.memory_space<hbm>> -> memref<1x8x1x1024xf32, #tpu.memory_space<hbm>>
      %dma_start3A_131 = tpu.memref_squeeze %dma_start3A_130 : memref<1x8x1x1024xf32, #tpu.memory_space<hbm>> -> memref<8x1024xf32, #tpu.memory_space<hbm>>
      %dma_start3A_132 = arith.constant 0 : i32
      %dma_start3A_133 = arith.constant 0 : i32
      %dma_start3A_134 = tpu.memref_slice %arg5[%add3A_89, %dma_start3A_132, %add3A, %dma_start3A_133] : memref<50x8x32x1024xf32, #tpu.memory_space<hbm>> -> memref<1x8x1x1024xf32, #tpu.memory_space<hbm>>
      %dma_start3A_135 = tpu.memref_squeeze %dma_start3A_134 : memref<1x8x1x1024xf32, #tpu.memory_space<hbm>> -> memref<8x1024xf32, #tpu.memory_space<hbm>>
      %dma_start3A_136 = arith.constant 0 : i32
      %dma_start3A_137 = arith.constant 0 : i32
      %dma_start3A_138 = tpu.memref_slice %arg11[%dma_start3A_123, %dma_start3A_136, %dma_start3A_137] : memref<2x8x1024xf32, #tpu.memory_space<vmem>> -> memref<1x8x1024xf32, #tpu.memory_space<vmem>>
      %dma_start3A_139 = tpu.memref_squeeze %dma_start3A_138 : memref<1x8x1024xf32, #tpu.memory_space<vmem>> -> memref<8x1024xf32, #tpu.memory_space<vmem>>
      tpu.enqueue_dma source(%dma_start3A_139 : memref<8x1024xf32, #tpu.memory_space<vmem>>) target(%dma_start3A_135 : memref<8x1024xf32, #tpu.memory_space<hbm>>) target_semaphore(%arg15 : memref<!tpu.dma_semaphore, #tpu.memory_space<semaphore_mem>>)
      %mul3A_140 = arith.constant 2 : i32
      %mul3A_141 = arith.muli %scan3A_85, %mul3A_140 : i32
      %add3A_142 = arith.constant 1 : i32
      %add3A_143 = arith.addi %mul3A_141, %add3A_142 : i32
      %add3A_144 = arith.constant 1 : i32
      %add3A_145 = arith.addi %add3A_143, %add3A_144 : i32
      %lt3A_146 = arith.constant 50 : i32
      %lt3A_147 = arith.cmpi slt, %add3A_145, %lt3A_146 : i32
      %convert_element_type3A_148 = arith.extui %lt3A_147 : i1 to i32
      %cond3A_149 = arith.constant 0 : i32
      %cond3A_150 = arith.cmpi ne, %convert_element_type3A_148, %cond3A_149 : i32
      scf.if %cond3A_150 {
        %dma_start3A_197 = arith.constant 0 : i32
        %dma_start3A_198 = arith.constant 0 : i32
        %dma_start3A_199 = arith.constant 0 : i32
        %dma_start3A_200 = tpu.memref_slice %arg9[%dma_start3A_197, %dma_start3A_198, %dma_start3A_199] : memref<2x128x128xi32, #tpu.memory_space<vmem>> -> memref<1x128x128xi32, #tpu.memory_space<vmem>>
        %dma_start3A_201 = tpu.memref_squeeze %dma_start3A_200 : memref<1x128x128xi32, #tpu.memory_space<vmem>> -> memref<128x128xi32, #tpu.memory_space<vmem>>
        %dma_start3A_202 = arith.constant 0 : i32
        %dma_start3A_203 = tpu.memref_slice %arg6[%add3A_145, %dma_start3A_202] : memref<50x128xi32, #tpu.memory_space<vmem>> -> memref<1x128xi32, #tpu.memory_space<vmem>>
        %dma_start3A_204 = tpu.memref_squeeze %dma_start3A_203 : memref<1x128xi32, #tpu.memory_space<vmem>> -> memref<128xi32, #tpu.memory_space<vmem>>
        %dma_start3A_205 = arith.constant 0 : i32
        %dma_start3A_206 = arith.constant 0 : i32
        %dma_start3A_207 = tpu.memref_slice %arg4[%dma_start3A_205, %dma_start3A_206] : memref<100000x128xi32, #tpu.memory_space<hbm>> -> memref<100000x128xi32, #tpu.memory_space<hbm>>
        tpu.enqueue_indirect_dma source(%dma_start3A_207 : memref<100000x128xi32, #tpu.memory_space<hbm>>) target(%dma_start3A_201 : memref<128x128xi32, #tpu.memory_space<vmem>>) offsets(%dma_start3A_204 : memref<128xi32, #tpu.memory_space<vmem>>) semaphore(%arg13 : memref<!tpu.dma_semaphore, #tpu.memory_space<semaphore_mem>>)
      } else {
      }
      %dma_wait3A_151 = arith.constant 0 : i32
      %dma_wait3A_152 = arith.constant 1 : i32
      %dma_wait3A_153 = arith.constant 0 : i32
      %dma_wait3A_154 = arith.constant 0 : i32
      %dma_wait3A_155 = tpu.memref_slice %arg9[%dma_wait3A_152, %dma_wait3A_153, %dma_wait3A_154] : memref<2x128x128xi32, #tpu.memory_space<vmem>> -> memref<1x128x128xi32, #tpu.memory_space<vmem>>
      %dma_wait3A_156 = tpu.memref_squeeze %dma_wait3A_155 : memref<1x128x128xi32, #tpu.memory_space<vmem>> -> memref<128x128xi32, #tpu.memory_space<vmem>>
      %dma_wait3A_157 = arith.constant 0 : i32
      %dma_wait3A_158 = tpu.memref_slice %arg6[%dma_wait3A_151, %dma_wait3A_157] : memref<50x128xi32, #tpu.memory_space<vmem>> -> memref<1x128xi32, #tpu.memory_space<vmem>>
      %dma_wait3A_159 = tpu.memref_squeeze %dma_wait3A_158 : memref<1x128xi32, #tpu.memory_space<vmem>> -> memref<128xi32, #tpu.memory_space<vmem>>
      %dma_wait3A_160 = arith.constant 0 : i32
      %dma_wait3A_161 = arith.constant 0 : i32
      %dma_wait3A_162 = tpu.memref_slice %arg4[%dma_wait3A_160, %dma_wait3A_161] : memref<100000x128xi32, #tpu.memory_space<hbm>> -> memref<100000x128xi32, #tpu.memory_space<hbm>>
      tpu.wait_indirect_dma semaphore(%arg14 : memref<!tpu.dma_semaphore, #tpu.memory_space<semaphore_mem>>) src(%dma_wait3A_162 : memref<100000x128xi32, #tpu.memory_space<hbm>>) dst(%dma_wait3A_156 : memref<128x128xi32, #tpu.memory_space<vmem>>)
      %ge3A_163 = arith.constant 2 : i32
      %ge3A_164 = arith.cmpi sge, %add3A_143, %ge3A_163 : i32
      %convert_element_type3A_165 = arith.extui %ge3A_164 : i1 to i32
      %cond3A_166 = arith.constant 0 : i32
      %cond3A_167 = arith.cmpi ne, %convert_element_type3A_165, %cond3A_166 : i32
      scf.if %cond3A_167 {
        %dma_wait3A_197 = arith.constant 1 : i32
        %dma_wait3A_198 = arith.constant 0 : i32
        %dma_wait3A_199 = arith.constant 0 : i32
        %dma_wait3A_200 = arith.constant 0 : i32
        %dma_wait3A_201 = arith.constant 0 : i32
        %dma_wait3A_202 = tpu.memref_slice %arg11[%dma_wait3A_197, %dma_wait3A_200, %dma_wait3A_201] : memref<2x8x1024xf32, #tpu.memory_space<vmem>> -> memref<1x8x1024xf32, #tpu.memory_space<vmem>>
        %dma_wait3A_203 = tpu.memref_squeeze %dma_wait3A_202 : memref<1x8x1024xf32, #tpu.memory_space<vmem>> -> memref<8x1024xf32, #tpu.memory_space<vmem>>
        %dma_wait3A_204 = arith.constant 0 : i32
        %dma_wait3A_205 = arith.constant 0 : i32
        %dma_wait3A_206 = tpu.memref_slice %arg5[%dma_wait3A_198, %dma_wait3A_204, %dma_wait3A_199, %dma_wait3A_205] : memref<50x8x32x1024xf32, #tpu.memory_space<hbm>> -> memref<1x8x1x1024xf32, #tpu.memory_space<hbm>>
        %dma_wait3A_207 = tpu.memref_squeeze %dma_wait3A_206 : memref<1x8x1x1024xf32, #tpu.memory_space<hbm>> -> memref<8x1024xf32, #tpu.memory_space<hbm>>
        %dma_wait3A_208 = arith.constant 0 : i32
        %dma_wait3A_209 = arith.constant 0 : i32
        %dma_wait3A_210 = tpu.memref_slice %arg5[%dma_wait3A_198, %dma_wait3A_208, %dma_wait3A_199, %dma_wait3A_209] : memref<50x8x32x1024xf32, #tpu.memory_space<hbm>> -> memref<1x8x1x1024xf32, #tpu.memory_space<hbm>>
        %dma_wait3A_211 = tpu.memref_squeeze %dma_wait3A_210 : memref<1x8x1x1024xf32, #tpu.memory_space<hbm>> -> memref<8x1024xf32, #tpu.memory_space<hbm>>
        %dma_wait3A_212 = arith.constant 0 : i32
        %dma_wait3A_213 = arith.constant 0 : i32
        %dma_wait3A_214 = tpu.memref_slice %arg11[%dma_wait3A_197, %dma_wait3A_212, %dma_wait3A_213] : memref<2x8x1024xf32, #tpu.memory_space<vmem>> -> memref<1x8x1024xf32, #tpu.memory_space<vmem>>
        %dma_wait3A_215 = tpu.memref_squeeze %dma_wait3A_214 : memref<1x8x1024xf32, #tpu.memory_space<vmem>> -> memref<8x1024xf32, #tpu.memory_space<vmem>>
        tpu.wait_dma2 semaphore(%arg16 : memref<!tpu.dma_semaphore, #tpu.memory_space<semaphore_mem>>) src(%dma_wait3A_215 : memref<8x1024xf32, #tpu.memory_space<vmem>>) dst(%dma_wait3A_211 : memref<8x1024xf32, #tpu.memory_space<hbm>>)
      } else {
      }
      %parallel_loop3A_168 = arith.constant 0 : i32
      %parallel_loop3A_169 = arith.constant 64 : i32
      %parallel_loop3A_170 = arith.constant 1 : i32
      scf.for %parallel_loop3A_197 = %parallel_loop3A_168 to %parallel_loop3A_169 step %parallel_loop3A_170  : i32 {
        %parallel_loop3A_198 = arith.constant 33 : i32
        %parallel_loop3A_199 = arith.muli %parallel_loop3A_197, %parallel_loop3A_198 : i32
        %parallel_loop3A_200 = arith.constant 0 : i32
        %parallel_loop3A_201 = arith.addi %parallel_loop3A_200, %parallel_loop3A_197 : i32
        %parallel_loop3A_202 = arith.constant 1 : i32
        %parallel_loop3A_203 = arith.index_cast %parallel_loop3A_202 : i32 to index
        %parallel_loop3A_204 = arith.index_cast %parallel_loop3A_201 : i32 to index
        %parallel_loop3A_205 = arith.constant 0 : index
        %parallel_loop3A_206 = tpu.vector_load %arg9[%parallel_loop3A_203, %parallel_loop3A_204, %parallel_loop3A_205] {strides = array<i32>} : memref<2x128x128xi32, #tpu.memory_space<vmem>>, vector<16xi32>,
        %parallel_loop3A_207 = arith.constant 256 : i32
        %parallel_loop3A_208 = vector.broadcast %parallel_loop3A_207 : i32 to vector<16xi32>
        %parallel_loop3A_209 = arith.muli %parallel_loop3A_206, %parallel_loop3A_208 : vector<16xi32>
        %parallel_loop3A_210 = arith.constant 0 : i32
        %parallel_loop3A_211 = arith.addi %parallel_loop3A_210, %parallel_loop3A_197 : i32
        %parallel_loop3A_212 = arith.constant 1 : i32
        %parallel_loop3A_213 = arith.index_cast %parallel_loop3A_212 : i32 to index
        %parallel_loop3A_214 = arith.index_cast %parallel_loop3A_211 : i32 to index
        %parallel_loop3A_215 = arith.constant 64 : index
        %parallel_loop3A_216 = tpu.vector_load %arg9[%parallel_loop3A_213, %parallel_loop3A_214, %parallel_loop3A_215] {strides = array<i32>} : memref<2x128x128xi32, #tpu.memory_space<vmem>>, vector<16xi32>,
        %parallel_loop3A_217 = arith.addi %parallel_loop3A_209, %parallel_loop3A_216 : vector<16xi32>
        %parallel_loop3A_218 = arith.constant 0 : i32
        %parallel_loop3A_219 = arith.addi %parallel_loop3A_218, %parallel_loop3A_197 : i32
        %parallel_loop3A_220 = arith.constant 1 : i32
        %parallel_loop3A_221 = arith.index_cast %parallel_loop3A_220 : i32 to index
        %parallel_loop3A_222 = arith.index_cast %parallel_loop3A_219 : i32 to index
        %parallel_loop3A_223 = arith.constant 16 : index
        %parallel_loop3A_224 = tpu.vector_load %arg9[%parallel_loop3A_221, %parallel_loop3A_222, %parallel_loop3A_223] {strides = array<i32>} : memref<2x128x128xi32, #tpu.memory_space<vmem>>, vector<16xi32>,
        %parallel_loop3A_225 = arith.constant 256 : i32
        %parallel_loop3A_226 = vector.broadcast %parallel_loop3A_225 : i32 to vector<16xi32>
        %parallel_loop3A_227 = arith.muli %parallel_loop3A_224, %parallel_loop3A_226 : vector<16xi32>
        %parallel_loop3A_228 = arith.constant 0 : i32
        %parallel_loop3A_229 = arith.addi %parallel_loop3A_228, %parallel_loop3A_197 : i32
        %parallel_loop3A_230 = arith.constant 1 : i32
        %parallel_loop3A_231 = arith.index_cast %parallel_loop3A_230 : i32 to index
        %parallel_loop3A_232 = arith.index_cast %parallel_loop3A_229 : i32 to index
        %parallel_loop3A_233 = arith.constant 80 : index
        %parallel_loop3A_234 = tpu.vector_load %arg9[%parallel_loop3A_231, %parallel_loop3A_232, %parallel_loop3A_233] {strides = array<i32>} : memref<2x128x128xi32, #tpu.memory_space<vmem>>, vector<16xi32>,
        %parallel_loop3A_235 = arith.addi %parallel_loop3A_227, %parallel_loop3A_234 : vector<16xi32>
        %parallel_loop3A_236 = arith.constant 0 : i32
        %parallel_loop3A_237 = arith.addi %parallel_loop3A_236, %parallel_loop3A_197 : i32
        %parallel_loop3A_238 = arith.constant 1 : i32
        %parallel_loop3A_239 = arith.index_cast %parallel_loop3A_238 : i32 to index
        %parallel_loop3A_240 = arith.index_cast %parallel_loop3A_237 : i32 to index
        %parallel_loop3A_241 = arith.constant 32 : index
        %parallel_loop3A_242 = tpu.vector_load %arg9[%parallel_loop3A_239, %parallel_loop3A_240, %parallel_loop3A_241] {strides = array<i32>} : memref<2x128x128xi32, #tpu.memory_space<vmem>>, vector<16xi32>,
        %parallel_loop3A_243 = arith.constant 256 : i32
        %parallel_loop3A_244 = vector.broadcast %parallel_loop3A_243 : i32 to vector<16xi32>
        %parallel_loop3A_245 = arith.muli %parallel_loop3A_242, %parallel_loop3A_244 : vector<16xi32>
        %parallel_loop3A_246 = arith.constant 0 : i32
        %parallel_loop3A_247 = arith.addi %parallel_loop3A_246, %parallel_loop3A_197 : i32
        %parallel_loop3A_248 = arith.constant 1 : i32
        %parallel_loop3A_249 = arith.index_cast %parallel_loop3A_248 : i32 to index
        %parallel_loop3A_250 = arith.index_cast %parallel_loop3A_247 : i32 to index
        %parallel_loop3A_251 = arith.constant 96 : index
        %parallel_loop3A_252 = tpu.vector_load %arg9[%parallel_loop3A_249, %parallel_loop3A_250, %parallel_loop3A_251] {strides = array<i32>} : memref<2x128x128xi32, #tpu.memory_space<vmem>>, vector<16xi32>,
        %parallel_loop3A_253 = arith.addi %parallel_loop3A_245, %parallel_loop3A_252 : vector<16xi32>
        %parallel_loop3A_254 = arith.constant 0 : i32
        %parallel_loop3A_255 = arith.addi %parallel_loop3A_254, %parallel_loop3A_197 : i32
        %parallel_loop3A_256 = arith.constant 1 : i32
        %parallel_loop3A_257 = arith.index_cast %parallel_loop3A_256 : i32 to index
        %parallel_loop3A_258 = arith.index_cast %parallel_loop3A_255 : i32 to index
        %parallel_loop3A_259 = arith.constant 48 : index
        %parallel_loop3A_260 = tpu.vector_load %arg9[%parallel_loop3A_257, %parallel_loop3A_258, %parallel_loop3A_259] {strides = array<i32>} : memref<2x128x128xi32, #tpu.memory_space<vmem>>, vector<16xi32>,
        %parallel_loop3A_261 = arith.constant 256 : i32
        %parallel_loop3A_262 = vector.broadcast %parallel_loop3A_261 : i32 to vector<16xi32>
        %parallel_loop3A_263 = arith.muli %parallel_loop3A_260, %parallel_loop3A_262 : vector<16xi32>
        %parallel_loop3A_264 = arith.constant 0 : i32
        %parallel_loop3A_265 = arith.addi %parallel_loop3A_264, %parallel_loop3A_197 : i32
        %parallel_loop3A_266 = arith.constant 1 : i32
        %parallel_loop3A_267 = arith.index_cast %parallel_loop3A_266 : i32 to index
        %parallel_loop3A_268 = arith.index_cast %parallel_loop3A_265 : i32 to index
        %parallel_loop3A_269 = arith.constant 112 : index
        %parallel_loop3A_270 = tpu.vector_load %arg9[%parallel_loop3A_267, %parallel_loop3A_268, %parallel_loop3A_269] {strides = array<i32>} : memref<2x128x128xi32, #tpu.memory_space<vmem>>, vector<16xi32>,
        %parallel_loop3A_271 = arith.addi %parallel_loop3A_263, %parallel_loop3A_270 : vector<16xi32>
        %parallel_loop3A_272 = arith.constant 16 : i32
        %parallel_loop3A_273 = vector.broadcast %parallel_loop3A_272 : i32 to vector<16xi32>
        %parallel_loop3A_274 = arith.shli %parallel_loop3A_235, %parallel_loop3A_273 : vector<16xi32>
        %parallel_loop3A_275 = arith.ori %parallel_loop3A_217, %parallel_loop3A_274 : vector<16xi32>
        %parallel_loop3A_276 = arith.index_cast %parallel_loop3A_199 : i32 to index
        %parallel_loop3A_277 = tpu.vector_load %arg10[%parallel_loop3A_276] {strides = array<i32>} : memref<2112xi32, #tpu.memory_space<vmem>>, vector<16xi32>,
        tpu.vector_store %arg10[%parallel_loop3A_276], %parallel_loop3A_275 {strides = array<i32>} : memref<2112xi32, #tpu.memory_space<vmem>>, vector<16xi32>,
        %parallel_loop3A_278 = arith.constant 16 : i32
        %parallel_loop3A_279 = vector.broadcast %parallel_loop3A_278 : i32 to vector<16xi32>
        %parallel_loop3A_280 = arith.shli %parallel_loop3A_271, %parallel_loop3A_279 : vector<16xi32>
        %parallel_loop3A_281 = arith.ori %parallel_loop3A_253, %parallel_loop3A_280 : vector<16xi32>
        %parallel_loop3A_282 = arith.constant 16 : i32
        %parallel_loop3A_283 = arith.addi %parallel_loop3A_199, %parallel_loop3A_282 : i32
        %parallel_loop3A_284 = arith.index_cast %parallel_loop3A_283 : i32 to index
        %parallel_loop3A_285 = tpu.vector_load %arg10[%parallel_loop3A_284] {strides = array<i32>} : memref<2112xi32, #tpu.memory_space<vmem>>, vector<16xi32>,
        tpu.vector_store %arg10[%parallel_loop3A_284], %parallel_loop3A_281 {strides = array<i32>} : memref<2112xi32, #tpu.memory_space<vmem>>, vector<16xi32>,
      } {sc.loop_unroll_factor = 8 : i64, sc.parallel_access}
      %parallel_loop3A_171 = arith.constant 0 : i32
      %parallel_loop3A_172 = arith.constant 32 : i32
      %parallel_loop3A_173 = arith.constant 1 : i32
      scf.for %parallel_loop3A_197 = %parallel_loop3A_171 to %parallel_loop3A_172 step %parallel_loop3A_173  : i32 {
        %parallel_loop3A_198 = arith.constant 16 : i32
        %parallel_loop3A_199 = arith.andi %parallel_loop3A_197, %parallel_loop3A_198 : i32
        %parallel_loop3A_200 = arith.addi %parallel_loop3A_197, %parallel_loop3A_199 : i32
        %parallel_loop3A_201 = arith.constant 8 : i32
        %parallel_loop3A_202 = arith.constant 0 : i32
        %parallel_loop3A_203 = arith.cmpi eq, %parallel_loop3A_201, %parallel_loop3A_202 : i32
        %parallel_loop3A_204 = arith.constant 1 : i32
        %parallel_loop3A_205 = arith.select %parallel_loop3A_203, %parallel_loop3A_204, %parallel_loop3A_201 : i32
        %parallel_loop3A_206 = arith.remsi %parallel_loop3A_200, %parallel_loop3A_205 : i32
        %parallel_loop3A_207 = arith.constant 0 : i32
        %parallel_loop3A_208 = arith.cmpi ne, %parallel_loop3A_206, %parallel_loop3A_207 : i32
        %parallel_loop3A_209 = arith.constant 0 : i32
        %parallel_loop3A_210 = arith.cmpi slt, %parallel_loop3A_206, %parallel_loop3A_209 : i32
        %parallel_loop3A_211 = arith.constant 0 : i32
        %parallel_loop3A_212 = arith.cmpi slt, %parallel_loop3A_205, %parallel_loop3A_211 : i32
        %parallel_loop3A_213 = arith.xori %parallel_loop3A_210, %parallel_loop3A_212 : i1
        %parallel_loop3A_214 = arith.andi %parallel_loop3A_213, %parallel_loop3A_208 : i1
        %parallel_loop3A_215 = arith.addi %parallel_loop3A_206, %parallel_loop3A_205 : i32
        %parallel_loop3A_216 = arith.select %parallel_loop3A_214, %parallel_loop3A_215, %parallel_loop3A_206 : i32
        %parallel_loop3A_217 = arith.constant 128 : i32
        %parallel_loop3A_218 = arith.muli %parallel_loop3A_216, %parallel_loop3A_217 : i32
        %parallel_loop3A_219 = arith.constant 0 : i32
        %parallel_loop3A_220 = arith.addi %parallel_loop3A_218, %parallel_loop3A_219 : i32
        %parallel_loop3A_221 = arith.constant 16 : i32
        %parallel_loop3A_222 = arith.addi %parallel_loop3A_200, %parallel_loop3A_221 : i32
        %parallel_loop3A_223 = arith.constant 8 : i32
        %parallel_loop3A_224 = arith.constant 0 : i32
        %parallel_loop3A_225 = arith.cmpi eq, %parallel_loop3A_223, %parallel_loop3A_224 : i32
        %parallel_loop3A_226 = arith.constant 1 : i32
        %parallel_loop3A_227 = arith.select %parallel_loop3A_225, %parallel_loop3A_226, %parallel_loop3A_223 : i32
        %parallel_loop3A_228 = arith.remsi %parallel_loop3A_222, %parallel_loop3A_227 : i32
        %parallel_loop3A_229 = arith.constant 0 : i32
        %parallel_loop3A_230 = arith.cmpi ne, %parallel_loop3A_228, %parallel_loop3A_229 : i32
        %parallel_loop3A_231 = arith.constant 0 : i32
        %parallel_loop3A_232 = arith.cmpi slt, %parallel_loop3A_228, %parallel_loop3A_231 : i32
        %parallel_loop3A_233 = arith.constant 0 : i32
        %parallel_loop3A_234 = arith.cmpi slt, %parallel_loop3A_227, %parallel_loop3A_233 : i32
        %parallel_loop3A_235 = arith.xori %parallel_loop3A_232, %parallel_loop3A_234 : i1
        %parallel_loop3A_236 = arith.andi %parallel_loop3A_235, %parallel_loop3A_230 : i1
        %parallel_loop3A_237 = arith.addi %parallel_loop3A_228, %parallel_loop3A_227 : i32
        %parallel_loop3A_238 = arith.select %parallel_loop3A_236, %parallel_loop3A_237, %parallel_loop3A_228 : i32
        %parallel_loop3A_239 = arith.constant 128 : i32
        %parallel_loop3A_240 = arith.muli %parallel_loop3A_238, %parallel_loop3A_239 : i32
        %parallel_loop3A_241 = arith.constant 0 : i32
        %parallel_loop3A_242 = arith.addi %parallel_loop3A_240, %parallel_loop3A_241 : i32
        %parallel_loop3A_243 = vector.broadcast %parallel_loop3A_197 : i32 to vector<16xi32>
        %parallel_loop3A_244 = arith.addi %mul3A_21, %parallel_loop3A_243 : vector<16xi32>
        %parallel_loop3A_245 = tpu.vector_load_idx %arg10[%parallel_loop3A_244] : memref<2112xi32, #tpu.memory_space<vmem>>[vector<16xi32>], vector<16xi32>,
        %parallel_loop3A_246 = arith.constant 65535 : i32
        %parallel_loop3A_247 = vector.broadcast %parallel_loop3A_246 : i32 to vector<16xi32>
        %parallel_loop3A_248 = arith.andi %parallel_loop3A_245, %parallel_loop3A_247 : vector<16xi32>
        %parallel_loop3A_249 = arith.constant 16 : i32
        %parallel_loop3A_250 = vector.broadcast %parallel_loop3A_249 : i32 to vector<16xi32>
        %parallel_loop3A_251 = arith.shrui %parallel_loop3A_245, %parallel_loop3A_250 : vector<16xi32>
        %parallel_loop3A_252 = tpu.vector_load_idx %arg8[%parallel_loop3A_248] : memref<65536xf32, #tpu.memory_space<vmem>>[vector<16xi32>], vector<16xf32>,
        %parallel_loop3A_253 = arith.constant 8 : i32
        %parallel_loop3A_254 = arith.divsi %parallel_loop3A_200, %parallel_loop3A_253 : i32
        %parallel_loop3A_255 = arith.constant 0 : i32
        %parallel_loop3A_256 = arith.cmpi sgt, %parallel_loop3A_200, %parallel_loop3A_255 : i32
        %parallel_loop3A_257 = arith.extui %parallel_loop3A_256 : i1 to i32
        %parallel_loop3A_258 = arith.constant 0 : i32
        %parallel_loop3A_259 = arith.cmpi slt, %parallel_loop3A_200, %parallel_loop3A_258 : i32
        %parallel_loop3A_260 = arith.extui %parallel_loop3A_259 : i1 to i32
        %parallel_loop3A_261 = arith.subi %parallel_loop3A_257, %parallel_loop3A_260 : i32
        %parallel_loop3A_262 = arith.constant 0 : i32
        %parallel_loop3A_263 = arith.cmpi sgt, %parallel_loop3A_253, %parallel_loop3A_262 : i32
        %parallel_loop3A_264 = arith.extui %parallel_loop3A_263 : i1 to i32
        %parallel_loop3A_265 = arith.constant 0 : i32
        %parallel_loop3A_266 = arith.cmpi slt, %parallel_loop3A_253, %parallel_loop3A_265 : i32
        %parallel_loop3A_267 = arith.extui %parallel_loop3A_266 : i1 to i32
        %parallel_loop3A_268 = arith.subi %parallel_loop3A_264, %parallel_loop3A_267 : i32
        %parallel_loop3A_269 = arith.cmpi ne, %parallel_loop3A_261, %parallel_loop3A_268 : i32
        %parallel_loop3A_270 = arith.remsi %parallel_loop3A_200, %parallel_loop3A_253 : i32
        %parallel_loop3A_271 = arith.constant 0 : i32
        %parallel_loop3A_272 = arith.cmpi ne, %parallel_loop3A_270, %parallel_loop3A_271 : i32
        %parallel_loop3A_273 = arith.andi %parallel_loop3A_269, %parallel_loop3A_272 : i1
        %parallel_loop3A_274 = arith.constant 1 : i32
        %parallel_loop3A_275 = arith.subi %parallel_loop3A_254, %parallel_loop3A_274 : i32
        %parallel_loop3A_276 = arith.select %parallel_loop3A_273, %parallel_loop3A_275, %parallel_loop3A_254 : i32
        %parallel_loop3A_277 = arith.constant 0 : i32
        %parallel_loop3A_278 = arith.addi %parallel_loop3A_220, %parallel_loop3A_277 : i32
        %parallel_loop3A_279 = arith.constant 1 : i32
        %parallel_loop3A_280 = arith.index_cast %parallel_loop3A_279 : i32 to index
        %parallel_loop3A_281 = arith.index_cast %parallel_loop3A_276 : i32 to index
        %parallel_loop3A_282 = arith.index_cast %parallel_loop3A_278 : i32 to index
        %parallel_loop3A_283 = tpu.vector_load %arg11[%parallel_loop3A_280, %parallel_loop3A_281, %parallel_loop3A_282] {strides = array<i32>} : memref<2x8x1024xf32, #tpu.memory_space<vmem>>, vector<16xf32>,
        tpu.vector_store %arg11[%parallel_loop3A_280, %parallel_loop3A_281, %parallel_loop3A_282], %parallel_loop3A_252 {strides = array<i32>} : memref<2x8x1024xf32, #tpu.memory_space<vmem>>, vector<16xf32>,
        %parallel_loop3A_284 = tpu.vector_load_idx %arg8[%parallel_loop3A_251] : memref<65536xf32, #tpu.memory_space<vmem>>[vector<16xi32>], vector<16xf32>,
        %parallel_loop3A_285 = arith.constant 16 : i32
        %parallel_loop3A_286 = arith.addi %parallel_loop3A_200, %parallel_loop3A_285 : i32
        %parallel_loop3A_287 = arith.constant 8 : i32
        %parallel_loop3A_288 = arith.divsi %parallel_loop3A_286, %parallel_loop3A_287 : i32
        %parallel_loop3A_289 = arith.constant 0 : i32
        %parallel_loop3A_290 = arith.cmpi sgt, %parallel_loop3A_286, %parallel_loop3A_289 : i32
        %parallel_loop3A_291 = arith.extui %parallel_loop3A_290 : i1 to i32
        %parallel_loop3A_292 = arith.constant 0 : i32
        %parallel_loop3A_293 = arith.cmpi slt, %parallel_loop3A_286, %parallel_loop3A_292 : i32
        %parallel_loop3A_294 = arith.extui %parallel_loop3A_293 : i1 to i32
        %parallel_loop3A_295 = arith.subi %parallel_loop3A_291, %parallel_loop3A_294 : i32
        %parallel_loop3A_296 = arith.constant 0 : i32
        %parallel_loop3A_297 = arith.cmpi sgt, %parallel_loop3A_287, %parallel_loop3A_296 : i32
        %parallel_loop3A_298 = arith.extui %parallel_loop3A_297 : i1 to i32
        %parallel_loop3A_299 = arith.constant 0 : i32
        %parallel_loop3A_300 = arith.cmpi slt, %parallel_loop3A_287, %parallel_loop3A_299 : i32
        %parallel_loop3A_301 = arith.extui %parallel_loop3A_300 : i1 to i32
        %parallel_loop3A_302 = arith.subi %parallel_loop3A_298, %parallel_loop3A_301 : i32
        %parallel_loop3A_303 = arith.cmpi ne, %parallel_loop3A_295, %parallel_loop3A_302 : i32
        %parallel_loop3A_304 = arith.remsi %parallel_loop3A_286, %parallel_loop3A_287 : i32
        %parallel_loop3A_305 = arith.constant 0 : i32
        %parallel_loop3A_306 = arith.cmpi ne, %parallel_loop3A_304, %parallel_loop3A_305 : i32
        %parallel_loop3A_307 = arith.andi %parallel_loop3A_303, %parallel_loop3A_306 : i1
        %parallel_loop3A_308 = arith.constant 1 : i32
        %parallel_loop3A_309 = arith.subi %parallel_loop3A_288, %parallel_loop3A_308 : i32
        %parallel_loop3A_310 = arith.select %parallel_loop3A_307, %parallel_loop3A_309, %parallel_loop3A_288 : i32
        %parallel_loop3A_311 = arith.constant 0 : i32
        %parallel_loop3A_312 = arith.addi %parallel_loop3A_242, %parallel_loop3A_311 : i32
        %parallel_loop3A_313 = arith.constant 1 : i32
        %parallel_loop3A_314 = arith.index_cast %parallel_loop3A_313 : i32 to index
        %parallel_loop3A_315 = arith.index_cast %parallel_loop3A_310 : i32 to index
        %parallel_loop3A_316 = arith.index_cast %parallel_loop3A_312 : i32 to index
        %parallel_loop3A_317 = tpu.vector_load %arg11[%parallel_loop3A_314, %parallel_loop3A_315, %parallel_loop3A_316] {strides = array<i32>} : memref<2x8x1024xf32, #tpu.memory_space<vmem>>, vector<16xf32>,
        tpu.vector_store %arg11[%parallel_loop3A_314, %parallel_loop3A_315, %parallel_loop3A_316], %parallel_loop3A_284 {strides = array<i32>} : memref<2x8x1024xf32, #tpu.memory_space<vmem>>, vector<16xf32>,
        %parallel_loop3A_318 = arith.addi %mul3A_28, %parallel_loop3A_243 : vector<16xi32>
        %parallel_loop3A_319 = tpu.vector_load_idx %arg10[%parallel_loop3A_318] : memref<2112xi32, #tpu.memory_space<vmem>>[vector<16xi32>], vector<16xi32>,
        %parallel_loop3A_320 = arith.constant 65535 : i32
        %parallel_loop3A_321 = vector.broadcast %parallel_loop3A_320 : i32 to vector<16xi32>
        %parallel_loop3A_322 = arith.andi %parallel_loop3A_319, %parallel_loop3A_321 : vector<16xi32>
        %parallel_loop3A_323 = arith.constant 16 : i32
        %parallel_loop3A_324 = vector.broadcast %parallel_loop3A_323 : i32 to vector<16xi32>
        %parallel_loop3A_325 = arith.shrui %parallel_loop3A_319, %parallel_loop3A_324 : vector<16xi32>
        %parallel_loop3A_326 = tpu.vector_load_idx %arg8[%parallel_loop3A_322] : memref<65536xf32, #tpu.memory_space<vmem>>[vector<16xi32>], vector<16xf32>,
        %parallel_loop3A_327 = arith.constant 8 : i32
        %parallel_loop3A_328 = arith.divsi %parallel_loop3A_200, %parallel_loop3A_327 : i32
        %parallel_loop3A_329 = arith.constant 0 : i32
        %parallel_loop3A_330 = arith.cmpi sgt, %parallel_loop3A_200, %parallel_loop3A_329 : i32
        %parallel_loop3A_331 = arith.extui %parallel_loop3A_330 : i1 to i32
        %parallel_loop3A_332 = arith.constant 0 : i32
        %parallel_loop3A_333 = arith.cmpi slt, %parallel_loop3A_200, %parallel_loop3A_332 : i32
        %parallel_loop3A_334 = arith.extui %parallel_loop3A_333 : i1 to i32
        %parallel_loop3A_335 = arith.subi %parallel_loop3A_331, %parallel_loop3A_334 : i32
        %parallel_loop3A_336 = arith.constant 0 : i32
        %parallel_loop3A_337 = arith.cmpi sgt, %parallel_loop3A_327, %parallel_loop3A_336 : i32
        %parallel_loop3A_338 = arith.extui %parallel_loop3A_337 : i1 to i32
        %parallel_loop3A_339 = arith.constant 0 : i32
        %parallel_loop3A_340 = arith.cmpi slt, %parallel_loop3A_327, %parallel_loop3A_339 : i32
        %parallel_loop3A_341 = arith.extui %parallel_loop3A_340 : i1 to i32
        %parallel_loop3A_342 = arith.subi %parallel_loop3A_338, %parallel_loop3A_341 : i32
        %parallel_loop3A_343 = arith.cmpi ne, %parallel_loop3A_335, %parallel_loop3A_342 : i32
        %parallel_loop3A_344 = arith.remsi %parallel_loop3A_200, %parallel_loop3A_327 : i32
        %parallel_loop3A_345 = arith.constant 0 : i32
        %parallel_loop3A_346 = arith.cmpi ne, %parallel_loop3A_344, %parallel_loop3A_345 : i32
        %parallel_loop3A_347 = arith.andi %parallel_loop3A_343, %parallel_loop3A_346 : i1
        %parallel_loop3A_348 = arith.constant 1 : i32
        %parallel_loop3A_349 = arith.subi %parallel_loop3A_328, %parallel_loop3A_348 : i32
        %parallel_loop3A_350 = arith.select %parallel_loop3A_347, %parallel_loop3A_349, %parallel_loop3A_328 : i32
        %parallel_loop3A_351 = arith.constant 16 : i32
        %parallel_loop3A_352 = arith.addi %parallel_loop3A_220, %parallel_loop3A_351 : i32
        %parallel_loop3A_353 = arith.constant 1 : i32
        %parallel_loop3A_354 = arith.index_cast %parallel_loop3A_353 : i32 to index
        %parallel_loop3A_355 = arith.index_cast %parallel_loop3A_350 : i32 to index
        %parallel_loop3A_356 = arith.index_cast %parallel_loop3A_352 : i32 to index
        %parallel_loop3A_357 = tpu.vector_load %arg11[%parallel_loop3A_354, %parallel_loop3A_355, %parallel_loop3A_356] {strides = array<i32>} : memref<2x8x1024xf32, #tpu.memory_space<vmem>>, vector<16xf32>,
        tpu.vector_store %arg11[%parallel_loop3A_354, %parallel_loop3A_355, %parallel_loop3A_356], %parallel_loop3A_326 {strides = array<i32>} : memref<2x8x1024xf32, #tpu.memory_space<vmem>>, vector<16xf32>,
        %parallel_loop3A_358 = tpu.vector_load_idx %arg8[%parallel_loop3A_325] : memref<65536xf32, #tpu.memory_space<vmem>>[vector<16xi32>], vector<16xf32>,
        %parallel_loop3A_359 = arith.constant 16 : i32
        %parallel_loop3A_360 = arith.addi %parallel_loop3A_200, %parallel_loop3A_359 : i32
        %parallel_loop3A_361 = arith.constant 8 : i32
        %parallel_loop3A_362 = arith.divsi %parallel_loop3A_360, %parallel_loop3A_361 : i32
        %parallel_loop3A_363 = arith.constant 0 : i32
        %parallel_loop3A_364 = arith.cmpi sgt, %parallel_loop3A_360, %parallel_loop3A_363 : i32
        %parallel_loop3A_365 = arith.extui %parallel_loop3A_364 : i1 to i32
        %parallel_loop3A_366 = arith.constant 0 : i32
        %parallel_loop3A_367 = arith.cmpi slt, %parallel_loop3A_360, %parallel_loop3A_366 : i32
        %parallel_loop3A_368 = arith.extui %parallel_loop3A_367 : i1 to i32
        %parallel_loop3A_369 = arith.subi %parallel_loop3A_365, %parallel_loop3A_368 : i32
        %parallel_loop3A_370 = arith.constant 0 : i32
        %parallel_loop3A_371 = arith.cmpi sgt, %parallel_loop3A_361, %parallel_loop3A_370 : i32
        %parallel_loop3A_372 = arith.extui %parallel_loop3A_371 : i1 to i32
        %parallel_loop3A_373 = arith.constant 0 : i32
        %parallel_loop3A_374 = arith.cmpi slt, %parallel_loop3A_361, %parallel_loop3A_373 : i32
        %parallel_loop3A_375 = arith.extui %parallel_loop3A_374 : i1 to i32
        %parallel_loop3A_376 = arith.subi %parallel_loop3A_372, %parallel_loop3A_375 : i32
        %parallel_loop3A_377 = arith.cmpi ne, %parallel_loop3A_369, %parallel_loop3A_376 : i32
        %parallel_loop3A_378 = arith.remsi %parallel_loop3A_360, %parallel_loop3A_361 : i32
        %parallel_loop3A_379 = arith.constant 0 : i32
        %parallel_loop3A_380 = arith.cmpi ne, %parallel_loop3A_378, %parallel_loop3A_379 : i32
        %parallel_loop3A_381 = arith.andi %parallel_loop3A_377, %parallel_loop3A_380 : i1
        %parallel_loop3A_382 = arith.constant 1 : i32
        %parallel_loop3A_383 = arith.subi %parallel_loop3A_362, %parallel_loop3A_382 : i32
        %parallel_loop3A_384 = arith.select %parallel_loop3A_381, %parallel_loop3A_383, %parallel_loop3A_362 : i32
        %parallel_loop3A_385 = arith.constant 16 : i32
        %parallel_loop3A_386 = arith.addi %parallel_loop3A_242, %parallel_loop3A_385 : i32
        %parallel_loop3A_387 = arith.constant 1 : i32
        %parallel_loop3A_388 = arith.index_cast %parallel_loop3A_387 : i32 to index
        %parallel_loop3A_389 = arith.index_cast %parallel_loop3A_384 : i32 to index
        %parallel_loop3A_390 = arith.index_cast %parallel_loop3A_386 : i32 to index
        %parallel_loop3A_391 = tpu.vector_load %arg11[%parallel_loop3A_388, %parallel_loop3A_389, %parallel_loop3A_390] {strides = array<i32>} : memref<2x8x1024xf32, #tpu.memory_space<vmem>>, vector<16xf32>,
        tpu.vector_store %arg11[%parallel_loop3A_388, %parallel_loop3A_389, %parallel_loop3A_390], %parallel_loop3A_358 {strides = array<i32>} : memref<2x8x1024xf32, #tpu.memory_space<vmem>>, vector<16xf32>,
        %parallel_loop3A_392 = arith.addi %mul3A_35, %parallel_loop3A_243 : vector<16xi32>
        %parallel_loop3A_393 = tpu.vector_load_idx %arg10[%parallel_loop3A_392] : memref<2112xi32, #tpu.memory_space<vmem>>[vector<16xi32>], vector<16xi32>,
        %parallel_loop3A_394 = arith.constant 65535 : i32
        %parallel_loop3A_395 = vector.broadcast %parallel_loop3A_394 : i32 to vector<16xi32>
        %parallel_loop3A_396 = arith.andi %parallel_loop3A_393, %parallel_loop3A_395 : vector<16xi32>
        %parallel_loop3A_397 = arith.constant 16 : i32
        %parallel_loop3A_398 = vector.broadcast %parallel_loop3A_397 : i32 to vector<16xi32>
        %parallel_loop3A_399 = arith.shrui %parallel_loop3A_393, %parallel_loop3A_398 : vector<16xi32>
        %parallel_loop3A_400 = tpu.vector_load_idx %arg8[%parallel_loop3A_396] : memref<65536xf32, #tpu.memory_space<vmem>>[vector<16xi32>], vector<16xf32>,
        %parallel_loop3A_401 = arith.constant 8 : i32
        %parallel_loop3A_402 = arith.divsi %parallel_loop3A_200, %parallel_loop3A_401 : i32
        %parallel_loop3A_403 = arith.constant 0 : i32
        %parallel_loop3A_404 = arith.cmpi sgt, %parallel_loop3A_200, %parallel_loop3A_403 : i32
        %parallel_loop3A_405 = arith.extui %parallel_loop3A_404 : i1 to i32
        %parallel_loop3A_406 = arith.constant 0 : i32
        %parallel_loop3A_407 = arith.cmpi slt, %parallel_loop3A_200, %parallel_loop3A_406 : i32
        %parallel_loop3A_408 = arith.extui %parallel_loop3A_407 : i1 to i32
        %parallel_loop3A_409 = arith.subi %parallel_loop3A_405, %parallel_loop3A_408 : i32
        %parallel_loop3A_410 = arith.constant 0 : i32
        %parallel_loop3A_411 = arith.cmpi sgt, %parallel_loop3A_401, %parallel_loop3A_410 : i32
        %parallel_loop3A_412 = arith.extui %parallel_loop3A_411 : i1 to i32
        %parallel_loop3A_413 = arith.constant 0 : i32
        %parallel_loop3A_414 = arith.cmpi slt, %parallel_loop3A_401, %parallel_loop3A_413 : i32
        %parallel_loop3A_415 = arith.extui %parallel_loop3A_414 : i1 to i32
        %parallel_loop3A_416 = arith.subi %parallel_loop3A_412, %parallel_loop3A_415 : i32
        %parallel_loop3A_417 = arith.cmpi ne, %parallel_loop3A_409, %parallel_loop3A_416 : i32
        %parallel_loop3A_418 = arith.remsi %parallel_loop3A_200, %parallel_loop3A_401 : i32
        %parallel_loop3A_419 = arith.constant 0 : i32
        %parallel_loop3A_420 = arith.cmpi ne, %parallel_loop3A_418, %parallel_loop3A_419 : i32
        %parallel_loop3A_421 = arith.andi %parallel_loop3A_417, %parallel_loop3A_420 : i1
        %parallel_loop3A_422 = arith.constant 1 : i32
        %parallel_loop3A_423 = arith.subi %parallel_loop3A_402, %parallel_loop3A_422 : i32
        %parallel_loop3A_424 = arith.select %parallel_loop3A_421, %parallel_loop3A_423, %parallel_loop3A_402 : i32
        %parallel_loop3A_425 = arith.constant 32 : i32
        %parallel_loop3A_426 = arith.addi %parallel_loop3A_220, %parallel_loop3A_425 : i32
        %parallel_loop3A_427 = arith.constant 1 : i32
        %parallel_loop3A_428 = arith.index_cast %parallel_loop3A_427 : i32 to index
        %parallel_loop3A_429 = arith.index_cast %parallel_loop3A_424 : i32 to index
        %parallel_loop3A_430 = arith.index_cast %parallel_loop3A_426 : i32 to index
        %parallel_loop3A_431 = tpu.vector_load %arg11[%parallel_loop3A_428, %parallel_loop3A_429, %parallel_loop3A_430] {strides = array<i32>} : memref<2x8x1024xf32, #tpu.memory_space<vmem>>, vector<16xf32>,
        tpu.vector_store %arg11[%parallel_loop3A_428, %parallel_loop3A_429, %parallel_loop3A_430], %parallel_loop3A_400 {strides = array<i32>} : memref<2x8x1024xf32, #tpu.memory_space<vmem>>, vector<16xf32>,
        %parallel_loop3A_432 = tpu.vector_load_idx %arg8[%parallel_loop3A_399] : memref<65536xf32, #tpu.memory_space<vmem>>[vector<16xi32>], vector<16xf32>,
        %parallel_loop3A_433 = arith.constant 16 : i32
        %parallel_loop3A_434 = arith.addi %parallel_loop3A_200, %parallel_loop3A_433 : i32
        %parallel_loop3A_435 = arith.constant 8 : i32
        %parallel_loop3A_436 = arith.divsi %parallel_loop3A_434, %parallel_loop3A_435 : i32
        %parallel_loop3A_437 = arith.constant 0 : i32
        %parallel_loop3A_438 = arith.cmpi sgt, %parallel_loop3A_434, %parallel_loop3A_437 : i32
        %parallel_loop3A_439 = arith.extui %parallel_loop3A_438 : i1 to i32
        %parallel_loop3A_440 = arith.constant 0 : i32
        %parallel_loop3A_441 = arith.cmpi slt, %parallel_loop3A_434, %parallel_loop3A_440 : i32
        %parallel_loop3A_442 = arith.extui %parallel_loop3A_441 : i1 to i32
        %parallel_loop3A_443 = arith.subi %parallel_loop3A_439, %parallel_loop3A_442 : i32
        %parallel_loop3A_444 = arith.constant 0 : i32
        %parallel_loop3A_445 = arith.cmpi sgt, %parallel_loop3A_435, %parallel_loop3A_444 : i32
        %parallel_loop3A_446 = arith.extui %parallel_loop3A_445 : i1 to i32
        %parallel_loop3A_447 = arith.constant 0 : i32
        %parallel_loop3A_448 = arith.cmpi slt, %parallel_loop3A_435, %parallel_loop3A_447 : i32
        %parallel_loop3A_449 = arith.extui %parallel_loop3A_448 : i1 to i32
        %parallel_loop3A_450 = arith.subi %parallel_loop3A_446, %parallel_loop3A_449 : i32
        %parallel_loop3A_451 = arith.cmpi ne, %parallel_loop3A_443, %parallel_loop3A_450 : i32
        %parallel_loop3A_452 = arith.remsi %parallel_loop3A_434, %parallel_loop3A_435 : i32
        %parallel_loop3A_453 = arith.constant 0 : i32
        %parallel_loop3A_454 = arith.cmpi ne, %parallel_loop3A_452, %parallel_loop3A_453 : i32
        %parallel_loop3A_455 = arith.andi %parallel_loop3A_451, %parallel_loop3A_454 : i1
        %parallel_loop3A_456 = arith.constant 1 : i32
        %parallel_loop3A_457 = arith.subi %parallel_loop3A_436, %parallel_loop3A_456 : i32
        %parallel_loop3A_458 = arith.select %parallel_loop3A_455, %parallel_loop3A_457, %parallel_loop3A_436 : i32
        %parallel_loop3A_459 = arith.constant 32 : i32
        %parallel_loop3A_460 = arith.addi %parallel_loop3A_242, %parallel_loop3A_459 : i32
        %parallel_loop3A_461 = arith.constant 1 : i32
        %parallel_loop3A_462 = arith.index_cast %parallel_loop3A_461 : i32 to index
        %parallel_loop3A_463 = arith.index_cast %parallel_loop3A_458 : i32 to index
        %parallel_loop3A_464 = arith.index_cast %parallel_loop3A_460 : i32 to index
        %parallel_loop3A_465 = tpu.vector_load %arg11[%parallel_loop3A_462, %parallel_loop3A_463, %parallel_loop3A_464] {strides = array<i32>} : memref<2x8x1024xf32, #tpu.memory_space<vmem>>, vector<16xf32>,
        tpu.vector_store %arg11[%parallel_loop3A_462, %parallel_loop3A_463, %parallel_loop3A_464], %parallel_loop3A_432 {strides = array<i32>} : memref<2x8x1024xf32, #tpu.memory_space<vmem>>, vector<16xf32>,
        %parallel_loop3A_466 = arith.addi %mul3A_42, %parallel_loop3A_243 : vector<16xi32>
        %parallel_loop3A_467 = tpu.vector_load_idx %arg10[%parallel_loop3A_466] : memref<2112xi32, #tpu.memory_space<vmem>>[vector<16xi32>], vector<16xi32>,
        %parallel_loop3A_468 = arith.constant 65535 : i32
        %parallel_loop3A_469 = vector.broadcast %parallel_loop3A_468 : i32 to vector<16xi32>
        %parallel_loop3A_470 = arith.andi %parallel_loop3A_467, %parallel_loop3A_469 : vector<16xi32>
        %parallel_loop3A_471 = arith.constant 16 : i32
        %parallel_loop3A_472 = vector.broadcast %parallel_loop3A_471 : i32 to vector<16xi32>
        %parallel_loop3A_473 = arith.shrui %parallel_loop3A_467, %parallel_loop3A_472 : vector<16xi32>
        %parallel_loop3A_474 = tpu.vector_load_idx %arg8[%parallel_loop3A_470] : memref<65536xf32, #tpu.memory_space<vmem>>[vector<16xi32>], vector<16xf32>,
        %parallel_loop3A_475 = arith.constant 8 : i32
        %parallel_loop3A_476 = arith.divsi %parallel_loop3A_200, %parallel_loop3A_475 : i32
        %parallel_loop3A_477 = arith.constant 0 : i32
        %parallel_loop3A_478 = arith.cmpi sgt, %parallel_loop3A_200, %parallel_loop3A_477 : i32
        %parallel_loop3A_479 = arith.extui %parallel_loop3A_478 : i1 to i32
        %parallel_loop3A_480 = arith.constant 0 : i32
        %parallel_loop3A_481 = arith.cmpi slt, %parallel_loop3A_200, %parallel_loop3A_480 : i32
        %parallel_loop3A_482 = arith.extui %parallel_loop3A_481 : i1 to i32
        %parallel_loop3A_483 = arith.subi %parallel_loop3A_479, %parallel_loop3A_482 : i32
        %parallel_loop3A_484 = arith.constant 0 : i32
        %parallel_loop3A_485 = arith.cmpi sgt, %parallel_loop3A_475, %parallel_loop3A_484 : i32
        %parallel_loop3A_486 = arith.extui %parallel_loop3A_485 : i1 to i32
        %parallel_loop3A_487 = arith.constant 0 : i32
        %parallel_loop3A_488 = arith.cmpi slt, %parallel_loop3A_475, %parallel_loop3A_487 : i32
        %parallel_loop3A_489 = arith.extui %parallel_loop3A_488 : i1 to i32
        %parallel_loop3A_490 = arith.subi %parallel_loop3A_486, %parallel_loop3A_489 : i32
        %parallel_loop3A_491 = arith.cmpi ne, %parallel_loop3A_483, %parallel_loop3A_490 : i32
        %parallel_loop3A_492 = arith.remsi %parallel_loop3A_200, %parallel_loop3A_475 : i32
        %parallel_loop3A_493 = arith.constant 0 : i32
        %parallel_loop3A_494 = arith.cmpi ne, %parallel_loop3A_492, %parallel_loop3A_493 : i32
        %parallel_loop3A_495 = arith.andi %parallel_loop3A_491, %parallel_loop3A_494 : i1
        %parallel_loop3A_496 = arith.constant 1 : i32
        %parallel_loop3A_497 = arith.subi %parallel_loop3A_476, %parallel_loop3A_496 : i32
        %parallel_loop3A_498 = arith.select %parallel_loop3A_495, %parallel_loop3A_497, %parallel_loop3A_476 : i32
        %parallel_loop3A_499 = arith.constant 48 : i32
        %parallel_loop3A_500 = arith.addi %parallel_loop3A_220, %parallel_loop3A_499 : i32
        %parallel_loop3A_501 = arith.constant 1 : i32
        %parallel_loop3A_502 = arith.index_cast %parallel_loop3A_501 : i32 to index
        %parallel_loop3A_503 = arith.index_cast %parallel_loop3A_498 : i32 to index
        %parallel_loop3A_504 = arith.index_cast %parallel_loop3A_500 : i32 to index
        %parallel_loop3A_505 = tpu.vector_load %arg11[%parallel_loop3A_502, %parallel_loop3A_503, %parallel_loop3A_504] {strides = array<i32>} : memref<2x8x1024xf32, #tpu.memory_space<vmem>>, vector<16xf32>,
        tpu.vector_store %arg11[%parallel_loop3A_502, %parallel_loop3A_503, %parallel_loop3A_504], %parallel_loop3A_474 {strides = array<i32>} : memref<2x8x1024xf32, #tpu.memory_space<vmem>>, vector<16xf32>,
        %parallel_loop3A_506 = tpu.vector_load_idx %arg8[%parallel_loop3A_473] : memref<65536xf32, #tpu.memory_space<vmem>>[vector<16xi32>], vector<16xf32>,
        %parallel_loop3A_507 = arith.constant 16 : i32
        %parallel_loop3A_508 = arith.addi %parallel_loop3A_200, %parallel_loop3A_507 : i32
        %parallel_loop3A_509 = arith.constant 8 : i32
        %parallel_loop3A_510 = arith.divsi %parallel_loop3A_508, %parallel_loop3A_509 : i32
        %parallel_loop3A_511 = arith.constant 0 : i32
        %parallel_loop3A_512 = arith.cmpi sgt, %parallel_loop3A_508, %parallel_loop3A_511 : i32
        %parallel_loop3A_513 = arith.extui %parallel_loop3A_512 : i1 to i32
        %parallel_loop3A_514 = arith.constant 0 : i32
        %parallel_loop3A_515 = arith.cmpi slt, %parallel_loop3A_508, %parallel_loop3A_514 : i32
        %parallel_loop3A_516 = arith.extui %parallel_loop3A_515 : i1 to i32
        %parallel_loop3A_517 = arith.subi %parallel_loop3A_513, %parallel_loop3A_516 : i32
        %parallel_loop3A_518 = arith.constant 0 : i32
        %parallel_loop3A_519 = arith.cmpi sgt, %parallel_loop3A_509, %parallel_loop3A_518 : i32
        %parallel_loop3A_520 = arith.extui %parallel_loop3A_519 : i1 to i32
        %parallel_loop3A_521 = arith.constant 0 : i32
        %parallel_loop3A_522 = arith.cmpi slt, %parallel_loop3A_509, %parallel_loop3A_521 : i32
        %parallel_loop3A_523 = arith.extui %parallel_loop3A_522 : i1 to i32
        %parallel_loop3A_524 = arith.subi %parallel_loop3A_520, %parallel_loop3A_523 : i32
        %parallel_loop3A_525 = arith.cmpi ne, %parallel_loop3A_517, %parallel_loop3A_524 : i32
        %parallel_loop3A_526 = arith.remsi %parallel_loop3A_508, %parallel_loop3A_509 : i32
        %parallel_loop3A_527 = arith.constant 0 : i32
        %parallel_loop3A_528 = arith.cmpi ne, %parallel_loop3A_526, %parallel_loop3A_527 : i32
        %parallel_loop3A_529 = arith.andi %parallel_loop3A_525, %parallel_loop3A_528 : i1
        %parallel_loop3A_530 = arith.constant 1 : i32
        %parallel_loop3A_531 = arith.subi %parallel_loop3A_510, %parallel_loop3A_530 : i32
        %parallel_loop3A_532 = arith.select %parallel_loop3A_529, %parallel_loop3A_531, %parallel_loop3A_510 : i32
        %parallel_loop3A_533 = arith.constant 48 : i32
        %parallel_loop3A_534 = arith.addi %parallel_loop3A_242, %parallel_loop3A_533 : i32
        %parallel_loop3A_535 = arith.constant 1 : i32
        %parallel_loop3A_536 = arith.index_cast %parallel_loop3A_535 : i32 to index
        %parallel_loop3A_537 = arith.index_cast %parallel_loop3A_532 : i32 to index
        %parallel_loop3A_538 = arith.index_cast %parallel_loop3A_534 : i32 to index
        %parallel_loop3A_539 = tpu.vector_load %arg11[%parallel_loop3A_536, %parallel_loop3A_537, %parallel_loop3A_538] {strides = array<i32>} : memref<2x8x1024xf32, #tpu.memory_space<vmem>>, vector<16xf32>,
        tpu.vector_store %arg11[%parallel_loop3A_536, %parallel_loop3A_537, %parallel_loop3A_538], %parallel_loop3A_506 {strides = array<i32>} : memref<2x8x1024xf32, #tpu.memory_space<vmem>>, vector<16xf32>,
      } {sc.loop_unroll_factor = 4 : i64, sc.parallel_access}
      %parallel_loop3A_174 = arith.constant 0 : i32
      %parallel_loop3A_175 = arith.constant 64 : i32
      %parallel_loop3A_176 = arith.constant 1 : i32
      scf.for %parallel_loop3A_197 = %parallel_loop3A_174 to %parallel_loop3A_175 step %parallel_loop3A_176  : i32 {
        %parallel_loop3A_198 = arith.constant 33 : i32
        %parallel_loop3A_199 = arith.muli %parallel_loop3A_197, %parallel_loop3A_198 : i32
        %parallel_loop3A_200 = arith.constant 64 : i32
        %parallel_loop3A_201 = arith.addi %parallel_loop3A_200, %parallel_loop3A_197 : i32
        %parallel_loop3A_202 = arith.constant 1 : i32
        %parallel_loop3A_203 = arith.index_cast %parallel_loop3A_202 : i32 to index
        %parallel_loop3A_204 = arith.index_cast %parallel_loop3A_201 : i32 to index
        %parallel_loop3A_205 = arith.constant 0 : index
        %parallel_loop3A_206 = tpu.vector_load %arg9[%parallel_loop3A_203, %parallel_loop3A_204, %parallel_loop3A_205] {strides = array<i32>} : memref<2x128x128xi32, #tpu.memory_space<vmem>>, vector<16xi32>,
        %parallel_loop3A_207 = arith.constant 256 : i32
        %parallel_loop3A_208 = vector.broadcast %parallel_loop3A_207 : i32 to vector<16xi32>
        %parallel_loop3A_209 = arith.muli %parallel_loop3A_206, %parallel_loop3A_208 : vector<16xi32>
        %parallel_loop3A_210 = arith.constant 64 : i32
        %parallel_loop3A_211 = arith.addi %parallel_loop3A_210, %parallel_loop3A_197 : i32
        %parallel_loop3A_212 = arith.constant 1 : i32
        %parallel_loop3A_213 = arith.index_cast %parallel_loop3A_212 : i32 to index
        %parallel_loop3A_214 = arith.index_cast %parallel_loop3A_211 : i32 to index
        %parallel_loop3A_215 = arith.constant 64 : index
        %parallel_loop3A_216 = tpu.vector_load %arg9[%parallel_loop3A_213, %parallel_loop3A_214, %parallel_loop3A_215] {strides = array<i32>} : memref<2x128x128xi32, #tpu.memory_space<vmem>>, vector<16xi32>,
        %parallel_loop3A_217 = arith.addi %parallel_loop3A_209, %parallel_loop3A_216 : vector<16xi32>
        %parallel_loop3A_218 = arith.constant 64 : i32
        %parallel_loop3A_219 = arith.addi %parallel_loop3A_218, %parallel_loop3A_197 : i32
        %parallel_loop3A_220 = arith.constant 1 : i32
        %parallel_loop3A_221 = arith.index_cast %parallel_loop3A_220 : i32 to index
        %parallel_loop3A_222 = arith.index_cast %parallel_loop3A_219 : i32 to index
        %parallel_loop3A_223 = arith.constant 16 : index
        %parallel_loop3A_224 = tpu.vector_load %arg9[%parallel_loop3A_221, %parallel_loop3A_222, %parallel_loop3A_223] {strides = array<i32>} : memref<2x128x128xi32, #tpu.memory_space<vmem>>, vector<16xi32>,
        %parallel_loop3A_225 = arith.constant 256 : i32
        %parallel_loop3A_226 = vector.broadcast %parallel_loop3A_225 : i32 to vector<16xi32>
        %parallel_loop3A_227 = arith.muli %parallel_loop3A_224, %parallel_loop3A_226 : vector<16xi32>
        %parallel_loop3A_228 = arith.constant 64 : i32
        %parallel_loop3A_229 = arith.addi %parallel_loop3A_228, %parallel_loop3A_197 : i32
        %parallel_loop3A_230 = arith.constant 1 : i32
        %parallel_loop3A_231 = arith.index_cast %parallel_loop3A_230 : i32 to index
        %parallel_loop3A_232 = arith.index_cast %parallel_loop3A_229 : i32 to index
        %parallel_loop3A_233 = arith.constant 80 : index
        %parallel_loop3A_234 = tpu.vector_load %arg9[%parallel_loop3A_231, %parallel_loop3A_232, %parallel_loop3A_233] {strides = array<i32>} : memref<2x128x128xi32, #tpu.memory_space<vmem>>, vector<16xi32>,
        %parallel_loop3A_235 = arith.addi %parallel_loop3A_227, %parallel_loop3A_234 : vector<16xi32>
        %parallel_loop3A_236 = arith.constant 64 : i32
        %parallel_loop3A_237 = arith.addi %parallel_loop3A_236, %parallel_loop3A_197 : i32
        %parallel_loop3A_238 = arith.constant 1 : i32
        %parallel_loop3A_239 = arith.index_cast %parallel_loop3A_238 : i32 to index
        %parallel_loop3A_240 = arith.index_cast %parallel_loop3A_237 : i32 to index
        %parallel_loop3A_241 = arith.constant 32 : index
        %parallel_loop3A_242 = tpu.vector_load %arg9[%parallel_loop3A_239, %parallel_loop3A_240, %parallel_loop3A_241] {strides = array<i32>} : memref<2x128x128xi32, #tpu.memory_space<vmem>>, vector<16xi32>,
        %parallel_loop3A_243 = arith.constant 256 : i32
        %parallel_loop3A_244 = vector.broadcast %parallel_loop3A_243 : i32 to vector<16xi32>
        %parallel_loop3A_245 = arith.muli %parallel_loop3A_242, %parallel_loop3A_244 : vector<16xi32>
        %parallel_loop3A_246 = arith.constant 64 : i32
        %parallel_loop3A_247 = arith.addi %parallel_loop3A_246, %parallel_loop3A_197 : i32
        %parallel_loop3A_248 = arith.constant 1 : i32
        %parallel_loop3A_249 = arith.index_cast %parallel_loop3A_248 : i32 to index
        %parallel_loop3A_250 = arith.index_cast %parallel_loop3A_247 : i32 to index
        %parallel_loop3A_251 = arith.constant 96 : index
        %parallel_loop3A_252 = tpu.vector_load %arg9[%parallel_loop3A_249, %parallel_loop3A_250, %parallel_loop3A_251] {strides = array<i32>} : memref<2x128x128xi32, #tpu.memory_space<vmem>>, vector<16xi32>,
        %parallel_loop3A_253 = arith.addi %parallel_loop3A_245, %parallel_loop3A_252 : vector<16xi32>
        %parallel_loop3A_254 = arith.constant 64 : i32
        %parallel_loop3A_255 = arith.addi %parallel_loop3A_254, %parallel_loop3A_197 : i32
        %parallel_loop3A_256 = arith.constant 1 : i32
        %parallel_loop3A_257 = arith.index_cast %parallel_loop3A_256 : i32 to index
        %parallel_loop3A_258 = arith.index_cast %parallel_loop3A_255 : i32 to index
        %parallel_loop3A_259 = arith.constant 48 : index
        %parallel_loop3A_260 = tpu.vector_load %arg9[%parallel_loop3A_257, %parallel_loop3A_258, %parallel_loop3A_259] {strides = array<i32>} : memref<2x128x128xi32, #tpu.memory_space<vmem>>, vector<16xi32>,
        %parallel_loop3A_261 = arith.constant 256 : i32
        %parallel_loop3A_262 = vector.broadcast %parallel_loop3A_261 : i32 to vector<16xi32>
        %parallel_loop3A_263 = arith.muli %parallel_loop3A_260, %parallel_loop3A_262 : vector<16xi32>
        %parallel_loop3A_264 = arith.constant 64 : i32
        %parallel_loop3A_265 = arith.addi %parallel_loop3A_264, %parallel_loop3A_197 : i32
        %parallel_loop3A_266 = arith.constant 1 : i32
        %parallel_loop3A_267 = arith.index_cast %parallel_loop3A_266 : i32 to index
        %parallel_loop3A_268 = arith.index_cast %parallel_loop3A_265 : i32 to index
        %parallel_loop3A_269 = arith.constant 112 : index
        %parallel_loop3A_270 = tpu.vector_load %arg9[%parallel_loop3A_267, %parallel_loop3A_268, %parallel_loop3A_269] {strides = array<i32>} : memref<2x128x128xi32, #tpu.memory_space<vmem>>, vector<16xi32>,
        %parallel_loop3A_271 = arith.addi %parallel_loop3A_263, %parallel_loop3A_270 : vector<16xi32>
        %parallel_loop3A_272 = arith.constant 16 : i32
        %parallel_loop3A_273 = vector.broadcast %parallel_loop3A_272 : i32 to vector<16xi32>
        %parallel_loop3A_274 = arith.shli %parallel_loop3A_235, %parallel_loop3A_273 : vector<16xi32>
        %parallel_loop3A_275 = arith.ori %parallel_loop3A_217, %parallel_loop3A_274 : vector<16xi32>
        %parallel_loop3A_276 = arith.index_cast %parallel_loop3A_199 : i32 to index
        %parallel_loop3A_277 = tpu.vector_load %arg10[%parallel_loop3A_276] {strides = array<i32>} : memref<2112xi32, #tpu.memory_space<vmem>>, vector<16xi32>,
        tpu.vector_store %arg10[%parallel_loop3A_276], %parallel_loop3A_275 {strides = array<i32>} : memref<2112xi32, #tpu.memory_space<vmem>>, vector<16xi32>,
        %parallel_loop3A_278 = arith.constant 16 : i32
        %parallel_loop3A_279 = vector.broadcast %parallel_loop3A_278 : i32 to vector<16xi32>
        %parallel_loop3A_280 = arith.shli %parallel_loop3A_271, %parallel_loop3A_279 : vector<16xi32>
        %parallel_loop3A_281 = arith.ori %parallel_loop3A_253, %parallel_loop3A_280 : vector<16xi32>
        %parallel_loop3A_282 = arith.constant 16 : i32
        %parallel_loop3A_283 = arith.addi %parallel_loop3A_199, %parallel_loop3A_282 : i32
        %parallel_loop3A_284 = arith.index_cast %parallel_loop3A_283 : i32 to index
        %parallel_loop3A_285 = tpu.vector_load %arg10[%parallel_loop3A_284] {strides = array<i32>} : memref<2112xi32, #tpu.memory_space<vmem>>, vector<16xi32>,
        tpu.vector_store %arg10[%parallel_loop3A_284], %parallel_loop3A_281 {strides = array<i32>} : memref<2112xi32, #tpu.memory_space<vmem>>, vector<16xi32>,
      } {sc.loop_unroll_factor = 8 : i64, sc.parallel_access}
      %parallel_loop3A_177 = arith.constant 0 : i32
      %parallel_loop3A_178 = arith.constant 32 : i32
      %parallel_loop3A_179 = arith.constant 1 : i32
      scf.for %parallel_loop3A_197 = %parallel_loop3A_177 to %parallel_loop3A_178 step %parallel_loop3A_179  : i32 {
        %parallel_loop3A_198 = arith.constant 16 : i32
        %parallel_loop3A_199 = arith.andi %parallel_loop3A_197, %parallel_loop3A_198 : i32
        %parallel_loop3A_200 = arith.addi %parallel_loop3A_197, %parallel_loop3A_199 : i32
        %parallel_loop3A_201 = arith.constant 8 : i32
        %parallel_loop3A_202 = arith.constant 0 : i32
        %parallel_loop3A_203 = arith.cmpi eq, %parallel_loop3A_201, %parallel_loop3A_202 : i32
        %parallel_loop3A_204 = arith.constant 1 : i32
        %parallel_loop3A_205 = arith.select %parallel_loop3A_203, %parallel_loop3A_204, %parallel_loop3A_201 : i32
        %parallel_loop3A_206 = arith.remsi %parallel_loop3A_200, %parallel_loop3A_205 : i32
        %parallel_loop3A_207 = arith.constant 0 : i32
        %parallel_loop3A_208 = arith.cmpi ne, %parallel_loop3A_206, %parallel_loop3A_207 : i32
        %parallel_loop3A_209 = arith.constant 0 : i32
        %parallel_loop3A_210 = arith.cmpi slt, %parallel_loop3A_206, %parallel_loop3A_209 : i32
        %parallel_loop3A_211 = arith.constant 0 : i32
        %parallel_loop3A_212 = arith.cmpi slt, %parallel_loop3A_205, %parallel_loop3A_211 : i32
        %parallel_loop3A_213 = arith.xori %parallel_loop3A_210, %parallel_loop3A_212 : i1
        %parallel_loop3A_214 = arith.andi %parallel_loop3A_213, %parallel_loop3A_208 : i1
        %parallel_loop3A_215 = arith.addi %parallel_loop3A_206, %parallel_loop3A_205 : i32
        %parallel_loop3A_216 = arith.select %parallel_loop3A_214, %parallel_loop3A_215, %parallel_loop3A_206 : i32
        %parallel_loop3A_217 = arith.constant 128 : i32
        %parallel_loop3A_218 = arith.muli %parallel_loop3A_216, %parallel_loop3A_217 : i32
        %parallel_loop3A_219 = arith.constant 64 : i32
        %parallel_loop3A_220 = arith.addi %parallel_loop3A_218, %parallel_loop3A_219 : i32
        %parallel_loop3A_221 = arith.constant 16 : i32
        %parallel_loop3A_222 = arith.addi %parallel_loop3A_200, %parallel_loop3A_221 : i32
        %parallel_loop3A_223 = arith.constant 8 : i32
        %parallel_loop3A_224 = arith.constant 0 : i32
        %parallel_loop3A_225 = arith.cmpi eq, %parallel_loop3A_223, %parallel_loop3A_224 : i32
        %parallel_loop3A_226 = arith.constant 1 : i32
        %parallel_loop3A_227 = arith.select %parallel_loop3A_225, %parallel_loop3A_226, %parallel_loop3A_223 : i32
        %parallel_loop3A_228 = arith.remsi %parallel_loop3A_222, %parallel_loop3A_227 : i32
        %parallel_loop3A_229 = arith.constant 0 : i32
        %parallel_loop3A_230 = arith.cmpi ne, %parallel_loop3A_228, %parallel_loop3A_229 : i32
        %parallel_loop3A_231 = arith.constant 0 : i32
        %parallel_loop3A_232 = arith.cmpi slt, %parallel_loop3A_228, %parallel_loop3A_231 : i32
        %parallel_loop3A_233 = arith.constant 0 : i32
        %parallel_loop3A_234 = arith.cmpi slt, %parallel_loop3A_227, %parallel_loop3A_233 : i32
        %parallel_loop3A_235 = arith.xori %parallel_loop3A_232, %parallel_loop3A_234 : i1
        %parallel_loop3A_236 = arith.andi %parallel_loop3A_235, %parallel_loop3A_230 : i1
        %parallel_loop3A_237 = arith.addi %parallel_loop3A_228, %parallel_loop3A_227 : i32
        %parallel_loop3A_238 = arith.select %parallel_loop3A_236, %parallel_loop3A_237, %parallel_loop3A_228 : i32
        %parallel_loop3A_239 = arith.constant 128 : i32
        %parallel_loop3A_240 = arith.muli %parallel_loop3A_238, %parallel_loop3A_239 : i32
        %parallel_loop3A_241 = arith.constant 64 : i32
        %parallel_loop3A_242 = arith.addi %parallel_loop3A_240, %parallel_loop3A_241 : i32
        %parallel_loop3A_243 = vector.broadcast %parallel_loop3A_197 : i32 to vector<16xi32>
        %parallel_loop3A_244 = arith.addi %mul3A_21, %parallel_loop3A_243 : vector<16xi32>
        %parallel_loop3A_245 = tpu.vector_load_idx %arg10[%parallel_loop3A_244] : memref<2112xi32, #tpu.memory_space<vmem>>[vector<16xi32>], vector<16xi32>,
        %parallel_loop3A_246 = arith.constant 65535 : i32
        %parallel_loop3A_247 = vector.broadcast %parallel_loop3A_246 : i32 to vector<16xi32>
        %parallel_loop3A_248 = arith.andi %parallel_loop3A_245, %parallel_loop3A_247 : vector<16xi32>
        %parallel_loop3A_249 = arith.constant 16 : i32
        %parallel_loop3A_250 = vector.broadcast %parallel_loop3A_249 : i32 to vector<16xi32>
        %parallel_loop3A_251 = arith.shrui %parallel_loop3A_245, %parallel_loop3A_250 : vector<16xi32>
        %parallel_loop3A_252 = tpu.vector_load_idx %arg8[%parallel_loop3A_248] : memref<65536xf32, #tpu.memory_space<vmem>>[vector<16xi32>], vector<16xf32>,
        %parallel_loop3A_253 = arith.constant 8 : i32
        %parallel_loop3A_254 = arith.divsi %parallel_loop3A_200, %parallel_loop3A_253 : i32
        %parallel_loop3A_255 = arith.constant 0 : i32
        %parallel_loop3A_256 = arith.cmpi sgt, %parallel_loop3A_200, %parallel_loop3A_255 : i32
        %parallel_loop3A_257 = arith.extui %parallel_loop3A_256 : i1 to i32
        %parallel_loop3A_258 = arith.constant 0 : i32
        %parallel_loop3A_259 = arith.cmpi slt, %parallel_loop3A_200, %parallel_loop3A_258 : i32
        %parallel_loop3A_260 = arith.extui %parallel_loop3A_259 : i1 to i32
        %parallel_loop3A_261 = arith.subi %parallel_loop3A_257, %parallel_loop3A_260 : i32
        %parallel_loop3A_262 = arith.constant 0 : i32
        %parallel_loop3A_263 = arith.cmpi sgt, %parallel_loop3A_253, %parallel_loop3A_262 : i32
        %parallel_loop3A_264 = arith.extui %parallel_loop3A_263 : i1 to i32
        %parallel_loop3A_265 = arith.constant 0 : i32
        %parallel_loop3A_266 = arith.cmpi slt, %parallel_loop3A_253, %parallel_loop3A_265 : i32
        %parallel_loop3A_267 = arith.extui %parallel_loop3A_266 : i1 to i32
        %parallel_loop3A_268 = arith.subi %parallel_loop3A_264, %parallel_loop3A_267 : i32
        %parallel_loop3A_269 = arith.cmpi ne, %parallel_loop3A_261, %parallel_loop3A_268 : i32
        %parallel_loop3A_270 = arith.remsi %parallel_loop3A_200, %parallel_loop3A_253 : i32
        %parallel_loop3A_271 = arith.constant 0 : i32
        %parallel_loop3A_272 = arith.cmpi ne, %parallel_loop3A_270, %parallel_loop3A_271 : i32
        %parallel_loop3A_273 = arith.andi %parallel_loop3A_269, %parallel_loop3A_272 : i1
        %parallel_loop3A_274 = arith.constant 1 : i32
        %parallel_loop3A_275 = arith.subi %parallel_loop3A_254, %parallel_loop3A_274 : i32
        %parallel_loop3A_276 = arith.select %parallel_loop3A_273, %parallel_loop3A_275, %parallel_loop3A_254 : i32
        %parallel_loop3A_277 = arith.constant 0 : i32
        %parallel_loop3A_278 = arith.addi %parallel_loop3A_220, %parallel_loop3A_277 : i32
        %parallel_loop3A_279 = arith.constant 1 : i32
        %parallel_loop3A_280 = arith.index_cast %parallel_loop3A_279 : i32 to index
        %parallel_loop3A_281 = arith.index_cast %parallel_loop3A_276 : i32 to index
        %parallel_loop3A_282 = arith.index_cast %parallel_loop3A_278 : i32 to index
        %parallel_loop3A_283 = tpu.vector_load %arg11[%parallel_loop3A_280, %parallel_loop3A_281, %parallel_loop3A_282] {strides = array<i32>} : memref<2x8x1024xf32, #tpu.memory_space<vmem>>, vector<16xf32>,
        tpu.vector_store %arg11[%parallel_loop3A_280, %parallel_loop3A_281, %parallel_loop3A_282], %parallel_loop3A_252 {strides = array<i32>} : memref<2x8x1024xf32, #tpu.memory_space<vmem>>, vector<16xf32>,
        %parallel_loop3A_284 = tpu.vector_load_idx %arg8[%parallel_loop3A_251] : memref<65536xf32, #tpu.memory_space<vmem>>[vector<16xi32>], vector<16xf32>,
        %parallel_loop3A_285 = arith.constant 16 : i32
        %parallel_loop3A_286 = arith.addi %parallel_loop3A_200, %parallel_loop3A_285 : i32
        %parallel_loop3A_287 = arith.constant 8 : i32
        %parallel_loop3A_288 = arith.divsi %parallel_loop3A_286, %parallel_loop3A_287 : i32
        %parallel_loop3A_289 = arith.constant 0 : i32
        %parallel_loop3A_290 = arith.cmpi sgt, %parallel_loop3A_286, %parallel_loop3A_289 : i32
        %parallel_loop3A_291 = arith.extui %parallel_loop3A_290 : i1 to i32
        %parallel_loop3A_292 = arith.constant 0 : i32
        %parallel_loop3A_293 = arith.cmpi slt, %parallel_loop3A_286, %parallel_loop3A_292 : i32
        %parallel_loop3A_294 = arith.extui %parallel_loop3A_293 : i1 to i32
        %parallel_loop3A_295 = arith.subi %parallel_loop3A_291, %parallel_loop3A_294 : i32
        %parallel_loop3A_296 = arith.constant 0 : i32
        %parallel_loop3A_297 = arith.cmpi sgt, %parallel_loop3A_287, %parallel_loop3A_296 : i32
        %parallel_loop3A_298 = arith.extui %parallel_loop3A_297 : i1 to i32
        %parallel_loop3A_299 = arith.constant 0 : i32
        %parallel_loop3A_300 = arith.cmpi slt, %parallel_loop3A_287, %parallel_loop3A_299 : i32
        %parallel_loop3A_301 = arith.extui %parallel_loop3A_300 : i1 to i32
        %parallel_loop3A_302 = arith.subi %parallel_loop3A_298, %parallel_loop3A_301 : i32
        %parallel_loop3A_303 = arith.cmpi ne, %parallel_loop3A_295, %parallel_loop3A_302 : i32
        %parallel_loop3A_304 = arith.remsi %parallel_loop3A_286, %parallel_loop3A_287 : i32
        %parallel_loop3A_305 = arith.constant 0 : i32
        %parallel_loop3A_306 = arith.cmpi ne, %parallel_loop3A_304, %parallel_loop3A_305 : i32
        %parallel_loop3A_307 = arith.andi %parallel_loop3A_303, %parallel_loop3A_306 : i1
        %parallel_loop3A_308 = arith.constant 1 : i32
        %parallel_loop3A_309 = arith.subi %parallel_loop3A_288, %parallel_loop3A_308 : i32
        %parallel_loop3A_310 = arith.select %parallel_loop3A_307, %parallel_loop3A_309, %parallel_loop3A_288 : i32
        %parallel_loop3A_311 = arith.constant 0 : i32
        %parallel_loop3A_312 = arith.addi %parallel_loop3A_242, %parallel_loop3A_311 : i32
        %parallel_loop3A_313 = arith.constant 1 : i32
        %parallel_loop3A_314 = arith.index_cast %parallel_loop3A_313 : i32 to index
        %parallel_loop3A_315 = arith.index_cast %parallel_loop3A_310 : i32 to index
        %parallel_loop3A_316 = arith.index_cast %parallel_loop3A_312 : i32 to index
        %parallel_loop3A_317 = tpu.vector_load %arg11[%parallel_loop3A_314, %parallel_loop3A_315, %parallel_loop3A_316] {strides = array<i32>} : memref<2x8x1024xf32, #tpu.memory_space<vmem>>, vector<16xf32>,
        tpu.vector_store %arg11[%parallel_loop3A_314, %parallel_loop3A_315, %parallel_loop3A_316], %parallel_loop3A_284 {strides = array<i32>} : memref<2x8x1024xf32, #tpu.memory_space<vmem>>, vector<16xf32>,
        %parallel_loop3A_318 = arith.addi %mul3A_28, %parallel_loop3A_243 : vector<16xi32>
        %parallel_loop3A_319 = tpu.vector_load_idx %arg10[%parallel_loop3A_318] : memref<2112xi32, #tpu.memory_space<vmem>>[vector<16xi32>], vector<16xi32>,
        %parallel_loop3A_320 = arith.constant 65535 : i32
        %parallel_loop3A_321 = vector.broadcast %parallel_loop3A_320 : i32 to vector<16xi32>
        %parallel_loop3A_322 = arith.andi %parallel_loop3A_319, %parallel_loop3A_321 : vector<16xi32>
        %parallel_loop3A_323 = arith.constant 16 : i32
        %parallel_loop3A_324 = vector.broadcast %parallel_loop3A_323 : i32 to vector<16xi32>
        %parallel_loop3A_325 = arith.shrui %parallel_loop3A_319, %parallel_loop3A_324 : vector<16xi32>
        %parallel_loop3A_326 = tpu.vector_load_idx %arg8[%parallel_loop3A_322] : memref<65536xf32, #tpu.memory_space<vmem>>[vector<16xi32>], vector<16xf32>,
        %parallel_loop3A_327 = arith.constant 8 : i32
        %parallel_loop3A_328 = arith.divsi %parallel_loop3A_200, %parallel_loop3A_327 : i32
        %parallel_loop3A_329 = arith.constant 0 : i32
        %parallel_loop3A_330 = arith.cmpi sgt, %parallel_loop3A_200, %parallel_loop3A_329 : i32
        %parallel_loop3A_331 = arith.extui %parallel_loop3A_330 : i1 to i32
        %parallel_loop3A_332 = arith.constant 0 : i32
        %parallel_loop3A_333 = arith.cmpi slt, %parallel_loop3A_200, %parallel_loop3A_332 : i32
        %parallel_loop3A_334 = arith.extui %parallel_loop3A_333 : i1 to i32
        %parallel_loop3A_335 = arith.subi %parallel_loop3A_331, %parallel_loop3A_334 : i32
        %parallel_loop3A_336 = arith.constant 0 : i32
        %parallel_loop3A_337 = arith.cmpi sgt, %parallel_loop3A_327, %parallel_loop3A_336 : i32
        %parallel_loop3A_338 = arith.extui %parallel_loop3A_337 : i1 to i32
        %parallel_loop3A_339 = arith.constant 0 : i32
        %parallel_loop3A_340 = arith.cmpi slt, %parallel_loop3A_327, %parallel_loop3A_339 : i32
        %parallel_loop3A_341 = arith.extui %parallel_loop3A_340 : i1 to i32
        %parallel_loop3A_342 = arith.subi %parallel_loop3A_338, %parallel_loop3A_341 : i32
        %parallel_loop3A_343 = arith.cmpi ne, %parallel_loop3A_335, %parallel_loop3A_342 : i32
        %parallel_loop3A_344 = arith.remsi %parallel_loop3A_200, %parallel_loop3A_327 : i32
        %parallel_loop3A_345 = arith.constant 0 : i32
        %parallel_loop3A_346 = arith.cmpi ne, %parallel_loop3A_344, %parallel_loop3A_345 : i32
        %parallel_loop3A_347 = arith.andi %parallel_loop3A_343, %parallel_loop3A_346 : i1
        %parallel_loop3A_348 = arith.constant 1 : i32
        %parallel_loop3A_349 = arith.subi %parallel_loop3A_328, %parallel_loop3A_348 : i32
        %parallel_loop3A_350 = arith.select %parallel_loop3A_347, %parallel_loop3A_349, %parallel_loop3A_328 : i32
        %parallel_loop3A_351 = arith.constant 16 : i32
        %parallel_loop3A_352 = arith.addi %parallel_loop3A_220, %parallel_loop3A_351 : i32
        %parallel_loop3A_353 = arith.constant 1 : i32
        %parallel_loop3A_354 = arith.index_cast %parallel_loop3A_353 : i32 to index
        %parallel_loop3A_355 = arith.index_cast %parallel_loop3A_350 : i32 to index
        %parallel_loop3A_356 = arith.index_cast %parallel_loop3A_352 : i32 to index
        %parallel_loop3A_357 = tpu.vector_load %arg11[%parallel_loop3A_354, %parallel_loop3A_355, %parallel_loop3A_356] {strides = array<i32>} : memref<2x8x1024xf32, #tpu.memory_space<vmem>>, vector<16xf32>,
        tpu.vector_store %arg11[%parallel_loop3A_354, %parallel_loop3A_355, %parallel_loop3A_356], %parallel_loop3A_326 {strides = array<i32>} : memref<2x8x1024xf32, #tpu.memory_space<vmem>>, vector<16xf32>,
        %parallel_loop3A_358 = tpu.vector_load_idx %arg8[%parallel_loop3A_325] : memref<65536xf32, #tpu.memory_space<vmem>>[vector<16xi32>], vector<16xf32>,
        %parallel_loop3A_359 = arith.constant 16 : i32
        %parallel_loop3A_360 = arith.addi %parallel_loop3A_200, %parallel_loop3A_359 : i32
        %parallel_loop3A_361 = arith.constant 8 : i32
        %parallel_loop3A_362 = arith.divsi %parallel_loop3A_360, %parallel_loop3A_361 : i32
        %parallel_loop3A_363 = arith.constant 0 : i32
        %parallel_loop3A_364 = arith.cmpi sgt, %parallel_loop3A_360, %parallel_loop3A_363 : i32
        %parallel_loop3A_365 = arith.extui %parallel_loop3A_364 : i1 to i32
        %parallel_loop3A_366 = arith.constant 0 : i32
        %parallel_loop3A_367 = arith.cmpi slt, %parallel_loop3A_360, %parallel_loop3A_366 : i32
        %parallel_loop3A_368 = arith.extui %parallel_loop3A_367 : i1 to i32
        %parallel_loop3A_369 = arith.subi %parallel_loop3A_365, %parallel_loop3A_368 : i32
        %parallel_loop3A_370 = arith.constant 0 : i32
        %parallel_loop3A_371 = arith.cmpi sgt, %parallel_loop3A_361, %parallel_loop3A_370 : i32
        %parallel_loop3A_372 = arith.extui %parallel_loop3A_371 : i1 to i32
        %parallel_loop3A_373 = arith.constant 0 : i32
        %parallel_loop3A_374 = arith.cmpi slt, %parallel_loop3A_361, %parallel_loop3A_373 : i32
        %parallel_loop3A_375 = arith.extui %parallel_loop3A_374 : i1 to i32
        %parallel_loop3A_376 = arith.subi %parallel_loop3A_372, %parallel_loop3A_375 : i32
        %parallel_loop3A_377 = arith.cmpi ne, %parallel_loop3A_369, %parallel_loop3A_376 : i32
        %parallel_loop3A_378 = arith.remsi %parallel_loop3A_360, %parallel_loop3A_361 : i32
        %parallel_loop3A_379 = arith.constant 0 : i32
        %parallel_loop3A_380 = arith.cmpi ne, %parallel_loop3A_378, %parallel_loop3A_379 : i32
        %parallel_loop3A_381 = arith.andi %parallel_loop3A_377, %parallel_loop3A_380 : i1
        %parallel_loop3A_382 = arith.constant 1 : i32
        %parallel_loop3A_383 = arith.subi %parallel_loop3A_362, %parallel_loop3A_382 : i32
        %parallel_loop3A_384 = arith.select %parallel_loop3A_381, %parallel_loop3A_383, %parallel_loop3A_362 : i32
        %parallel_loop3A_385 = arith.constant 16 : i32
        %parallel_loop3A_386 = arith.addi %parallel_loop3A_242, %parallel_loop3A_385 : i32
        %parallel_loop3A_387 = arith.constant 1 : i32
        %parallel_loop3A_388 = arith.index_cast %parallel_loop3A_387 : i32 to index
        %parallel_loop3A_389 = arith.index_cast %parallel_loop3A_384 : i32 to index
        %parallel_loop3A_390 = arith.index_cast %parallel_loop3A_386 : i32 to index
        %parallel_loop3A_391 = tpu.vector_load %arg11[%parallel_loop3A_388, %parallel_loop3A_389, %parallel_loop3A_390] {strides = array<i32>} : memref<2x8x1024xf32, #tpu.memory_space<vmem>>, vector<16xf32>,
        tpu.vector_store %arg11[%parallel_loop3A_388, %parallel_loop3A_389, %parallel_loop3A_390], %parallel_loop3A_358 {strides = array<i32>} : memref<2x8x1024xf32, #tpu.memory_space<vmem>>, vector<16xf32>,
        %parallel_loop3A_392 = arith.addi %mul3A_35, %parallel_loop3A_243 : vector<16xi32>
        %parallel_loop3A_393 = tpu.vector_load_idx %arg10[%parallel_loop3A_392] : memref<2112xi32, #tpu.memory_space<vmem>>[vector<16xi32>], vector<16xi32>,
        %parallel_loop3A_394 = arith.constant 65535 : i32
        %parallel_loop3A_395 = vector.broadcast %parallel_loop3A_394 : i32 to vector<16xi32>
        %parallel_loop3A_396 = arith.andi %parallel_loop3A_393, %parallel_loop3A_395 : vector<16xi32>
        %parallel_loop3A_397 = arith.constant 16 : i32
        %parallel_loop3A_398 = vector.broadcast %parallel_loop3A_397 : i32 to vector<16xi32>
        %parallel_loop3A_399 = arith.shrui %parallel_loop3A_393, %parallel_loop3A_398 : vector<16xi32>
        %parallel_loop3A_400 = tpu.vector_load_idx %arg8[%parallel_loop3A_396] : memref<65536xf32, #tpu.memory_space<vmem>>[vector<16xi32>], vector<16xf32>,
        %parallel_loop3A_401 = arith.constant 8 : i32
        %parallel_loop3A_402 = arith.divsi %parallel_loop3A_200, %parallel_loop3A_401 : i32
        %parallel_loop3A_403 = arith.constant 0 : i32
        %parallel_loop3A_404 = arith.cmpi sgt, %parallel_loop3A_200, %parallel_loop3A_403 : i32
        %parallel_loop3A_405 = arith.extui %parallel_loop3A_404 : i1 to i32
        %parallel_loop3A_406 = arith.constant 0 : i32
        %parallel_loop3A_407 = arith.cmpi slt, %parallel_loop3A_200, %parallel_loop3A_406 : i32
        %parallel_loop3A_408 = arith.extui %parallel_loop3A_407 : i1 to i32
        %parallel_loop3A_409 = arith.subi %parallel_loop3A_405, %parallel_loop3A_408 : i32
        %parallel_loop3A_410 = arith.constant 0 : i32
        %parallel_loop3A_411 = arith.cmpi sgt, %parallel_loop3A_401, %parallel_loop3A_410 : i32
        %parallel_loop3A_412 = arith.extui %parallel_loop3A_411 : i1 to i32
        %parallel_loop3A_413 = arith.constant 0 : i32
        %parallel_loop3A_414 = arith.cmpi slt, %parallel_loop3A_401, %parallel_loop3A_413 : i32
        %parallel_loop3A_415 = arith.extui %parallel_loop3A_414 : i1 to i32
        %parallel_loop3A_416 = arith.subi %parallel_loop3A_412, %parallel_loop3A_415 : i32
        %parallel_loop3A_417 = arith.cmpi ne, %parallel_loop3A_409, %parallel_loop3A_416 : i32
        %parallel_loop3A_418 = arith.remsi %parallel_loop3A_200, %parallel_loop3A_401 : i32
        %parallel_loop3A_419 = arith.constant 0 : i32
        %parallel_loop3A_420 = arith.cmpi ne, %parallel_loop3A_418, %parallel_loop3A_419 : i32
        %parallel_loop3A_421 = arith.andi %parallel_loop3A_417, %parallel_loop3A_420 : i1
        %parallel_loop3A_422 = arith.constant 1 : i32
        %parallel_loop3A_423 = arith.subi %parallel_loop3A_402, %parallel_loop3A_422 : i32
        %parallel_loop3A_424 = arith.select %parallel_loop3A_421, %parallel_loop3A_423, %parallel_loop3A_402 : i32
        %parallel_loop3A_425 = arith.constant 32 : i32
        %parallel_loop3A_426 = arith.addi %parallel_loop3A_220, %parallel_loop3A_425 : i32
        %parallel_loop3A_427 = arith.constant 1 : i32
        %parallel_loop3A_428 = arith.index_cast %parallel_loop3A_427 : i32 to index
        %parallel_loop3A_429 = arith.index_cast %parallel_loop3A_424 : i32 to index
        %parallel_loop3A_430 = arith.index_cast %parallel_loop3A_426 : i32 to index
        %parallel_loop3A_431 = tpu.vector_load %arg11[%parallel_loop3A_428, %parallel_loop3A_429, %parallel_loop3A_430] {strides = array<i32>} : memref<2x8x1024xf32, #tpu.memory_space<vmem>>, vector<16xf32>,
        tpu.vector_store %arg11[%parallel_loop3A_428, %parallel_loop3A_429, %parallel_loop3A_430], %parallel_loop3A_400 {strides = array<i32>} : memref<2x8x1024xf32, #tpu.memory_space<vmem>>, vector<16xf32>,
        %parallel_loop3A_432 = tpu.vector_load_idx %arg8[%parallel_loop3A_399] : memref<65536xf32, #tpu.memory_space<vmem>>[vector<16xi32>], vector<16xf32>,
        %parallel_loop3A_433 = arith.constant 16 : i32
        %parallel_loop3A_434 = arith.addi %parallel_loop3A_200, %parallel_loop3A_433 : i32
        %parallel_loop3A_435 = arith.constant 8 : i32
        %parallel_loop3A_436 = arith.divsi %parallel_loop3A_434, %parallel_loop3A_435 : i32
        %parallel_loop3A_437 = arith.constant 0 : i32
        %parallel_loop3A_438 = arith.cmpi sgt, %parallel_loop3A_434, %parallel_loop3A_437 : i32
        %parallel_loop3A_439 = arith.extui %parallel_loop3A_438 : i1 to i32
        %parallel_loop3A_440 = arith.constant 0 : i32
        %parallel_loop3A_441 = arith.cmpi slt, %parallel_loop3A_434, %parallel_loop3A_440 : i32
        %parallel_loop3A_442 = arith.extui %parallel_loop3A_441 : i1 to i32
        %parallel_loop3A_443 = arith.subi %parallel_loop3A_439, %parallel_loop3A_442 : i32
        %parallel_loop3A_444 = arith.constant 0 : i32
        %parallel_loop3A_445 = arith.cmpi sgt, %parallel_loop3A_435, %parallel_loop3A_444 : i32
        %parallel_loop3A_446 = arith.extui %parallel_loop3A_445 : i1 to i32
        %parallel_loop3A_447 = arith.constant 0 : i32
        %parallel_loop3A_448 = arith.cmpi slt, %parallel_loop3A_435, %parallel_loop3A_447 : i32
        %parallel_loop3A_449 = arith.extui %parallel_loop3A_448 : i1 to i32
        %parallel_loop3A_450 = arith.subi %parallel_loop3A_446, %parallel_loop3A_449 : i32
        %parallel_loop3A_451 = arith.cmpi ne, %parallel_loop3A_443, %parallel_loop3A_450 : i32
        %parallel_loop3A_452 = arith.remsi %parallel_loop3A_434, %parallel_loop3A_435 : i32
        %parallel_loop3A_453 = arith.constant 0 : i32
        %parallel_loop3A_454 = arith.cmpi ne, %parallel_loop3A_452, %parallel_loop3A_453 : i32
        %parallel_loop3A_455 = arith.andi %parallel_loop3A_451, %parallel_loop3A_454 : i1
        %parallel_loop3A_456 = arith.constant 1 : i32
        %parallel_loop3A_457 = arith.subi %parallel_loop3A_436, %parallel_loop3A_456 : i32
        %parallel_loop3A_458 = arith.select %parallel_loop3A_455, %parallel_loop3A_457, %parallel_loop3A_436 : i32
        %parallel_loop3A_459 = arith.constant 32 : i32
        %parallel_loop3A_460 = arith.addi %parallel_loop3A_242, %parallel_loop3A_459 : i32
        %parallel_loop3A_461 = arith.constant 1 : i32
        %parallel_loop3A_462 = arith.index_cast %parallel_loop3A_461 : i32 to index
        %parallel_loop3A_463 = arith.index_cast %parallel_loop3A_458 : i32 to index
        %parallel_loop3A_464 = arith.index_cast %parallel_loop3A_460 : i32 to index
        %parallel_loop3A_465 = tpu.vector_load %arg11[%parallel_loop3A_462, %parallel_loop3A_463, %parallel_loop3A_464] {strides = array<i32>} : memref<2x8x1024xf32, #tpu.memory_space<vmem>>, vector<16xf32>,
        tpu.vector_store %arg11[%parallel_loop3A_462, %parallel_loop3A_463, %parallel_loop3A_464], %parallel_loop3A_432 {strides = array<i32>} : memref<2x8x1024xf32, #tpu.memory_space<vmem>>, vector<16xf32>,
        %parallel_loop3A_466 = arith.addi %mul3A_42, %parallel_loop3A_243 : vector<16xi32>
        %parallel_loop3A_467 = tpu.vector_load_idx %arg10[%parallel_loop3A_466] : memref<2112xi32, #tpu.memory_space<vmem>>[vector<16xi32>], vector<16xi32>,
        %parallel_loop3A_468 = arith.constant 65535 : i32
        %parallel_loop3A_469 = vector.broadcast %parallel_loop3A_468 : i32 to vector<16xi32>
        %parallel_loop3A_470 = arith.andi %parallel_loop3A_467, %parallel_loop3A_469 : vector<16xi32>
        %parallel_loop3A_471 = arith.constant 16 : i32
        %parallel_loop3A_472 = vector.broadcast %parallel_loop3A_471 : i32 to vector<16xi32>
        %parallel_loop3A_473 = arith.shrui %parallel_loop3A_467, %parallel_loop3A_472 : vector<16xi32>
        %parallel_loop3A_474 = tpu.vector_load_idx %arg8[%parallel_loop3A_470] : memref<65536xf32, #tpu.memory_space<vmem>>[vector<16xi32>], vector<16xf32>,
        %parallel_loop3A_475 = arith.constant 8 : i32
        %parallel_loop3A_476 = arith.divsi %parallel_loop3A_200, %parallel_loop3A_475 : i32
        %parallel_loop3A_477 = arith.constant 0 : i32
        %parallel_loop3A_478 = arith.cmpi sgt, %parallel_loop3A_200, %parallel_loop3A_477 : i32
        %parallel_loop3A_479 = arith.extui %parallel_loop3A_478 : i1 to i32
        %parallel_loop3A_480 = arith.constant 0 : i32
        %parallel_loop3A_481 = arith.cmpi slt, %parallel_loop3A_200, %parallel_loop3A_480 : i32
        %parallel_loop3A_482 = arith.extui %parallel_loop3A_481 : i1 to i32
        %parallel_loop3A_483 = arith.subi %parallel_loop3A_479, %parallel_loop3A_482 : i32
        %parallel_loop3A_484 = arith.constant 0 : i32
        %parallel_loop3A_485 = arith.cmpi sgt, %parallel_loop3A_475, %parallel_loop3A_484 : i32
        %parallel_loop3A_486 = arith.extui %parallel_loop3A_485 : i1 to i32
        %parallel_loop3A_487 = arith.constant 0 : i32
        %parallel_loop3A_488 = arith.cmpi slt, %parallel_loop3A_475, %parallel_loop3A_487 : i32
        %parallel_loop3A_489 = arith.extui %parallel_loop3A_488 : i1 to i32
        %parallel_loop3A_490 = arith.subi %parallel_loop3A_486, %parallel_loop3A_489 : i32
        %parallel_loop3A_491 = arith.cmpi ne, %parallel_loop3A_483, %parallel_loop3A_490 : i32
        %parallel_loop3A_492 = arith.remsi %parallel_loop3A_200, %parallel_loop3A_475 : i32
        %parallel_loop3A_493 = arith.constant 0 : i32
        %parallel_loop3A_494 = arith.cmpi ne, %parallel_loop3A_492, %parallel_loop3A_493 : i32
        %parallel_loop3A_495 = arith.andi %parallel_loop3A_491, %parallel_loop3A_494 : i1
        %parallel_loop3A_496 = arith.constant 1 : i32
        %parallel_loop3A_497 = arith.subi %parallel_loop3A_476, %parallel_loop3A_496 : i32
        %parallel_loop3A_498 = arith.select %parallel_loop3A_495, %parallel_loop3A_497, %parallel_loop3A_476 : i32
        %parallel_loop3A_499 = arith.constant 48 : i32
        %parallel_loop3A_500 = arith.addi %parallel_loop3A_220, %parallel_loop3A_499 : i32
        %parallel_loop3A_501 = arith.constant 1 : i32
        %parallel_loop3A_502 = arith.index_cast %parallel_loop3A_501 : i32 to index
        %parallel_loop3A_503 = arith.index_cast %parallel_loop3A_498 : i32 to index
        %parallel_loop3A_504 = arith.index_cast %parallel_loop3A_500 : i32 to index
        %parallel_loop3A_505 = tpu.vector_load %arg11[%parallel_loop3A_502, %parallel_loop3A_503, %parallel_loop3A_504] {strides = array<i32>} : memref<2x8x1024xf32, #tpu.memory_space<vmem>>, vector<16xf32>,
        tpu.vector_store %arg11[%parallel_loop3A_502, %parallel_loop3A_503, %parallel_loop3A_504], %parallel_loop3A_474 {strides = array<i32>} : memref<2x8x1024xf32, #tpu.memory_space<vmem>>, vector<16xf32>,
        %parallel_loop3A_506 = tpu.vector_load_idx %arg8[%parallel_loop3A_473] : memref<65536xf32, #tpu.memory_space<vmem>>[vector<16xi32>], vector<16xf32>,
        %parallel_loop3A_507 = arith.constant 16 : i32
        %parallel_loop3A_508 = arith.addi %parallel_loop3A_200, %parallel_loop3A_507 : i32
        %parallel_loop3A_509 = arith.constant 8 : i32
        %parallel_loop3A_510 = arith.divsi %parallel_loop3A_508, %parallel_loop3A_509 : i32
        %parallel_loop3A_511 = arith.constant 0 : i32
        %parallel_loop3A_512 = arith.cmpi sgt, %parallel_loop3A_508, %parallel_loop3A_511 : i32
        %parallel_loop3A_513 = arith.extui %parallel_loop3A_512 : i1 to i32
        %parallel_loop3A_514 = arith.constant 0 : i32
        %parallel_loop3A_515 = arith.cmpi slt, %parallel_loop3A_508, %parallel_loop3A_514 : i32
        %parallel_loop3A_516 = arith.extui %parallel_loop3A_515 : i1 to i32
        %parallel_loop3A_517 = arith.subi %parallel_loop3A_513, %parallel_loop3A_516 : i32
        %parallel_loop3A_518 = arith.constant 0 : i32
        %parallel_loop3A_519 = arith.cmpi sgt, %parallel_loop3A_509, %parallel_loop3A_518 : i32
        %parallel_loop3A_520 = arith.extui %parallel_loop3A_519 : i1 to i32
        %parallel_loop3A_521 = arith.constant 0 : i32
        %parallel_loop3A_522 = arith.cmpi slt, %parallel_loop3A_509, %parallel_loop3A_521 : i32
        %parallel_loop3A_523 = arith.extui %parallel_loop3A_522 : i1 to i32
        %parallel_loop3A_524 = arith.subi %parallel_loop3A_520, %parallel_loop3A_523 : i32
        %parallel_loop3A_525 = arith.cmpi ne, %parallel_loop3A_517, %parallel_loop3A_524 : i32
        %parallel_loop3A_526 = arith.remsi %parallel_loop3A_508, %parallel_loop3A_509 : i32
        %parallel_loop3A_527 = arith.constant 0 : i32
        %parallel_loop3A_528 = arith.cmpi ne, %parallel_loop3A_526, %parallel_loop3A_527 : i32
        %parallel_loop3A_529 = arith.andi %parallel_loop3A_525, %parallel_loop3A_528 : i1
        %parallel_loop3A_530 = arith.constant 1 : i32
        %parallel_loop3A_531 = arith.subi %parallel_loop3A_510, %parallel_loop3A_530 : i32
        %parallel_loop3A_532 = arith.select %parallel_loop3A_529, %parallel_loop3A_531, %parallel_loop3A_510 : i32
        %parallel_loop3A_533 = arith.constant 48 : i32
        %parallel_loop3A_534 = arith.addi %parallel_loop3A_242, %parallel_loop3A_533 : i32
        %parallel_loop3A_535 = arith.constant 1 : i32
        %parallel_loop3A_536 = arith.index_cast %parallel_loop3A_535 : i32 to index
        %parallel_loop3A_537 = arith.index_cast %parallel_loop3A_532 : i32 to index
        %parallel_loop3A_538 = arith.index_cast %parallel_loop3A_534 : i32 to index
        %parallel_loop3A_539 = tpu.vector_load %arg11[%parallel_loop3A_536, %parallel_loop3A_537, %parallel_loop3A_538] {strides = array<i32>} : memref<2x8x1024xf32, #tpu.memory_space<vmem>>, vector<16xf32>,
        tpu.vector_store %arg11[%parallel_loop3A_536, %parallel_loop3A_537, %parallel_loop3A_538], %parallel_loop3A_506 {strides = array<i32>} : memref<2x8x1024xf32, #tpu.memory_space<vmem>>, vector<16xf32>,
      } {sc.loop_unroll_factor = 4 : i64, sc.parallel_access}
      %dma_start3A_180 = arith.constant 1 : i32
      %dma_start3A_181 = arith.constant 0 : i32
      %dma_start3A_182 = arith.constant 0 : i32
      %dma_start3A_183 = tpu.memref_slice %arg11[%dma_start3A_180, %dma_start3A_181, %dma_start3A_182] : memref<2x8x1024xf32, #tpu.memory_space<vmem>> -> memref<1x8x1024xf32, #tpu.memory_space<vmem>>
      %dma_start3A_184 = tpu.memref_squeeze %dma_start3A_183 : memref<1x8x1024xf32, #tpu.memory_space<vmem>> -> memref<8x1024xf32, #tpu.memory_space<vmem>>
      %dma_start3A_185 = arith.constant 0 : i32
      %dma_start3A_186 = arith.constant 0 : i32
      %dma_start3A_187 = tpu.memref_slice %arg5[%add3A_143, %dma_start3A_185, %add3A, %dma_start3A_186] : memref<50x8x32x1024xf32, #tpu.memory_space<hbm>> -> memref<1x8x1x1024xf32, #tpu.memory_space<hbm>>
      %dma_start3A_188 = tpu.memref_squeeze %dma_start3A_187 : memref<1x8x1x1024xf32, #tpu.memory_space<hbm>> -> memref<8x1024xf32, #tpu.memory_space<hbm>>
      %dma_start3A_189 = arith.constant 0 : i32
      %dma_start3A_190 = arith.constant 0 : i32
      %dma_start3A_191 = tpu.memref_slice %arg5[%add3A_143, %dma_start3A_189, %add3A, %dma_start3A_190] : memref<50x8x32x1024xf32, #tpu.memory_space<hbm>> -> memref<1x8x1x1024xf32, #tpu.memory_space<hbm>>
      %dma_start3A_192 = tpu.memref_squeeze %dma_start3A_191 : memref<1x8x1x1024xf32, #tpu.memory_space<hbm>> -> memref<8x1024xf32, #tpu.memory_space<hbm>>
      %dma_start3A_193 = arith.constant 0 : i32
      %dma_start3A_194 = arith.constant 0 : i32
      %dma_start3A_195 = tpu.memref_slice %arg11[%dma_start3A_180, %dma_start3A_193, %dma_start3A_194] : memref<2x8x1024xf32, #tpu.memory_space<vmem>> -> memref<1x8x1024xf32, #tpu.memory_space<vmem>>
      %dma_start3A_196 = tpu.memref_squeeze %dma_start3A_195 : memref<1x8x1024xf32, #tpu.memory_space<vmem>> -> memref<8x1024xf32, #tpu.memory_space<vmem>>
      tpu.enqueue_dma source(%dma_start3A_196 : memref<8x1024xf32, #tpu.memory_space<vmem>>) target(%dma_start3A_192 : memref<8x1024xf32, #tpu.memory_space<hbm>>) target_semaphore(%arg16 : memref<!tpu.dma_semaphore, #tpu.memory_space<semaphore_mem>>)
    }
    %scan3A_47 = arith.constant 25 : i32
    %dma_wait3A = arith.constant 0 : i32
    %dma_wait3A_48 = arith.constant 0 : i32
    %dma_wait3A_49 = arith.constant 0 : i32
    "tpu.trace_stop"() : () -> ()
    %dma_wait3A_50 = arith.constant 0 : i32
    %dma_wait3A_51 = arith.constant 0 : i32
    %dma_wait3A_52 = tpu.memref_slice %arg11[%dma_wait3A, %dma_wait3A_50, %dma_wait3A_51] : memref<2x8x1024xf32, #tpu.memory_space<vmem>> -> memref<1x8x1024xf32, #tpu.memory_space<vmem>>
    %dma_wait3A_53 = tpu.memref_squeeze %dma_wait3A_52 : memref<1x8x1024xf32, #tpu.memory_space<vmem>> -> memref<8x1024xf32, #tpu.memory_space<vmem>>
    %dma_wait3A_54 = arith.constant 0 : i32
    %dma_wait3A_55 = arith.constant 0 : i32
    %dma_wait3A_56 = tpu.memref_slice %arg5[%dma_wait3A_48, %dma_wait3A_54, %dma_wait3A_49, %dma_wait3A_55] : memref<50x8x32x1024xf32, #tpu.memory_space<hbm>> -> memref<1x8x1x1024xf32, #tpu.memory_space<hbm>>
    %dma_wait3A_57 = tpu.memref_squeeze %dma_wait3A_56 : memref<1x8x1x1024xf32, #tpu.memory_space<hbm>> -> memref<8x1024xf32, #tpu.memory_space<hbm>>
    %dma_wait3A_58 = arith.constant 0 : i32
    %dma_wait3A_59 = arith.constant 0 : i32
    %dma_wait3A_60 = tpu.memref_slice %arg5[%dma_wait3A_48, %dma_wait3A_58, %dma_wait3A_49, %dma_wait3A_59] : memref<50x8x32x1024xf32, #tpu.memory_space<hbm>> -> memref<1x8x1x1024xf32, #tpu.memory_space<hbm>>
    %dma_wait3A_61 = tpu.memref_squeeze %dma_wait3A_60 : memref<1x8x1x1024xf32, #tpu.memory_space<hbm>> -> memref<8x1024xf32, #tpu.memory_space<hbm>>
    %dma_wait3A_62 = arith.constant 0 : i32
    %dma_wait3A_63 = arith.constant 0 : i32
    %dma_wait3A_64 = tpu.memref_slice %arg11[%dma_wait3A, %dma_wait3A_62, %dma_wait3A_63] : memref<2x8x1024xf32, #tpu.memory_space<vmem>> -> memref<1x8x1024xf32, #tpu.memory_space<vmem>>
    %dma_wait3A_65 = tpu.memref_squeeze %dma_wait3A_64 : memref<1x8x1024xf32, #tpu.memory_space<vmem>> -> memref<8x1024xf32, #tpu.memory_space<vmem>>
    tpu.wait_dma2 semaphore(%arg15 : memref<!tpu.dma_semaphore, #tpu.memory_space<semaphore_mem>>) src(%dma_wait3A_65 : memref<8x1024xf32, #tpu.memory_space<vmem>>) dst(%dma_wait3A_61 : memref<8x1024xf32, #tpu.memory_space<hbm>>)
    %dma_wait3A_66 = arith.constant 1 : i32
    %dma_wait3A_67 = arith.constant 0 : i32
    %dma_wait3A_68 = arith.constant 0 : i32
    %dma_wait3A_69 = arith.constant 0 : i32
    %dma_wait3A_70 = arith.constant 0 : i32
    %dma_wait3A_71 = tpu.memref_slice %arg11[%dma_wait3A_66, %dma_wait3A_69, %dma_wait3A_70] : memref<2x8x1024xf32, #tpu.memory_space<vmem>> -> memref<1x8x1024xf32, #tpu.memory_space<vmem>>
    %dma_wait3A_72 = tpu.memref_squeeze %dma_wait3A_71 : memref<1x8x1024xf32, #tpu.memory_space<vmem>> -> memref<8x1024xf32, #tpu.memory_space<vmem>>
    %dma_wait3A_73 = arith.constant 0 : i32
    %dma_wait3A_74 = arith.constant 0 : i32
    %dma_wait3A_75 = tpu.memref_slice %arg5[%dma_wait3A_67, %dma_wait3A_73, %dma_wait3A_68, %dma_wait3A_74] : memref<50x8x32x1024xf32, #tpu.memory_space<hbm>> -> memref<1x8x1x1024xf32, #tpu.memory_space<hbm>>
    %dma_wait3A_76 = tpu.memref_squeeze %dma_wait3A_75 : memref<1x8x1x1024xf32, #tpu.memory_space<hbm>> -> memref<8x1024xf32, #tpu.memory_space<hbm>>
    %dma_wait3A_77 = arith.constant 0 : i32
    %dma_wait3A_78 = arith.constant 0 : i32
    %dma_wait3A_79 = tpu.memref_slice %arg5[%dma_wait3A_67, %dma_wait3A_77, %dma_wait3A_68, %dma_wait3A_78] : memref<50x8x32x1024xf32, #tpu.memory_space<hbm>> -> memref<1x8x1x1024xf32, #tpu.memory_space<hbm>>
    %dma_wait3A_80 = tpu.memref_squeeze %dma_wait3A_79 : memref<1x8x1x1024xf32, #tpu.memory_space<hbm>> -> memref<8x1024xf32, #tpu.memory_space<hbm>>
    %dma_wait3A_81 = arith.constant 0 : i32
    %dma_wait3A_82 = arith.constant 0 : i32
    %dma_wait3A_83 = tpu.memref_slice %arg11[%dma_wait3A_66, %dma_wait3A_81, %dma_wait3A_82] : memref<2x8x1024xf32, #tpu.memory_space<vmem>> -> memref<1x8x1024xf32, #tpu.memory_space<vmem>>
    %dma_wait3A_84 = tpu.memref_squeeze %dma_wait3A_83 : memref<1x8x1024xf32, #tpu.memory_space<vmem>> -> memref<8x1024xf32, #tpu.memory_space<vmem>>
    tpu.wait_dma2 semaphore(%arg16 : memref<!tpu.dma_semaphore, #tpu.memory_space<semaphore_mem>>) src(%dma_wait3A_84 : memref<8x1024xf32, #tpu.memory_space<vmem>>) dst(%dma_wait3A_80 : memref<8x1024xf32, #tpu.memory_space<hbm>>)
    return
  }
}

</mosaic_0001>

<sc_bundles>
// kernel: _sc_embed.3.cloned.1.call-start
scs
__scs_entry_jumppad:
0x0: {  	(pc) =	sbr.rel $0x88, $3  }
0x1: {  	(tag) =	ssettag $0x0;
	lr =	simm.s32 $0x1  }
0x2: {  	[smem:$0x3F9E] =	sst lr;
	_ =	strace $0xD0000000  }
0x3: {  	_ = 	snop  }
0x4: {  	_ = 	snop  }
0x5: {  	_ = 	snop  }
0x6: {  	_ = 	snop  }
0x7: {  	_ = 	snop  }
__scs_overlays_trampoline_lowered:
0x8: {  	[smem:$0x3FAD] =	sst s0  }
0x9: {  	[smem:$0x3FAE] =	sst s1  }
0xa: {  	[smem:$0x3FAF] =	sst s2  }
0xb: {  	[smem:$0x3FB0] =	sst s3  }
0xc: {  	[smem:$0x3FB1] =	sst s4  }
0xd: {  	[smem:$0x3FB2] =	sst s5  }
0xe: {  	[smem:$0x3FB3] =	sst s6  }
0xf: {  	[smem:$0x3FB4] =	sst s7  }
0x10: {  	[smem:$0x3FB5] =	sst s8  }
0x11: {  	[smem:$0x3FB6] =	sst s9;
	s0 =	simm.s32 @!p0 $0x0  }
0x12: {  	s1 =	sld [smem:$0x3F9C];
	s0 =	simm.s32 @p0 $0x1  }
0x13: {  	[smem:$0x3FB7] =	sst s0;
	s0 =	simm.s32 @!p1 $0x0  }
0x14: {  	s2 =	sld [smem:$0x3F9B];
	s0 =	simm.s32 @p1 $0x1  }
0x15: {  	[smem:$0x3FB8] =	sst s0;
	s0 =	simm.s32 @!p2 $0x0  }
0x16: {  	s3 =	sld [smem:$0x3FDB];
	s0 =	simm.s32 @p2 $0x1  }
0x17: {  	s4 =	simm.s32 $0x1BF5;
	[smem:$0x3FBA] =	sst s0  }
0x18: {  	s0 =	sld [smem:$0x3F9D];
	_ =	swait.ge [sflag:s4], $0x0  }
0x19: {  	s7 =	sld [smem:$0x3F9E]  }
0x1a: {  	s8 =	sadd.s32 $0xFFFFE003, lr  }
0x1b: {  	s9 =	sadd.s32 $0xFFFFFEF7, lr;
	s5 =	simm.s32 $0xFFFFFFFF;
	p2 =	slt.u32 s8, $0xFFFFF086  }
0x1c: {  	p1 =	slt.u32 s9, $0xF7A;
	s5 =	simm.s32 @!p2 $0x0  }
0x1d: {  	s5 =	simm.s32 @p1 $0x1;
	p0 =	seq.s32 s7, s2  }
0x1e: {  	s7 =	smul.u32 @!p0 $0xF7A, s2;
	p2 =	seq.s32 @!p0 s5, $0x0  }
0x1f: {  	s9 =	smul.u32 $0xF7A, s1;
	s8 =	simm.s32 @!p0 $0x1BF5;
	p2 =	por !p2, p0  }
0x20: {  	[sflag:s8] =	ssyncset.s32 @!p0 $0xFFFFF086;
	s6 =	sadd.s32 @!p0 s3, s7;
	s7 =	simm.s32 @!p0 $0x108  }
0x21: {  	s3 =	sadd.s32 s3, s9;
	s6 =	sadd.s32 @!p0 $0x88, s6;
	s7 =	simm.s32 @p2 $0x1082  }
0x22: {  	[simem:s7], [sflag:s8] =	dma.local @!p0 [hbm:s6], $0xF7A  }
0x23: {  	s9 =	sor.u32 $0xD0000000, s2;
	s6 =	simm.s32 $0x108;
	_ =	swait.ge @!p0 [sflag:s8], $0x0  }
0x24: {  	s3 =	sadd.s32 $0x88, s3;
	s6 =	simm.s32 @!p1 $0x1082;
	[sflag:s4] =	ssyncset.s32 $0xFFFFF086  }
0x25: {  	[simem:s6], [sflag:s4] =	dma.local [hbm:s3], $0xF7A  }
0x26: {  	[smem:$0x3F9E] =	sst s1;
	(tag) =	ssettag s2;
	_ =	strace s9  }
0x27: {  	s1 =	sld [smem:$0x3FAE]  }
0x28: {  	s2 =	sld [smem:$0x3FAF]  }
0x29: {  	s4 =	sld [smem:$0x3FB1]  }
0x2a: {  	p0 =	seq.s32 s5, $0x0;
	s5 =	sld [smem:$0x3FB2]  }
0x2b: {  	s6 =	sld [smem:$0x3FB3]  }
0x2c: {  	s7 =	sld [smem:$0x3FB4]  }
0x2d: {  	s3 =	simm.s32 $0x108;
	s8 =	sld [smem:$0x3FB5]  }
0x2e: {  	s3 =	simm.s32 @!p0 $0x1082;
	s9 =	sld [smem:$0x3FB6]  }
0x2f: {  	lr =	sadd.s32 s0, s3;
	s0 =	sld [smem:$0x3FAD]  }
0x30: {  	s3 =	sld [smem:$0x3FB0]  }
0x31: {  	[smem:$0x3FB9] =	sst s10  }
0x32: {  	s10 =	sld [smem:$0x3FB7];
	_ =	sdelay $0x3  }
0x33: {  	p0 =	seq.s32 s10, $0x1;
	s10 =	sld [smem:$0x3FB9];
	_ =	sdelay $0x3  }
0x34: {  	[smem:$0x3FB9] =	sst s10  }
0x35: {  	s10 =	sld [smem:$0x3FB8];
	_ =	sdelay $0x3  }
0x36: {  	p1 =	seq.s32 s10, $0x1;
	s10 =	sld [smem:$0x3FB9];
	_ =	sdelay $0x3  }
0x37: {  	[smem:$0x3FB9] =	sst s10  }
0x38: {  	s10 =	sld [smem:$0x3FBA]  }
0x39: {  	_ = 	snop;
	(pc) =	sbr.ind lr, $3  }
0x3a: {  	_ = 	snop  }
0x3b: {  	_ = 	snop  }
0x3c: {  	p2 =	seq.s32 s10, $0x1;
	s10 =	sld [smem:$0x3FB9]  }
0x3d: {  	_ =	shalt  }
0x3e: {  	_ =	shalt  }
0x3f: {  	_ =	shalt  }
0x40: {  	_ =	shalt  }
0x41: {  	_ =	shalt  }
0x42: {  	_ =	shalt  }
0x43: {  	_ =	shalt  }
0x44: {  	_ =	shalt  }
0x45: {  	_ =	shalt  }
0x46: {  	_ =	shalt  }
0x47: {  	_ =	shalt  }
0x48: {  	_ =	shalt  }
0x49: {  	_ =	shalt  }
0x4a: {  	_ =	shalt  }
0x4b: {  	_ =	shalt  }
0x4c: {  	_ =	shalt  }
0x4d: {  	_ =	shalt  }
0x4e: {  	_ =	shalt  }
0x4f: {  	_ =	shalt  }
0x50: {  	_ =	shalt  }
0x51: {  	_ =	shalt  }
0x52: {  	_ =	shalt  }
0x53: {  	_ =	shalt  }
0x54: {  	_ =	shalt  }
0x55: {  	_ =	shalt  }
0x56: {  	_ =	shalt  }
0x57: {  	_ =	shalt  }
0x58: {  	_ =	shalt  }
0x59: {  	_ =	shalt  }
0x5a: {  	_ =	shalt  }
0x5b: {  	_ =	shalt  }
0x5c: {  	_ =	shalt  }
0x5d: {  	_ =	shalt  }
0x5e: {  	_ =	shalt  }
0x5f: {  	_ =	shalt  }
0x60: {  	_ =	shalt  }
0x61: {  	_ =	shalt  }
0x62: {  	_ =	shalt  }
0x63: {  	_ =	shalt  }
0x64: {  	_ =	shalt  }
0x65: {  	_ =	shalt  }
0x66: {  	_ =	shalt  }
0x67: {  	_ =	shalt  }
0x68: {  	_ =	shalt  }
0x69: {  	_ =	shalt  }
0x6a: {  	_ =	shalt  }
0x6b: {  	_ =	shalt  }
0x6c: {  	_ =	shalt  }
0x6d: {  	_ =	shalt  }
0x6e: {  	_ =	shalt  }
0x6f: {  	_ =	shalt  }
0x70: {  	_ =	shalt  }
0x71: {  	_ =	shalt  }
0x72: {  	_ =	shalt  }
0x73: {  	_ =	shalt  }
0x74: {  	_ =	shalt  }
0x75: {  	_ =	shalt  }
0x76: {  	_ =	shalt  }
0x77: {  	_ =	shalt  }
0x78: {  	_ =	shalt  }
0x79: {  	_ =	shalt  }
0x7a: {  	_ =	shalt  }
0x7b: {  	_ =	shalt  }
0x7c: {  	_ =	shalt  }
0x7d: {  	_ =	shalt  }
0x7e: {  	_ =	shalt  }
0x7f: {  	_ =	shalt  }
0x80: {  	_ =	shalt  }
0x81: {  	_ =	shalt  }
0x82: {  	_ =	shalt  }
0x83: {  	_ =	shalt  }
0x84: {  	_ =	shalt  }
0x85: {  	_ =	shalt  }
0x86: {  	_ =	shalt  }
0x87: {  	_ =	shalt  }
.Lfunc_end0:
.L_simem_size_0:
called_computation_lowered:
.L_overlay_start_0:
0x88: {  	s2 =	sld [smem:$0x3FD9]  }
0x89: {  	s3 =	sld [smem:$0x3FFE];
	_ =	sdelay $0x1  }
0x8a: {  	s1 =	srdreg.scid  }
0x8b: {  	s0 =	sand.u32 $0x1, s1  }
0x8c: {  	s17 =	sshll.u32 s0, $0xA;
	s2 =	sadd.s32 s3, s2  }
0x8d: {  	s2 =	sadd.s32 s2, s17  }
0x8e: {  	[smem:$0x3FC5] =	sst s2  }
0x8f: {  	_ = 	snop  }
0x90: {  	s2 =	sld [smem:$0x3FC8]  }
0x91: {  	s18 =	sld [smem:$0x3FC7]  }
0x92: {  	s4 =	sld [smem:$0x3FD0];
	(tm) =	ssettm $0x1  }
0x93: {  	s5 =	sld [smem:$0x3FFB];
	_ =	sdelay $0x3  }
0x94: {  	_ =	strace s5  }
0x95: {  	s5 =	sld [smem:$0x3FFC];
	_ =	sdelay $0x3  }
0x96: {  	_ =	strace s5  }
0x97: {  	s5 =	sld [smem:$0x3FFD];
	_ =	sdelay $0x3  }
0x98: {  	_ =	strace s5  }
0x99: {  	_ =	strace $0x8FFFFFFF  }
0x9a: {  	s19 =	sld [smem:$0x3FDB];
	_ =	sdelay $0x1  }
0x9b: {  	s6 =	simm.s32 $_scs_section_size  }
0x9c: {  	s7 =	simm.s32 $_size__tile_overlayer_lowered;
	s8 =	simm.s32 $_tile_overlayer_lowered  }
0x9d: {  	s22 =	simm.s32 $0x1BFF;
	s21 =	sshll.u32 s8, $0x1;
	s5 =	sadd.s32 s6, s19  }
0x9e: {  	s9 =	simm.s32 $0x0;
	s20 =	sshll.u32 s7, $0x1;
	s7 =	sadd.s32 s21, s5  }
0x9f: {  	[timem:s9], [sflag:s22] =	dma.local [hbm:s7], s20  }
0xa0: {  	_ =	swait.ge [sflag:s22], s20  }
0xa1: {  	s6 =	ssub.s32 $0x0, s20;
	[sflag:s22] =	ssyncset.done $0x0  }
0xa2: {  	[sflag:s22] =	ssyncadd.s32 s6;
	_ =	sdelay $0x1  }
0xa3: {  	s23 =	simm.s32 $0x1B8B  }
0xa4: {  	_ =	swait.ge [sflag:s23], $0x1  }
0xa5: {  	[sflag:s23] =	ssyncset.done $0x0  }
0xa6: {  	s25 =	simm.s32 $0x1B8E;
	s24 =	sld [smem:$0x3FFE];
	[sflag:s23] =	ssyncadd.s32 $0xFFFFFFFF  }
0xa7: {  	s26 =	simm.s32 $execute0_lowered;
	[smem:$0x3FD2] =	sst s25  }
0xa8: {  	s7 =	sshll.u32 s26, $0x1;
	_ =	strace $0x80000046;
	[dreg:$0x1] =	wrdreg $0xFFFFFFFF  }
0xa9: {  	s28 =	simm.s32 $_size_execute0_lowered;
	s5 =	sadd.s32 s5, s7;
	[dreg:$0x0] =	wrdreg $0x0  }
0xaa: {  	s7 =	sshll.u32 s28, $0x1;
	[dreg:$0x2] =	wrdreg s5  }
0xab: {  	[dreg:$0x3] =	wrdreg s7  }
0xac: {  	[dreg:$0x4] =	wrdreg $0xC0  }
0xad: {  	_ =	task [dreg:s9], $0x5FFFF  }
0xae: {  	[dreg:$0x1] =	wrdreg $0xFFFFFFFF  }
0xaf: {  	[dreg:$0x0] =	wrdreg $0x60  }
0xb0: {  	[dreg:$0x2] =	wrdreg s4  }
0xb1: {  	[dreg:$0x3] =	wrdreg s2  }
0xb2: {  	[dreg:$0x4] =	wrdreg s18  }
0xb3: {  	[dreg:$0x5] =	wrdreg s24  }
0xb4: {  	[dreg:$0x6] =	wrdreg $0x19000  }
0xb5: {  	[dreg:$0x7] =	wrdreg $0x9  }
0xb6: {  	_ =	task.clear_ibuf [dreg:s9], $0x8FFFF;
	_ =	strace $0x90000046  }
0xb7: {  	s29 =	simm.s32 $0x9;
	_ =	strace $0x8000004A  }
0xb8: {  	_ =	swait.ge [sflag:s29], $0x1  }
0xb9: {  	[sflag:s29] =	ssyncadd.s32 $0xFFFFFFFF  }
0xba: {  	_ =	strace $0x9000004A  }
0xbb: {  	_ =	sfence  }
0xbc: {  	s30 =	sld [smem:$0x0];
	_ =	sdelay $0x2  }
0xbd: {  	s31 =	sshll.u32 s1, $0xD;
	s1 =	sshrl.u32 s1, $0x2  }
0xbe: {  	s3 =	sand.u32 $0x4000, s31;
	s1 =	sadd.s32 s1, s30  }
0xbf: {  	s0 =	sor.u32 s3, s0;
	s1 =	sshll.u32 s1, $0x11  }
0xc0: {  	s0 =	sor.u32 s1, s0  }
0xc1: {  	s0 =	sadd.s32 $0x8F2B, s0  }
0xc2: {  	[sflag:s0] =	ssyncadd.remote.s32 $0x1  }
0xc3: {  	_ =	sfence.sel $0xFFFF  }
0xc4: {  	[dreg:$0x0] =	wrdreg $0xFFFFFFFF;
	(pc) =	sbr.abs _section_cstart, $3  }
0xc5: {  	[dreg:$0x1] =	wrdreg $0xFFFFFFFF  }
0xc6: {  	_ =	task.clear_ibuf [dreg:s9], $0x2FFFF;
	_ =	strace $0x9FFFFFFF  }
0xc7: {  	(tm) =	ssettm $0x7FFFFFFF  }
tec
execute0_lowered:
.L_overlay_start_1:
0x0: {  	(tag) =	ssettag $0x1  }
0x1: {  	s0 =	rddreg [dreg:$0x0]  }
0x2: {  	s1 =	rddreg [dreg:$0x3]  }
0x3: {  	s7 =	rddreg [dreg:$0x4]  }
0x4: {  	s2 =	srdreg.scid;
	s3 =	stileid.u32  }
0x5: {  	s5 =	simm.s32 $0x0;
	s2 =	sand.u32 $0x1, s2;
	s4 =	sshll.u32 s3, $0x1  }
0x6: {  	[smem:$0x7FF] =	sst s5;
	s1 =	sadd.s32 $0x400, s1;
	s25 =	ssub.s32 $0x2, s2  }
0x7: {  	s2 =	sor.u32 s2, s4;
	_ =	strace $0x80000047;
	[dreg:$0x18] =	wrdreg s1  }
0x8: {  	s26 =	sshrl.u32 s25, $0x1;
	s6 =	sshll.u32 s2, $0x4;
	s29 =	sshll.u32 s2, $0xA  }
0x9: {  	v0 =	vlaneseq.u32;
	s28 =	ssub.s32 s25, s26;
	s0 =	sadd.s32 s0, s6;
	[dreg:$0x1a] =	wrdreg s29  }
0xa: {  	p0 =	sne.s32 s3, $0x0;
	v0 =	vmul.u32 $0x21, v0;
	[dreg:$0x19] =	wrdreg s0;
	s31 =	smax.u32 s28, $0x1  }
0xb: {  	s14 =	simm.s32 $0x2900;
	s0 =	sshrl.u32 @!p0 s7, $0x3;
	[dreg:$0x1b] =	wrdreg s31  }
0xc: {  	s30 =	simm.s32 $0x1A900;
	v1 =	vadd.s32 $0x210, v0;
	v2 =	vadd.s32 $0x420, v0;
	v3 =	vadd.s32 $0x630, v0;
	s2 =	simm.s32 $0x0;
	[dreg:$0x1c] =	wrdreg s0  }
.LBB2_1:
0xd: {  	[dreg:$0x1d] =	wrdreg s2  }
0xe: {  	s1 =	simm.s32 $0x0;
	s0 =	rddreg [dreg:$0x19]  }
0xf: {  	s25 =	simm.s32 $0x80;
	s3 =	simm.s32 $0x1000;
	s26 =	simm.s32 $0x6  }
0x10: {  	[tilespmem:s1], [sflag:$0x6] =	stream.strided.gather [hbm4b:s0+s25], $0x1900, s3, s25, $0x38;
	[tilespmem:$0x1F140] =	vst v63  }
0x11: {  	_ =	swait.ge [sflag:s26], $0x1900  }
0x12: {  	[sflag:s26] =	ssyncset.done $0x0  }
0x13: {  	[sflag:s26] =	ssyncadd.s32 $0xFFFFE700  }
0x14: {  	s28 =	simm.s32 $0x12900;
	s0 =	rddreg [dreg:$0x2]  }
0x15: {  	[tilespmem:s28], [sflag:$0x2] =	stream.indirect.gather [hbm4b:s0+s25], $0x80, s1, s25, $0xb8;
	[tilespmem:$0x1F140] =	vst v63  }
0x16: {  	_ =	strace $0x80000048  }
0x17: {  	s1 =	rddreg [dreg:$0x1]  }
0x18: {  	s0 =	simm.s32 @!p0 $0x1C06;
	s2 =	rddreg [dreg:$0x1c]  }
0x19: {  	[spmem:s2], [sflag:s0] =	dma.local @!p0 [hbm:s1], $0x2000  }
0x1a: {  	s0 =	simm.s32 @!p0 $0x6  }
0x1b: {  	_ =	swait.ge @!p0 [sflag:s0], $0x2000  }
0x1c: {  	[sflag:s0] =	ssyncset.done @!p0 $0x0  }
0x1d: {  	[sflag:s0] =	ssyncadd.s32 @!p0 $0xFFFFE000  }
0x1e: {  	[bflag:$0x0] =	sbarrier.arrive $0xFFFF  }
0x1f: {  	s31 =	simm.s32 $0x1;
	s29 =	rddreg [dreg:$0x4]  }
0x20: {  	[tilespmem:s14], [sflag:$0x1] =	stream.linear.gather [spmem:s29], $0x10000, $0x200038;
	[tilespmem:$0x1F140] =	vst v63  }
0x21: {  	_ =	swait.ge [sflag:s31], $0x10000  }
0x22: {  	[sflag:s31] =	ssyncset.done $0x0  }
0x23: {  	[sflag:s31] =	ssyncadd.s32 $0xFFFF0000  }
0x24: {  	_ =	strace $0x90000048  }
0x25: {  	s4 =	simm.s32 $0x0;
	_ =	strace $0x80000049  }
.LBB2_2:
0x26: {  	s0 =	sshllo.u32 s4, $0x1;
	s1 =	rddreg [dreg:$0x2]  }
0x27: {  	s2 =	simm.s32 $0x80;
	[dreg:$0x1f] =	wrdreg s0;
	s0 =	sshll.u32 s0, $0x7  }
0x28: {  	s3 =	simm.s32 $0x16900;
	s29 =	simm.s32 $0x2;
	s0 =	sand.u32 $0x3FFFFF80, s0  }
0x29: {  	[tilespmem:s3], [sflag:$0x3] =	stream.indirect.gather [hbm4b:s1+s2], $0x80, s0, s2, $0x2000b8;
	[tilespmem:$0x1F140] =	vst v63  }
0x2a: {  	_ =	swait.ge [sflag:s29], $0x4000  }
0x2b: {  	p1 =	seq.s32 s4, $0x0;
	[sflag:s29] =	ssyncset.done $0x0  }
0x2c: {  	s0 =	simm.s32 @!p1 $0x4;
	[dreg:$0x1e] =	wrdreg s4;
	[sflag:s29] =	ssyncadd.s32 $0xFFFFC000  }
0x2d: {  	_ =	swait.ge @!p1 [sflag:s0], $0x2000  }
0x2e: {  	[sflag:s0] =	ssyncset.done @!p1 $0x0  }
0x2f: {  	s31 =	simm.s32 $0x12B00;
	[sflag:s0] =	ssyncadd.s32 @!p1 $0xFFFFE000  }
0x30: {  	v4 =	vld [tilespmem:s31+$0x1A0]  }
0x31: {  	v5 =	vld [tilespmem:s31+$0x1B0]  }
0x32: {  	v6 =	vld [tilespmem:s31+$0x1F0]  }
0x33: {  	v7 =	vld [tilespmem:s31+$0x1E0]  }
0x34: {  	v8 =	vld [tilespmem:s31+$0xFFFFFE10]  }
0x35: {  	v9 =	vld [tilespmem:s31+$0xFFFFFE50]  }
0x36: {  	v10 =	vld [tilespmem:s31+$0xFFFFFE20]  }
0x37: {  	v11 =	vld [tilespmem:s31+$0x1C0]  }
0x38: {  	v12 =	vld [tilespmem:s31+$0x180]  }
0x39: {  	v13 =	vld [tilespmem:s31+$0x190]  }
0x3a: {  	v14 =	vld [tilespmem:s31+$0x1D0]  }
0x3b: {  	v15 =	vld [tilespmem:s31+$0xFFFFFE30]  }
0x3c: {  	v16 =	vld [tilespmem:s31+$0xFFFFFE70]  }
0x3d: {  	v17 =	vld [tilespmem:s31+$0xFFFFFE80]  }
0x3e: {  	v18 =	vld [tilespmem:s31+$0xFFFFFE90]  }
0x3f: {  	v19 =	vld [tilespmem:s31+$0xFFFFFED0]  }
0x40: {  	v20 =	vld [tilespmem:s31+$0xFFFFFEA0]  }
0x41: {  	v21 =	vld [tilespmem:s31+$0xFFFFFEB0]  }
0x42: {  	v22 =	vld [tilespmem:s31+$0xFFFFFEF0]  }
0x43: {  	v23 =	vld [tilespmem:s31+$0xFFFFFF00]  }
0x44: {  	v24 =	vld [tilespmem:s31+$0xFFFFFF10]  }
0x45: {  	v25 =	vld [tilespmem:s31+$0xFFFFFF50]  }
0x46: {  	v26 =	vld [tilespmem:s31+$0xFFFFFF20]  }
0x47: {  	v27 =	vld [tilespmem:s31+$0xFFFFFF30]  }
0x48: {  	v28 =	vld [tilespmem:s31+$0xFFFFFF70]  }
0x49: {  	v29 =	vld [tilespmem:s31+$0xFFFFFF80]  }
0x4a: {  	v30 =	vld [tilespmem:s31+$0xFFFFFF90]  }
0x4b: {  	v31 =	vld [tilespmem:s31+$0xFFFFFFD0]  }
0x4c: {  	v32 =	vld [tilespmem:s31+$0xFFFFFFA0]  }
0x4d: {  	v33 =	vld [tilespmem:s31+$0xFFFFFFB0]  }
0x4e: {  	v34 =	vld [tilespmem:s31+$0xFFFFFFF0]  }
0x4f: {  	v35 =	vld [tilespmem:s31+$0x0]  }
0x50: {  	v36 =	vld [tilespmem:s31+$0x10]  }
0x51: {  	v37 =	vld [tilespmem:s31+$0x50]  }
0x52: {  	v38 =	vld [tilespmem:s31+$0x20]  }
0x53: {  	v39 =	vld [tilespmem:s31+$0x30];
	v4 =	vshll.u32 v4, $0x8  }
0x54: {  	v40 =	vld [tilespmem:s31+$0x80];
	v5 =	vshll.u32 v5, $0x18;
	v6 =	vshll.u32 v6, $0x10;
	v17 =	vshll.u32 v17, $0x8  }
0x55: {  	v59 =	vld [tilespmem:s31+$0xFFFFFE60];
	v53 =	vshll.u32 v26, $0x8;
	v29 =	vshll.u32 v29, $0x8;
	v32 =	vshll.u32 v32, $0x8  }
0x56: {  	v54 =	vld [tilespmem:s31+$0x150];
	v35 =	vshll.u32 v35, $0x8;
	v4 =	vadd.s32 v7, v4;
	v5 =	vadd.s32 v5, v6  }
0x57: {  	v56 =	vld [tilespmem:s31+$0x120];
	v7 =	vshll.u32 v8, $0x18;
	v8 =	vor.u32 v4, v5;
	v4 =	vshll.u32 v9, $0x10  }
0x58: {  	v58 =	vld [tilespmem:s31+$0xFFFFFE40];
	v9 =	vshll.u32 v10, $0x8;
	v5 =	vshll.u32 v12, $0x8;
	v12 =	vshll.u32 v14, $0x10  }
0x59: {  	s0 =	simm.s32 $0x1A984;
	v61 =	vld [tilespmem:s31+$0xFFFFFEC0];
	v14 =	vshll.u32 v15, $0x18;
	v5 =	vadd.s32 v11, v5;
	v11 =	vshll.u32 v13, $0x18  }
0x5a: {  	v6 =	vld [tilespmem:s31+$0x70];
	[tilespmem:s0+$0x73] =	vst v8;
	v8 =	vadd.s32 v59, v9;
	v11 =	vadd.s32 v11, v12;
	v12 =	vshll.u32 v16, $0x10  }
0x5b: {  	v42 =	vld [tilespmem:s31+$0xFFFFFEE0];
	v16 =	vadd.s32 v7, v4;
	v4 =	vshll.u32 v18, $0x18;
	v18 =	vshll.u32 v20, $0x8  }
0x5c: {  	v43 =	vld [tilespmem:s31+$0xFFFFFF40];
	v41 =	vor.u32 v5, v11;
	v14 =	vadd.s32 v14, v12;
	v5 =	vshll.u32 v19, $0x10  }
0x5d: {  	v62 =	vld [tilespmem:s31+$0xFFFFFFE0];
	v12 =	vshll.u32 v21, $0x18;
	v19 =	vshll.u32 v22, $0x10;
	v22 =	vshll.u32 v23, $0x8  }
0x5e: {  	v10 =	vld [tilespmem:s31+$0x90];
	v21 =	vadd.s32 v4, v5;
	v19 =	vadd.s32 v12, v19;
	v4 =	vshll.u32 v24, $0x18  }
0x5f: {  	v13 =	vld [tilespmem:s31+$0xD0];
	v5 =	vshll.u32 v25, $0x10;
	v6 =	vshll.u32 v6, $0x10;
	v8 =	vor.u32 v8, v14  }
0x60: {  	v7 =	vld [tilespmem:s31+$0xB0];
	v14 =	vadd.s32 v61, v17;
	v55 =	vadd.s32 v4, v5;
	v4 =	vshll.u32 v27, $0x18  }
0x61: {  	v12 =	vld [tilespmem:s31+$0xFFFFFE00];
	v5 =	vshll.u32 v28, $0x10;
	[tilespmem:s0+$0xFFFFFF8C] =	vst v8;
	v8 =	vadd.s32 v42, v18;
	v14 =	vor.u32 v14, v21  }
0x62: {  	v11 =	vld [tilespmem:s31+$0xF0];
	v28 =	vadd.s32 v4, v5;
	v4 =	vshll.u32 v30, $0x18;
	v5 =	vshll.u32 v31, $0x10  }
0x63: {  	v20 =	vld [tilespmem:s31+$0x100];
	v31 =	vadd.s32 v4, v5;
	v4 =	vshll.u32 v33, $0x18;
	v5 =	vshll.u32 v34, $0x10  }
0x64: {  	v15 =	vld [tilespmem:s31+$0xA0];
	v33 =	vadd.s32 v4, v5;
	v4 =	vshll.u32 v36, $0x18;
	v5 =	vshll.u32 v37, $0x10  }
0x65: {  	v9 =	vld [tilespmem:s31+$0xFFFFFF60];
	v18 =	vadd.s32 v43, v22;
	v4 =	vadd.s32 v4, v5;
	v5 =	vshll.u32 v39, $0x18  }
0x66: {  	v23 =	vld [tilespmem:s31+$0x110];
	v5 =	vadd.s32 v5, v6;
	v6 =	vshll.u32 v10, $0x18;
	v10 =	vshll.u32 v13, $0x10  }
0x67: {  	v57 =	vld [tilespmem:s31+$0x130];
	v7 =	vshll.u32 v7, $0x18;
	v6 =	vadd.s32 v6, v10;
	v10 =	vshll.u32 v11, $0x10  }
0x68: {  	v13 =	vshll.u32 v20, $0x8;
	v20 =	vld [tilespmem:s31+$0xFFFFFFC0];
	v7 =	vadd.s32 v7, v10;
	v10 =	vshll.u32 v12, $0x8  }
0x69: {  	v60 =	vld [tilespmem:s31+$0x170];
	v21 =	vadd.s32 v62, v32;
	[tilespmem:s0+$0xFFFFFF9D] =	vst v14;
	v14 =	vor.u32 v8, v19;
	v34 =	vadd.s32 v58, v10  }
0x6a: {  	v63 =	vld [tilespmem:s31+$0x40];
	[tilespmem:s0+$0xFFFFFFAD] =	vst v14;
	v14 =	vadd.s32 v9, v53;
	v12 =	vshll.u32 v15, $0x8;
	v15 =	vor.u32 v34, v16  }
0x6b: {  	v8 =	vld [tilespmem:s31+$0x60];
	v23 =	vshll.u32 v23, $0x18;
	v14 =	vor.u32 v14, v28;
	[tilespmem:s0+$0xFFFFFF7C] =	vst v15;
	v15 =	vshll.u32 v54, $0x10  }
0x6c: {  	[tilespmem:s0+$0x63] =	vst v41;
	v9 =	vld [tilespmem:s31+$0xC0];
	v21 =	vor.u32 v21, v33;
	v17 =	vadd.s32 v23, v15;
	v15 =	vor.u32 v18, v55  }
0x6d: {  	v11 =	vshll.u32 v40, $0x8;
	v10 =	vshll.u32 v38, $0x8;
	v19 =	vadd.s32 v20, v29;
	[tilespmem:s0+$0xFFFFFFBE] =	vst v15;
	v15 =	vld [tilespmem:s31+$0xE0]  }
0x6e: {  	[tilespmem:s0+$0xFFFFFFCE] =	vst v14;
	v14 =	vld [tilespmem:s31+$0x140];
	v20 =	vshll.u32 v60, $0x10;
	v18 =	vshll.u32 v57, $0x18;
	v19 =	vor.u32 v19, v31  }
0x6f: {  	s1 =	simm.s32 $0x0;
	s2 =	simm.s32 $0x12F00;
	v16 =	vshll.u32 v56, $0x8;
	v18 =	vadd.s32 v18, v20;
	[tilespmem:s0+$0xFFFFFFDF] =	vst v19;
	v20 =	vadd.s32 v63, v35;
	v19 =	vld [tilespmem:s31+$0x160]  }
.LBB2_3:
0x70: {  	v22 =	vld [tilespmem:s2+$0x1A0];
	[tilespmem:s0+$0xFFFFFFEF] =	vst v21;
	v8 =	vadd.s32 v8, v10;
	v4 =	vor.u32 v20, v4  }
0x71: {  	v10 =	vld [tilespmem:s2+$0x1B0];
	[tilespmem:s0+$0x0] =	vst v4;
	v4 =	vor.u32 v8, v5;
	v5 =	vadd.s32 v9, v11  }
0x72: {  	s1 =	sadd.s32 $0x8, s1;
	v8 =	vld [tilespmem:s2+$0x1F0];
	[tilespmem:s0+$0x10] =	vst v4;
	v4 =	vadd.s32 v15, v12;
	v5 =	vor.u32 v5, v6  }
0x73: {  	p2 =	slt.u32 s1, $0x38;
	v6 =	vld [tilespmem:s2+$0x1E0];
	[tilespmem:s0+$0x21] =	vst v5;
	v4 =	vor.u32 v4, v7;
	v5 =	vadd.s32 v14, v13  }
0x74: {  	v7 =	vld [tilespmem:s2+$0xFFFFFE10];
	[tilespmem:s0+$0x31] =	vst v4;
	v4 =	vadd.s32 v19, v16;
	v5 =	vor.u32 v5, v17  }
0x75: {  	v9 =	vld [tilespmem:s2+$0xFFFFFE50];
	[tilespmem:s0+$0x42] =	vst v5;
	v4 =	vor.u32 v4, v18  }
0x76: {  	v5 =	vld [tilespmem:s2+$0xFFFFFE20];
	[tilespmem:s0+$0x52] =	vst v4  }
0x77: {  	v11 =	vshll.u32 v22, $0x8;
	v10 =	vshll.u32 v10, $0x18;
	v4 =	vld [tilespmem:s2+$0x1C0];
	v8 =	vshll.u32 v8, $0x10  }
0x78: {  	v12 =	vld [tilespmem:s2+$0x180];
	v6 =	vadd.s32 v6, v11;
	v8 =	vadd.s32 v10, v8  }
0x79: {  	s0 =	sadd.s32 $0x108, s0;
	v7 =	vshll.u32 v7, $0x18;
	v10 =	vld [tilespmem:s2+$0x190];
	v6 =	vor.u32 v6, v8  }
0x7a: {  	s15 =	simm.s32 $0x0;
	v9 =	vshll.u32 v9, $0x10;
	v11 =	vld [tilespmem:s2+$0x1D0];
	[tilespmem:s0+$0x73] =	vst v6  }
0x7b: {  	v8 =	vshll.u32 v5, $0x8;
	v5 =	vld [tilespmem:s2+$0xFFFFFE30];
	v9 =	vadd.s32 v7, v9  }
0x7c: {  	v6 =	vld [tilespmem:s2+$0xFFFFFE70]  }
0x7d: {  	v7 =	vld [tilespmem:s2+$0xFFFFFE80];
	v12 =	vshll.u32 v12, $0x8  }
0x7e: {  	v13 =	vld [tilespmem:s2+$0xFFFFFE90];
	v4 =	vadd.s32 v4, v12;
	v10 =	vshll.u32 v10, $0x18  }
0x7f: {  	v12 =	vld [tilespmem:s2+$0xFFFFFED0];
	v11 =	vshll.u32 v11, $0x10  }
0x80: {  	v5 =	vshll.u32 v5, $0x18;
	v16 =	vld [tilespmem:s2+$0xFFFFFEA0];
	v10 =	vadd.s32 v10, v11  }
0x81: {  	v6 =	vshll.u32 v6, $0x10;
	v11 =	vld [tilespmem:s2+$0xFFFFFEB0];
	v4 =	vor.u32 v4, v10  }
0x82: {  	v14 =	vadd.s32 v5, v6;
	v15 =	vshll.u32 v7, $0x8;
	v5 =	vld [tilespmem:s2+$0xFFFFFEF0];
	[tilespmem:s0+$0x63] =	vst v4  }
0x83: {  	v4 =	vshll.u32 v13, $0x18;
	v6 =	vld [tilespmem:s2+$0xFFFFFF00]  }
0x84: {  	v7 =	vshll.u32 v12, $0x10;
	v10 =	vld [tilespmem:s2+$0xFFFFFF10]  }
0x85: {  	v19 =	vshll.u32 v16, $0x8;
	v20 =	vadd.s32 v4, v7;
	v4 =	vld [tilespmem:s2+$0xFFFFFF50]  }
0x86: {  	v7 =	vshll.u32 v11, $0x18;
	v11 =	vld [tilespmem:s2+$0xFFFFFF20]  }
0x87: {  	v5 =	vshll.u32 v5, $0x10;
	v12 =	vld [tilespmem:s2+$0xFFFFFF30]  }
0x88: {  	v21 =	vadd.s32 v7, v5;
	v22 =	vshll.u32 v6, $0x8;
	v5 =	vld [tilespmem:s2+$0xFFFFFF70]  }
0x89: {  	v6 =	vshll.u32 v10, $0x18;
	v7 =	vld [tilespmem:s2+$0xFFFFFF80]  }
0x8a: {  	v4 =	vshll.u32 v4, $0x10;
	v10 =	vld [tilespmem:s2+$0xFFFFFF90]  }
0x8b: {  	v23 =	vshll.u32 v11, $0x8;
	v24 =	vadd.s32 v6, v4;
	v4 =	vld [tilespmem:s2+$0xFFFFFFD0]  }
0x8c: {  	v6 =	vshll.u32 v12, $0x18;
	v11 =	vld [tilespmem:s2+$0xFFFFFFA0]  }
0x8d: {  	v5 =	vshll.u32 v5, $0x10;
	v12 =	vld [tilespmem:s2+$0xFFFFFFB0]  }
0x8e: {  	v25 =	vadd.s32 v6, v5;
	v26 =	vshll.u32 v7, $0x8;
	v5 =	vld [tilespmem:s2+$0xFFFFFFF0]  }
0x8f: {  	v6 =	vshll.u32 v10, $0x18;
	v7 =	vld [tilespmem:s2+$0x0]  }
0x90: {  	v4 =	vshll.u32 v4, $0x10;
	v10 =	vld [tilespmem:s2+$0x10]  }
0x91: {  	v27 =	vshll.u32 v11, $0x8;
	v28 =	vadd.s32 v6, v4;
	v4 =	vld [tilespmem:s2+$0x50]  }
0x92: {  	v6 =	vshll.u32 v12, $0x18;
	v11 =	vld [tilespmem:s2+$0x20]  }
0x93: {  	v5 =	vshll.u32 v5, $0x10;
	v12 =	vld [tilespmem:s2+$0x30]  }
0x94: {  	v29 =	vadd.s32 v6, v5;
	v30 =	vshll.u32 v7, $0x8;
	v5 =	vld [tilespmem:s2+$0x70]  }
0x95: {  	v6 =	vshll.u32 v10, $0x18;
	v7 =	vld [tilespmem:s2+$0x80]  }
0x96: {  	v4 =	vshll.u32 v4, $0x10;
	v13 =	vld [tilespmem:s2+$0x90]  }
0x97: {  	v10 =	vshll.u32 v11, $0x8;
	v4 =	vadd.s32 v6, v4;
	v6 =	vld [tilespmem:s2+$0xD0]  }
0x98: {  	v11 =	vshll.u32 v12, $0x18;
	v12 =	vld [tilespmem:s2+$0xA0]  }
0x99: {  	v5 =	vshll.u32 v5, $0x10;
	v16 =	vld [tilespmem:s2+$0xB0]  }
0x9a: {  	v5 =	vadd.s32 v11, v5;
	v11 =	vshll.u32 v7, $0x8;
	v7 =	vld [tilespmem:s2+$0xF0]  }
0x9b: {  	v13 =	vshll.u32 v13, $0x18;
	v17 =	vld [tilespmem:s2+$0x100]  }
0x9c: {  	v6 =	vshll.u32 v6, $0x10;
	v18 =	vld [tilespmem:s2+$0x110]  }
0x9d: {  	v12 =	vshll.u32 v12, $0x8;
	v6 =	vadd.s32 v13, v6;
	v31 =	vld [tilespmem:s2+$0x150]  }
0x9e: {  	v13 =	vshll.u32 v16, $0x18;
	v16 =	vld [tilespmem:s2+$0x120]  }
0x9f: {  	v7 =	vshll.u32 v7, $0x10;
	v32 =	vld [tilespmem:s2+$0x130]  }
0xa0: {  	v7 =	vadd.s32 v13, v7;
	v13 =	vshll.u32 v17, $0x8;
	v33 =	vld [tilespmem:s2+$0x170]  }
0xa1: {  	v34 =	vld [tilespmem:s2+$0xFFFFFE00];
	v17 =	vshll.u32 v18, $0x18  }
0xa2: {  	v35 =	vld [tilespmem:s2+$0xFFFFFE40];
	v18 =	vshll.u32 v31, $0x10  }
0xa3: {  	v31 =	vld [tilespmem:s2+$0xFFFFFE60];
	v16 =	vshll.u32 v16, $0x8;
	v17 =	vadd.s32 v17, v18  }
0xa4: {  	v36 =	vld [tilespmem:s2+$0xFFFFFEC0];
	v18 =	vshll.u32 v32, $0x18  }
0xa5: {  	v32 =	vld [tilespmem:s2+$0xFFFFFEE0];
	v33 =	vshll.u32 v33, $0x10  }
0xa6: {  	v34 =	vshll.u32 v34, $0x8;
	v37 =	vld [tilespmem:s2+$0xFFFFFF40];
	v18 =	vadd.s32 v18, v33  }
0xa7: {  	v33 =	vadd.s32 v35, v34;
	v34 =	vld [tilespmem:s2+$0xFFFFFF60]  }
0xa8: {  	v8 =	vadd.s32 v31, v8;
	v9 =	vor.u32 v33, v9;
	v31 =	vld [tilespmem:s2+$0xFFFFFFC0]  }
0xa9: {  	[tilespmem:s0+$0xFFFFFF7C] =	vst v9;
	v8 =	vor.u32 v8, v14;
	v9 =	vadd.s32 v36, v15;
	v14 =	vld [tilespmem:s2+$0xFFFFFFE0]  }
0xaa: {  	[tilespmem:s0+$0xFFFFFF8C] =	vst v8;
	v8 =	vadd.s32 v32, v19;
	v9 =	vor.u32 v9, v20;
	v19 =	vld [tilespmem:s2+$0x40]  }
.Ltmp0:
0xab: {  	[tilespmem:s0+$0xFFFFFF9D] =	vst v9;
	v9 =	vor.u32 v8, v21;
	v15 =	vadd.s32 v37, v22;
	v8 =	vld [tilespmem:s2+$0x60];
	(pc) =	sbr.rel @p2 .LBB2_3-.Ltmp0, $4  }
0xac: {  	[tilespmem:s0+$0xFFFFFFAD] =	vst v9;
	v20 =	vadd.s32 v34, v23;
	v15 =	vor.u32 v15, v24;
	v9 =	vld [tilespmem:s2+$0xC0]  }
0xad: {  	[tilespmem:s0+$0xFFFFFFBE] =	vst v15;
	v20 =	vor.u32 v20, v25;
	v21 =	vadd.s32 v31, v26;
	v15 =	vld [tilespmem:s2+$0xE0]  }
0xae: {  	[tilespmem:s0+$0xFFFFFFCE] =	vst v20;
	v20 =	vadd.s32 v14, v27;
	v21 =	vor.u32 v21, v28;
	v14 =	vld [tilespmem:s2+$0x140]  }
0xaf: {  	[tilespmem:s0+$0xFFFFFFDF] =	vst v21;
	v21 =	vor.u32 v20, v29;
	v20 =	vadd.s32 v19, v30;
	v19 =	vld [tilespmem:s2+$0x160];
	s2 =	sadd.s32 $0x400, s2  }
0xb0: {  	[tilespmem:s0+$0xFFFFFFEF] =	vst v21;
	v8 =	vadd.s32 v8, v10;
	v4 =	vor.u32 v20, v4  }
0xb1: {  	s7 =	simm.s32 $0x3;
	[tilespmem:s0+$0x0] =	vst v4;
	v4 =	vor.u32 v8, v5;
	v5 =	vadd.s32 v9, v11  }
0xb2: {  	[tilespmem:s0+$0x10] =	vst v4;
	v4 =	vadd.s32 v15, v12;
	v5 =	vor.u32 v5, v6;
	v6 =	vadd.s32 s7, v0  }
0xb3: {  	[tilespmem:s0+$0x21] =	vst v5;
	v4 =	vor.u32 v4, v7;
	v5 =	vadd.s32 v14, v13  }
0xb4: {  	s1 =	simm.s32 $0x1;
	[tilespmem:s0+$0x31] =	vst v4;
	v4 =	vadd.s32 v19, v16;
	v5 =	vor.u32 v5, v17  }
0xb5: {  	[tilespmem:s0+$0x42] =	vst v5;
	v4 =	vor.u32 v4, v18;
	v5 =	vadd.s32 s1, v0  }
0xb6: {  	s19 =	simm.s32 $0x2;
	[tilespmem:s0+$0x52] =	vst v4  }
0xb7: {  	v4 =	vadd.s32 s19, v0;
	v6 =	vld.idx.msk [tilespmem:v6+s30+$0x0], $0xffff;
	_ =	sdelay $0x2  }
0xb8: {  	v7 =	vadd.s32 s15, v0;
	v5 =	vld.idx.msk [tilespmem:v5+s30+$0x0], $0xffff;
	_ =	sdelay $0x1  }
0xb9: {  	v4 =	vld.idx.msk [tilespmem:v4+s30+$0x0], $0xffff;
	v8 =	vand.u32 $0xFFFF, v6;
	_ =	sdelay $0x2  }
0xba: {  	v7 =	vld.idx.msk [tilespmem:v7+s30+$0x0], $0xffff;
	v9 =	vand.u32 $0xFFFF, v5  }
0xbb: {  	s5 =	simm.s32 $0x1;
	s20 =	sand.u32 $0x7FFFF0, s15;
	s21 =	simm.s32 $0x0  }
0xbc: {  	s3 =	simm.s32 $0x0;
	s22 =	simm.s32 $0x180;
	s1 =	sand.u32 $0xFFFFF800, s21;
	v10 =	vand.u32 $0xFFFF, v4;
	v8 =	vld.idx.msk [tilespmem:v8+s14+$0x0], $0xffff  }
0xbd: {  	s25 =	simm.s32 $0x80;
	s8 =	simm.s32 $0x100;
	s1 =	sadd.s32 $0x0, s1;
	v6 =	vshrl.u32 v6, $0x10  }
0xbe: {  	s10 =	simm.s32 $0x1;
	s3 =	sand.u32 $0x1, s3;
	s23 =	sadd.s32 $0x180, s1  }
0xbf: {  	s6 =	sand.u32 $0x380, s22;
	s0 =	sadd.s32 $0x0, s20;
	s24 =	sand.u32 $0x1C00, s23;
	v11 =	vand.u32 $0xFFFF, v7;
	v9 =	vld.idx.msk [tilespmem:v9+s14+$0x0], $0xffff  }
0xc0: {  	s8 =	sand.u32 $0x300, s8;
	s4 =	sshrl.u32 s0, $0x3;
	s0 =	sor.u32 s6, s24;
	v5 =	vshrl.u32 v5, $0x10  }
0xc1: {  	p2 =	seq.s32 s3, $0x1;
	p3 =	seq.s32 s1, $0x0;
	s9 =	sadd.s32 $0x80, s1;
	v10 =	vld.idx.msk [tilespmem:v10+s14+$0x0], $0xffff;
	[tilespmem:s0+$0x1B140] =	vst v8  }
0xc2: {  	s3 =	sand.u32 $0x280, s25;
	p2 =	por !p2, !p3;
	s9 =	sand.u32 $0x1C00, s9;
	v4 =	vshrl.u32 v4, $0x10;
	v6 =	vld.idx.msk [tilespmem:v6+s14+$0x0], $0xffff  }
0xc3: {  	s11 =	sadd.s32 $0x100, s1;
	p2 =	por !p2, !p2;
	s9 =	sor.u32 s3, s9;
	v8 =	vadd.s32 s7, v1  }
0xc4: {  	s12 =	sadd.s32 $0x980, s1;
	s11 =	sand.u32 $0x1C00, s11;
	s10 =	simm.s32 @!p2 $0x0;
	v11 =	vld.idx.msk [tilespmem:v11+s14+$0x0], $0xffff;
	[tilespmem:s9+$0x1B140] =	vst v9  }
0xc5: {  	s26 =	sand.u32 $0x3C00, s12;
	s13 =	sor.u32 s8, s11;
	s4 =	ssub.s32 s4, s10;
	v7 =	vshrl.u32 v7, $0x10;
	v5 =	vld.idx.msk [tilespmem:v5+s14+$0x0], $0xffff  }
0xc6: {  	s2 =	simm.s32 $0x2;
	s16 =	sor.u32 s6, s26;
	s4 =	sshll.u32 s4, $0xC;
	v9 =	vadd.s32 s5, v1;
	[tilespmem:s13+$0x1B140] =	vst v10  }
0xc7: {  	s18 =	sand.u32 $0x200, s15;
	s21 =	sadd.s32 $0x880, s1;
	s4 =	sshra.s32 s4, $0x2;
	v4 =	vld.idx.msk [tilespmem:v4+s14+$0x0], $0xffff;
	[tilespmem:s16+$0x1B140] =	vst v6  }
0xc8: {  	s22 =	sand.u32 $0x3C00, s21;
	s17 =	sor.u32 s18, s4;
	v6 =	vadd.s32 s2, v1;
	v8 =	vld.idx.msk [tilespmem:v8+s30+$0x0], $0xffff  }
0xc9: {  	s24 =	sadd.s32 $0x900, s1;
	s19 =	sor.u32 s3, s22;
	s4 =	simm.s32 $0x4;
	[tilespmem:s17+$0x1B140] =	vst v11  }
0xca: {  	s25 =	sand.u32 $0x3C00, s24;
	v11 =	vadd.s32 s4, v0;
	v7 =	vld.idx.msk [tilespmem:v7+s14+$0x0], $0xffff;
	[tilespmem:s19+$0x1B140] =	vst v5  }
0xcb: {  	s20 =	sor.u32 s8, s25;
	v5 =	vadd.s32 s15, v1;
	v9 =	vld.idx.msk [tilespmem:v9+s30+$0x0], $0xffff  }
0xcc: {  	s1 =	sadd.s32 $0x800, s1;
	[tilespmem:s20+$0x1B140] =	vst v4  }
0xcd: {  	s1 =	sand.u32 $0x3C00, s1;
	v4 =	vld.idx.msk [tilespmem:v6+s30+$0x0], $0xffff;
	v6 =	vand.u32 $0xFFFF, v8  }
0xce: {  	s22 =	sor.u32 s18, s1  }
0xcf: {  	v11 =	vld.idx.msk [tilespmem:v11+s30+$0x0], $0xffff;
	[tilespmem:s22+$0x1B140] =	vst v7  }
0xd0: {  	v5 =	vld.idx.msk [tilespmem:v5+s30+$0x0], $0xffff;
	v7 =	vand.u32 $0xFFFF, v9;
	_ =	sdelay $0x1  }
0xd1: {  	v10 =	vand.u32 $0xFFFF, v4;
	v6 =	vld.idx.msk [tilespmem:v6+s14+$0x0], $0xffff  }
0xd2: {  	v8 =	vshrl.u32 v8, $0x10  }
0xd3: {  	v17 =	vand.u32 $0xFFFF, v11  }
0xd4: {  	v12 =	vand.u32 $0xFFFF, v5;
	v7 =	vld.idx.msk [tilespmem:v7+s14+$0x0], $0xffff  }
0xd5: {  	s12 =	simm.s32 $0x7;
	s11 =	sadd.s32 $0x1B140, s0;
	v9 =	vshrl.u32 v9, $0x10  }
0xd6: {  	v10 =	vld.idx.msk [tilespmem:v10+s14+$0x0], $0xffff;
	[tilespmem:s11+$0x10] =	vst v6;
	v6 =	vadd.s32 s12, v0  }
0xd7: {  	s29 =	simm.s32 $0x1;
	v4 =	vshrl.u32 v4, $0x10;
	v8 =	vld.idx.msk [tilespmem:v8+s14+$0x0], $0xffff  }
0xd8: {  	v13 =	vadd.s32 s7, v2;
	s23 =	simm.s32 $0x2;
	s8 =	sadd.s32 $0x1B140, s9;
	s18 =	simm.s32 $0x5;
	v17 =	vld.idx.msk [tilespmem:v17+s14+$0x0], $0xffff  }
0xd9: {  	s3 =	simm.s32 $0x8;
	s31 =	sadd.s32 $0x1B140, s13;
	s21 =	sadd.s32 $0x1B140, s19;
	v14 =	vadd.s32 s18, v0;
	v12 =	vld.idx.msk [tilespmem:v12+s14+$0x0], $0xffff;
	[tilespmem:s8+$0x10] =	vst v7  }
0xda: {  	s10 =	simm.s32 $0x6;
	s1 =	sadd.s32 $0x1B140, s16;
	s26 =	sand.u32 $0x7FFFF0, s4;
	v5 =	vshrl.u32 v5, $0x10;
	v7 =	vld.idx.msk [tilespmem:v9+s14+$0x0], $0xffff  }
0xdb: {  	s0 =	sadd.s32 $0x1B140, s17;
	s5 =	sadd.s32 $0x1B140, s22;
	s2 =	simm.s32 $0x200;
	v9 =	vadd.s32 s10, v0;
	[tilespmem:s31+$0x10] =	vst v10;
	v6 =	vld.idx.msk [tilespmem:v6+s30+$0x0], $0xffff  }
0xdc: {  	s9 =	sadd.s32 $0x4, s26;
	s13 =	sand.u32 $0xFFFFF800, s2;
	v10 =	vadd.s32 s29, v2;
	s29 =	simm.s32 $0x1;
	v4 =	vld.idx.msk [tilespmem:v4+s14+$0x0], $0xffff;
	[tilespmem:s1+$0x10] =	vst v8  }
0xdd: {  	s22 =	sshrl.u32 s9, $0x3;
	s9 =	sadd.s32 $0x200, s13;
	s17 =	sand.u32 $0x1, s29;
	v8 =	vld.idx.msk [tilespmem:v13+s30+$0x0], $0xffff  }
0xde: {  	s28 =	sadd.s32 $0x1B140, s20;
	p6 =	seq.s32 s9, $0x0;
	p5 =	seq.s32 s17, $0x1;
	v13 =	vld.idx.msk [tilespmem:v14+s30+$0x0], $0xffff;
	[tilespmem:s0+$0x10] =	vst v12;
	v12 =	vadd.s32 s23, v2  }
0xdf: {  	s16 =	simm.s32 $0x280;
	v14 =	vadd.s32 s3, v0;
	s23 =	sadd.s32 $0x180, s9;
	p2 =	por !p5, !p6;
	v5 =	vld.idx.msk [tilespmem:v5+s14+$0x0], $0xffff  }
0xe0: {  	v15 =	vadd.s32 s15, v2;
	s2 =	sand.u32 $0x1C00, s23;
	p2 =	por !p2, !p2;
	s23 =	simm.s32 $0x1;
	v9 =	vld.idx.msk [tilespmem:v9+s30+$0x0], $0xffff;
	[tilespmem:s21+$0x10] =	vst v7  }
0xe1: {  	s26 =	sadd.s32 $0x80, s9;
	s20 =	simm.s32 $0x200;
	s23 =	simm.s32 @!p2 $0x0;
	v7 =	vand.u32 $0xFFFF, v6;
	v10 =	vld.idx.msk [tilespmem:v10+s30+$0x0], $0xffff  }
0xe2: {  	s26 =	sand.u32 $0x1C00, s26;
	v11 =	vshrl.u32 v11, $0x10;
	s29 =	simm.s32 $0x380;
	[tilespmem:s28+$0x10] =	vst v4;
	s22 =	ssub.s32 s22, s23  }
0xe3: {  	s24 =	sand.u32 $0x380, s29;
	s17 =	sand.u32 $0x280, s16;
	s22 =	sshll.u32 s22, $0xC;
	v16 =	vand.u32 $0xFFFF, v8;
	v12 =	vld.idx.msk [tilespmem:v12+s30+$0x0], $0xffff  }
0xe4: {  	s23 =	sor.u32 s17, s26;
	s26 =	sand.u32 $0x200, s20;
	v4 =	vld.idx.msk [tilespmem:v14+s30+$0x0], $0xffff;
	s29 =	sshra.s32 s22, $0x2;
	[tilespmem:s5+$0x10] =	vst v5;
	v5 =	vand.u32 $0xFFFF, v13  }
0xe5: {  	s29 =	sor.u32 s26, s29;
	v14 =	vld.idx.msk [tilespmem:v15+s30+$0x0], $0xffff;
	v15 =	vand.u32 $0xFFFF, v9  }
0xe6: {  	[tilespmem:s29+$0x1B140] =	vst v17;
	v7 =	vld.idx.msk [tilespmem:v7+s14+$0x0], $0xffff;
	v18 =	vand.u32 $0xFFFF, v10  }
0xe7: {  	v6 =	vshrl.u32 v6, $0x10;
	v11 =	vld.idx.msk [tilespmem:v11+s14+$0x0], $0xffff  }
0xe8: {  	v16 =	vld.idx.msk [tilespmem:v16+s14+$0x0], $0xffff;
	v19 =	vand.u32 $0xFFFF, v12  }
0xe9: {  	v8 =	vshrl.u32 v8, $0x10;
	v5 =	vld.idx.msk [tilespmem:v5+s14+$0x0], $0xffff  }
0xea: {  	s19 =	sor.u32 s24, s2;
	v15 =	vld.idx.msk [tilespmem:v15+s14+$0x0], $0xffff;
	v20 =	vand.u32 $0xFFFF, v14  }
0xeb: {  	v13 =	vshrl.u32 v13, $0x10;
	[tilespmem:s19+$0x1B140] =	vst v7;
	v7 =	vld.idx.msk [tilespmem:v18+s14+$0x0], $0xffff  }
0xec: {  	v9 =	vshrl.u32 v9, $0x10;
	v6 =	vld.idx.msk [tilespmem:v6+s14+$0x0], $0xffff  }
0xed: {  	s25 =	simm.s32 $0x300;
	s13 =	sadd.s32 $0x100, s9;
	v10 =	vshrl.u32 v10, $0x10;
	v18 =	vld.idx.msk [tilespmem:v19+s14+$0x0], $0xffff;
	[tilespmem:s11+$0x20] =	vst v16  }
0xee: {  	s25 =	sand.u32 $0x300, s25;
	s16 =	sand.u32 $0x1C00, s13;
	v16 =	vadd.s32 s12, v1;
	v8 =	vld.idx.msk [tilespmem:v8+s14+$0x0], $0xffff  }
0xef: {  	s2 =	sadd.s32 $0x980, s9;
	s22 =	sor.u32 s25, s16;
	v12 =	vshrl.u32 v12, $0x10;
	[tilespmem:s23+$0x1B140] =	vst v5;
	v5 =	vld.idx.msk [tilespmem:v20+s14+$0x0], $0xffff  }
0xf0: {  	s13 =	sand.u32 $0x3C00, s2;
	v19 =	vadd.s32 s7, v3;
	v13 =	vld.idx.msk [tilespmem:v13+s14+$0x0], $0xffff;
	[tilespmem:s22+$0x1B140] =	vst v15  }
0xf1: {  	s7 =	sor.u32 s24, s13;
	v15 =	vadd.s32 s18, v1;
	v9 =	vld.idx.msk [tilespmem:v9+s14+$0x0], $0xffff;
	[tilespmem:s8+$0x20] =	vst v7  }
0xf2: {  	s6 =	simm.s32 $0x1;
	s16 =	sadd.s32 $0x880, s9;
	[tilespmem:s7+$0x1B140] =	vst v6;
	v6 =	vadd.s32 s10, v1;
	v10 =	vld.idx.msk [tilespmem:v10+s14+$0x0], $0xffff  }
0xf3: {  	s2 =	sadd.s32 $0x900, s9;
	s9 =	sadd.s32 $0x800, s9;
	s24 =	sand.u32 $0x3C00, s16;
	v7 =	vadd.s32 s4, v1;
	v16 =	vld.idx.msk [tilespmem:v16+s30+$0x0], $0xffff;
	[tilespmem:s31+$0x20] =	vst v18  }
0xf4: {  	s9 =	sand.u32 $0x3C00, s9;
	v17 =	vadd.s32 s6, v3;
	s13 =	sand.u32 $0x3C00, s2;
	s16 =	sor.u32 s17, s24;
	[tilespmem:s1+$0x20] =	vst v8;
	v12 =	vld.idx.msk [tilespmem:v12+s14+$0x0], $0xffff  }
0xf5: {  	s2 =	sor.u32 s25, s13;
	s24 =	sor.u32 s26, s9;
	s9 =	simm.s32 $0x9;
	v8 =	vshrl.u32 v14, $0x10;
	v14 =	vld.idx.msk [tilespmem:v19+s30+$0x0], $0xffff;
	[tilespmem:s16+$0x1B140] =	vst v13  }
0xf6: {  	s26 =	simm.s32 $0x2;
	v13 =	vadd.s32 s9, v0;
	v15 =	vld.idx.msk [tilespmem:v15+s30+$0x0], $0xffff;
	[tilespmem:s2+$0x1B140] =	vst v9  }
0xf7: {  	[tilespmem:s24+$0x1B140] =	vst v11;
	v11 =	vld.idx.msk [tilespmem:v6+s30+$0x0], $0xffff;
	v6 =	vadd.s32 s26, v3  }
0xf8: {  	s6 =	simm.s32 $0xA;
	v7 =	vld.idx.msk [tilespmem:v7+s30+$0x0], $0xffff;
	[tilespmem:s21+$0x20] =	vst v10;
	v9 =	vand.u32 $0xFFFF, v16  }
0xf9: {  	[tilespmem:s0+$0x20] =	vst v5;
	v5 =	vadd.s32 s6, v0;
	v20 =	vld.idx.msk [tilespmem:v17+s30+$0x0], $0xffff  }
0xfa: {  	v18 =	vld.idx.msk [tilespmem:v8+s14+$0x0], $0xffff;
	v10 =	vand.u32 $0xFFFF, v14  }
0xfb: {  	[tilespmem:s28+$0x20] =	vst v12;
	v8 =	vld.idx.msk [tilespmem:v13+s30+$0x0], $0xffff;
	v13 =	vadd.s32 s15, v3  }
0xfc: {  	v12 =	vand.u32 $0xFFFF, v15;
	v21 =	vld.idx.msk [tilespmem:v6+s30+$0x0], $0xffff  }
0xfd: {  	v24 =	vand.u32 $0xFFFF, v7;
	v23 =	vld.idx.msk [tilespmem:v9+s14+$0x0], $0xffff  }
0xfe: {  	v22 =	vand.u32 $0xFFFF, v11;
	v9 =	vld.idx.msk [tilespmem:v5+s30+$0x0], $0xffff  }
0xff: {  	[tilespmem:s5+$0x20] =	vst v18;
	v10 =	vld.idx.msk [tilespmem:v10+s14+$0x0], $0xffff  }
0x100: {  	s17 =	sadd.s32 $0x1B140, s29;
	v6 =	vld.idx.msk [tilespmem:v13+s30+$0x0], $0xffff  }
0x101: {  	s23 =	sadd.s32 $0x1B140, s23;
	s13 =	sadd.s32 $0x1B140, s24;
	s22 =	sadd.s32 $0x1B140, s22;
	v17 =	vshrl.u32 v15, $0x10;
	v15 =	vshrl.u32 v11, $0x10;
	v11 =	vshrl.u32 v7, $0x10;
	v19 =	vld.idx.msk [tilespmem:v12+s14+$0x0], $0xffff  }
0x102: {  	s25 =	sadd.s32 $0x1B140, s2;
	s16 =	sadd.s32 $0x1B140, s16;
	s26 =	sadd.s32 $0x1B140, s19;
	v7 =	vshrl.u32 v20, $0x10;
	v20 =	vand.u32 $0xFFFF, v20;
	v12 =	vshrl.u32 v16, $0x10;
	v16 =	vld.idx.msk [tilespmem:v24+s14+$0x0], $0xffff  }
0x103: {  	s19 =	simm.s32 $0xB;
	s15 =	smov.u32 s5;
	s5 =	simm.s32 $0xC;
	v13 =	vshrl.u32 v14, $0x10;
	v18 =	vld.idx.msk [tilespmem:v22+s14+$0x0], $0xffff;
	v5 =	vshrl.u32 v21, $0x10;
	v14 =	vand.u32 $0xFFFF, v21;
	[tilespmem:s26+$0x10] =	vst v23  }
.LBB2_5:
0x104: {  	_ =	sdelay $0x2  }
0x105: {  	v21 =	vadd.s32 s19, v0;
	v12 =	vld.idx.msk [tilespmem:v12+s14+$0x0], $0xffff  }
0x106: {  	v20 =	vld.idx.msk [tilespmem:v20+s14+$0x0], $0xffff  }
0x107: {  	v14 =	vld.idx.msk [tilespmem:v14+s14+$0x0], $0xffff;
	[tilespmem:s11+$0x30] =	vst v10  }
0x108: {  	v10 =	vadd.s32 s12, v2;
	[tilespmem:s23+$0x10] =	vst v19;
	v13 =	vld.idx.msk [tilespmem:v13+s14+$0x0], $0xffff  }
0x109: {  	v22 =	vshrl.u32 v6, $0x10;
	v6 =	vand.u32 $0xFFFF, v6;
	[tilespmem:s22+$0x10] =	vst v18;
	v17 =	vld.idx.msk [tilespmem:v17+s14+$0x0], $0xffff  }
0x10a: {  	s7 =	sadd.s32 $0x1B140, s7;
	[tilespmem:s17+$0x10] =	vst v16;
	v18 =	vld.idx.msk [tilespmem:v21+s30+$0x0], $0xffff  }
0x10b: {  	v16 =	vadd.s32 s18, v2;
	v15 =	vld.idx.msk [tilespmem:v15+s14+$0x0], $0xffff;
	[tilespmem:s7+$0x10] =	vst v12  }
0x10c: {  	[tilespmem:s8+$0x30] =	vst v20;
	v11 =	vld.idx.msk [tilespmem:v11+s14+$0x0], $0xffff  }
0x10d: {  	v12 =	vadd.s32 s10, v2;
	v10 =	vld.idx.msk [tilespmem:v10+s30+$0x0], $0xffff;
	[tilespmem:s1+$0x30] =	vst v13  }
0x10e: {  	v6 =	vld.idx.msk [tilespmem:v6+s14+$0x0], $0xffff;
	v13 =	vadd.s32 s5, v0;
	[tilespmem:s16+$0x10] =	vst v17  }
0x10f: {  	[dreg:$0x14] =	wrdreg s4;
	[tilespmem:s31+$0x30] =	vst v14;
	v17 =	vand.u32 $0xFFFF, v18;
	v7 =	vld.idx.msk [tilespmem:v7+s14+$0x0], $0xffff  }
0x110: {  	[dreg:$0x12] =	wrdreg s10;
	v14 =	vadd.s32 s4, v2;
	[tilespmem:s25+$0x10] =	vst v15;
	v16 =	vld.idx.msk [tilespmem:v16+s30+$0x0], $0xffff  }
0x111: {  	s24 =	smov.u32 s9;
	s9 =	smov.u32 s16;
	s2 =	smov.u32 s25;
	v5 =	vld.idx.msk [tilespmem:v5+s14+$0x0], $0xffff  }
0x112: {  	s29 =	sshll.u32 s3, $0x7;
	s20 =	sadd.s32 $0x200, s20;
	s11 =	smov.u32 s26;
	v19 =	vand.u32 $0xFFFF, v4;
	v12 =	vld.idx.msk [tilespmem:v12+s30+$0x0], $0xffff  }
0x113: {  	s26 =	sshrl.u32 s3, $0x2;
	s8 =	smov.u32 s23;
	s23 =	sand.u32 $0x7FFFF0, s3;
	v15 =	vand.u32 $0xFFFF, v10;
	v13 =	vld.idx.msk [tilespmem:v13+s30+$0x0], $0xffff  }
0x114: {  	s10 =	smov.u32 s7;
	s4 =	smov.u32 s17;
	s7 =	sadd.s32 s23, s3;
	[tilespmem:s13+$0x10] =	vst v11;
	v11 =	vand.u32 $0xFFFF, v8;
	v17 =	vld.idx.msk [tilespmem:v17+s14+$0x0], $0xffff  }
0x115: {  	s23 =	sshrl.u32 s7, $0x3;
	s1 =	smov.u32 s22;
	s25 =	smov.u32 s13;
	v14 =	vld.idx.msk [tilespmem:v14+s30+$0x0], $0xffff;
	[tilespmem:s0+$0x30] =	vst v6;
	v6 =	vand.u32 $0xFFFF, v9  }
0x116: {  	s22 =	sand.u32 $0x1, s26;
	s26 =	sadd.s32 $0x180, s20;
	[tilespmem:s21+$0x30] =	vst v7;
	s0 =	sand.u32 $0xFFFFF800, s29;
	v7 =	vshrl.u32 v16, $0x10;
	v16 =	vand.u32 $0xFFFF, v16;
	v20 =	vld.idx.msk [tilespmem:v22+s14+$0x0], $0xffff  }
0x117: {  	v18 =	vshrl.u32 v18, $0x10;
	p3 =	seq.s32 s22, $0x1;
	s16 =	sand.u32 $0x380, s26;
	[tilespmem:s28+$0x30] =	vst v5;
	s7 =	sadd.s32 s0, s20;
	v5 =	vld.idx.msk [tilespmem:v19+s14+$0x0], $0xffff  }
0x118: {  	s13 =	sadd.s32 $0x80, s20;
	s21 =	sadd.s32 $0x100, s20;
	v19 =	vshrl.u32 v12, $0x10;
	v12 =	vand.u32 $0xFFFF, v12;
	s29 =	sadd.s32 $0x180, s7;
	v15 =	vld.idx.msk [tilespmem:v15+s14+$0x0], $0xffff  }
0x119: {  	v10 =	vshrl.u32 v10, $0x10;
	s17 =	sand.u32 $0x280, s13;
	p4 =	seq.s32 s7, $0x0;
	s22 =	sand.u32 $0x1C00, s29;
	v11 =	vld.idx.msk [tilespmem:v11+s14+$0x0], $0xffff  }
0x11a: {  	s13 =	sand.u32 $0x200, s20;
	p3 =	por !p3, !p4;
	s26 =	sor.u32 s16, s22;
	v6 =	vld.idx.msk [tilespmem:v6+s14+$0x0], $0xffff;
	v21 =	vshrl.u32 v14, $0x10;
	v14 =	vand.u32 $0xFFFF, v14  }
0x11b: {  	v8 =	vshrl.u32 v8, $0x10;
	s21 =	sand.u32 $0x300, s21;
	p3 =	por !p3, !p3;
	s22 =	simm.s32 $0x1;
	[tilespmem:s26+$0x1B140] =	vst v17;
	v16 =	vld.idx.msk [tilespmem:v16+s14+$0x0], $0xffff  }
0x11c: {  	v9 =	vshrl.u32 v9, $0x10;
	s28 =	sadd.s32 $0x80, s7;
	s31 =	sadd.s32 $0x980, s7;
	s22 =	simm.s32 @!p3 $0x0;
	v17 =	vld.idx.msk [tilespmem:v18+s14+$0x0], $0xffff  }
0x11d: {  	s28 =	sand.u32 $0x1C00, s28;
	s29 =	sadd.s32 $0x100, s7;
	s22 =	ssub.s32 s23, s22;
	v18 =	vshrl.u32 v4, $0x10;
	v12 =	vld.idx.msk [tilespmem:v12+s14+$0x0], $0xffff;
	[tilespmem:s11+$0x20] =	vst v15  }
0x11e: {  	s0 =	sand.u32 $0x1C00, s29;
	s28 =	sor.u32 s17, s28;
	[tilespmem:s15+$0x30] =	vst v20;
	s22 =	sshll.u32 s22, $0xC;
	v10 =	vld.idx.msk [tilespmem:v10+s14+$0x0], $0xffff  }
0x11f: {  	s30 =	sadd.s32 $0x900, s7;
	s29 =	sor.u32 s21, s0;
	v4 =	vmov v13;
	v13 =	vadd.s32 s19, v1;
	s22 =	sshra.s32 s22, $0x2;
	[tilespmem:s28+$0x1B140] =	vst v11;
	v11 =	vld.idx.msk [tilespmem:v14+s14+$0x0], $0xffff  }
0x120: {  	s0 =	simm.s32 $0x1A900;
	s23 =	sadd.s32 $0x800, s7;
	s22 =	sor.u32 s13, s22;
	v8 =	vld.idx.msk [tilespmem:v8+s14+$0x0], $0xffff;
	[tilespmem:s29+$0x1B140] =	vst v6  }
0x121: {  	s15 =	smov.u32 s18;
	s18 =	sadd.s32 $0x880, s7;
	s7 =	sand.u32 $0x3C00, s31;
	v6 =	vadd.s32 s12, v3;
	[tilespmem:s22+$0x1B140] =	vst v5;
	v5 =	vld.idx.msk [tilespmem:v9+s14+$0x0], $0xffff  }
0x122: {  	s31 =	smov.u32 s1;
	s18 =	sand.u32 $0x3C00, s18;
	s7 =	sor.u32 s16, s7;
	v14 =	vadd.s32 s24, v1;
	[tilespmem:s8+$0x20] =	vst v16;
	v9 =	vld.idx.msk [tilespmem:v18+s14+$0x0], $0xffff  }
0x123: {  	s1 =	smov.u32 s10;
	s23 =	sand.u32 $0x3C00, s23;
	s16 =	sor.u32 s17, s18;
	v15 =	vadd.s32 s6, v1;
	[tilespmem:s7+$0x1B140] =	vst v17;
	v7 =	vld.idx.msk [tilespmem:v7+s14+$0x0], $0xffff  }
0x124: {  	s18 =	sand.u32 $0x3C00, s30;
	s30 =	sadd.s32 $0x1, s5;
	s12 =	sor.u32 s13, s23;
	v16 =	vadd.s32 s3, v1;
	[tilespmem:s31+$0x20] =	vst v12;
	v13 =	vld.idx.msk [tilespmem:v13+s0+$0x0], $0xffff  }
0x125: {  	s18 =	sor.u32 s21, s18;
	s17 =	sadd.s32 $0x1B140, s22;
	s21 =	sadd.s32 $0x1B140, s12;
	[tilespmem:s10+$0x20] =	vst v10;
	v10 =	vld.idx.msk [tilespmem:v19+s14+$0x0], $0xffff  }
0x126: {  	s22 =	sadd.s32 $0x1B140, s29;
	s29 =	sadd.s32 $0x1B140, s18;
	s13 =	smov.u32 s21;
	v18 =	vld.idx.msk [tilespmem:v6+s0+$0x0], $0xffff;
	[tilespmem:s16+$0x1B140] =	vst v8;
	v6 =	vadd.s32 s15, v3  }
0x127: {  	s21 =	smov.u32 s9;
	v8 =	vadd.s32 s30, v0;
	v12 =	vld.idx.msk [tilespmem:v14+s0+$0x0], $0xffff;
	[tilespmem:s18+$0x1B140] =	vst v5;
	s18 =	smov.u32 s24;
	s24 =	rddreg [dreg:$0x12]  }
0x128: {  	s9 =	smov.u32 s30;
	s10 =	smov.u32 s25;
	s30 =	simm.s32 $0x1A900;
	[tilespmem:s12+$0x1B140] =	vst v9;
	v5 =	vld.idx.msk [tilespmem:v15+s0+$0x0], $0xffff;
	v9 =	vadd.s32 s24, v3  }
0x129: {  	s15 =	smov.u32 s10;
	s10 =	smov.u32 s6;
	s6 =	sadd.s32 $0x2, s5;
	v14 =	vld.idx.msk [tilespmem:v16+s30+$0x0], $0xffff;
	v16 =	vand.u32 $0xFFFF, v13;
	[tilespmem:s4+$0x20] =	vst v11  }
0x12a: {  	s23 =	sadd.s32 $0x1B140, s28;
	s28 =	sadd.s32 $0x1B140, s16;
	s25 =	smov.u32 s29;
	[tilespmem:s21+$0x20] =	vst v7;
	v11 =	vadd.s32 s6, v0;
	v19 =	vld.idx.msk [tilespmem:v21+s14+$0x0], $0xffff  }
0x12b: {  	s29 =	rddreg [dreg:$0x14];
	s16 =	smov.u32 s28;
	s28 =	smov.u32 s2;
	v20 =	vld.idx.msk [tilespmem:v6+s30+$0x0], $0xffff;
	v6 =	vand.u32 $0xFFFF, v18  }
0x12c: {  	v7 =	vadd.s32 s29, v3;
	[tilespmem:s28+$0x20] =	vst v10;
	v8 =	vld.idx.msk [tilespmem:v8+s30+$0x0], $0xffff  }
0x12d: {  	v21 =	vand.u32 $0xFFFF, v12;
	v22 =	vld.idx.msk [tilespmem:v9+s30+$0x0], $0xffff  }
0x12e: {  	v15 =	vshrl.u32 v5, $0x10;
	v5 =	vand.u32 $0xFFFF, v5;
	v23 =	vld.idx.msk [tilespmem:v16+s14+$0x0], $0xffff  }
0x12f: {  	p2 =	slt.u32 s5, $0x1C;
	v9 =	vld.idx.msk [tilespmem:v11+s30+$0x0], $0xffff;
	v16 =	vand.u32 $0xFFFF, v14  }
.Ltmp1:
0x130: {  	[tilespmem:s15+$0x20] =	vst v19;
	v10 =	vld.idx.msk [tilespmem:v6+s14+$0x0], $0xffff;
	(pc) =	sbr.rel @p2 .LBB2_5-.Ltmp1, $4  }
0x131: {  	v6 =	vld.idx.msk [tilespmem:v7+s30+$0x0], $0xffff  }
0x132: {  	s26 =	sadd.s32 $0x1B140, s26;
	v17 =	vshrl.u32 v12, $0x10;
	v12 =	vshrl.u32 v13, $0x10;
	v19 =	vld.idx.msk [tilespmem:v21+s14+$0x0], $0xffff  }
0x133: {  	s0 =	smov.u32 s4;
	s4 =	smov.u32 s3;
	s3 =	smov.u32 s5;
	v13 =	vshrl.u32 v18, $0x10;
	v11 =	vshrl.u32 v14, $0x10;
	v7 =	vshrl.u32 v20, $0x10;
	v18 =	vld.idx.msk [tilespmem:v5+s14+$0x0], $0xffff  }
0x134: {  	s12 =	smov.u32 s19;
	s5 =	sadd.s32 $0x4, s5;
	s19 =	sadd.s32 $0x3, s3;
	v20 =	vand.u32 $0xFFFF, v20;
	v5 =	vshrl.u32 v22, $0x10;
	v14 =	vand.u32 $0xFFFF, v22;
	v16 =	vld.idx.msk [tilespmem:v16+s14+$0x0], $0xffff;
	[tilespmem:s26+$0x10] =	vst v23  }
0x135: {  	v21 =	vadd.s32 s19, v0;
	_ =	sdelay $0x4  }
0x136: {  	v21 =	vld.idx.msk [tilespmem:v21+s30+$0x0], $0xffff;
	_ =	sdelay $0x1  }
0x137: {  	s5 =	sshll.u32 s3, $0x7;
	s2 =	sshrl.u32 s3, $0x2  }
0x138: {  	v23 =	vand.u32 $0xFFFF, v8;
	s5 =	sand.u32 $0xFFFFF800, s5;
	[smem:$0x7F5] =	sst s18;
	s18 =	sadd.s32 $0x200, s20  }
0x139: {  	s2 =	sand.u32 $0x1, s2;
	s20 =	sadd.s32 s5, s18  }
0x13a: {  	p2 =	seq.s32 s2, $0x1;
	p3 =	seq.s32 s20, $0x0;
	v22 =	vand.u32 $0xFFFF, v21  }
0x13b: {  	s24 =	sand.u32 $0x7FFFF0, s3;
	v24 =	vld.idx.msk [tilespmem:v12+s14+$0x0], $0xffff;
	p2 =	por !p2, !p3  }
0x13c: {  	v25 =	vand.u32 $0xFFFF, v9;
	s2 =	simm.s32 $0x1;
	v12 =	vld.idx.msk [tilespmem:v20+s14+$0x0], $0xffff;
	s5 =	sadd.s32 s24, s3;
	p2 =	por !p2, !p2  }
0x13d: {  	[tilespmem:s23+$0x10] =	vst v19;
	s29 =	sadd.s32 $0x180, s18;
	v23 =	vld.idx.msk [tilespmem:v23+s14+$0x0], $0xffff;
	s5 =	sshrl.u32 s5, $0x3;
	s2 =	simm.s32 @!p2 $0x0  }
0x13e: {  	v19 =	vand.u32 $0xFFFF, v4;
	v17 =	vld.idx.msk [tilespmem:v17+s14+$0x0], $0xffff;
	s24 =	sadd.s32 $0x180, s20;
	s5 =	ssub.s32 s5, s2;
	s2 =	sand.u32 $0x380, s29  }
0x13f: {  	s29 =	sand.u32 $0x1C00, s24;
	s24 =	sadd.s32 $0x1B140, s7;
	v22 =	vld.idx.msk [tilespmem:v22+s14+$0x0], $0xffff;
	[smem:$0x7F6] =	sst s2  }
0x140: {  	[smem:$0x7FB] =	sst s24;
	s2 =	sor.u32 s2, s29  }
0x141: {  	v25 =	vld.idx.msk [tilespmem:v25+s14+$0x0], $0xffff;
	[smem:$0x7F7] =	sst s2  }
0x142: {  	v20 =	vadd.s32 s12, v2;
	s29 =	sadd.s32 $0x80, s20;
	[tilespmem:s22+$0x10] =	vst v18  }
0x143: {  	v21 =	vshrl.u32 v21, $0x10;
	s7 =	sand.u32 $0x1C00, s29;
	s29 =	sadd.s32 $0x80, s18;
	v18 =	vld.idx.msk [tilespmem:v19+s14+$0x0], $0xffff;
	[tilespmem:s24+$0x10] =	vst v24  }
0x144: {  	s30 =	sadd.s32 $0x100, s20;
	v15 =	vld.idx.msk [tilespmem:v15+s14+$0x0], $0xffff;
	[smem:$0x7FC] =	sst s31;
	s31 =	sand.u32 $0x280, s29  }
0x145: {  	s29 =	sand.u32 $0x1C00, s30;
	s30 =	sadd.s32 $0x100, s18;
	[smem:$0x7FD] =	sst s0  }
0x146: {  	s24 =	simm.s32 $0x1A900;
	s30 =	sand.u32 $0x300, s30;
	[tilespmem:s2+$0x1B140] =	vst v22;
	s2 =	sor.u32 s31, s7  }
0x147: {  	s5 =	sshll.u32 s5, $0xC;
	v19 =	vld.idx.msk [tilespmem:v20+s24+$0x0], $0xffff;
	s7 =	sor.u32 s30, s29;
	[smem:$0x7F8] =	sst s2  }
0x148: {  	s5 =	sshra.s32 s5, $0x2;
	s18 =	sand.u32 $0x200, s18;
	v21 =	vld.idx.msk [tilespmem:v21+s14+$0x0], $0xffff;
	[smem:$0x7F9] =	sst s7  }
0x149: {  	v8 =	vshrl.u32 v8, $0x10;
	s29 =	sor.u32 s18, s5;
	s24 =	sld [smem:$0x7F5];
	[tilespmem:s2+$0x1B140] =	vst v23  }
0x14a: {  	[smem:$0x7FA] =	sst s29  }
0x14b: {  	v9 =	vshrl.u32 v9, $0x10;
	[tilespmem:s7+$0x1B140] =	vst v25  }
0x14c: {  	v4 =	vshrl.u32 v4, $0x10;
	[tilespmem:s29+$0x1B140] =	vst v18  }
0x14d: {  	s0 =	sadd.s32 $0x980, s20;
	[tilespmem:s17+$0x10] =	vst v16  }
0x14e: {  	v22 =	vadd.s32 s19, v1;
	s5 =	sand.u32 $0x3C00, s0;
	v8 =	vld.idx.msk [tilespmem:v8+s14+$0x0], $0xffff;
	s0 =	sld [smem:$0x7F6]  }
0x14f: {  	v18 =	vadd.s32 s9, v1  }
0x150: {  	s2 =	sadd.s32 $0x880, s20;
	s7 =	sadd.s32 $0x900, s20;
	v9 =	vld.idx.msk [tilespmem:v9+s14+$0x0], $0xffff  }
0x151: {  	v20 =	vadd.s32 s24, v2;
	s2 =	sand.u32 $0x3C00, s2;
	v4 =	vld.idx.msk [tilespmem:v4+s14+$0x0], $0xffff;
	s7 =	sand.u32 $0x3C00, s7;
	[tilespmem:s25+$0x10] =	vst v15;
	s29 =	sor.u32 s0, s5  }
0x152: {  	s2 =	sor.u32 s31, s2;
	v11 =	vld.idx.msk [tilespmem:v11+s14+$0x0], $0xffff;
	v15 =	vand.u32 $0xFFFF, v19;
	s7 =	sor.u32 s30, s7;
	s30 =	simm.s32 $0x1A900;
	[tilespmem:s29+$0x1B140] =	vst v21  }
0x153: {  	v16 =	vadd.s32 s6, v1;
	[tilespmem:s2+$0x1B140] =	vst v8;
	v21 =	vld.idx.msk [tilespmem:v22+s30+$0x0], $0xffff  }
0x154: {  	[tilespmem:s16+$0x10] =	vst v17;
	v17 =	vadd.s32 s3, v1;
	v8 =	vld.idx.msk [tilespmem:v18+s30+$0x0], $0xffff  }
0x155: {  	s20 =	sadd.s32 $0x800, s20;
	s5 =	simm.s32 $0x1A900  }
0x156: {  	v20 =	vld.idx.msk [tilespmem:v20+s5+$0x0], $0xffff;
	s5 =	sand.u32 $0x3C00, s20  }
0x157: {  	v23 =	vadd.s32 s10, v2;
	s5 =	sor.u32 s18, s5;
	[tilespmem:s7+$0x1B140] =	vst v9;
	v15 =	vld.idx.msk [tilespmem:v15+s14+$0x0], $0xffff  }
0x158: {  	[tilespmem:s5+$0x1B140] =	vst v4;
	v4 =	vld.idx.msk [tilespmem:v16+s30+$0x0], $0xffff;
	v18 =	vand.u32 $0xFFFF, v21  }
0x159: {  	[tilespmem:s13+$0x10] =	vst v11;
	v16 =	vld.idx.msk [tilespmem:v17+s30+$0x0], $0xffff;
	v11 =	vand.u32 $0xFFFF, v8;
	_ =	sdelay $0x2  }
0x15a: {  	[tilespmem:s11+$0x30] =	vst v10;
	v10 =	vld.idx.msk [tilespmem:v23+s30+$0x0], $0xffff;
	v9 =	vadd.s32 s4, v2  }
0x15b: {  	[tilespmem:s26+$0x20] =	vst v15;
	v22 =	vand.u32 $0xFFFF, v4;
	v18 =	vld.idx.msk [tilespmem:v18+s14+$0x0], $0xffff  }
0x15c: {  	s31 =	sld [smem:$0x7F7];
	v23 =	vand.u32 $0xFFFF, v16;
	v11 =	vld.idx.msk [tilespmem:v11+s14+$0x0], $0xffff  }
0x15d: {  	v19 =	vshrl.u32 v19, $0x10;
	s11 =	sld [smem:$0x7F8]  }
0x15e: {  	v17 =	vand.u32 $0xFFFF, v20  }
0x15f: {  	v9 =	vld.idx.msk [tilespmem:v9+s30+$0x0], $0xffff;
	v21 =	vshrl.u32 v21, $0x10;
	s18 =	sadd.s32 $0x1B140, s31  }
0x160: {  	v8 =	vshrl.u32 v8, $0x10;
	s31 =	sadd.s32 $0x1B140, s11;
	v22 =	vld.idx.msk [tilespmem:v22+s14+$0x0], $0xffff;
	[tilespmem:s18+$0x10] =	vst v18  }
0x161: {  	v4 =	vshrl.u32 v4, $0x10;
	v23 =	vld.idx.msk [tilespmem:v23+s14+$0x0], $0xffff;
	s20 =	sld [smem:$0x7F9];
	[tilespmem:s31+$0x10] =	vst v11  }
0x162: {  	v19 =	vld.idx.msk [tilespmem:v19+s14+$0x0], $0xffff;
	v15 =	vshrl.u32 v16, $0x10;
	s11 =	sld [smem:$0x7FA]  }
0x163: {  	v52 =	vand.u32 $0xFFFF, v10;
	v17 =	vld.idx.msk [tilespmem:v17+s14+$0x0], $0xffff  }
0x164: {  	v16 =	vand.u32 $0xFFFF, v9;
	v18 =	vshrl.u32 v20, $0x10;
	v20 =	vld.idx.msk [tilespmem:v21+s14+$0x0], $0xffff;
	s20 =	sadd.s32 $0x1B140, s20  }
0x165: {  	v8 =	vld.idx.msk [tilespmem:v8+s14+$0x0], $0xffff;
	s11 =	sadd.s32 $0x1B140, s11;
	[tilespmem:s20+$0x10] =	vst v22  }
0x166: {  	v11 =	vadd.s32 s19, v2;
	[tilespmem:s11+$0x10] =	vst v23;
	v4 =	vld.idx.msk [tilespmem:v4+s14+$0x0], $0xffff  }
0x167: {  	v21 =	vadd.s32 s9, v2;
	v15 =	vld.idx.msk [tilespmem:v15+s14+$0x0], $0xffff  }
0x168: {  	s29 =	sadd.s32 $0x1B140, s29;
	v24 =	vld.idx.msk [tilespmem:v52+s14+$0x0], $0xffff;
	[tilespmem:s23+$0x20] =	vst v17;
	v22 =	vadd.s32 s6, v2  }
0x169: {  	s0 =	sadd.s32 $0x1B140, s2;
	v16 =	vld.idx.msk [tilespmem:v16+s14+$0x0], $0xffff;
	v17 =	vadd.s32 s3, v2;
	[tilespmem:s29+$0x10] =	vst v20  }
0x16a: {  	v18 =	vld.idx.msk [tilespmem:v18+s14+$0x0], $0xffff;
	v20 =	vadd.s32 s12, v3;
	s12 =	sadd.s32 $0x1B140, s7;
	[tilespmem:s0+$0x10] =	vst v8  }
0x16b: {  	s5 =	sadd.s32 $0x1B140, s5;
	v11 =	vld.idx.msk [tilespmem:v11+s30+$0x0], $0xffff;
	[tilespmem:s12+$0x10] =	vst v4  }
0x16c: {  	v8 =	vld.idx.msk [tilespmem:v21+s30+$0x0], $0xffff;
	[tilespmem:s5+$0x10] =	vst v15  }
0x16d: {  	v23 =	vand.u32 $0xFFFF, v6;
	v4 =	vshrl.u32 v10, $0x10;
	v10 =	vld.idx.msk [tilespmem:v22+s30+$0x0], $0xffff;
	s7 =	sld [smem:$0x7FB]  }
0x16e: {  	v15 =	vld.idx.msk [tilespmem:v17+s30+$0x0], $0xffff  }
0x16f: {  	v9 =	vshrl.u32 v9, $0x10;
	[tilespmem:s8+$0x30] =	vst v12  }
0x170: {  	v14 =	vld.idx.msk [tilespmem:v14+s14+$0x0], $0xffff;
	[tilespmem:s7+$0x20] =	vst v19;
	v19 =	vand.u32 $0xFFFF, v11  }
0x171: {  	[tilespmem:s22+$0x20] =	vst v24;
	v12 =	vld.idx.msk [tilespmem:v20+s30+$0x0], $0xffff;
	v20 =	vand.u32 $0xFFFF, v8  }
0x172: {  	v21 =	vld.idx.msk [tilespmem:v23+s14+$0x0], $0xffff;
	[tilespmem:s17+$0x20] =	vst v16;
	v16 =	vand.u32 $0xFFFF, v10  }
0x173: {  	[tilespmem:s16+$0x20] =	vst v18;
	v4 =	vld.idx.msk [tilespmem:v4+s14+$0x0], $0xffff;
	v18 =	vand.u32 $0xFFFF, v15  }
0x174: {  	v17 =	vadd.s32 s24, v3;
	v9 =	vld.idx.msk [tilespmem:v9+s14+$0x0], $0xffff  }
0x175: {  	v22 =	vadd.s32 s10, v3;
	v19 =	vld.idx.msk [tilespmem:v19+s14+$0x0], $0xffff  }
0x176: {  	v11 =	vshrl.u32 v11, $0x10;
	v20 =	vld.idx.msk [tilespmem:v20+s14+$0x0], $0xffff  }
0x177: {  	v8 =	vshrl.u32 v8, $0x10;
	v16 =	vld.idx.msk [tilespmem:v16+s14+$0x0], $0xffff  }
0x178: {  	[tilespmem:s25+$0x20] =	vst v4;
	v4 =	vshrl.u32 v10, $0x10;
	v10 =	vld.idx.msk [tilespmem:v18+s14+$0x0], $0xffff  }
0x179: {  	v17 =	vld.idx.msk [tilespmem:v17+s30+$0x0], $0xffff;
	v15 =	vshrl.u32 v15, $0x10  }
0x17a: {  	v18 =	vld.idx.msk [tilespmem:v22+s30+$0x0], $0xffff;
	[tilespmem:s18+$0x20] =	vst v19  }
0x17b: {  	v22 =	vadd.s32 s4, v3;
	v11 =	vld.idx.msk [tilespmem:v11+s14+$0x0], $0xffff;
	[tilespmem:s31+$0x20] =	vst v20  }
0x17c: {  	[tilespmem:s20+$0x20] =	vst v16;
	v8 =	vld.idx.msk [tilespmem:v8+s14+$0x0], $0xffff  }
0x17d: {  	v23 =	vand.u32 $0xFFFF, v12;
	v4 =	vld.idx.msk [tilespmem:v4+s14+$0x0], $0xffff;
	[tilespmem:s11+$0x20] =	vst v10  }
0x17e: {  	[tilespmem:s13+$0x20] =	vst v9;
	v20 =	vadd.s32 s19, v3;
	v9 =	vld.idx.msk [tilespmem:v15+s14+$0x0], $0xffff  }
0x17f: {  	v13 =	vld.idx.msk [tilespmem:v13+s14+$0x0], $0xffff;
	v10 =	vadd.s32 s6, v3  }
0x180: {  	v16 =	vadd.s32 s9, v3;
	v22 =	vld.idx.msk [tilespmem:v22+s30+$0x0], $0xffff;
	[tilespmem:s29+$0x20] =	vst v11  }
0x181: {  	v7 =	vld.idx.msk [tilespmem:v7+s14+$0x0], $0xffff;
	v19 =	vand.u32 $0xFFFF, v17;
	[tilespmem:s0+$0x20] =	vst v8  }
0x182: {  	v23 =	vld.idx.msk [tilespmem:v23+s14+$0x0], $0xffff;
	v15 =	vadd.s32 s3, v3;
	[tilespmem:s12+$0x20] =	vst v4  }
0x183: {  	v11 =	vld.idx.msk [tilespmem:v20+s30+$0x0], $0xffff;
	[tilespmem:s5+$0x20] =	vst v9  }
0x184: {  	v8 =	vshrl.u32 v12, $0x10;
	v10 =	vld.idx.msk [tilespmem:v10+s30+$0x0], $0xffff;
	s24 =	sld [smem:$0x7FC]  }
0x185: {  	v12 =	vld.idx.msk [tilespmem:v16+s30+$0x0], $0xffff;
	v9 =	vand.u32 $0xFFFF, v22  }
0x186: {  	v19 =	vld.idx.msk [tilespmem:v19+s14+$0x0], $0xffff;
	v4 =	vand.u32 $0xFFFF, v18  }
0x187: {  	v6 =	vshrl.u32 v6, $0x10;
	[tilespmem:s24+$0x30] =	vst v14;
	v14 =	vld.idx.msk [tilespmem:v15+s30+$0x0], $0xffff  }
0x188: {  	v16 =	vand.u32 $0xFFFF, v11;
	s3 =	sld [smem:$0x7FD];
	v5 =	vld.idx.msk [tilespmem:v5+s14+$0x0], $0xffff;
	[tilespmem:s26+$0x30] =	vst v23  }
0x189: {  	[tilespmem:s21+$0x30] =	vst v7;
	v7 =	vand.u32 $0xFFFF, v10;
	v8 =	vld.idx.msk [tilespmem:v8+s14+$0x0], $0xffff  }
0x18a: {  	[tilespmem:s1+$0x30] =	vst v13;
	v13 =	vand.u32 $0xFFFF, v12;
	v9 =	vld.idx.msk [tilespmem:v9+s14+$0x0], $0xffff  }
0x18b: {  	v15 =	vshrl.u32 v17, $0x10;
	v4 =	vld.idx.msk [tilespmem:v4+s14+$0x0], $0xffff;
	[tilespmem:s3+$0x30] =	vst v21  }
0x18c: {  	[tilespmem:s23+$0x30] =	vst v19;
	v6 =	vld.idx.msk [tilespmem:v6+s14+$0x0], $0xffff;
	v17 =	vand.u32 $0xFFFF, v14  }
0x18d: {  	v16 =	vld.idx.msk [tilespmem:v16+s14+$0x0], $0xffff;
	[tilespmem:s28+$0x30] =	vst v5;
	v5 =	vshrl.u32 v18, $0x10  }
0x18e: {  	v7 =	vld.idx.msk [tilespmem:v7+s14+$0x0], $0xffff;
	[tilespmem:s7+$0x30] =	vst v8;
	v8 =	vshrl.u32 v11, $0x10  }
0x18f: {  	[tilespmem:s17+$0x30] =	vst v9;
	v9 =	vshrl.u32 v10, $0x10;
	v11 =	vld.idx.msk [tilespmem:v13+s14+$0x0], $0xffff  }
0x190: {  	v15 =	vld.idx.msk [tilespmem:v15+s14+$0x0], $0xffff;
	[tilespmem:s22+$0x30] =	vst v4;
	v4 =	vshrl.u32 v12, $0x10  }
0x191: {  	[tilespmem:s15+$0x30] =	vst v6;
	v6 =	vshrl.u32 v22, $0x10;
	v10 =	vld.idx.msk [tilespmem:v17+s14+$0x0], $0xffff  }
0x192: {  	v12 =	vshrl.u32 v14, $0x10;
	[tilespmem:s18+$0x30] =	vst v16;
	v5 =	vld.idx.msk [tilespmem:v5+s14+$0x0], $0xffff  }
0x193: {  	[tilespmem:s20+$0x30] =	vst v7;
	v8 =	vld.idx.msk [tilespmem:v8+s14+$0x0], $0xffff  }
0x194: {  	[tilespmem:s31+$0x30] =	vst v11;
	v7 =	vld.idx.msk [tilespmem:v9+s14+$0x0], $0xffff  }
0x195: {  	[tilespmem:s16+$0x30] =	vst v15;
	v4 =	vld.idx.msk [tilespmem:v4+s14+$0x0], $0xffff  }
0x196: {  	v6 =	vld.idx.msk [tilespmem:v6+s14+$0x0], $0xffff;
	[tilespmem:s11+$0x30] =	vst v10  }
0x197: {  	[tilespmem:s25+$0x30] =	vst v5;
	v5 =	vld.idx.msk [tilespmem:v12+s14+$0x0], $0xffff  }
0x198: {  	[tilespmem:s29+$0x30] =	vst v8  }
0x199: {  	[tilespmem:s12+$0x30] =	vst v7  }
0x19a: {  	[tilespmem:s0+$0x30] =	vst v4  }
0x19b: {  	[tilespmem:s13+$0x30] =	vst v6  }
0x19c: {  	s31 =	simm.s32 $0x14CF0;
	[tilespmem:s5+$0x30] =	vst v5  }
0x19d: {  	v4 =	vld [tilespmem:s31+$0xFFFFFFB0]  }
0x19e: {  	v5 =	vld [tilespmem:s31+$0xFFFFFFC0]  }
0x19f: {  	v6 =	vld [tilespmem:s31+$0x0]  }
0x1a0: {  	v7 =	vld [tilespmem:s31+$0xFFFFFFF0]  }
0x1a1: {  	v8 =	vld [tilespmem:s31+$0xFFFFFC20]  }
0x1a2: {  	v9 =	vld [tilespmem:s31+$0xFFFFFC60]  }
0x1a3: {  	v10 =	vld [tilespmem:s31+$0xFFFFFC30]  }
0x1a4: {  	v11 =	vld [tilespmem:s31+$0xFFFFFFD0]  }
0x1a5: {  	v12 =	vld [tilespmem:s31+$0xFFFFFF90]  }
0x1a6: {  	v13 =	vld [tilespmem:s31+$0xFFFFFFA0]  }
0x1a7: {  	v14 =	vld [tilespmem:s31+$0xFFFFFFE0]  }
0x1a8: {  	v15 =	vld [tilespmem:s31+$0xFFFFFC40]  }
0x1a9: {  	v16 =	vld [tilespmem:s31+$0xFFFFFC80]  }
0x1aa: {  	v17 =	vld [tilespmem:s31+$0xFFFFFC90]  }
0x1ab: {  	v18 =	vld [tilespmem:s31+$0xFFFFFCA0]  }
0x1ac: {  	v19 =	vld [tilespmem:s31+$0xFFFFFCE0]  }
0x1ad: {  	v20 =	vld [tilespmem:s31+$0xFFFFFCB0]  }
0x1ae: {  	v21 =	vld [tilespmem:s31+$0xFFFFFCC0]  }
0x1af: {  	v22 =	vld [tilespmem:s31+$0xFFFFFD00]  }
0x1b0: {  	v23 =	vld [tilespmem:s31+$0xFFFFFD10]  }
0x1b1: {  	v24 =	vld [tilespmem:s31+$0xFFFFFD20]  }
0x1b2: {  	v25 =	vld [tilespmem:s31+$0xFFFFFD60]  }
0x1b3: {  	v26 =	vld [tilespmem:s31+$0xFFFFFD30]  }
0x1b4: {  	v27 =	vld [tilespmem:s31+$0xFFFFFD40]  }
0x1b5: {  	v28 =	vld [tilespmem:s31+$0xFFFFFD80]  }
0x1b6: {  	v29 =	vld [tilespmem:s31+$0xFFFFFD90]  }
0x1b7: {  	v30 =	vld [tilespmem:s31+$0xFFFFFDA0]  }
0x1b8: {  	v31 =	vld [tilespmem:s31+$0xFFFFFDE0]  }
0x1b9: {  	v32 =	vld [tilespmem:s31+$0xFFFFFDB0]  }
0x1ba: {  	v33 =	vld [tilespmem:s31+$0xFFFFFDC0]  }
0x1bb: {  	v34 =	vld [tilespmem:s31+$0xFFFFFE00]  }
0x1bc: {  	v35 =	vld [tilespmem:s31+$0xFFFFFE10]  }
0x1bd: {  	v36 =	vld [tilespmem:s31+$0xFFFFFE20]  }
0x1be: {  	v37 =	vld [tilespmem:s31+$0xFFFFFE60]  }
0x1bf: {  	v38 =	vld [tilespmem:s31+$0xFFFFFE30]  }
0x1c0: {  	v39 =	vld [tilespmem:s31+$0xFFFFFE40];
	v4 =	vshll.u32 v4, $0x8  }
0x1c1: {  	v40 =	vld [tilespmem:s31+$0xFFFFFE90];
	v5 =	vshll.u32 v5, $0x18;
	v6 =	vshll.u32 v6, $0x10;
	v17 =	vshll.u32 v17, $0x8  }
0x1c2: {  	v59 =	vld [tilespmem:s31+$0xFFFFFC70];
	v53 =	vshll.u32 v26, $0x8;
	v29 =	vshll.u32 v29, $0x8;
	v32 =	vshll.u32 v32, $0x8  }
0x1c3: {  	v54 =	vld [tilespmem:s31+$0xFFFFFF60];
	v35 =	vshll.u32 v35, $0x8;
	v4 =	vadd.s32 v7, v4;
	v5 =	vadd.s32 v5, v6  }
0x1c4: {  	v56 =	vld [tilespmem:s31+$0xFFFFFF30];
	v7 =	vshll.u32 v8, $0x18;
	v8 =	vor.u32 v4, v5;
	v4 =	vshll.u32 v9, $0x10  }
0x1c5: {  	v58 =	vld [tilespmem:s31+$0xFFFFFC50];
	v9 =	vshll.u32 v10, $0x8;
	v5 =	vshll.u32 v12, $0x8;
	v12 =	vshll.u32 v14, $0x10  }
0x1c6: {  	s0 =	simm.s32 $0x1A984;
	v61 =	vld [tilespmem:s31+$0xFFFFFCD0];
	v14 =	vshll.u32 v15, $0x18;
	v5 =	vadd.s32 v11, v5;
	v11 =	vshll.u32 v13, $0x18  }
0x1c7: {  	v6 =	vld [tilespmem:s31+$0xFFFFFE80];
	[tilespmem:s0+$0x73] =	vst v8;
	v8 =	vadd.s32 v59, v9;
	v11 =	vadd.s32 v11, v12;
	v12 =	vshll.u32 v16, $0x10  }
0x1c8: {  	v42 =	vld [tilespmem:s31+$0xFFFFFCF0];
	v16 =	vadd.s32 v7, v4;
	v4 =	vshll.u32 v18, $0x18;
	v18 =	vshll.u32 v20, $0x8  }
0x1c9: {  	v43 =	vld [tilespmem:s31+$0xFFFFFD50];
	v41 =	vor.u32 v5, v11;
	v14 =	vadd.s32 v14, v12;
	v5 =	vshll.u32 v19, $0x10  }
0x1ca: {  	v62 =	vld [tilespmem:s31+$0xFFFFFDF0];
	v12 =	vshll.u32 v21, $0x18;
	v19 =	vshll.u32 v22, $0x10;
	v22 =	vshll.u32 v23, $0x8  }
0x1cb: {  	v10 =	vld [tilespmem:s31+$0xFFFFFEA0];
	v21 =	vadd.s32 v4, v5;
	v19 =	vadd.s32 v12, v19;
	v4 =	vshll.u32 v24, $0x18  }
0x1cc: {  	v13 =	vld [tilespmem:s31+$0xFFFFFEE0];
	v5 =	vshll.u32 v25, $0x10;
	v6 =	vshll.u32 v6, $0x10;
	v8 =	vor.u32 v8, v14  }
0x1cd: {  	v7 =	vld [tilespmem:s31+$0xFFFFFEC0];
	v14 =	vadd.s32 v61, v17;
	v55 =	vadd.s32 v4, v5;
	v4 =	vshll.u32 v27, $0x18  }
0x1ce: {  	v12 =	vld [tilespmem:s31+$0xFFFFFC10];
	v5 =	vshll.u32 v28, $0x10;
	[tilespmem:s0+$0xFFFFFF8C] =	vst v8;
	v8 =	vadd.s32 v42, v18;
	v14 =	vor.u32 v14, v21  }
0x1cf: {  	v11 =	vld [tilespmem:s31+$0xFFFFFF00];
	v28 =	vadd.s32 v4, v5;
	v4 =	vshll.u32 v30, $0x18;
	v5 =	vshll.u32 v31, $0x10  }
0x1d0: {  	v20 =	vld [tilespmem:s31+$0xFFFFFF10];
	v31 =	vadd.s32 v4, v5;
	v4 =	vshll.u32 v33, $0x18;
	v5 =	vshll.u32 v34, $0x10  }
0x1d1: {  	v15 =	vld [tilespmem:s31+$0xFFFFFEB0];
	v33 =	vadd.s32 v4, v5;
	v4 =	vshll.u32 v36, $0x18;
	v5 =	vshll.u32 v37, $0x10  }
0x1d2: {  	v9 =	vld [tilespmem:s31+$0xFFFFFD70];
	v18 =	vadd.s32 v43, v22;
	v4 =	vadd.s32 v4, v5;
	v5 =	vshll.u32 v39, $0x18  }
0x1d3: {  	v23 =	vld [tilespmem:s31+$0xFFFFFF20];
	v5 =	vadd.s32 v5, v6;
	v6 =	vshll.u32 v10, $0x18;
	v10 =	vshll.u32 v13, $0x10  }
0x1d4: {  	v57 =	vld [tilespmem:s31+$0xFFFFFF40];
	v7 =	vshll.u32 v7, $0x18;
	v6 =	vadd.s32 v6, v10;
	v10 =	vshll.u32 v11, $0x10  }
0x1d5: {  	v13 =	vshll.u32 v20, $0x8;
	v20 =	vld [tilespmem:s31+$0xFFFFFDD0];
	v7 =	vadd.s32 v7, v10;
	v10 =	vshll.u32 v12, $0x8  }
0x1d6: {  	v60 =	vld [tilespmem:s31+$0xFFFFFF80];
	v21 =	vadd.s32 v62, v32;
	[tilespmem:s0+$0xFFFFFF9D] =	vst v14;
	v14 =	vor.u32 v8, v19;
	v34 =	vadd.s32 v58, v10  }
0x1d7: {  	v63 =	vld [tilespmem:s31+$0xFFFFFE50];
	[tilespmem:s0+$0xFFFFFFAD] =	vst v14;
	v14 =	vadd.s32 v9, v53;
	v12 =	vshll.u32 v15, $0x8;
	v15 =	vor.u32 v34, v16  }
0x1d8: {  	v8 =	vld [tilespmem:s31+$0xFFFFFE70];
	v23 =	vshll.u32 v23, $0x18;
	v14 =	vor.u32 v14, v28;
	[tilespmem:s0+$0xFFFFFF7C] =	vst v15;
	v15 =	vshll.u32 v54, $0x10  }
0x1d9: {  	[tilespmem:s0+$0x63] =	vst v41;
	v9 =	vld [tilespmem:s31+$0xFFFFFED0];
	v21 =	vor.u32 v21, v33;
	v17 =	vadd.s32 v23, v15;
	v15 =	vor.u32 v18, v55  }
0x1da: {  	v11 =	vshll.u32 v40, $0x8;
	v10 =	vshll.u32 v38, $0x8;
	v19 =	vadd.s32 v20, v29;
	[tilespmem:s0+$0xFFFFFFBE] =	vst v15;
	v15 =	vld [tilespmem:s31+$0xFFFFFEF0]  }
0x1db: {  	[tilespmem:s0+$0xFFFFFFCE] =	vst v14;
	v14 =	vld [tilespmem:s31+$0xFFFFFF50];
	v20 =	vshll.u32 v60, $0x10;
	v18 =	vshll.u32 v57, $0x18;
	v19 =	vor.u32 v19, v31  }
0x1dc: {  	s2 =	simm.s32 $0x150F0;
	s1 =	simm.s32 $0x0;
	v16 =	vshll.u32 v56, $0x8;
	v18 =	vadd.s32 v18, v20;
	[tilespmem:s0+$0xFFFFFFDF] =	vst v19;
	v20 =	vadd.s32 v63, v35;
	v19 =	vld [tilespmem:s31+$0xFFFFFF70]  }
.LBB2_7:
0x1dd: {  	v22 =	vld [tilespmem:s2+$0xFFFFFFB0];
	[tilespmem:s0+$0xFFFFFFEF] =	vst v21;
	v8 =	vadd.s32 v8, v10;
	v4 =	vor.u32 v20, v4  }
0x1de: {  	v10 =	vld [tilespmem:s2+$0xFFFFFFC0];
	[tilespmem:s0+$0x0] =	vst v4;
	v4 =	vor.u32 v8, v5;
	v5 =	vadd.s32 v9, v11  }
0x1df: {  	s1 =	sadd.s32 $0x8, s1;
	v8 =	vld [tilespmem:s2+$0x0];
	[tilespmem:s0+$0x10] =	vst v4;
	v4 =	vadd.s32 v15, v12;
	v5 =	vor.u32 v5, v6  }
0x1e0: {  	p2 =	slt.u32 s1, $0x38;
	v6 =	vld [tilespmem:s2+$0xFFFFFFF0];
	[tilespmem:s0+$0x21] =	vst v5;
	v4 =	vor.u32 v4, v7;
	v5 =	vadd.s32 v14, v13  }
0x1e1: {  	v7 =	vld [tilespmem:s2+$0xFFFFFC20];
	[tilespmem:s0+$0x31] =	vst v4;
	v4 =	vadd.s32 v19, v16;
	v5 =	vor.u32 v5, v17  }
0x1e2: {  	v9 =	vld [tilespmem:s2+$0xFFFFFC60];
	[tilespmem:s0+$0x42] =	vst v5;
	v4 =	vor.u32 v4, v18  }
0x1e3: {  	v5 =	vld [tilespmem:s2+$0xFFFFFC30];
	[tilespmem:s0+$0x52] =	vst v4  }
0x1e4: {  	v11 =	vshll.u32 v22, $0x8;
	v10 =	vshll.u32 v10, $0x18;
	v4 =	vld [tilespmem:s2+$0xFFFFFFD0];
	v8 =	vshll.u32 v8, $0x10  }
0x1e5: {  	v12 =	vld [tilespmem:s2+$0xFFFFFF90];
	v6 =	vadd.s32 v6, v11;
	v8 =	vadd.s32 v10, v8  }
0x1e6: {  	s0 =	sadd.s32 $0x108, s0;
	v7 =	vshll.u32 v7, $0x18;
	v10 =	vld [tilespmem:s2+$0xFFFFFFA0];
	v6 =	vor.u32 v6, v8  }
0x1e7: {  	s20 =	simm.s32 $0x0;
	v9 =	vshll.u32 v9, $0x10;
	v11 =	vld [tilespmem:s2+$0xFFFFFFE0];
	[tilespmem:s0+$0x73] =	vst v6  }
0x1e8: {  	v8 =	vshll.u32 v5, $0x8;
	v5 =	vld [tilespmem:s2+$0xFFFFFC40];
	v9 =	vadd.s32 v7, v9  }
0x1e9: {  	v6 =	vld [tilespmem:s2+$0xFFFFFC80]  }
0x1ea: {  	v7 =	vld [tilespmem:s2+$0xFFFFFC90];
	v12 =	vshll.u32 v12, $0x8  }
0x1eb: {  	v13 =	vld [tilespmem:s2+$0xFFFFFCA0];
	v4 =	vadd.s32 v4, v12;
	v10 =	vshll.u32 v10, $0x18  }
0x1ec: {  	v12 =	vld [tilespmem:s2+$0xFFFFFCE0];
	v11 =	vshll.u32 v11, $0x10  }
0x1ed: {  	v5 =	vshll.u32 v5, $0x18;
	v16 =	vld [tilespmem:s2+$0xFFFFFCB0];
	v10 =	vadd.s32 v10, v11  }
0x1ee: {  	v6 =	vshll.u32 v6, $0x10;
	v11 =	vld [tilespmem:s2+$0xFFFFFCC0];
	v4 =	vor.u32 v4, v10  }
0x1ef: {  	v14 =	vadd.s32 v5, v6;
	v15 =	vshll.u32 v7, $0x8;
	v5 =	vld [tilespmem:s2+$0xFFFFFD00];
	[tilespmem:s0+$0x63] =	vst v4  }
0x1f0: {  	v4 =	vshll.u32 v13, $0x18;
	v6 =	vld [tilespmem:s2+$0xFFFFFD10]  }
0x1f1: {  	v7 =	vshll.u32 v12, $0x10;
	v10 =	vld [tilespmem:s2+$0xFFFFFD20]  }
0x1f2: {  	v19 =	vshll.u32 v16, $0x8;
	v20 =	vadd.s32 v4, v7;
	v4 =	vld [tilespmem:s2+$0xFFFFFD60]  }
0x1f3: {  	v7 =	vshll.u32 v11, $0x18;
	v11 =	vld [tilespmem:s2+$0xFFFFFD30]  }
0x1f4: {  	v5 =	vshll.u32 v5, $0x10;
	v12 =	vld [tilespmem:s2+$0xFFFFFD40]  }
0x1f5: {  	v21 =	vadd.s32 v7, v5;
	v22 =	vshll.u32 v6, $0x8;
	v5 =	vld [tilespmem:s2+$0xFFFFFD80]  }
0x1f6: {  	v6 =	vshll.u32 v10, $0x18;
	v7 =	vld [tilespmem:s2+$0xFFFFFD90]  }
0x1f7: {  	v4 =	vshll.u32 v4, $0x10;
	v10 =	vld [tilespmem:s2+$0xFFFFFDA0]  }
0x1f8: {  	v23 =	vshll.u32 v11, $0x8;
	v24 =	vadd.s32 v6, v4;
	v4 =	vld [tilespmem:s2+$0xFFFFFDE0]  }
0x1f9: {  	v6 =	vshll.u32 v12, $0x18;
	v11 =	vld [tilespmem:s2+$0xFFFFFDB0]  }
0x1fa: {  	v5 =	vshll.u32 v5, $0x10;
	v12 =	vld [tilespmem:s2+$0xFFFFFDC0]  }
0x1fb: {  	v25 =	vadd.s32 v6, v5;
	v26 =	vshll.u32 v7, $0x8;
	v5 =	vld [tilespmem:s2+$0xFFFFFE00]  }
0x1fc: {  	v6 =	vshll.u32 v10, $0x18;
	v7 =	vld [tilespmem:s2+$0xFFFFFE10]  }
0x1fd: {  	v4 =	vshll.u32 v4, $0x10;
	v10 =	vld [tilespmem:s2+$0xFFFFFE20]  }
0x1fe: {  	v27 =	vshll.u32 v11, $0x8;
	v28 =	vadd.s32 v6, v4;
	v4 =	vld [tilespmem:s2+$0xFFFFFE60]  }
0x1ff: {  	v6 =	vshll.u32 v12, $0x18;
	v11 =	vld [tilespmem:s2+$0xFFFFFE30]  }
0x200: {  	v5 =	vshll.u32 v5, $0x10;
	v12 =	vld [tilespmem:s2+$0xFFFFFE40]  }
0x201: {  	v29 =	vadd.s32 v6, v5;
	v30 =	vshll.u32 v7, $0x8;
	v5 =	vld [tilespmem:s2+$0xFFFFFE80]  }
0x202: {  	v6 =	vshll.u32 v10, $0x18;
	v7 =	vld [tilespmem:s2+$0xFFFFFE90]  }
0x203: {  	v4 =	vshll.u32 v4, $0x10;
	v13 =	vld [tilespmem:s2+$0xFFFFFEA0]  }
0x204: {  	v10 =	vshll.u32 v11, $0x8;
	v4 =	vadd.s32 v6, v4;
	v6 =	vld [tilespmem:s2+$0xFFFFFEE0]  }
0x205: {  	v11 =	vshll.u32 v12, $0x18;
	v12 =	vld [tilespmem:s2+$0xFFFFFEB0]  }
0x206: {  	v5 =	vshll.u32 v5, $0x10;
	v16 =	vld [tilespmem:s2+$0xFFFFFEC0]  }
0x207: {  	v5 =	vadd.s32 v11, v5;
	v11 =	vshll.u32 v7, $0x8;
	v7 =	vld [tilespmem:s2+$0xFFFFFF00]  }
0x208: {  	v13 =	vshll.u32 v13, $0x18;
	v17 =	vld [tilespmem:s2+$0xFFFFFF10]  }
0x209: {  	v6 =	vshll.u32 v6, $0x10;
	v18 =	vld [tilespmem:s2+$0xFFFFFF20]  }
0x20a: {  	v12 =	vshll.u32 v12, $0x8;
	v6 =	vadd.s32 v13, v6;
	v31 =	vld [tilespmem:s2+$0xFFFFFF60]  }
0x20b: {  	v13 =	vshll.u32 v16, $0x18;
	v16 =	vld [tilespmem:s2+$0xFFFFFF30]  }
0x20c: {  	v7 =	vshll.u32 v7, $0x10;
	v32 =	vld [tilespmem:s2+$0xFFFFFF40]  }
0x20d: {  	v7 =	vadd.s32 v13, v7;
	v13 =	vshll.u32 v17, $0x8;
	v33 =	vld [tilespmem:s2+$0xFFFFFF80]  }
0x20e: {  	v34 =	vld [tilespmem:s2+$0xFFFFFC10];
	v17 =	vshll.u32 v18, $0x18  }
0x20f: {  	v35 =	vld [tilespmem:s2+$0xFFFFFC50];
	v18 =	vshll.u32 v31, $0x10  }
0x210: {  	v31 =	vld [tilespmem:s2+$0xFFFFFC70];
	v16 =	vshll.u32 v16, $0x8;
	v17 =	vadd.s32 v17, v18  }
0x211: {  	v36 =	vld [tilespmem:s2+$0xFFFFFCD0];
	v18 =	vshll.u32 v32, $0x18  }
0x212: {  	v32 =	vld [tilespmem:s2+$0xFFFFFCF0];
	v33 =	vshll.u32 v33, $0x10  }
0x213: {  	v34 =	vshll.u32 v34, $0x8;
	v37 =	vld [tilespmem:s2+$0xFFFFFD50];
	v18 =	vadd.s32 v18, v33  }
0x214: {  	v33 =	vadd.s32 v35, v34;
	v34 =	vld [tilespmem:s2+$0xFFFFFD70]  }
0x215: {  	v8 =	vadd.s32 v31, v8;
	v9 =	vor.u32 v33, v9;
	v31 =	vld [tilespmem:s2+$0xFFFFFDD0]  }
0x216: {  	[tilespmem:s0+$0xFFFFFF7C] =	vst v9;
	v8 =	vor.u32 v8, v14;
	v9 =	vadd.s32 v36, v15;
	v14 =	vld [tilespmem:s2+$0xFFFFFDF0]  }
0x217: {  	[tilespmem:s0+$0xFFFFFF8C] =	vst v8;
	v8 =	vadd.s32 v32, v19;
	v9 =	vor.u32 v9, v20;
	v19 =	vld [tilespmem:s2+$0xFFFFFE50]  }
.Ltmp2:
0x218: {  	[tilespmem:s0+$0xFFFFFF9D] =	vst v9;
	v9 =	vor.u32 v8, v21;
	v15 =	vadd.s32 v37, v22;
	v8 =	vld [tilespmem:s2+$0xFFFFFE70];
	(pc) =	sbr.rel @p2 .LBB2_7-.Ltmp2, $4  }
0x219: {  	[tilespmem:s0+$0xFFFFFFAD] =	vst v9;
	v20 =	vadd.s32 v34, v23;
	v15 =	vor.u32 v15, v24;
	v9 =	vld [tilespmem:s2+$0xFFFFFED0]  }
0x21a: {  	[tilespmem:s0+$0xFFFFFFBE] =	vst v15;
	v20 =	vor.u32 v20, v25;
	v21 =	vadd.s32 v31, v26;
	v15 =	vld [tilespmem:s2+$0xFFFFFEF0]  }
0x21b: {  	[tilespmem:s0+$0xFFFFFFCE] =	vst v20;
	v20 =	vadd.s32 v14, v27;
	v21 =	vor.u32 v21, v28;
	v14 =	vld [tilespmem:s2+$0xFFFFFF50]  }
0x21c: {  	[tilespmem:s0+$0xFFFFFFDF] =	vst v21;
	v21 =	vor.u32 v20, v29;
	v20 =	vadd.s32 v19, v30;
	v19 =	vld [tilespmem:s2+$0xFFFFFF70];
	s2 =	sadd.s32 $0x400, s2  }
0x21d: {  	[tilespmem:s0+$0xFFFFFFEF] =	vst v21;
	v8 =	vadd.s32 v8, v10;
	v4 =	vor.u32 v20, v4  }
0x21e: {  	s7 =	simm.s32 $0x3;
	[tilespmem:s0+$0x0] =	vst v4;
	v4 =	vor.u32 v8, v5;
	v5 =	vadd.s32 v9, v11  }
0x21f: {  	[tilespmem:s0+$0x10] =	vst v4;
	v4 =	vadd.s32 v15, v12;
	v5 =	vor.u32 v5, v6;
	v6 =	vadd.s32 s7, v0  }
0x220: {  	[tilespmem:s0+$0x21] =	vst v5;
	v4 =	vor.u32 v4, v7;
	v5 =	vadd.s32 v14, v13  }
0x221: {  	[tilespmem:s0+$0x31] =	vst v4;
	v4 =	vadd.s32 v19, v16;
	v5 =	vor.u32 v5, v17  }
0x222: {  	s3 =	simm.s32 $0x1;
	[tilespmem:s0+$0x42] =	vst v5;
	v4 =	vor.u32 v4, v18  }
0x223: {  	s4 =	simm.s32 $0x2;
	[tilespmem:s0+$0x52] =	vst v4;
	v4 =	vadd.s32 s3, v0  }
0x224: {  	v5 =	vld.idx.msk [tilespmem:v6+s30+$0x0], $0xffff;
	v6 =	vadd.s32 s4, v0;
	_ =	sdelay $0x3  }
0x225: {  	v7 =	vadd.s32 s20, v0;
	v4 =	vld.idx.msk [tilespmem:v4+s30+$0x0], $0xffff  }
0x226: {  	v8 =	vand.u32 $0xFFFF, v5;
	v6 =	vld.idx.msk [tilespmem:v6+s30+$0x0], $0xffff;
	_ =	sdelay $0x1  }
0x227: {  	s5 =	simm.s32 $0x0  }
0x228: {  	s1 =	sand.u32 $0x7FFFF0, s20;
	s2 =	simm.s32 $0x0;
	s6 =	simm.s32 $0x180  }
0x229: {  	s1 =	sadd.s32 $0x0, s1;
	s2 =	sand.u32 $0x1, s2;
	s0 =	sand.u32 $0xFFFFF800, s5;
	v7 =	vld.idx.msk [tilespmem:v7+s30+$0x0], $0xffff;
	v9 =	vand.u32 $0xFFFF, v4  }
0x22a: {  	p2 =	seq.s32 s2, $0x1;
	s1 =	sshrl.u32 s1, $0x3;
	s0 =	sadd.s32 $0x0, s0;
	v8 =	vld.idx.msk [tilespmem:v8+s14+$0x0], $0xffff;
	v10 =	vand.u32 $0xFFFF, v6  }
0x22b: {  	s4 =	sand.u32 $0x380, s6;
	s6 =	simm.s32 $0x80;
	s3 =	sadd.s32 $0x180, s0;
	v5 =	vshrl.u32 v5, $0x10  }
0x22c: {  	p3 =	seq.s32 s0, $0x0;
	s9 =	sadd.s32 $0x80, s0;
	s8 =	sand.u32 $0x1C00, s3  }
0x22d: {  	s10 =	sadd.s32 $0x100, s0;
	s6 =	sand.u32 $0x280, s6;
	s2 =	sor.u32 s4, s8  }
0x22e: {  	s11 =	sadd.s32 $0x980, s0;
	p2 =	por !p2, !p3;
	s13 =	sadd.s32 $0x1B140, s2;
	v11 =	vand.u32 $0xFFFF, v7;
	v9 =	vld.idx.msk [tilespmem:v9+s14+$0x0], $0xffff  }
0x22f: {  	s3 =	simm.s32 $0x1;
	s9 =	sand.u32 $0x1C00, s9;
	p2 =	por !p2, !p2;
	v4 =	vshrl.u32 v4, $0x10;
	[tilespmem:s13+$0x40] =	vst v8;
	v8 =	vld.idx.msk [tilespmem:v10+s14+$0x0], $0xffff  }
0x230: {  	s10 =	sand.u32 $0x1C00, s10;
	s8 =	simm.s32 $0x100;
	s3 =	simm.s32 @!p2 $0x0;
	v6 =	vshrl.u32 v6, $0x10;
	v5 =	vld.idx.msk [tilespmem:v5+s14+$0x0], $0xffff  }
0x231: {  	s8 =	sand.u32 $0x300, s8;
	s1 =	ssub.s32 s1, s3;
	s3 =	sor.u32 s6, s9;
	v10 =	vadd.s32 s7, v1  }
0x232: {  	s9 =	sand.u32 $0x3C00, s11;
	s15 =	sor.u32 s8, s10;
	s21 =	sadd.s32 $0x1B140, s3  }
0x233: {  	s12 =	sor.u32 s4, s9;
	s24 =	sadd.s32 $0x1B140, s15;
	v11 =	vld.idx.msk [tilespmem:v11+s14+$0x0], $0xffff;
	[tilespmem:s21+$0x40] =	vst v9  }
0x234: {  	s1 =	sshll.u32 s1, $0xC;
	v7 =	vshrl.u32 v7, $0x10;
	s11 =	sadd.s32 $0x1B140, s12;
	v4 =	vld.idx.msk [tilespmem:v4+s14+$0x0], $0xffff;
	[tilespmem:s24+$0x40] =	vst v8  }
0x235: {  	s16 =	sand.u32 $0x200, s20;
	s15 =	simm.s32 $0x1;
	s1 =	sshra.s32 s1, $0x2;
	[tilespmem:s11+$0x40] =	vst v5;
	v6 =	vld.idx.msk [tilespmem:v6+s14+$0x0], $0xffff  }
0x236: {  	s17 =	sadd.s32 $0x880, s0;
	s12 =	simm.s32 $0x2;
	s1 =	sor.u32 s16, s1;
	v5 =	vadd.s32 s15, v1;
	v8 =	vld.idx.msk [tilespmem:v10+s30+$0x0], $0xffff  }
0x237: {  	s19 =	sadd.s32 $0x900, s0;
	s18 =	sand.u32 $0x3C00, s17;
	s2 =	sadd.s32 $0x1B140, s1;
	v9 =	vadd.s32 s12, v1  }
0x238: {  	s22 =	sand.u32 $0x3C00, s19;
	s1 =	sor.u32 s6, s18;
	[tilespmem:s2+$0x40] =	vst v11  }
0x239: {  	s25 =	sor.u32 s8, s22;
	s23 =	sadd.s32 $0x1B140, s1;
	v7 =	vld.idx.msk [tilespmem:v7+s14+$0x0], $0xffff  }
0x23a: {  	s0 =	sadd.s32 $0x800, s0;
	s5 =	sadd.s32 $0x1B140, s25;
	v10 =	vadd.s32 s20, v1;
	[tilespmem:s23+$0x40] =	vst v4  }
0x23b: {  	s0 =	sand.u32 $0x3C00, s0;
	v4 =	vld.idx.msk [tilespmem:v5+s30+$0x0], $0xffff;
	[tilespmem:s5+$0x40] =	vst v6;
	v5 =	vand.u32 $0xFFFF, v8  }
0x23c: {  	s0 =	sor.u32 s16, s0;
	v6 =	vld.idx.msk [tilespmem:v9+s30+$0x0], $0xffff  }
0x23d: {  	s1 =	sadd.s32 $0x1B140, s0  }
0x23e: {  	s28 =	simm.s32 $0x4;
	[tilespmem:s1+$0x40] =	vst v7  }
0x23f: {  	v7 =	vadd.s32 s28, v0;
	v9 =	vld.idx.msk [tilespmem:v10+s30+$0x0], $0xffff  }
0x240: {  	v10 =	vand.u32 $0xFFFF, v4;
	v5 =	vld.idx.msk [tilespmem:v5+s14+$0x0], $0xffff  }
0x241: {  	v11 =	vand.u32 $0xFFFF, v6  }
0x242: {  	s10 =	simm.s32 $0x5;
	v8 =	vshrl.u32 v8, $0x10  }
0x243: {  	v12 =	vadd.s32 s10, v0  }
0x244: {  	s4 =	simm.s32 $0x7;
	v7 =	vld.idx.msk [tilespmem:v7+s30+$0x0], $0xffff;
	v13 =	vand.u32 $0xFFFF, v9  }
0x245: {  	v10 =	vld.idx.msk [tilespmem:v10+s14+$0x0], $0xffff;
	[tilespmem:s13+$0x50] =	vst v5;
	v5 =	vadd.s32 s4, v0  }
0x246: {  	v4 =	vshrl.u32 v4, $0x10;
	v11 =	vld.idx.msk [tilespmem:v11+s14+$0x0], $0xffff  }
0x247: {  	v6 =	vshrl.u32 v6, $0x10;
	v8 =	vld.idx.msk [tilespmem:v8+s14+$0x0], $0xffff  }
0x248: {  	v14 =	vadd.s32 s7, v2;
	v12 =	vld.idx.msk [tilespmem:v12+s30+$0x0], $0xffff  }
0x249: {  	v13 =	vld.idx.msk [tilespmem:v13+s14+$0x0], $0xffff  }
0x24a: {  	s29 =	simm.s32 $0x6;
	v9 =	vshrl.u32 v9, $0x10;
	[tilespmem:s21+$0x50] =	vst v10;
	v5 =	vld.idx.msk [tilespmem:v5+s30+$0x0], $0xffff  }
0x24b: {  	s26 =	sand.u32 $0x7FFFF0, s28;
	v15 =	vadd.s32 s29, v0;
	s6 =	simm.s32 $0x200;
	v4 =	vld.idx.msk [tilespmem:v4+s14+$0x0], $0xffff;
	[tilespmem:s24+$0x50] =	vst v11  }
0x24c: {  	s31 =	simm.s32 $0x1;
	s9 =	sadd.s32 $0x4, s26;
	s16 =	sand.u32 $0xFFFFF800, s6;
	v16 =	vand.u32 $0xFFFF, v7;
	[tilespmem:s11+$0x50] =	vst v8;
	v6 =	vld.idx.msk [tilespmem:v6+s14+$0x0], $0xffff  }
0x24d: {  	s3 =	sand.u32 $0x1, s31;
	s8 =	sshrl.u32 s9, $0x3;
	s9 =	sadd.s32 $0x200, s16;
	v10 =	vadd.s32 s15, v2;
	v8 =	vld.idx.msk [tilespmem:v14+s30+$0x0], $0xffff  }
0x24e: {  	p5 =	seq.s32 s3, $0x1;
	p6 =	seq.s32 s9, $0x0;
	[tilespmem:s2+$0x50] =	vst v13;
	v13 =	vand.u32 $0xFFFF, v12  }
0x24f: {  	s17 =	simm.s32 $0x380;
	p2 =	por !p5, !p6;
	v11 =	vadd.s32 s12, v2;
	v9 =	vld.idx.msk [tilespmem:v9+s14+$0x0], $0xffff  }
0x250: {  	s3 =	sand.u32 $0x380, s17;
	s17 =	simm.s32 $0x1;
	p2 =	por !p2, !p2;
	v14 =	vld.idx.msk [tilespmem:v15+s30+$0x0], $0xffff;
	v15 =	vand.u32 $0xFFFF, v5;
	[tilespmem:s23+$0x50] =	vst v4  }
0x251: {  	s17 =	simm.s32 @!p2 $0x0;
	v16 =	vld.idx.msk [tilespmem:v16+s14+$0x0], $0xffff;
	[tilespmem:s5+$0x50] =	vst v6;
	v6 =	vadd.s32 s20, v2  }
0x252: {  	s15 =	ssub.s32 s8, s17;
	v10 =	vld.idx.msk [tilespmem:v10+s30+$0x0], $0xffff;
	v4 =	vand.u32 $0xFFFF, v8  }
0x253: {  	s22 =	simm.s32 $0x200;
	s16 =	simm.s32 $0x280;
	v7 =	vshrl.u32 v7, $0x10;
	s15 =	sshll.u32 s15, $0xC;
	v13 =	vld.idx.msk [tilespmem:v13+s14+$0x0], $0xffff  }
0x254: {  	v20 =	vadd.s32 s7, v3;
	s25 =	sadd.s32 $0x80, s9;
	s7 =	sand.u32 $0x200, s22;
	v12 =	vshrl.u32 v12, $0x10;
	s15 =	sshra.s32 s15, $0x2;
	v11 =	vld.idx.msk [tilespmem:v11+s30+$0x0], $0xffff  }
0x255: {  	s16 =	sand.u32 $0x280, s16;
	s17 =	sand.u32 $0x1C00, s25;
	s15 =	sor.u32 s7, s15;
	[tilespmem:s1+$0x50] =	vst v9;
	v17 =	vand.u32 $0xFFFF, v14;
	v15 =	vld.idx.msk [tilespmem:v15+s14+$0x0], $0xffff  }
0x256: {  	s18 =	sadd.s32 $0x180, s9;
	s17 =	sor.u32 s16, s17;
	s6 =	sadd.s32 $0x1B140, s15;
	v5 =	vshrl.u32 v5, $0x10;
	v6 =	vld.idx.msk [tilespmem:v6+s30+$0x0], $0xffff  }
0x257: {  	s31 =	simm.s32 $0x2900;
	s12 =	sand.u32 $0x1C00, s18;
	s25 =	sadd.s32 $0x1B140, s17;
	[tilespmem:s6+$0x40] =	vst v16;
	v18 =	vand.u32 $0xFFFF, v10;
	v4 =	vld.idx.msk [tilespmem:v4+s14+$0x0], $0xffff  }
0x258: {  	s12 =	sor.u32 s3, s12;
	v7 =	vld.idx.msk [tilespmem:v7+s31+$0x0], $0xffff;
	v8 =	vshrl.u32 v8, $0x10;
	[tilespmem:s25+$0x40] =	vst v13  }
0x259: {  	s0 =	smov.u32 s11;
	s11 =	simm.s32 $0x8;
	v12 =	vld.idx.msk [tilespmem:v12+s31+$0x0], $0xffff;
	s14 =	sadd.s32 $0x1B140, s12;
	v9 =	vand.u32 $0xFFFF, v11  }
0x25a: {  	s19 =	sadd.s32 $0x980, s9;
	v19 =	vadd.s32 s11, v0;
	v17 =	vld.idx.msk [tilespmem:v17+s31+$0x0], $0xffff;
	[tilespmem:s14+$0x40] =	vst v15  }
0x25b: {  	s26 =	sadd.s32 $0x100, s9;
	s18 =	simm.s32 $0x300;
	v14 =	vshrl.u32 v14, $0x10;
	s12 =	sand.u32 $0x3C00, s19;
	v5 =	vld.idx.msk [tilespmem:v5+s31+$0x0], $0xffff  }
0x25c: {  	s18 =	sand.u32 $0x300, s18;
	s12 =	sor.u32 s3, s12;
	s3 =	sand.u32 $0x1C00, s26;
	v15 =	vld.idx.msk [tilespmem:v18+s31+$0x0], $0xffff;
	v13 =	vand.u32 $0xFFFF, v6;
	[tilespmem:s13+$0x60] =	vst v4  }
0x25d: {  	s3 =	sor.u32 s18, s3;
	v18 =	vadd.s32 s4, v1;
	v8 =	vld.idx.msk [tilespmem:v8+s31+$0x0], $0xffff  }
0x25e: {  	s8 =	sadd.s32 $0x1B140, s3;
	v9 =	vld.idx.msk [tilespmem:v9+s31+$0x0], $0xffff  }
0x25f: {  	s26 =	sadd.s32 $0x900, s9;
	s17 =	sadd.s32 $0x1B140, s12;
	v4 =	vld.idx.msk [tilespmem:v19+s30+$0x0], $0xffff;
	[tilespmem:s8+$0x40] =	vst v17  }
0x260: {  	v10 =	vshrl.u32 v10, $0x10;
	s26 =	sand.u32 $0x3C00, s26;
	s3 =	smov.u32 s2;
	v14 =	vld.idx.msk [tilespmem:v14+s31+$0x0], $0xffff;
	[tilespmem:s17+$0x40] =	vst v5;
	v5 =	vadd.s32 s10, v1;
	s10 =	sadd.s32 $0x880, s9  }
0x261: {  	s2 =	sadd.s32 $0x800, s9;
	s9 =	smov.u32 s21;
	[tilespmem:s21+$0x60] =	vst v15;
	v13 =	vld.idx.msk [tilespmem:v13+s31+$0x0], $0xffff;
	s12 =	sand.u32 $0x3C00, s10  }
0x262: {  	v17 =	vadd.s32 s29, v1;
	s21 =	simm.s32 $0x9;
	v16 =	vld.idx.msk [tilespmem:v18+s30+$0x0], $0xffff;
	[tilespmem:s0+$0x60] =	vst v8;
	s12 =	sor.u32 s16, s12;
	s16 =	simm.s32 $0x9  }
0x263: {  	s26 =	sor.u32 s18, s26;
	v15 =	vadd.s32 s21, v0;
	v20 =	vld.idx.msk [tilespmem:v20+s30+$0x0], $0xffff;
	s4 =	sadd.s32 $0x1B140, s12;
	[dreg:$0xa] =	wrdreg s16  }
0x264: {  	s26 =	sadd.s32 $0x1B140, s26;
	v8 =	vshrl.u32 v11, $0x10;
	[tilespmem:s4+$0x40] =	vst v12  }
0x265: {  	v11 =	vadd.s32 s28, v1;
	v10 =	vld.idx.msk [tilespmem:v10+s31+$0x0], $0xffff;
	[tilespmem:s26+$0x40] =	vst v14  }
0x266: {  	s18 =	sand.u32 $0x3C00, s2;
	v12 =	vshrl.u32 v6, $0x10;
	v18 =	vld.idx.msk [tilespmem:v5+s30+$0x0], $0xffff;
	[dreg:$0xc] =	wrdreg s24  }
0x267: {  	s7 =	sor.u32 s7, s18;
	[tilespmem:s24+$0x60] =	vst v9;
	v9 =	vld.idx.msk [tilespmem:v17+s30+$0x0], $0xffff  }
0x268: {  	s18 =	simm.s32 $0x1;
	s16 =	sadd.s32 $0x1B140, s7;
	v5 =	vand.u32 $0xFFFF, v16;
	v6 =	vld.idx.msk [tilespmem:v15+s30+$0x0], $0xffff  }
0x269: {  	[tilespmem:s16+$0x40] =	vst v7;
	v7 =	vadd.s32 s18, v3;
	s24 =	simm.s32 $0xA;
	v14 =	vld.idx.msk [tilespmem:v8+s31+$0x0], $0xffff  }
0x26a: {  	[tilespmem:s3+$0x60] =	vst v13;
	v17 =	vld.idx.msk [tilespmem:v11+s30+$0x0], $0xffff;
	v15 =	vadd.s32 s24, v0  }
0x26b: {  	s21 =	smov.u32 s26;
	s26 =	simm.s32 $0x2;
	v11 =	vand.u32 $0xFFFF, v20;
	v21 =	vld.idx.msk [tilespmem:v12+s31+$0x0], $0xffff;
	[dreg:$0x8] =	wrdreg s23  }
0x26c: {  	v13 =	vadd.s32 s26, v3;
	[tilespmem:s23+$0x60] =	vst v10;
	s23 =	smov.u32 s14;
	s14 =	simm.s32 $0x2900  }
0x26d: {  	v10 =	vand.u32 $0xFFFF, v18;
	v22 =	vld.idx.msk [tilespmem:v5+s14+$0x0], $0xffff  }
0x26e: {  	v23 =	vand.u32 $0xFFFF, v9;
	v8 =	vld.idx.msk [tilespmem:v7+s30+$0x0], $0xffff;
	[dreg:$0x6] =	wrdreg s5  }
0x26f: {  	v12 =	vshrl.u32 v9, $0x10;
	v9 =	vld.idx.msk [tilespmem:v15+s30+$0x0], $0xffff  }
0x270: {  	[tilespmem:s5+$0x60] =	vst v14;
	v7 =	vld.idx.msk [tilespmem:v11+s14+$0x0], $0xffff  }
0x271: {  	s15 =	simm.s32 $0x7;
	s19 =	smov.u32 s13;
	v19 =	vshrl.u32 v16, $0x10;
	v5 =	vld.idx.msk [tilespmem:v13+s30+$0x0], $0xffff  }
0x272: {  	s13 =	smov.u32 s6;
	s6 =	simm.s32 $0x5;
	s10 =	smov.u32 s4;
	v16 =	vand.u32 $0xFFFF, v4;
	v13 =	vshrl.u32 v18, $0x10;
	v11 =	vshrl.u32 v17, $0x10;
	[tilespmem:s1+$0x60] =	vst v21;
	v14 =	vld.idx.msk [tilespmem:v10+s14+$0x0], $0xffff  }
0x273: {  	s4 =	simm.s32 $0xB;
	s26 =	simm.s32 $0xA;
	s5 =	simm.s32 $0xC;
	v18 =	vand.u32 $0xFFFF, v17;
	v17 =	vshrl.u32 v20, $0x10;
	v10 =	vadd.s32 s20, v3;
	v15 =	vld.idx.msk [tilespmem:v23+s14+$0x0], $0xffff;
	[tilespmem:s23+$0x50] =	vst v22  }
.LBB2_9:
0x274: {  	_ =	sdelay $0x2  }
0x275: {  	v20 =	vadd.s32 s4, v0;
	v19 =	vld.idx.msk [tilespmem:v19+s14+$0x0], $0xffff  }
0x276: {  	v18 =	vld.idx.msk [tilespmem:v18+s14+$0x0], $0xffff  }
0x277: {  	v10 =	vld.idx.msk [tilespmem:v10+s30+$0x0], $0xffff  }
0x278: {  	[tilespmem:s19+$0x70] =	vst v7;
	v22 =	vshrl.u32 v5, $0x10;
	v23 =	vand.u32 $0xFFFF, v5;
	v5 =	vld.idx.msk [tilespmem:v16+s14+$0x0], $0xffff  }
0x279: {  	v7 =	vadd.s32 s15, v2;
	v17 =	vld.idx.msk [tilespmem:v17+s14+$0x0], $0xffff  }
0x27a: {  	v21 =	vshrl.u32 v8, $0x10;
	v8 =	vand.u32 $0xFFFF, v8;
	[tilespmem:s25+$0x50] =	vst v14;
	v14 =	vld.idx.msk [tilespmem:v20+s30+$0x0], $0xffff  }
0x27b: {  	[tilespmem:s8+$0x50] =	vst v15;
	v13 =	vld.idx.msk [tilespmem:v13+s14+$0x0], $0xffff  }
0x27c: {  	v15 =	vand.u32 $0xFFFF, v6;
	[tilespmem:s13+$0x50] =	vst v18;
	v12 =	vld.idx.msk [tilespmem:v12+s14+$0x0], $0xffff  }
0x27d: {  	[dreg:$0x16] =	wrdreg s29;
	v16 =	vadd.s32 s6, v2;
	[tilespmem:s17+$0x50] =	vst v19;
	v11 =	vld.idx.msk [tilespmem:v11+s14+$0x0], $0xffff  }
0x27e: {  	[dreg:$0x10] =	wrdreg s1;
	v7 =	vld.idx.msk [tilespmem:v7+s30+$0x0], $0xffff  }
0x27f: {  	[dreg:$0xe] =	wrdreg s28;
	s31 =	smov.u32 s23;
	s24 =	smov.u32 s13;
	v8 =	vld.idx.msk [tilespmem:v8+s14+$0x0], $0xffff;
	[tilespmem:s0+$0x70] =	vst v17;
	v17 =	vshrl.u32 v10, $0x10;
	v10 =	vand.u32 $0xFFFF, v10  }
0x280: {  	s12 =	smov.u32 s6;
	s1 =	smov.u32 s17;
	s2 =	smov.u32 s10;
	v18 =	vadd.s32 s29, v2;
	v20 =	vld.idx.msk [tilespmem:v23+s14+$0x0], $0xffff  }
0x281: {  	s7 =	sand.u32 $0x7FFFF0, s11;
	s23 =	smov.u32 s15;
	s22 =	sadd.s32 $0x200, s22;
	v15 =	vld.idx.msk [tilespmem:v15+s14+$0x0], $0xffff;
	v19 =	vand.u32 $0xFFFF, v14;
	[tilespmem:s10+$0x50] =	vst v13  }
0x282: {  	s18 =	sshll.u32 s11, $0x7;
	s7 =	sadd.s32 s7, s11;
	s20 =	sadd.s32 $0x180, s22;
	v13 =	vld.idx.msk [tilespmem:v16+s30+$0x0], $0xffff  }
0x283: {  	v58 =	vadd.s32 s28, v2;
	s28 =	sshrl.u32 s7, $0x3;
	s15 =	smov.u32 s21;
	s6 =	sand.u32 $0xFFFFF800, s18  }
0x284: {  	s19 =	rddreg [dreg:$0xc];
	s7 =	sadd.s32 s6, s22;
	s13 =	sand.u32 $0x380, s20;
	[tilespmem:s21+$0x50] =	vst v12;
	v16 =	vand.u32 $0xFFFF, v7;
	v10 =	vld.idx.msk [tilespmem:v10+s14+$0x0], $0xffff  }
0x285: {  	s20 =	simm.s32 $0x2900;
	s6 =	rddreg [dreg:$0x8];
	s0 =	sshrl.u32 s11, $0x2;
	[tilespmem:s16+$0x50] =	vst v11;
	v11 =	vld.idx.msk [tilespmem:v18+s30+$0x0], $0xffff  }
0x286: {  	p4 =	seq.s32 s7, $0x0;
	s29 =	sadd.s32 $0x100, s7;
	s17 =	sand.u32 $0x1, s0;
	[tilespmem:s9+$0x70] =	vst v8;
	v8 =	vand.u32 $0xFFFF, v9;
	v12 =	vld.idx.msk [tilespmem:v19+s14+$0x0], $0xffff  }
0x287: {  	s10 =	sadd.s32 $0x100, s22;
	s21 =	sadd.s32 $0x180, s7;
	p3 =	seq.s32 s17, $0x1;
	[tilespmem:s19+$0x70] =	vst v20;
	v20 =	vld.idx.msk [tilespmem:v21+s14+$0x0], $0xffff;
	v19 =	vshrl.u32 v13, $0x10;
	v13 =	vand.u32 $0xFFFF, v13  }
0x288: {  	s0 =	sadd.s32 $0x80, s7;
	s18 =	sand.u32 $0x300, s10;
	p3 =	por !p3, !p4;
	v18 =	vld.idx.msk [tilespmem:v58+s30+$0x0], $0xffff  }
0x289: {  	v14 =	vshrl.u32 v14, $0x10;
	s9 =	sadd.s32 $0x80, s22;
	p3 =	por !p3, !p3;
	s19 =	sand.u32 $0x1C00, s21;
	v16 =	vld.idx.msk [tilespmem:v16+s14+$0x0], $0xffff  }
0x28a: {  	s21 =	sand.u32 $0x1C00, s0;
	s0 =	simm.s32 $0x1A900;
	s19 =	sor.u32 s13, s19;
	[tilespmem:s3+$0x70] =	vst v10;
	v10 =	vld.idx.msk [tilespmem:v22+s14+$0x0], $0xffff;
	v59 =	vshrl.u32 v11, $0x10;
	v11 =	vand.u32 $0xFFFF, v11  }
0x28b: {  	v7 =	vshrl.u32 v7, $0x10;
	v8 =	vld.idx.msk [tilespmem:v8+s20+$0x0], $0xffff;
	s3 =	smov.u32 s4;
	s4 =	simm.s32 $0x1;
	s14 =	sadd.s32 $0x1B140, s19  }
0x28c: {  	v6 =	vshrl.u32 v6, $0x10;
	s30 =	sand.u32 $0x200, s22;
	s19 =	smov.u32 s31;
	s4 =	simm.s32 @!p3 $0x0;
	[tilespmem:s14+$0x40] =	vst v12;
	v13 =	vld.idx.msk [tilespmem:v13+s20+$0x0], $0xffff  }
0x28d: {  	v60 =	vadd.s32 s5, v0;
	v17 =	vld.idx.msk [tilespmem:v17+s20+$0x0], $0xffff;
	[tilespmem:s6+$0x70] =	vst v20;
	s4 =	ssub.s32 s28, s4;
	s28 =	sand.u32 $0x1C00, s29;
	s29 =	sand.u32 $0x280, s9  }
0x28e: {  	v9 =	vshrl.u32 v9, $0x10;
	v12 =	vld.idx.msk [tilespmem:v14+s20+$0x0], $0xffff;
	s9 =	rddreg [dreg:$0x6];
	s4 =	sshll.u32 s4, $0xC;
	s17 =	sor.u32 s29, s21;
	[tilespmem:s31+$0x60] =	vst v16  }
0x28f: {  	s6 =	sadd.s32 $0x800, s7;
	v14 =	vshrl.u32 v18, $0x10;
	v18 =	vand.u32 $0xFFFF, v18;
	s4 =	sshra.s32 s4, $0x2;
	s31 =	sadd.s32 $0x1B140, s17;
	v11 =	vld.idx.msk [tilespmem:v11+s20+$0x0], $0xffff;
	[tilespmem:s9+$0x70] =	vst v10  }
0x290: {  	s21 =	sor.u32 s18, s28;
	s28 =	sadd.s32 $0x980, s7;
	v16 =	vadd.s32 s3, v1;
	s4 =	sor.u32 s30, s4;
	v7 =	vld.idx.msk [tilespmem:v7+s20+$0x0], $0xffff;
	[tilespmem:s31+$0x40] =	vst v15  }
0x291: {  	v20 =	vshrl.u32 v4, $0x10;
	s10 =	sadd.s32 $0x1B140, s4;
	s4 =	sand.u32 $0x3C00, s28;
	s28 =	sadd.s32 $0x1B140, s21;
	v6 =	vld.idx.msk [tilespmem:v6+s20+$0x0], $0xffff;
	[tilespmem:s25+$0x60] =	vst v13  }
0x292: {  	v4 =	vld.idx.msk [tilespmem:v60+s0+$0x0], $0xffff;
	s0 =	smov.u32 s1;
	s1 =	sand.u32 $0x3C00, s6;
	v10 =	vadd.s32 s23, v3;
	s4 =	sor.u32 s13, s4;
	[tilespmem:s28+$0x40] =	vst v8  }
0x293: {  	s9 =	sadd.s32 $0x880, s7;
	s23 =	rddreg [dreg:$0xa];
	[tilespmem:s10+$0x40] =	vst v5;
	s17 =	sadd.s32 $0x1B140, s4;
	v8 =	vld.idx.msk [tilespmem:v9+s20+$0x0], $0xffff  }
0x294: {  	s1 =	sor.u32 s30, s1;
	s30 =	simm.s32 $0x1A900;
	s13 =	sand.u32 $0x3C00, s9;
	v5 =	vadd.s32 s23, v1;
	v13 =	vld.idx.msk [tilespmem:v18+s20+$0x0], $0xffff;
	[tilespmem:s17+$0x40] =	vst v12  }
0x295: {  	s7 =	sadd.s32 $0x900, s7;
	v15 =	vadd.s32 s26, v1;
	s4 =	sor.u32 s29, s13;
	v9 =	vld.idx.msk [tilespmem:v16+s30+$0x0], $0xffff;
	[tilespmem:s0+$0x60] =	vst v7  }
0x296: {  	s7 =	sand.u32 $0x3C00, s7;
	s29 =	sadd.s32 $0x1, s5;
	v12 =	vld.idx.msk [tilespmem:v20+s20+$0x0], $0xffff;
	s21 =	sadd.s32 $0x1B140, s4;
	[tilespmem:s8+$0x60] =	vst v11  }
0x297: {  	s7 =	sor.u32 s18, s7;
	v11 =	vadd.s32 s29, v0;
	v10 =	vld.idx.msk [tilespmem:v10+s30+$0x0], $0xffff;
	[tilespmem:s21+$0x40] =	vst v6  }
0x298: {  	s7 =	sadd.s32 $0x1B140, s7;
	v7 =	vadd.s32 s11, v1;
	v16 =	vld.idx.msk [tilespmem:v19+s20+$0x0], $0xffff  }
0x299: {  	s18 =	sadd.s32 $0x1B140, s1;
	s13 =	smov.u32 s10;
	v5 =	vld.idx.msk [tilespmem:v5+s30+$0x0], $0xffff;
	[tilespmem:s7+$0x40] =	vst v8  }
0x29a: {  	s10 =	smov.u32 s21;
	s21 =	smov.u32 s7;
	s7 =	rddreg [dreg:$0x10];
	v8 =	vld.idx.msk [tilespmem:v15+s30+$0x0], $0xffff;
	v15 =	vand.u32 $0xFFFF, v9  }
0x29b: {  	s1 =	smov.u32 s16;
	s16 =	smov.u32 s18;
	s18 =	rddreg [dreg:$0x16];
	[tilespmem:s7+$0x70] =	vst v17;
	v17 =	vadd.s32 s12, v3;
	v18 =	vld.idx.msk [tilespmem:v59+s20+$0x0], $0xffff  }
0x29c: {  	s4 =	smov.u32 s26;
	s26 =	smov.u32 s24;
	v61 =	vadd.s32 s18, v3;
	s20 =	sadd.s32 $0x2, s5;
	[tilespmem:s16+$0x40] =	vst v12;
	v6 =	vld.idx.msk [tilespmem:v11+s30+$0x0], $0xffff  }
0x29d: {  	s6 =	smov.u32 s23;
	s23 =	smov.u32 s14;
	s14 =	simm.s32 $0x2900;
	v62 =	vadd.s32 s20, v0;
	v20 =	vld.idx.msk [tilespmem:v7+s30+$0x0], $0xffff;
	[tilespmem:s26+$0x60] =	vst v13  }
0x29e: {  	s9 =	smov.u32 s25;
	s25 =	smov.u32 s31;
	s31 =	smov.u32 s2;
	v7 =	vand.u32 $0xFFFF, v10;
	v63 =	vld.idx.msk [tilespmem:v14+s14+$0x0], $0xffff  }
0x29f: {  	s24 =	smov.u32 s8;
	s8 =	smov.u32 s28;
	s28 =	smov.u32 s15;
	[tilespmem:s31+$0x60] =	vst v16;
	v14 =	vand.u32 $0xFFFF, v5;
	v24 =	vld.idx.msk [tilespmem:v15+s14+$0x0], $0xffff  }
0x2a0: {  	p2 =	slt.u32 s5, $0x1C;
	[dreg:$0x8] =	wrdreg s31;
	v12 =	vshrl.u32 v8, $0x10;
	[tilespmem:s28+$0x60] =	vst v18;
	v15 =	vand.u32 $0xFFFF, v8;
	v8 =	vld.idx.msk [tilespmem:v17+s30+$0x0], $0xffff  }
.Ltmp3:
0x2a1: {  	[dreg:$0xc] =	wrdreg s24;
	v13 =	vshrl.u32 v5, $0x10;
	v5 =	vld.idx.msk [tilespmem:v61+s30+$0x0], $0xffff;
	(pc) =	sbr.rel @p2 .LBB2_9-.Ltmp3, $4  }
0x2a2: {  	s15 =	smov.u32 s3;
	[dreg:$0x6] =	wrdreg s28;
	s12 =	smov.u32 s29;
	v19 =	vshrl.u32 v9, $0x10;
	v9 =	vld.idx.msk [tilespmem:v62+s30+$0x0], $0xffff  }
0x2a3: {  	s3 =	smov.u32 s26;
	s29 =	smov.u32 s4;
	[dreg:$0xa] =	wrdreg s12;
	v7 =	vld.idx.msk [tilespmem:v7+s14+$0x0], $0xffff  }
0x2a4: {  	s31 =	rddreg [dreg:$0xe];
	v16 =	vand.u32 $0xFFFF, v4;
	s28 =	smov.u32 s11;
	s11 =	smov.u32 s5;
	v17 =	vshrl.u32 v10, $0x10;
	v14 =	vld.idx.msk [tilespmem:v14+s14+$0x0], $0xffff;
	[tilespmem:s1+$0x60] =	vst v63  }
0x2a5: {  	s26 =	smov.u32 s20;
	s5 =	sadd.s32 $0x4, s5;
	v10 =	vadd.s32 s31, v3;
	s4 =	sadd.s32 $0x3, s11;
	v11 =	vshrl.u32 v20, $0x10;
	v18 =	vand.u32 $0xFFFF, v20;
	v15 =	vld.idx.msk [tilespmem:v15+s14+$0x0], $0xffff;
	[tilespmem:s23+$0x50] =	vst v24  }
0x2a6: {  	v20 =	vadd.s32 s4, v0;
	_ =	sdelay $0x2  }
0x2a7: {  	s5 =	sshll.u32 s11, $0x7  }
0x2a8: {  	s7 =	sadd.s32 $0x200, s22;
	s18 =	sshrl.u32 s11, $0x2;
	s20 =	sand.u32 $0x7FFFF0, s11  }
0x2a9: {  	s12 =	smov.u32 s28;
	s28 =	simm.s32 $0x1;
	s5 =	sand.u32 $0xFFFFF800, s5;
	v20 =	vld.idx.msk [tilespmem:v20+s30+$0x0], $0xffff  }
0x2aa: {  	s18 =	sand.u32 $0x1, s18;
	s2 =	sadd.s32 s20, s11;
	s22 =	sadd.s32 $0x180, s7  }
0x2ab: {  	v19 =	vld.idx.msk [tilespmem:v19+s14+$0x0], $0xffff;
	v22 =	vand.u32 $0xFFFF, v6;
	s5 =	sadd.s32 s5, s7;
	p2 =	seq.s32 s18, $0x1;
	s2 =	sshrl.u32 s2, $0x3  }
0x2ac: {  	v18 =	vld.idx.msk [tilespmem:v18+s14+$0x0], $0xffff;
	v40 =	vand.u32 $0xFFFF, v9;
	s18 =	sand.u32 $0x380, s22;
	p3 =	seq.s32 s5, $0x0;
	s24 =	sadd.s32 $0x180, s5  }
0x2ad: {  	v10 =	vld.idx.msk [tilespmem:v10+s30+$0x0], $0xffff;
	[tilespmem:s19+$0x70] =	vst v7;
	s31 =	sadd.s32 $0x80, s5;
	s19 =	sadd.s32 $0x100, s5;
	p2 =	por !p2, !p3  }
0x2ae: {  	v16 =	vld.idx.msk [tilespmem:v16+s14+$0x0], $0xffff;
	s22 =	sand.u32 $0x1C00, s24;
	s24 =	sadd.s32 $0x80, s7;
	p2 =	por !p2, !p2;
	v21 =	vand.u32 $0xFFFF, v20  }
0x2af: {  	v23 =	vadd.s32 s15, v2;
	v7 =	vld.idx.msk [tilespmem:v17+s14+$0x0], $0xffff;
	s22 =	sor.u32 s18, s22;
	s30 =	sadd.s32 $0x100, s7;
	s28 =	simm.s32 @!p2 $0x0  }
0x2b0: {  	v22 =	vld.idx.msk [tilespmem:v22+s14+$0x0], $0xffff;
	s20 =	sadd.s32 $0x1B140, s22;
	s22 =	sand.u32 $0x1C00, s31;
	s31 =	simm.s32 $0x1A900  }
0x2b1: {  	[tilespmem:s25+$0x50] =	vst v14;
	v41 =	vld.idx.msk [tilespmem:v40+s14+$0x0], $0xffff;
	s30 =	sand.u32 $0x300, s30;
	s2 =	ssub.s32 s2, s28;
	s28 =	sand.u32 $0x1C00, s19  }
0x2b2: {  	v43 =	vshrl.u32 v9, $0x10;
	v13 =	vld.idx.msk [tilespmem:v13+s14+$0x0], $0xffff;
	[tilespmem:s17+$0x50] =	vst v19;
	s19 =	smov.u32 s29;
	s29 =	sand.u32 $0x280, s24;
	s2 =	sshll.u32 s2, $0xC  }
0x2b3: {  	v4 =	vshrl.u32 v4, $0x10;
	s24 =	sor.u32 s29, s22;
	s28 =	sor.u32 s30, s28;
	v21 =	vld.idx.msk [tilespmem:v21+s14+$0x0], $0xffff;
	[smem:$0x7F4] =	sst s0  }
0x2b4: {  	s2 =	sshra.s32 s2, $0x2;
	s24 =	sadd.s32 $0x1B140, s24;
	v20 =	vshrl.u32 v20, $0x10;
	[tilespmem:s8+$0x50] =	vst v15;
	v44 =	vld.idx.msk [tilespmem:v23+s31+$0x0], $0xffff;
	s31 =	sand.u32 $0x200, s7  }
0x2b5: {  	v42 =	vshrl.u32 v6, $0x10;
	s22 =	sadd.s32 $0x1B140, s28;
	s0 =	smov.u32 s6;
	[tilespmem:s24+$0x40] =	vst v22;
	s2 =	sor.u32 s31, s2  }
0x2b6: {  	v45 =	vadd.s32 s6, v2;
	s6 =	sadd.s32 $0x880, s5;
	[tilespmem:s22+$0x40] =	vst v41;
	s7 =	sadd.s32 $0x1B140, s2;
	s2 =	sadd.s32 $0x980, s5  }
0x2b7: {  	s28 =	sand.u32 $0x3C00, s6;
	v9 =	vld.idx.msk [tilespmem:v43+s14+$0x0], $0xffff;
	s2 =	sand.u32 $0x3C00, s2;
	[tilespmem:s7+$0x40] =	vst v16  }
0x2b8: {  	v49 =	vadd.s32 s26, v1;
	[tilespmem:s20+$0x40] =	vst v21;
	s2 =	sor.u32 s18, s2;
	s18 =	sor.u32 s29, s28;
	v4 =	vld.idx.msk [tilespmem:v4+s14+$0x0], $0xffff;
	s28 =	sadd.s32 $0x900, s5  }
0x2b9: {  	v50 =	vadd.s32 s11, v1;
	s5 =	sadd.s32 $0x800, s5;
	v46 =	vld.idx.msk [tilespmem:v20+s14+$0x0], $0xffff;
	s6 =	rddreg [dreg:$0xa];
	s28 =	sand.u32 $0x3C00, s28  }
0x2ba: {  	v47 =	vadd.s32 s4, v1;
	v6 =	vld.idx.msk [tilespmem:v42+s14+$0x0], $0xffff;
	[tilespmem:s13+$0x50] =	vst v18;
	s29 =	sadd.s32 $0x1B140, s2;
	s5 =	sand.u32 $0x3C00, s5;
	s2 =	sor.u32 s30, s28  }
0x2bb: {  	[tilespmem:s10+$0x50] =	vst v13;
	v48 =	vadd.s32 s6, v1;
	s31 =	sor.u32 s31, s5;
	s2 =	sadd.s32 $0x1B140, s2  }
0x2bc: {  	v11 =	vld.idx.msk [tilespmem:v11+s14+$0x0], $0xffff;
	s30 =	simm.s32 $0x1A900;
	s28 =	sadd.s32 $0x1B140, s18;
	s18 =	sadd.s32 $0x1B140, s31;
	[tilespmem:s2+$0x40] =	vst v9  }
0x2bd: {  	v16 =	vld.idx.msk [tilespmem:v49+s30+$0x0], $0xffff;
	[tilespmem:s18+$0x40] =	vst v4  }
0x2be: {  	v4 =	vand.u32 $0xFFFF, v44;
	[tilespmem:s29+$0x40] =	vst v46;
	v13 =	vld.idx.msk [tilespmem:v50+s30+$0x0], $0xffff  }
0x2bf: {  	[tilespmem:s28+$0x40] =	vst v6;
	v20 =	vld.idx.msk [tilespmem:v47+s30+$0x0], $0xffff  }
0x2c0: {  	v51 =	vand.u32 $0xFFFF, v8;
	v14 =	vld.idx.msk [tilespmem:v48+s30+$0x0], $0xffff  }
0x2c1: {  	v54 =	vadd.s32 s12, v2  }
0x2c2: {  	v17 =	vld.idx.msk [tilespmem:v45+s30+$0x0], $0xffff;
	v58 =	vand.u32 $0xFFFF, v16  }
0x2c3: {  	v4 =	vld.idx.msk [tilespmem:v4+s14+$0x0], $0xffff;
	v59 =	vand.u32 $0xFFFF, v13  }
0x2c4: {  	v12 =	vld.idx.msk [tilespmem:v12+s14+$0x0], $0xffff;
	v56 =	vand.u32 $0xFFFF, v20  }
0x2c5: {  	v18 =	vld.idx.msk [tilespmem:v51+s14+$0x0], $0xffff;
	[tilespmem:s16+$0x50] =	vst v11;
	v57 =	vand.u32 $0xFFFF, v14  }
0x2c6: {  	v52 =	vadd.s32 s19, v2;
	v9 =	vld.idx.msk [tilespmem:v54+s30+$0x0], $0xffff  }
0x2c7: {  	v55 =	vand.u32 $0xFFFF, v17;
	v22 =	vld.idx.msk [tilespmem:v58+s14+$0x0], $0xffff  }
0x2c8: {  	[tilespmem:s23+$0x60] =	vst v4;
	v4 =	vshrl.u32 v16, $0x10;
	v60 =	vld.idx.msk [tilespmem:v59+s14+$0x0], $0xffff  }
0x2c9: {  	v13 =	vshrl.u32 v13, $0x10;
	v21 =	vld.idx.msk [tilespmem:v56+s14+$0x0], $0xffff  }
0x2ca: {  	[tilespmem:s21+$0x50] =	vst v12;
	v20 =	vshrl.u32 v20, $0x10;
	v11 =	vld.idx.msk [tilespmem:v57+s14+$0x0], $0xffff  }
0x2cb: {  	v19 =	vld.idx.msk [tilespmem:v52+s30+$0x0], $0xffff;
	v14 =	vshrl.u32 v14, $0x10  }
0x2cc: {  	v15 =	vshrl.u32 v44, $0x10;
	v12 =	vld.idx.msk [tilespmem:v55+s14+$0x0], $0xffff;
	[tilespmem:s22+$0x50] =	vst v22  }
0x2cd: {  	v61 =	vand.u32 $0xFFFF, v9;
	[tilespmem:s7+$0x50] =	vst v60;
	v4 =	vld.idx.msk [tilespmem:v4+s14+$0x0], $0xffff  }
0x2ce: {  	v25 =	vadd.s32 s26, v2;
	[tilespmem:s20+$0x50] =	vst v21;
	v13 =	vld.idx.msk [tilespmem:v13+s14+$0x0], $0xffff  }
0x2cf: {  	v27 =	vadd.s32 s11, v2;
	[tilespmem:s24+$0x50] =	vst v11;
	v20 =	vld.idx.msk [tilespmem:v20+s14+$0x0], $0xffff  }
0x2d0: {  	v62 =	vadd.s32 s4, v2;
	v14 =	vld.idx.msk [tilespmem:v14+s14+$0x0], $0xffff  }
0x2d1: {  	v63 =	vadd.s32 s6, v2;
	v15 =	vld.idx.msk [tilespmem:v15+s14+$0x0], $0xffff  }
0x2d2: {  	v53 =	vand.u32 $0xFFFF, v5;
	v26 =	vld.idx.msk [tilespmem:v61+s14+$0x0], $0xffff;
	[tilespmem:s2+$0x50] =	vst v4  }
0x2d3: {  	v30 =	vshrl.u32 v8, $0x10;
	[tilespmem:s18+$0x50] =	vst v13;
	v31 =	vld.idx.msk [tilespmem:v25+s30+$0x0], $0xffff  }
0x2d4: {  	v17 =	vshrl.u32 v17, $0x10;
	[tilespmem:s29+$0x50] =	vst v20;
	v32 =	vld.idx.msk [tilespmem:v27+s30+$0x0], $0xffff  }
0x2d5: {  	v24 =	vand.u32 $0xFFFF, v19;
	[tilespmem:s28+$0x50] =	vst v14;
	v11 =	vld.idx.msk [tilespmem:v62+s30+$0x0], $0xffff  }
0x2d6: {  	v28 =	vadd.s32 s15, v3;
	v16 =	vld.idx.msk [tilespmem:v63+s30+$0x0], $0xffff  }
0x2d7: {  	v6 =	vld.idx.msk [tilespmem:v53+s14+$0x0], $0xffff;
	[tilespmem:s9+$0x70] =	vst v18;
	v9 =	vshrl.u32 v9, $0x10  }
0x2d8: {  	v8 =	vld.idx.msk [tilespmem:v30+s14+$0x0], $0xffff;
	[tilespmem:s25+$0x60] =	vst v12;
	v37 =	vand.u32 $0xFFFF, v31  }
0x2d9: {  	v17 =	vld.idx.msk [tilespmem:v17+s14+$0x0], $0xffff;
	v38 =	vand.u32 $0xFFFF, v32  }
0x2da: {  	v24 =	vld.idx.msk [tilespmem:v24+s14+$0x0], $0xffff;
	[tilespmem:s17+$0x60] =	vst v15;
	v35 =	vand.u32 $0xFFFF, v11  }
0x2db: {  	v34 =	vld.idx.msk [tilespmem:v28+s30+$0x0], $0xffff;
	[tilespmem:s13+$0x60] =	vst v26;
	v36 =	vand.u32 $0xFFFF, v16  }
0x2dc: {  	v33 =	vadd.s32 s0, v3;
	v9 =	vld.idx.msk [tilespmem:v9+s14+$0x0], $0xffff  }
0x2dd: {  	v4 =	vshrl.u32 v19, $0x10;
	v12 =	vld.idx.msk [tilespmem:v37+s14+$0x0], $0xffff  }
0x2de: {  	[tilespmem:s10+$0x60] =	vst v17;
	v13 =	vshrl.u32 v31, $0x10;
	v17 =	vld.idx.msk [tilespmem:v38+s14+$0x0], $0xffff  }
0x2df: {  	v15 =	vshrl.u32 v32, $0x10;
	v18 =	vld.idx.msk [tilespmem:v35+s14+$0x0], $0xffff  }
0x2e0: {  	v11 =	vshrl.u32 v11, $0x10;
	v21 =	vld.idx.msk [tilespmem:v36+s14+$0x0], $0xffff  }
0x2e1: {  	[tilespmem:s8+$0x60] =	vst v24;
	v19 =	vld.idx.msk [tilespmem:v33+s30+$0x0], $0xffff;
	v16 =	vshrl.u32 v16, $0x10  }
0x2e2: {  	v29 =	vand.u32 $0xFFFF, v10;
	v4 =	vld.idx.msk [tilespmem:v4+s14+$0x0], $0xffff;
	[tilespmem:s22+$0x60] =	vst v12  }
0x2e3: {  	v39 =	vand.u32 $0xFFFF, v34;
	v13 =	vld.idx.msk [tilespmem:v13+s14+$0x0], $0xffff;
	[tilespmem:s7+$0x60] =	vst v17  }
0x2e4: {  	v40 =	vadd.s32 s19, v3;
	[tilespmem:s20+$0x60] =	vst v18;
	v47 =	vld.idx.msk [tilespmem:v15+s14+$0x0], $0xffff  }
0x2e5: {  	v41 =	vadd.s32 s12, v3;
	[tilespmem:s24+$0x60] =	vst v21;
	v11 =	vld.idx.msk [tilespmem:v11+s14+$0x0], $0xffff  }
0x2e6: {  	[tilespmem:s16+$0x60] =	vst v9;
	v42 =	vand.u32 $0xFFFF, v19;
	v44 =	vld.idx.msk [tilespmem:v16+s14+$0x0], $0xffff  }
0x2e7: {  	v43 =	vadd.s32 s4, v3;
	v14 =	vld.idx.msk [tilespmem:v29+s14+$0x0], $0xffff;
	[tilespmem:s21+$0x60] =	vst v4  }
0x2e8: {  	v46 =	vadd.s32 s26, v3;
	v4 =	vld.idx.msk [tilespmem:v39+s14+$0x0], $0xffff;
	[tilespmem:s2+$0x60] =	vst v13  }
0x2e9: {  	v45 =	vadd.s32 s6, v3;
	v23 =	vld.idx.msk [tilespmem:v40+s30+$0x0], $0xffff;
	[tilespmem:s18+$0x60] =	vst v47  }
0x2ea: {  	v48 =	vadd.s32 s11, v3;
	v22 =	vld.idx.msk [tilespmem:v41+s30+$0x0], $0xffff;
	[tilespmem:s29+$0x60] =	vst v11  }
0x2eb: {  	v10 =	vshrl.u32 v10, $0x10;
	v18 =	vld.idx.msk [tilespmem:v42+s14+$0x0], $0xffff;
	[tilespmem:s28+$0x60] =	vst v44  }
0x2ec: {  	v5 =	vshrl.u32 v5, $0x10;
	v11 =	vld.idx.msk [tilespmem:v43+s30+$0x0], $0xffff;
	s19 =	rddreg [dreg:$0xc];
	[tilespmem:s3+$0x70] =	vst v14  }
0x2ed: {  	v49 =	vshrl.u32 v34, $0x10;
	v17 =	vld.idx.msk [tilespmem:v46+s30+$0x0], $0xffff;
	[tilespmem:s23+$0x70] =	vst v4  }
0x2ee: {  	v50 =	vand.u32 $0xFFFF, v23;
	v16 =	vld.idx.msk [tilespmem:v45+s30+$0x0], $0xffff;
	[tilespmem:s19+$0x70] =	vst v6  }
0x2ef: {  	v51 =	vand.u32 $0xFFFF, v22;
	v9 =	vld.idx.msk [tilespmem:v48+s30+$0x0], $0xffff;
	s0 =	sld [smem:$0x7F4]  }
0x2f0: {  	v52 =	vshrl.u32 v19, $0x10;
	v4 =	vld.idx.msk [tilespmem:v10+s14+$0x0], $0xffff  }
0x2f1: {  	v5 =	vld.idx.msk [tilespmem:v5+s14+$0x0], $0xffff;
	v53 =	vand.u32 $0xFFFF, v11  }
0x2f2: {  	v54 =	vld.idx.msk [tilespmem:v49+s14+$0x0], $0xffff;
	v57 =	vand.u32 $0xFFFF, v17;
	[tilespmem:s0+$0x70] =	vst v7  }
0x2f3: {  	v56 =	vld.idx.msk [tilespmem:v50+s14+$0x0], $0xffff;
	v55 =	vand.u32 $0xFFFF, v16;
	s0 =	rddreg [dreg:$0x8];
	[tilespmem:s25+$0x70] =	vst v18  }
0x2f4: {  	v6 =	vld.idx.msk [tilespmem:v51+s14+$0x0], $0xffff;
	v15 =	vand.u32 $0xFFFF, v9;
	[tilespmem:s0+$0x70] =	vst v8  }
0x2f5: {  	v14 =	vld.idx.msk [tilespmem:v52+s14+$0x0], $0xffff;
	s0 =	rddreg [dreg:$0x6];
	[tilespmem:s1+$0x70] =	vst v4;
	v4 =	vshrl.u32 v22, $0x10  }
0x2f6: {  	[tilespmem:s0+$0x70] =	vst v5;
	v5 =	vshrl.u32 v23, $0x10;
	v10 =	vld.idx.msk [tilespmem:v53+s14+$0x0], $0xffff  }
0x2f7: {  	v58 =	vshrl.u32 v11, $0x10;
	[tilespmem:s17+$0x70] =	vst v54;
	v61 =	vld.idx.msk [tilespmem:v57+s14+$0x0], $0xffff  }
0x2f8: {  	[tilespmem:s8+$0x70] =	vst v56;
	v59 =	vld.idx.msk [tilespmem:v55+s14+$0x0], $0xffff  }
0x2f9: {  	v60 =	vshrl.u32 v16, $0x10;
	[tilespmem:s13+$0x70] =	vst v6;
	v63 =	vld.idx.msk [tilespmem:v15+s14+$0x0], $0xffff  }
0x2fa: {  	v62 =	vshrl.u32 v17, $0x10;
	[tilespmem:s10+$0x70] =	vst v14;
	v4 =	vld.idx.msk [tilespmem:v4+s14+$0x0], $0xffff  }
0x2fb: {  	v9 =	vshrl.u32 v9, $0x10;
	v5 =	vld.idx.msk [tilespmem:v5+s14+$0x0], $0xffff;
	[tilespmem:s20+$0x70] =	vst v10  }
0x2fc: {  	[tilespmem:s22+$0x70] =	vst v61;
	v7 =	vld.idx.msk [tilespmem:v58+s14+$0x0], $0xffff  }
0x2fd: {  	[tilespmem:s24+$0x70] =	vst v59  }
0x2fe: {  	[tilespmem:s7+$0x70] =	vst v63;
	v8 =	vld.idx.msk [tilespmem:v60+s14+$0x0], $0xffff  }
0x2ff: {  	v6 =	vld.idx.msk [tilespmem:v62+s14+$0x0], $0xffff;
	[tilespmem:s16+$0x70] =	vst v4  }
0x300: {  	[tilespmem:s21+$0x70] =	vst v5;
	v5 =	vld.idx.msk [tilespmem:v9+s14+$0x0], $0xffff  }
0x301: {  	[tilespmem:s29+$0x70] =	vst v7  }
0x302: {  	s4 =	rddreg [dreg:$0x1e]  }
0x303: {  	[tilespmem:s28+$0x70] =	vst v8;
	p2 =	sne.s32 s4, $0x18  }
.Ltmp4:
0x304: {  	s25 =	sshll.u32 s4, $0x13;
	s1 =	rddreg [dreg:$0x1a];
	[tilespmem:s2+$0x70] =	vst v6;
	(pc) =	sbr.rel @p2 .LBB2_12-.Ltmp4, $4  }
0x305: {  	s0 =	sor.u32 s1, s25;
	[tilespmem:s18+$0x70] =	vst v5  }
0x306: {  	s31 =	simm.s32 $0x1B140;
	s0 =	sshrl.u32 s0, $0x3;
	s26 =	rddreg [dreg:$0x18]  }
0x307: {  	s29 =	simm.s32 $0x8000;
	s28 =	simm.s32 $0x400;
	s0 =	sadd.s32 s26, s0  }
0x308: {  	[hbm4b:s0+s28] =	stream.strided.scatter [tilespmem:s31], [sflag:$0x4], $0x2000, s29, s28, $0x200038;
	[tilespmem:$0x1F140] =	vst v63  }
.Ltmp5:
0x309: {  	(pc) =	sbr.rel .LBB2_13-.Ltmp5, $4  }
0x30a: {  	s0 =	simm.s32 $0x3  }
0x30b: {  	_ =	swait.ge [sflag:s0], $0x4000  }
0x30c: {  	[sflag:s0] =	ssyncset.done $0x0  }
0x30d: {  	[sflag:s0] =	ssyncadd.s32 $0xFFFFC000  }
.LBB2_12:
0x30e: {  	s0 =	sshll.u32 s4, $0x8;
	s1 =	rddreg [dreg:$0x2]  }
0x30f: {  	s2 =	simm.s32 $0x80;
	s3 =	simm.s32 $0x12900;
	s0 =	sand.u32 $0x3FFFFF00, s0  }
.Ltmp6:
0x310: {  	s31 =	simm.s32 $0x3;
	s0 =	sadd.s32 $0x100, s0;
	(pc) =	sbr.rel @p1 .LBB2_14-.Ltmp6, $4  }
0x311: {  	[tilespmem:s3], [sflag:$0x2] =	stream.indirect.gather [hbm4b:s1+s2], $0x80, s0, s2, $0x2000b8;
	[tilespmem:$0x1F140] =	vst v63  }
0x312: {  	_ =	swait.ge [sflag:s31], $0x4000  }
0x313: {  	[sflag:s31] =	ssyncset.done $0x0  }
0x314: {  	[sflag:s31] =	ssyncadd.s32 $0xFFFFC000  }
.LBB2_13:
0x315: {  	s0 =	simm.s32 $0x5  }
0x316: {  	_ =	swait.ge [sflag:s0], $0x2000  }
0x317: {  	[sflag:s0] =	ssyncset.done $0x0  }
0x318: {  	[sflag:s0] =	ssyncadd.s32 $0xFFFFE000  }
.LBB2_14:
0x319: {  	s2 =	simm.s32 $0x16CF0  }
0x31a: {  	v4 =	vld [tilespmem:s2+$0xFFFFFFB0]  }
0x31b: {  	v5 =	vld [tilespmem:s2+$0xFFFFFFC0]  }
0x31c: {  	v6 =	vld [tilespmem:s2+$0x0]  }
0x31d: {  	v7 =	vld [tilespmem:s2+$0xFFFFFFF0]  }
0x31e: {  	v8 =	vld [tilespmem:s2+$0xFFFFFC20]  }
0x31f: {  	v9 =	vld [tilespmem:s2+$0xFFFFFC60]  }
0x320: {  	v10 =	vld [tilespmem:s2+$0xFFFFFC30]  }
0x321: {  	v11 =	vld [tilespmem:s2+$0xFFFFFFD0]  }
0x322: {  	v12 =	vld [tilespmem:s2+$0xFFFFFF90]  }
0x323: {  	v13 =	vld [tilespmem:s2+$0xFFFFFFA0]  }
0x324: {  	v14 =	vld [tilespmem:s2+$0xFFFFFFE0]  }
0x325: {  	v15 =	vld [tilespmem:s2+$0xFFFFFC40]  }
0x326: {  	v16 =	vld [tilespmem:s2+$0xFFFFFC80]  }
0x327: {  	v17 =	vld [tilespmem:s2+$0xFFFFFC90]  }
0x328: {  	v18 =	vld [tilespmem:s2+$0xFFFFFCA0]  }
0x329: {  	v19 =	vld [tilespmem:s2+$0xFFFFFCE0]  }
0x32a: {  	v20 =	vld [tilespmem:s2+$0xFFFFFCB0]  }
0x32b: {  	v21 =	vld [tilespmem:s2+$0xFFFFFCC0]  }
0x32c: {  	v22 =	vld [tilespmem:s2+$0xFFFFFD00]  }
0x32d: {  	v23 =	vld [tilespmem:s2+$0xFFFFFD10]  }
0x32e: {  	v24 =	vld [tilespmem:s2+$0xFFFFFD20]  }
0x32f: {  	v25 =	vld [tilespmem:s2+$0xFFFFFD60]  }
0x330: {  	v26 =	vld [tilespmem:s2+$0xFFFFFD30]  }
0x331: {  	v27 =	vld [tilespmem:s2+$0xFFFFFD40]  }
0x332: {  	v28 =	vld [tilespmem:s2+$0xFFFFFD80]  }
0x333: {  	v29 =	vld [tilespmem:s2+$0xFFFFFD90]  }
0x334: {  	v30 =	vld [tilespmem:s2+$0xFFFFFDA0]  }
0x335: {  	v31 =	vld [tilespmem:s2+$0xFFFFFDE0]  }
0x336: {  	v32 =	vld [tilespmem:s2+$0xFFFFFDB0]  }
0x337: {  	v33 =	vld [tilespmem:s2+$0xFFFFFDC0]  }
0x338: {  	v34 =	vld [tilespmem:s2+$0xFFFFFE00]  }
0x339: {  	v35 =	vld [tilespmem:s2+$0xFFFFFE10]  }
0x33a: {  	v36 =	vld [tilespmem:s2+$0xFFFFFE20]  }
0x33b: {  	v37 =	vld [tilespmem:s2+$0xFFFFFE60]  }
0x33c: {  	v38 =	vld [tilespmem:s2+$0xFFFFFE30]  }
0x33d: {  	v39 =	vld [tilespmem:s2+$0xFFFFFE40];
	v4 =	vshll.u32 v4, $0x8  }
0x33e: {  	v40 =	vld [tilespmem:s2+$0xFFFFFE90];
	v5 =	vshll.u32 v5, $0x18;
	v6 =	vshll.u32 v6, $0x10;
	v17 =	vshll.u32 v17, $0x8  }
0x33f: {  	v59 =	vld [tilespmem:s2+$0xFFFFFC70];
	v53 =	vshll.u32 v26, $0x8;
	v29 =	vshll.u32 v29, $0x8;
	v32 =	vshll.u32 v32, $0x8  }
0x340: {  	v54 =	vld [tilespmem:s2+$0xFFFFFF60];
	v35 =	vshll.u32 v35, $0x8;
	v4 =	vadd.s32 v7, v4;
	v5 =	vadd.s32 v5, v6  }
0x341: {  	v56 =	vld [tilespmem:s2+$0xFFFFFF30];
	v7 =	vshll.u32 v8, $0x18;
	v8 =	vor.u32 v4, v5;
	v4 =	vshll.u32 v9, $0x10  }
0x342: {  	v58 =	vld [tilespmem:s2+$0xFFFFFC50];
	v9 =	vshll.u32 v10, $0x8;
	v5 =	vshll.u32 v12, $0x8;
	v12 =	vshll.u32 v14, $0x10  }
0x343: {  	s0 =	simm.s32 $0x1A984;
	v61 =	vld [tilespmem:s2+$0xFFFFFCD0];
	v14 =	vshll.u32 v15, $0x18;
	v5 =	vadd.s32 v11, v5;
	v11 =	vshll.u32 v13, $0x18  }
0x344: {  	v6 =	vld [tilespmem:s2+$0xFFFFFE80];
	[tilespmem:s0+$0x73] =	vst v8;
	v8 =	vadd.s32 v59, v9;
	v11 =	vadd.s32 v11, v12;
	v12 =	vshll.u32 v16, $0x10  }
0x345: {  	v42 =	vld [tilespmem:s2+$0xFFFFFCF0];
	v16 =	vadd.s32 v7, v4;
	v4 =	vshll.u32 v18, $0x18;
	v18 =	vshll.u32 v20, $0x8  }
0x346: {  	v43 =	vld [tilespmem:s2+$0xFFFFFD50];
	v41 =	vor.u32 v5, v11;
	v14 =	vadd.s32 v14, v12;
	v5 =	vshll.u32 v19, $0x10  }
0x347: {  	v62 =	vld [tilespmem:s2+$0xFFFFFDF0];
	v12 =	vshll.u32 v21, $0x18;
	v19 =	vshll.u32 v22, $0x10;
	v22 =	vshll.u32 v23, $0x8  }
0x348: {  	v10 =	vld [tilespmem:s2+$0xFFFFFEA0];
	v21 =	vadd.s32 v4, v5;
	v19 =	vadd.s32 v12, v19;
	v4 =	vshll.u32 v24, $0x18  }
0x349: {  	v13 =	vld [tilespmem:s2+$0xFFFFFEE0];
	v5 =	vshll.u32 v25, $0x10;
	v6 =	vshll.u32 v6, $0x10;
	v8 =	vor.u32 v8, v14  }
0x34a: {  	v7 =	vld [tilespmem:s2+$0xFFFFFEC0];
	v14 =	vadd.s32 v61, v17;
	v55 =	vadd.s32 v4, v5;
	v4 =	vshll.u32 v27, $0x18  }
0x34b: {  	v12 =	vld [tilespmem:s2+$0xFFFFFC10];
	v5 =	vshll.u32 v28, $0x10;
	[tilespmem:s0+$0xFFFFFF8C] =	vst v8;
	v8 =	vadd.s32 v42, v18;
	v14 =	vor.u32 v14, v21  }
0x34c: {  	v11 =	vld [tilespmem:s2+$0xFFFFFF00];
	v28 =	vadd.s32 v4, v5;
	v4 =	vshll.u32 v30, $0x18;
	v5 =	vshll.u32 v31, $0x10  }
0x34d: {  	v20 =	vld [tilespmem:s2+$0xFFFFFF10];
	v31 =	vadd.s32 v4, v5;
	v4 =	vshll.u32 v33, $0x18;
	v5 =	vshll.u32 v34, $0x10  }
0x34e: {  	v15 =	vld [tilespmem:s2+$0xFFFFFEB0];
	v33 =	vadd.s32 v4, v5;
	v4 =	vshll.u32 v36, $0x18;
	v5 =	vshll.u32 v37, $0x10  }
0x34f: {  	v9 =	vld [tilespmem:s2+$0xFFFFFD70];
	v18 =	vadd.s32 v43, v22;
	v4 =	vadd.s32 v4, v5;
	v5 =	vshll.u32 v39, $0x18  }
0x350: {  	v23 =	vld [tilespmem:s2+$0xFFFFFF20];
	v5 =	vadd.s32 v5, v6;
	v6 =	vshll.u32 v10, $0x18;
	v10 =	vshll.u32 v13, $0x10  }
0x351: {  	v57 =	vld [tilespmem:s2+$0xFFFFFF40];
	v7 =	vshll.u32 v7, $0x18;
	v6 =	vadd.s32 v6, v10;
	v10 =	vshll.u32 v11, $0x10  }
0x352: {  	v13 =	vshll.u32 v20, $0x8;
	v20 =	vld [tilespmem:s2+$0xFFFFFDD0];
	v7 =	vadd.s32 v7, v10;
	v10 =	vshll.u32 v12, $0x8  }
0x353: {  	v60 =	vld [tilespmem:s2+$0xFFFFFF80];
	v21 =	vadd.s32 v62, v32;
	[tilespmem:s0+$0xFFFFFF9D] =	vst v14;
	v14 =	vor.u32 v8, v19;
	v34 =	vadd.s32 v58, v10  }
0x354: {  	v63 =	vld [tilespmem:s2+$0xFFFFFE50];
	[tilespmem:s0+$0xFFFFFFAD] =	vst v14;
	v14 =	vadd.s32 v9, v53;
	v12 =	vshll.u32 v15, $0x8;
	v15 =	vor.u32 v34, v16  }
0x355: {  	v8 =	vld [tilespmem:s2+$0xFFFFFE70];
	v23 =	vshll.u32 v23, $0x18;
	v14 =	vor.u32 v14, v28;
	[tilespmem:s0+$0xFFFFFF7C] =	vst v15;
	v15 =	vshll.u32 v54, $0x10  }
0x356: {  	[tilespmem:s0+$0x63] =	vst v41;
	v9 =	vld [tilespmem:s2+$0xFFFFFED0];
	v21 =	vor.u32 v21, v33;
	v17 =	vadd.s32 v23, v15;
	v15 =	vor.u32 v18, v55  }
0x357: {  	v11 =	vshll.u32 v40, $0x8;
	v10 =	vshll.u32 v38, $0x8;
	v19 =	vadd.s32 v20, v29;
	[tilespmem:s0+$0xFFFFFFBE] =	vst v15;
	v15 =	vld [tilespmem:s2+$0xFFFFFEF0]  }
0x358: {  	[tilespmem:s0+$0xFFFFFFCE] =	vst v14;
	v14 =	vld [tilespmem:s2+$0xFFFFFF50];
	v20 =	vshll.u32 v60, $0x10;
	v18 =	vshll.u32 v57, $0x18;
	v19 =	vor.u32 v19, v31  }
0x359: {  	s1 =	simm.s32 $0x0;
	v16 =	vshll.u32 v56, $0x8;
	v18 =	vadd.s32 v18, v20;
	[tilespmem:s0+$0xFFFFFFDF] =	vst v19;
	v20 =	vadd.s32 v63, v35;
	v19 =	vld [tilespmem:s2+$0xFFFFFF70];
	s2 =	simm.s32 $0x170F0  }
.LBB2_15:
0x35a: {  	v22 =	vld [tilespmem:s2+$0xFFFFFFB0];
	[tilespmem:s0+$0xFFFFFFEF] =	vst v21;
	v8 =	vadd.s32 v8, v10;
	v4 =	vor.u32 v20, v4  }
0x35b: {  	v10 =	vld [tilespmem:s2+$0xFFFFFFC0];
	[tilespmem:s0+$0x0] =	vst v4;
	v4 =	vor.u32 v8, v5;
	v5 =	vadd.s32 v9, v11  }
0x35c: {  	s1 =	sadd.s32 $0x8, s1;
	v8 =	vld [tilespmem:s2+$0x0];
	[tilespmem:s0+$0x10] =	vst v4;
	v4 =	vadd.s32 v15, v12;
	v5 =	vor.u32 v5, v6  }
0x35d: {  	p1 =	slt.u32 s1, $0x38;
	v6 =	vld [tilespmem:s2+$0xFFFFFFF0];
	[tilespmem:s0+$0x21] =	vst v5;
	v4 =	vor.u32 v4, v7;
	v5 =	vadd.s32 v14, v13  }
0x35e: {  	v7 =	vld [tilespmem:s2+$0xFFFFFC20];
	[tilespmem:s0+$0x31] =	vst v4;
	v4 =	vadd.s32 v19, v16;
	v5 =	vor.u32 v5, v17  }
0x35f: {  	v9 =	vld [tilespmem:s2+$0xFFFFFC60];
	[tilespmem:s0+$0x42] =	vst v5;
	v4 =	vor.u32 v4, v18  }
0x360: {  	v5 =	vld [tilespmem:s2+$0xFFFFFC30];
	[tilespmem:s0+$0x52] =	vst v4  }
0x361: {  	v11 =	vshll.u32 v22, $0x8;
	v10 =	vshll.u32 v10, $0x18;
	v4 =	vld [tilespmem:s2+$0xFFFFFFD0];
	v8 =	vshll.u32 v8, $0x10  }
0x362: {  	v12 =	vld [tilespmem:s2+$0xFFFFFF90];
	v6 =	vadd.s32 v6, v11;
	v8 =	vadd.s32 v10, v8  }
0x363: {  	s0 =	sadd.s32 $0x108, s0;
	v7 =	vshll.u32 v7, $0x18;
	v10 =	vld [tilespmem:s2+$0xFFFFFFA0];
	v6 =	vor.u32 v6, v8  }
0x364: {  	s15 =	simm.s32 $0x0;
	v9 =	vshll.u32 v9, $0x10;
	v11 =	vld [tilespmem:s2+$0xFFFFFFE0];
	[tilespmem:s0+$0x73] =	vst v6  }
0x365: {  	v8 =	vshll.u32 v5, $0x8;
	v5 =	vld [tilespmem:s2+$0xFFFFFC40];
	v9 =	vadd.s32 v7, v9  }
0x366: {  	v6 =	vld [tilespmem:s2+$0xFFFFFC80]  }
0x367: {  	v7 =	vld [tilespmem:s2+$0xFFFFFC90];
	v12 =	vshll.u32 v12, $0x8  }
0x368: {  	v13 =	vld [tilespmem:s2+$0xFFFFFCA0];
	v4 =	vadd.s32 v4, v12;
	v10 =	vshll.u32 v10, $0x18  }
0x369: {  	v12 =	vld [tilespmem:s2+$0xFFFFFCE0];
	v11 =	vshll.u32 v11, $0x10  }
0x36a: {  	v5 =	vshll.u32 v5, $0x18;
	v16 =	vld [tilespmem:s2+$0xFFFFFCB0];
	v10 =	vadd.s32 v10, v11  }
0x36b: {  	v6 =	vshll.u32 v6, $0x10;
	v11 =	vld [tilespmem:s2+$0xFFFFFCC0];
	v4 =	vor.u32 v4, v10  }
0x36c: {  	v14 =	vadd.s32 v5, v6;
	v15 =	vshll.u32 v7, $0x8;
	v5 =	vld [tilespmem:s2+$0xFFFFFD00];
	[tilespmem:s0+$0x63] =	vst v4  }
0x36d: {  	v4 =	vshll.u32 v13, $0x18;
	v6 =	vld [tilespmem:s2+$0xFFFFFD10]  }
0x36e: {  	v7 =	vshll.u32 v12, $0x10;
	v10 =	vld [tilespmem:s2+$0xFFFFFD20]  }
0x36f: {  	v19 =	vshll.u32 v16, $0x8;
	v20 =	vadd.s32 v4, v7;
	v4 =	vld [tilespmem:s2+$0xFFFFFD60]  }
0x370: {  	v7 =	vshll.u32 v11, $0x18;
	v11 =	vld [tilespmem:s2+$0xFFFFFD30]  }
0x371: {  	v5 =	vshll.u32 v5, $0x10;
	v12 =	vld [tilespmem:s2+$0xFFFFFD40]  }
0x372: {  	v21 =	vadd.s32 v7, v5;
	v22 =	vshll.u32 v6, $0x8;
	v5 =	vld [tilespmem:s2+$0xFFFFFD80]  }
0x373: {  	v6 =	vshll.u32 v10, $0x18;
	v7 =	vld [tilespmem:s2+$0xFFFFFD90]  }
0x374: {  	v4 =	vshll.u32 v4, $0x10;
	v10 =	vld [tilespmem:s2+$0xFFFFFDA0]  }
0x375: {  	v23 =	vshll.u32 v11, $0x8;
	v24 =	vadd.s32 v6, v4;
	v4 =	vld [tilespmem:s2+$0xFFFFFDE0]  }
0x376: {  	v6 =	vshll.u32 v12, $0x18;
	v11 =	vld [tilespmem:s2+$0xFFFFFDB0]  }
0x377: {  	v5 =	vshll.u32 v5, $0x10;
	v12 =	vld [tilespmem:s2+$0xFFFFFDC0]  }
0x378: {  	v25 =	vadd.s32 v6, v5;
	v26 =	vshll.u32 v7, $0x8;
	v5 =	vld [tilespmem:s2+$0xFFFFFE00]  }
0x379: {  	v6 =	vshll.u32 v10, $0x18;
	v7 =	vld [tilespmem:s2+$0xFFFFFE10]  }
0x37a: {  	v4 =	vshll.u32 v4, $0x10;
	v10 =	vld [tilespmem:s2+$0xFFFFFE20]  }
0x37b: {  	v27 =	vshll.u32 v11, $0x8;
	v28 =	vadd.s32 v6, v4;
	v4 =	vld [tilespmem:s2+$0xFFFFFE60]  }
0x37c: {  	v6 =	vshll.u32 v12, $0x18;
	v11 =	vld [tilespmem:s2+$0xFFFFFE30]  }
0x37d: {  	v5 =	vshll.u32 v5, $0x10;
	v12 =	vld [tilespmem:s2+$0xFFFFFE40]  }
0x37e: {  	v29 =	vadd.s32 v6, v5;
	v30 =	vshll.u32 v7, $0x8;
	v5 =	vld [tilespmem:s2+$0xFFFFFE80]  }
0x37f: {  	v6 =	vshll.u32 v10, $0x18;
	v7 =	vld [tilespmem:s2+$0xFFFFFE90]  }
0x380: {  	v4 =	vshll.u32 v4, $0x10;
	v13 =	vld [tilespmem:s2+$0xFFFFFEA0]  }
0x381: {  	v10 =	vshll.u32 v11, $0x8;
	v4 =	vadd.s32 v6, v4;
	v6 =	vld [tilespmem:s2+$0xFFFFFEE0]  }
0x382: {  	v11 =	vshll.u32 v12, $0x18;
	v12 =	vld [tilespmem:s2+$0xFFFFFEB0]  }
0x383: {  	v5 =	vshll.u32 v5, $0x10;
	v16 =	vld [tilespmem:s2+$0xFFFFFEC0]  }
0x384: {  	v5 =	vadd.s32 v11, v5;
	v11 =	vshll.u32 v7, $0x8;
	v7 =	vld [tilespmem:s2+$0xFFFFFF00]  }
0x385: {  	v13 =	vshll.u32 v13, $0x18;
	v17 =	vld [tilespmem:s2+$0xFFFFFF10]  }
0x386: {  	v6 =	vshll.u32 v6, $0x10;
	v18 =	vld [tilespmem:s2+$0xFFFFFF20]  }
0x387: {  	v12 =	vshll.u32 v12, $0x8;
	v6 =	vadd.s32 v13, v6;
	v31 =	vld [tilespmem:s2+$0xFFFFFF60]  }
0x388: {  	v13 =	vshll.u32 v16, $0x18;
	v16 =	vld [tilespmem:s2+$0xFFFFFF30]  }
0x389: {  	v7 =	vshll.u32 v7, $0x10;
	v32 =	vld [tilespmem:s2+$0xFFFFFF40]  }
0x38a: {  	v7 =	vadd.s32 v13, v7;
	v13 =	vshll.u32 v17, $0x8;
	v33 =	vld [tilespmem:s2+$0xFFFFFF80]  }
0x38b: {  	v34 =	vld [tilespmem:s2+$0xFFFFFC10];
	v17 =	vshll.u32 v18, $0x18  }
0x38c: {  	v35 =	vld [tilespmem:s2+$0xFFFFFC50];
	v18 =	vshll.u32 v31, $0x10  }
0x38d: {  	v31 =	vld [tilespmem:s2+$0xFFFFFC70];
	v16 =	vshll.u32 v16, $0x8;
	v17 =	vadd.s32 v17, v18  }
0x38e: {  	v36 =	vld [tilespmem:s2+$0xFFFFFCD0];
	v18 =	vshll.u32 v32, $0x18  }
0x38f: {  	v32 =	vld [tilespmem:s2+$0xFFFFFCF0];
	v33 =	vshll.u32 v33, $0x10  }
0x390: {  	v34 =	vshll.u32 v34, $0x8;
	v37 =	vld [tilespmem:s2+$0xFFFFFD50];
	v18 =	vadd.s32 v18, v33  }
0x391: {  	v33 =	vadd.s32 v35, v34;
	v34 =	vld [tilespmem:s2+$0xFFFFFD70]  }
0x392: {  	v8 =	vadd.s32 v31, v8;
	v9 =	vor.u32 v33, v9;
	v31 =	vld [tilespmem:s2+$0xFFFFFDD0]  }
0x393: {  	[tilespmem:s0+$0xFFFFFF7C] =	vst v9;
	v8 =	vor.u32 v8, v14;
	v9 =	vadd.s32 v36, v15;
	v14 =	vld [tilespmem:s2+$0xFFFFFDF0]  }
0x394: {  	[tilespmem:s0+$0xFFFFFF8C] =	vst v8;
	v8 =	vadd.s32 v32, v19;
	v9 =	vor.u32 v9, v20;
	v19 =	vld [tilespmem:s2+$0xFFFFFE50]  }
.Ltmp7:
0x395: {  	[tilespmem:s0+$0xFFFFFF9D] =	vst v9;
	v9 =	vor.u32 v8, v21;
	v15 =	vadd.s32 v37, v22;
	v8 =	vld [tilespmem:s2+$0xFFFFFE70];
	(pc) =	sbr.rel @p1 .LBB2_15-.Ltmp7, $4  }
0x396: {  	[tilespmem:s0+$0xFFFFFFAD] =	vst v9;
	v20 =	vadd.s32 v34, v23;
	v15 =	vor.u32 v15, v24;
	v9 =	vld [tilespmem:s2+$0xFFFFFED0]  }
0x397: {  	[tilespmem:s0+$0xFFFFFFBE] =	vst v15;
	v20 =	vor.u32 v20, v25;
	v21 =	vadd.s32 v31, v26;
	v15 =	vld [tilespmem:s2+$0xFFFFFEF0]  }
0x398: {  	[tilespmem:s0+$0xFFFFFFCE] =	vst v20;
	v20 =	vadd.s32 v14, v27;
	v21 =	vor.u32 v21, v28;
	v14 =	vld [tilespmem:s2+$0xFFFFFF50]  }
0x399: {  	[tilespmem:s0+$0xFFFFFFDF] =	vst v21;
	v21 =	vor.u32 v20, v29;
	v20 =	vadd.s32 v19, v30;
	v19 =	vld [tilespmem:s2+$0xFFFFFF70];
	s2 =	sadd.s32 $0x400, s2  }
0x39a: {  	[tilespmem:s0+$0xFFFFFFEF] =	vst v21;
	v8 =	vadd.s32 v8, v10;
	v4 =	vor.u32 v20, v4  }
0x39b: {  	s7 =	simm.s32 $0x3;
	[tilespmem:s0+$0x0] =	vst v4;
	v4 =	vor.u32 v8, v5;
	v5 =	vadd.s32 v9, v11  }
0x39c: {  	[tilespmem:s0+$0x10] =	vst v4;
	v4 =	vadd.s32 v15, v12;
	v5 =	vor.u32 v5, v6;
	v6 =	vadd.s32 s7, v0  }
0x39d: {  	[tilespmem:s0+$0x21] =	vst v5;
	v4 =	vor.u32 v4, v7;
	v5 =	vadd.s32 v14, v13  }
0x39e: {  	s5 =	simm.s32 $0x1;
	[tilespmem:s0+$0x31] =	vst v4;
	v4 =	vadd.s32 v19, v16;
	v5 =	vor.u32 v5, v17  }
0x39f: {  	[tilespmem:s0+$0x42] =	vst v5;
	v4 =	vor.u32 v4, v18;
	v5 =	vadd.s32 s5, v0  }
0x3a0: {  	s21 =	simm.s32 $0x2;
	[tilespmem:s0+$0x52] =	vst v4  }
0x3a1: {  	v4 =	vadd.s32 s21, v0;
	v6 =	vld.idx.msk [tilespmem:v6+s30+$0x0], $0xffff;
	_ =	sdelay $0x2  }
0x3a2: {  	v7 =	vadd.s32 s15, v0;
	v5 =	vld.idx.msk [tilespmem:v5+s30+$0x0], $0xffff;
	_ =	sdelay $0x1  }
0x3a3: {  	v4 =	vld.idx.msk [tilespmem:v4+s30+$0x0], $0xffff;
	v8 =	vand.u32 $0xFFFF, v6;
	_ =	sdelay $0x2  }
0x3a4: {  	v7 =	vld.idx.msk [tilespmem:v7+s30+$0x0], $0xffff;
	v9 =	vand.u32 $0xFFFF, v5  }
0x3a5: {  	s22 =	sand.u32 $0x7FFFF0, s15;
	s1 =	simm.s32 $0x0  }
0x3a6: {  	s3 =	simm.s32 $0x0;
	s23 =	simm.s32 $0x180;
	s1 =	sand.u32 $0xFFFFF800, s1;
	v10 =	vand.u32 $0xFFFF, v4;
	v8 =	vld.idx.msk [tilespmem:v8+s14+$0x0], $0xffff  }
0x3a7: {  	s26 =	simm.s32 $0x80;
	s8 =	simm.s32 $0x100;
	s1 =	sadd.s32 $0x0, s1;
	v6 =	vshrl.u32 v6, $0x10  }
0x3a8: {  	s10 =	simm.s32 $0x1;
	s3 =	sand.u32 $0x1, s3;
	s24 =	sadd.s32 $0x180, s1  }
0x3a9: {  	s6 =	sand.u32 $0x380, s23;
	s25 =	sand.u32 $0x1C00, s24;
	s0 =	sadd.s32 $0x0, s22;
	v11 =	vand.u32 $0xFFFF, v7;
	v9 =	vld.idx.msk [tilespmem:v9+s14+$0x0], $0xffff  }
0x3aa: {  	s8 =	sand.u32 $0x300, s8;
	s4 =	sshrl.u32 s0, $0x3;
	s0 =	sor.u32 s6, s25;
	v5 =	vshrl.u32 v5, $0x10  }
0x3ab: {  	p1 =	seq.s32 s3, $0x1;
	p2 =	seq.s32 s1, $0x0;
	s9 =	sadd.s32 $0x80, s1;
	v10 =	vld.idx.msk [tilespmem:v10+s14+$0x0], $0xffff;
	[tilespmem:s0+$0x1D140] =	vst v8  }
0x3ac: {  	s3 =	sand.u32 $0x280, s26;
	p1 =	por !p1, !p2;
	s9 =	sand.u32 $0x1C00, s9;
	v4 =	vshrl.u32 v4, $0x10;
	v6 =	vld.idx.msk [tilespmem:v6+s14+$0x0], $0xffff  }
0x3ad: {  	s11 =	sadd.s32 $0x100, s1;
	p1 =	por !p1, !p1;
	s9 =	sor.u32 s3, s9;
	v8 =	vadd.s32 s7, v1  }
0x3ae: {  	s12 =	sadd.s32 $0x980, s1;
	s11 =	sand.u32 $0x1C00, s11;
	s10 =	simm.s32 @!p1 $0x0;
	v11 =	vld.idx.msk [tilespmem:v11+s14+$0x0], $0xffff;
	[tilespmem:s9+$0x1D140] =	vst v9  }
0x3af: {  	s13 =	sor.u32 s8, s11;
	s11 =	sand.u32 $0x3C00, s12;
	s4 =	ssub.s32 s4, s10;
	v7 =	vshrl.u32 v7, $0x10;
	v5 =	vld.idx.msk [tilespmem:v5+s14+$0x0], $0xffff  }
0x3b0: {  	s2 =	simm.s32 $0x2;
	s16 =	sor.u32 s6, s11;
	s4 =	sshll.u32 s4, $0xC;
	v9 =	vadd.s32 s5, v1;
	[tilespmem:s13+$0x1D140] =	vst v10  }
0x3b1: {  	s19 =	sadd.s32 $0x880, s1;
	s12 =	sand.u32 $0x200, s15;
	s4 =	sshra.s32 s4, $0x2;
	v4 =	vld.idx.msk [tilespmem:v4+s14+$0x0], $0xffff;
	[tilespmem:s16+$0x1D140] =	vst v6  }
0x3b2: {  	s20 =	sand.u32 $0x3C00, s19;
	s17 =	sor.u32 s12, s4;
	v6 =	vadd.s32 s2, v1;
	v8 =	vld.idx.msk [tilespmem:v8+s30+$0x0], $0xffff  }
0x3b3: {  	s18 =	sor.u32 s3, s20;
	s22 =	sadd.s32 $0x900, s1;
	s4 =	simm.s32 $0x4;
	[tilespmem:s17+$0x1D140] =	vst v11  }
0x3b4: {  	s23 =	sand.u32 $0x3C00, s22;
	v11 =	vadd.s32 s4, v0;
	v7 =	vld.idx.msk [tilespmem:v7+s14+$0x0], $0xffff;
	[tilespmem:s18+$0x1D140] =	vst v5  }
0x3b5: {  	s19 =	sor.u32 s8, s23;
	v5 =	vadd.s32 s15, v1;
	v9 =	vld.idx.msk [tilespmem:v9+s30+$0x0], $0xffff  }
0x3b6: {  	s1 =	sadd.s32 $0x800, s1;
	[tilespmem:s19+$0x1D140] =	vst v4  }
0x3b7: {  	s1 =	sand.u32 $0x3C00, s1;
	v4 =	vld.idx.msk [tilespmem:v6+s30+$0x0], $0xffff;
	v6 =	vand.u32 $0xFFFF, v8  }
0x3b8: {  	s20 =	sor.u32 s12, s1  }
0x3b9: {  	v11 =	vld.idx.msk [tilespmem:v11+s30+$0x0], $0xffff;
	[tilespmem:s20+$0x1D140] =	vst v7  }
0x3ba: {  	v5 =	vld.idx.msk [tilespmem:v5+s30+$0x0], $0xffff;
	v7 =	vand.u32 $0xFFFF, v9;
	_ =	sdelay $0x1  }
0x3bb: {  	v10 =	vand.u32 $0xFFFF, v4;
	v6 =	vld.idx.msk [tilespmem:v6+s14+$0x0], $0xffff  }
0x3bc: {  	v8 =	vshrl.u32 v8, $0x10  }
0x3bd: {  	v17 =	vand.u32 $0xFFFF, v11  }
0x3be: {  	v12 =	vand.u32 $0xFFFF, v5;
	v7 =	vld.idx.msk [tilespmem:v7+s14+$0x0], $0xffff  }
0x3bf: {  	s11 =	sadd.s32 $0x1D140, s0;
	s12 =	simm.s32 $0x7;
	v9 =	vshrl.u32 v9, $0x10  }
0x3c0: {  	v10 =	vld.idx.msk [tilespmem:v10+s14+$0x0], $0xffff;
	[tilespmem:s11+$0x10] =	vst v6;
	v6 =	vadd.s32 s12, v0  }
0x3c1: {  	v4 =	vshrl.u32 v4, $0x10;
	v8 =	vld.idx.msk [tilespmem:v8+s14+$0x0], $0xffff  }
0x3c2: {  	s29 =	simm.s32 $0x5;
	v13 =	vadd.s32 s7, v2;
	s8 =	sadd.s32 $0x1D140, s9;
	v17 =	vld.idx.msk [tilespmem:v17+s14+$0x0], $0xffff  }
0x3c3: {  	s26 =	simm.s32 $0x200;
	v14 =	vadd.s32 s29, v0;
	s3 =	simm.s32 $0x8;
	v12 =	vld.idx.msk [tilespmem:v12+s14+$0x0], $0xffff;
	[tilespmem:s8+$0x10] =	vst v7  }
0x3c4: {  	s21 =	simm.s32 $0x2;
	s31 =	sadd.s32 $0x1D140, s13;
	s10 =	simm.s32 $0x6;
	v5 =	vshrl.u32 v5, $0x10;
	v7 =	vld.idx.msk [tilespmem:v9+s14+$0x0], $0xffff  }
0x3c5: {  	s25 =	simm.s32 $0x1;
	s1 =	sadd.s32 $0x1D140, s16;
	s24 =	sand.u32 $0x7FFFF0, s4;
	v9 =	vadd.s32 s10, v0;
	[tilespmem:s31+$0x10] =	vst v10;
	v6 =	vld.idx.msk [tilespmem:v6+s30+$0x0], $0xffff  }
0x3c6: {  	s0 =	sadd.s32 $0x1D140, s17;
	s9 =	sadd.s32 $0x4, s24;
	s2 =	sand.u32 $0xFFFFF800, s26;
	v10 =	vadd.s32 s5, v2;
	v4 =	vld.idx.msk [tilespmem:v4+s14+$0x0], $0xffff;
	[tilespmem:s1+$0x10] =	vst v8  }
0x3c7: {  	s17 =	sand.u32 $0x1, s25;
	s22 =	sshrl.u32 s9, $0x3;
	s9 =	sadd.s32 $0x200, s2;
	v8 =	vld.idx.msk [tilespmem:v13+s30+$0x0], $0xffff  }
0x3c8: {  	s23 =	simm.s32 $0x1;
	p5 =	seq.s32 s17, $0x1;
	p6 =	seq.s32 s9, $0x0;
	v13 =	vld.idx.msk [tilespmem:v14+s30+$0x0], $0xffff;
	[tilespmem:s0+$0x10] =	vst v12;
	v12 =	vadd.s32 s21, v2  }
0x3c9: {  	s13 =	simm.s32 $0x280;
	p1 =	por !p5, !p6;
	s21 =	sadd.s32 $0x1D140, s18;
	v14 =	vadd.s32 s3, v0;
	v5 =	vld.idx.msk [tilespmem:v5+s14+$0x0], $0xffff  }
0x3ca: {  	v15 =	vadd.s32 s15, v2;
	s28 =	sadd.s32 $0x1D140, s19;
	s17 =	sand.u32 $0x280, s13;
	p1 =	por !p1, !p1;
	v9 =	vld.idx.msk [tilespmem:v9+s30+$0x0], $0xffff;
	[tilespmem:s21+$0x10] =	vst v7  }
0x3cb: {  	s16 =	sadd.s32 $0x1D140, s20;
	s25 =	sadd.s32 $0x180, s9;
	s23 =	simm.s32 @!p1 $0x0;
	v7 =	vand.u32 $0xFFFF, v6;
	v10 =	vld.idx.msk [tilespmem:v10+s30+$0x0], $0xffff  }
0x3cc: {  	s19 =	sand.u32 $0x1C00, s25;
	s25 =	sadd.s32 $0x80, s9;
	v11 =	vshrl.u32 v11, $0x10;
	s22 =	ssub.s32 s22, s23;
	[tilespmem:s28+$0x10] =	vst v4  }
0x3cd: {  	s20 =	simm.s32 $0x200;
	s25 =	sand.u32 $0x1C00, s25;
	s22 =	sshll.u32 s22, $0xC;
	v16 =	vand.u32 $0xFFFF, v8;
	v12 =	vld.idx.msk [tilespmem:v12+s30+$0x0], $0xffff  }
0x3ce: {  	s23 =	sor.u32 s17, s25;
	s25 =	sand.u32 $0x200, s20;
	s13 =	sshra.s32 s22, $0x2;
	v4 =	vld.idx.msk [tilespmem:v14+s30+$0x0], $0xffff;
	[tilespmem:s16+$0x10] =	vst v5;
	v5 =	vand.u32 $0xFFFF, v13  }
0x3cf: {  	s13 =	sor.u32 s25, s13;
	v14 =	vld.idx.msk [tilespmem:v15+s30+$0x0], $0xffff;
	v15 =	vand.u32 $0xFFFF, v9  }
0x3d0: {  	[tilespmem:s13+$0x1D140] =	vst v17;
	v7 =	vld.idx.msk [tilespmem:v7+s14+$0x0], $0xffff;
	v18 =	vand.u32 $0xFFFF, v10  }
0x3d1: {  	v11 =	vld.idx.msk [tilespmem:v11+s14+$0x0], $0xffff;
	v6 =	vshrl.u32 v6, $0x10  }
0x3d2: {  	s24 =	simm.s32 $0x380;
	v16 =	vld.idx.msk [tilespmem:v16+s14+$0x0], $0xffff;
	v19 =	vand.u32 $0xFFFF, v12  }
0x3d3: {  	s18 =	sand.u32 $0x380, s24;
	v8 =	vshrl.u32 v8, $0x10;
	v5 =	vld.idx.msk [tilespmem:v5+s14+$0x0], $0xffff  }
0x3d4: {  	s19 =	sor.u32 s18, s19;
	v15 =	vld.idx.msk [tilespmem:v15+s14+$0x0], $0xffff;
	v20 =	vand.u32 $0xFFFF, v14  }
0x3d5: {  	v13 =	vshrl.u32 v13, $0x10;
	[tilespmem:s19+$0x1D140] =	vst v7;
	v7 =	vld.idx.msk [tilespmem:v18+s14+$0x0], $0xffff  }
0x3d6: {  	v9 =	vshrl.u32 v9, $0x10;
	v6 =	vld.idx.msk [tilespmem:v6+s14+$0x0], $0xffff  }
0x3d7: {  	s26 =	sadd.s32 $0x100, s9;
	s24 =	simm.s32 $0x300;
	v10 =	vshrl.u32 v10, $0x10;
	v18 =	vld.idx.msk [tilespmem:v19+s14+$0x0], $0xffff;
	[tilespmem:s11+$0x20] =	vst v16  }
0x3d8: {  	s26 =	sand.u32 $0x1C00, s26;
	s24 =	sand.u32 $0x300, s24;
	v16 =	vadd.s32 s12, v1;
	v8 =	vld.idx.msk [tilespmem:v8+s14+$0x0], $0xffff  }
0x3d9: {  	s2 =	sadd.s32 $0x980, s9;
	s22 =	sor.u32 s24, s26;
	v12 =	vshrl.u32 v12, $0x10;
	[tilespmem:s23+$0x1D140] =	vst v5;
	v5 =	vld.idx.msk [tilespmem:v20+s14+$0x0], $0xffff  }
0x3da: {  	s2 =	sand.u32 $0x3C00, s2;
	v19 =	vadd.s32 s7, v3;
	v13 =	vld.idx.msk [tilespmem:v13+s14+$0x0], $0xffff;
	[tilespmem:s22+$0x1D140] =	vst v15  }
0x3db: {  	s7 =	sor.u32 s18, s2;
	v15 =	vadd.s32 s29, v1;
	v9 =	vld.idx.msk [tilespmem:v9+s14+$0x0], $0xffff;
	[tilespmem:s8+$0x20] =	vst v7  }
0x3dc: {  	s26 =	sadd.s32 $0x880, s9;
	[tilespmem:s7+$0x1D140] =	vst v6;
	v6 =	vadd.s32 s10, v1;
	v10 =	vld.idx.msk [tilespmem:v10+s14+$0x0], $0xffff  }
0x3dd: {  	s18 =	sand.u32 $0x3C00, s26;
	s2 =	sadd.s32 $0x900, s9;
	s9 =	sadd.s32 $0x800, s9;
	v7 =	vadd.s32 s4, v1;
	v16 =	vld.idx.msk [tilespmem:v16+s30+$0x0], $0xffff;
	[tilespmem:s31+$0x20] =	vst v18  }
0x3de: {  	v17 =	vadd.s32 s5, v3;
	s18 =	sor.u32 s17, s18;
	s2 =	sand.u32 $0x3C00, s2;
	s9 =	sand.u32 $0x3C00, s9;
	[tilespmem:s1+$0x20] =	vst v8;
	v12 =	vld.idx.msk [tilespmem:v12+s14+$0x0], $0xffff  }
0x3df: {  	s24 =	sor.u32 s24, s2;
	s25 =	sor.u32 s25, s9;
	s9 =	simm.s32 $0x9;
	v8 =	vshrl.u32 v14, $0x10;
	v14 =	vld.idx.msk [tilespmem:v19+s30+$0x0], $0xffff;
	[tilespmem:s18+$0x1D140] =	vst v13  }
0x3e0: {  	s6 =	simm.s32 $0x2;
	v13 =	vadd.s32 s9, v0;
	v15 =	vld.idx.msk [tilespmem:v15+s30+$0x0], $0xffff;
	[tilespmem:s24+$0x1D140] =	vst v9  }
0x3e1: {  	[tilespmem:s25+$0x1D140] =	vst v11;
	v11 =	vld.idx.msk [tilespmem:v6+s30+$0x0], $0xffff;
	v6 =	vadd.s32 s6, v3  }
0x3e2: {  	v7 =	vld.idx.msk [tilespmem:v7+s30+$0x0], $0xffff;
	s6 =	simm.s32 $0xA;
	[tilespmem:s21+$0x20] =	vst v10;
	v9 =	vand.u32 $0xFFFF, v16  }
0x3e3: {  	[tilespmem:s0+$0x20] =	vst v5;
	v5 =	vadd.s32 s6, v0;
	v20 =	vld.idx.msk [tilespmem:v17+s30+$0x0], $0xffff  }
0x3e4: {  	v18 =	vld.idx.msk [tilespmem:v8+s14+$0x0], $0xffff;
	v10 =	vand.u32 $0xFFFF, v14  }
0x3e5: {  	[tilespmem:s28+$0x20] =	vst v12;
	v8 =	vld.idx.msk [tilespmem:v13+s30+$0x0], $0xffff;
	v13 =	vadd.s32 s15, v3  }
0x3e6: {  	v12 =	vand.u32 $0xFFFF, v15;
	v21 =	vld.idx.msk [tilespmem:v6+s30+$0x0], $0xffff  }
0x3e7: {  	v24 =	vand.u32 $0xFFFF, v7;
	v23 =	vld.idx.msk [tilespmem:v9+s14+$0x0], $0xffff  }
0x3e8: {  	v22 =	vand.u32 $0xFFFF, v11;
	v9 =	vld.idx.msk [tilespmem:v5+s30+$0x0], $0xffff  }
0x3e9: {  	[tilespmem:s16+$0x20] =	vst v18;
	v10 =	vld.idx.msk [tilespmem:v10+s14+$0x0], $0xffff  }
0x3ea: {  	s5 =	simm.s32 $0xC;
	v6 =	vld.idx.msk [tilespmem:v13+s30+$0x0], $0xffff  }
0x3eb: {  	s26 =	sadd.s32 $0x1D140, s19;
	s19 =	simm.s32 $0xB;
	s17 =	sadd.s32 $0x1D140, s13;
	v17 =	vshrl.u32 v15, $0x10;
	v15 =	vshrl.u32 v11, $0x10;
	v11 =	vshrl.u32 v7, $0x10;
	v19 =	vld.idx.msk [tilespmem:v12+s14+$0x0], $0xffff  }
0x3ec: {  	s23 =	sadd.s32 $0x1D140, s23;
	s22 =	sadd.s32 $0x1D140, s22;
	s13 =	sadd.s32 $0x1D140, s25;
	v7 =	vshrl.u32 v20, $0x10;
	v20 =	vand.u32 $0xFFFF, v20;
	v12 =	vshrl.u32 v16, $0x10;
	v16 =	vld.idx.msk [tilespmem:v24+s14+$0x0], $0xffff  }
0x3ed: {  	s25 =	sadd.s32 $0x1D140, s24;
	s15 =	smov.u32 s16;
	s16 =	sadd.s32 $0x1D140, s18;
	v13 =	vshrl.u32 v14, $0x10;
	v18 =	vld.idx.msk [tilespmem:v22+s14+$0x0], $0xffff;
	v5 =	vshrl.u32 v21, $0x10;
	v14 =	vand.u32 $0xFFFF, v21;
	[tilespmem:s26+$0x10] =	vst v23  }
.LBB2_17:
0x3ee: {  	_ =	sdelay $0x2  }
0x3ef: {  	v21 =	vadd.s32 s19, v0;
	v12 =	vld.idx.msk [tilespmem:v12+s14+$0x0], $0xffff  }
0x3f0: {  	v20 =	vld.idx.msk [tilespmem:v20+s14+$0x0], $0xffff  }
0x3f1: {  	v14 =	vld.idx.msk [tilespmem:v14+s14+$0x0], $0xffff;
	[tilespmem:s11+$0x30] =	vst v10  }
0x3f2: {  	v10 =	vadd.s32 s12, v2;
	[tilespmem:s23+$0x10] =	vst v19;
	v13 =	vld.idx.msk [tilespmem:v13+s14+$0x0], $0xffff  }
0x3f3: {  	v22 =	vshrl.u32 v6, $0x10;
	v6 =	vand.u32 $0xFFFF, v6;
	[tilespmem:s22+$0x10] =	vst v18;
	v17 =	vld.idx.msk [tilespmem:v17+s14+$0x0], $0xffff  }
0x3f4: {  	s7 =	sadd.s32 $0x1D140, s7;
	[tilespmem:s17+$0x10] =	vst v16;
	v18 =	vld.idx.msk [tilespmem:v21+s30+$0x0], $0xffff  }
0x3f5: {  	v16 =	vadd.s32 s29, v2;
	v15 =	vld.idx.msk [tilespmem:v15+s14+$0x0], $0xffff;
	[tilespmem:s7+$0x10] =	vst v12  }
0x3f6: {  	[tilespmem:s8+$0x30] =	vst v20;
	v11 =	vld.idx.msk [tilespmem:v11+s14+$0x0], $0xffff  }
0x3f7: {  	v12 =	vadd.s32 s10, v2;
	v10 =	vld.idx.msk [tilespmem:v10+s30+$0x0], $0xffff;
	[tilespmem:s1+$0x30] =	vst v13  }
0x3f8: {  	v6 =	vld.idx.msk [tilespmem:v6+s14+$0x0], $0xffff;
	v13 =	vadd.s32 s5, v0;
	[tilespmem:s16+$0x10] =	vst v17  }
0x3f9: {  	[dreg:$0x15] =	wrdreg s4;
	[tilespmem:s31+$0x30] =	vst v14;
	v17 =	vand.u32 $0xFFFF, v18;
	v7 =	vld.idx.msk [tilespmem:v7+s14+$0x0], $0xffff  }
0x3fa: {  	[dreg:$0x13] =	wrdreg s10;
	s24 =	smov.u32 s9;
	s18 =	sshrl.u32 s3, $0x2;
	v14 =	vadd.s32 s4, v2;
	[tilespmem:s25+$0x10] =	vst v15;
	v16 =	vld.idx.msk [tilespmem:v16+s30+$0x0], $0xffff  }
0x3fb: {  	s9 =	smov.u32 s16;
	s20 =	sadd.s32 $0x200, s20;
	s18 =	sand.u32 $0x1, s18;
	v5 =	vld.idx.msk [tilespmem:v5+s14+$0x0], $0xffff  }
0x3fc: {  	s2 =	smov.u32 s25;
	p2 =	seq.s32 s18, $0x1;
	s18 =	sadd.s32 $0x100, s20;
	v19 =	vand.u32 $0xFFFF, v4;
	v12 =	vld.idx.msk [tilespmem:v12+s30+$0x0], $0xffff  }
0x3fd: {  	s18 =	sand.u32 $0x300, s18;
	s11 =	smov.u32 s26;
	s4 =	sand.u32 $0x7FFFF0, s3;
	v15 =	vand.u32 $0xFFFF, v10;
	v13 =	vld.idx.msk [tilespmem:v13+s30+$0x0], $0xffff  }
0x3fe: {  	s26 =	sadd.s32 $0x180, s20;
	s10 =	smov.u32 s7;
	s7 =	sadd.s32 s4, s3;
	[tilespmem:s13+$0x10] =	vst v11;
	v11 =	vand.u32 $0xFFFF, v8;
	v17 =	vld.idx.msk [tilespmem:v17+s14+$0x0], $0xffff  }
0x3ff: {  	s4 =	smov.u32 s17;
	s17 =	sadd.s32 $0x80, s20;
	s16 =	sshll.u32 s3, $0x7;
	v14 =	vld.idx.msk [tilespmem:v14+s30+$0x0], $0xffff;
	[tilespmem:s0+$0x30] =	vst v6;
	v6 =	vand.u32 $0xFFFF, v9  }
0x400: {  	s8 =	smov.u32 s23;
	s17 =	sand.u32 $0x280, s17;
	s23 =	sand.u32 $0xFFFFF800, s16;
	[tilespmem:s21+$0x30] =	vst v7;
	v7 =	vshrl.u32 v16, $0x10;
	v16 =	vand.u32 $0xFFFF, v16;
	v20 =	vld.idx.msk [tilespmem:v22+s14+$0x0], $0xffff  }
0x401: {  	s1 =	smov.u32 s22;
	s22 =	sshrl.u32 s7, $0x3;
	v18 =	vshrl.u32 v18, $0x10;
	s7 =	sadd.s32 s23, s20;
	[tilespmem:s28+$0x30] =	vst v5;
	v5 =	vld.idx.msk [tilespmem:v19+s14+$0x0], $0xffff  }
0x402: {  	s25 =	smov.u32 s13;
	s16 =	sand.u32 $0x380, s26;
	s0 =	sadd.s32 $0x180, s7;
	v19 =	vshrl.u32 v12, $0x10;
	v12 =	vand.u32 $0xFFFF, v12;
	v15 =	vld.idx.msk [tilespmem:v15+s14+$0x0], $0xffff  }
0x403: {  	p3 =	seq.s32 s7, $0x0;
	s31 =	sadd.s32 $0x880, s7;
	v10 =	vshrl.u32 v10, $0x10;
	s21 =	sand.u32 $0x1C00, s0;
	v11 =	vld.idx.msk [tilespmem:v11+s14+$0x0], $0xffff  }
0x404: {  	p2 =	por !p2, !p3;
	s13 =	sadd.s32 $0x80, s7;
	s26 =	sor.u32 s16, s21;
	v6 =	vld.idx.msk [tilespmem:v6+s14+$0x0], $0xffff;
	v21 =	vshrl.u32 v14, $0x10;
	v14 =	vand.u32 $0xFFFF, v14  }
0x405: {  	p2 =	por !p2, !p2;
	v8 =	vshrl.u32 v8, $0x10;
	s23 =	sand.u32 $0x1C00, s13;
	s21 =	simm.s32 $0x1;
	[tilespmem:s26+$0x1D140] =	vst v17;
	v16 =	vld.idx.msk [tilespmem:v16+s14+$0x0], $0xffff  }
0x406: {  	s28 =	sadd.s32 $0x100, s7;
	v9 =	vshrl.u32 v9, $0x10;
	s13 =	sand.u32 $0x200, s20;
	s21 =	simm.s32 @!p2 $0x0;
	v17 =	vld.idx.msk [tilespmem:v18+s14+$0x0], $0xffff  }
0x407: {  	s30 =	sadd.s32 $0x900, s7;
	s0 =	sand.u32 $0x1C00, s28;
	s21 =	ssub.s32 s22, s21;
	v18 =	vshrl.u32 v4, $0x10;
	v12 =	vld.idx.msk [tilespmem:v12+s14+$0x0], $0xffff;
	[tilespmem:s11+$0x20] =	vst v15  }
0x408: {  	s23 =	sor.u32 s17, s23;
	s22 =	sor.u32 s18, s0;
	s21 =	sshll.u32 s21, $0xC;
	v4 =	vmov v13;
	v13 =	vadd.s32 s19, v1;
	[tilespmem:s15+$0x30] =	vst v20;
	v10 =	vld.idx.msk [tilespmem:v10+s14+$0x0], $0xffff  }
0x409: {  	s21 =	sshra.s32 s21, $0x2;
	s15 =	smov.u32 s29;
	s29 =	sadd.s32 $0x980, s7;
	[tilespmem:s23+$0x1D140] =	vst v11;
	v11 =	vld.idx.msk [tilespmem:v14+s14+$0x0], $0xffff  }
0x40a: {  	s28 =	sadd.s32 $0x800, s7;
	s21 =	sor.u32 s13, s21;
	s7 =	sand.u32 $0x3C00, s29;
	v8 =	vld.idx.msk [tilespmem:v8+s14+$0x0], $0xffff;
	[tilespmem:s22+$0x1D140] =	vst v6  }
0x40b: {  	s7 =	sor.u32 s16, s7;
	v6 =	vadd.s32 s12, v3;
	[tilespmem:s21+$0x1D140] =	vst v5;
	v5 =	vld.idx.msk [tilespmem:v9+s14+$0x0], $0xffff  }
0x40c: {  	s0 =	simm.s32 $0x1A900;
	v14 =	vadd.s32 s24, v1;
	[tilespmem:s7+$0x1D140] =	vst v17;
	v9 =	vld.idx.msk [tilespmem:v18+s14+$0x0], $0xffff  }
0x40d: {  	v15 =	vadd.s32 s6, v1;
	s12 =	sand.u32 $0x3C00, s28;
	s28 =	sand.u32 $0x3C00, s31;
	s31 =	smov.u32 s1;
	[tilespmem:s8+$0x20] =	vst v16;
	v13 =	vld.idx.msk [tilespmem:v13+s0+$0x0], $0xffff  }
0x40e: {  	s1 =	smov.u32 s10;
	v16 =	vadd.s32 s3, v1;
	s12 =	sor.u32 s13, s12;
	s13 =	sand.u32 $0x3C00, s30;
	v7 =	vld.idx.msk [tilespmem:v7+s14+$0x0], $0xffff;
	[tilespmem:s31+$0x20] =	vst v12  }
0x40f: {  	s16 =	sor.u32 s17, s28;
	s17 =	sadd.s32 $0x1D140, s21;
	s18 =	sor.u32 s18, s13;
	[tilespmem:s10+$0x20] =	vst v10;
	v10 =	vld.idx.msk [tilespmem:v19+s14+$0x0], $0xffff  }
0x410: {  	s30 =	sadd.s32 $0x1, s5;
	s21 =	sadd.s32 $0x1D140, s12;
	s29 =	sadd.s32 $0x1D140, s18;
	v18 =	vld.idx.msk [tilespmem:v6+s0+$0x0], $0xffff;
	[tilespmem:s16+$0x1D140] =	vst v8;
	v6 =	vadd.s32 s15, v3  }
0x411: {  	s13 =	smov.u32 s21;
	s21 =	smov.u32 s9;
	v8 =	vadd.s32 s30, v0;
	v12 =	vld.idx.msk [tilespmem:v14+s0+$0x0], $0xffff;
	[tilespmem:s18+$0x1D140] =	vst v5;
	s18 =	rddreg [dreg:$0x13]  }
0x412: {  	s9 =	smov.u32 s30;
	s10 =	smov.u32 s25;
	s30 =	simm.s32 $0x1A900;
	[tilespmem:s12+$0x1D140] =	vst v9;
	v5 =	vld.idx.msk [tilespmem:v15+s0+$0x0], $0xffff;
	v9 =	vadd.s32 s18, v3  }
0x413: {  	s15 =	smov.u32 s10;
	s10 =	smov.u32 s6;
	s6 =	sadd.s32 $0x2, s5;
	v14 =	vld.idx.msk [tilespmem:v16+s30+$0x0], $0xffff;
	v16 =	vand.u32 $0xFFFF, v13;
	[tilespmem:s4+$0x20] =	vst v11  }
0x414: {  	s28 =	sadd.s32 $0x1D140, s16;
	s25 =	smov.u32 s29;
	s29 =	smov.u32 s24;
	[tilespmem:s21+$0x20] =	vst v7;
	v11 =	vadd.s32 s6, v0;
	v19 =	vld.idx.msk [tilespmem:v21+s14+$0x0], $0xffff  }
0x415: {  	s24 =	rddreg [dreg:$0x15];
	s16 =	smov.u32 s28;
	s28 =	smov.u32 s2;
	v20 =	vld.idx.msk [tilespmem:v6+s30+$0x0], $0xffff;
	v6 =	vand.u32 $0xFFFF, v18  }
0x416: {  	v7 =	vadd.s32 s24, v3;
	[tilespmem:s28+$0x20] =	vst v10;
	v8 =	vld.idx.msk [tilespmem:v8+s30+$0x0], $0xffff  }
0x417: {  	v21 =	vand.u32 $0xFFFF, v12;
	v22 =	vld.idx.msk [tilespmem:v9+s30+$0x0], $0xffff  }
0x418: {  	v15 =	vshrl.u32 v5, $0x10;
	v5 =	vand.u32 $0xFFFF, v5;
	v23 =	vld.idx.msk [tilespmem:v16+s14+$0x0], $0xffff  }
0x419: {  	p1 =	slt.u32 s5, $0x1C;
	v9 =	vld.idx.msk [tilespmem:v11+s30+$0x0], $0xffff;
	v16 =	vand.u32 $0xFFFF, v14  }
.Ltmp8:
0x41a: {  	[tilespmem:s15+$0x20] =	vst v19;
	v10 =	vld.idx.msk [tilespmem:v6+s14+$0x0], $0xffff;
	(pc) =	sbr.rel @p1 .LBB2_17-.Ltmp8, $4  }
0x41b: {  	v6 =	vld.idx.msk [tilespmem:v7+s30+$0x0], $0xffff  }
0x41c: {  	s26 =	sadd.s32 $0x1D140, s26;
	s23 =	sadd.s32 $0x1D140, s23;
	s22 =	sadd.s32 $0x1D140, s22;
	v17 =	vshrl.u32 v12, $0x10;
	v12 =	vshrl.u32 v13, $0x10;
	v19 =	vld.idx.msk [tilespmem:v21+s14+$0x0], $0xffff  }
0x41d: {  	s0 =	smov.u32 s4;
	s4 =	smov.u32 s3;
	s3 =	smov.u32 s5;
	v13 =	vshrl.u32 v18, $0x10;
	v11 =	vshrl.u32 v14, $0x10;
	v7 =	vshrl.u32 v20, $0x10;
	v18 =	vld.idx.msk [tilespmem:v5+s14+$0x0], $0xffff  }
0x41e: {  	s12 =	smov.u32 s19;
	s5 =	sadd.s32 $0x4, s5;
	s19 =	sadd.s32 $0x3, s3;
	v20 =	vand.u32 $0xFFFF, v20;
	v5 =	vshrl.u32 v22, $0x10;
	v14 =	vand.u32 $0xFFFF, v22;
	v16 =	vld.idx.msk [tilespmem:v16+s14+$0x0], $0xffff;
	[tilespmem:s26+$0x10] =	vst v23  }
0x41f: {  	v21 =	vadd.s32 s19, v0;
	_ =	sdelay $0x4  }
0x420: {  	v21 =	vld.idx.msk [tilespmem:v21+s30+$0x0], $0xffff;
	_ =	sdelay $0x3  }
0x421: {  	s5 =	sshll.u32 s3, $0x7  }
0x422: {  	s18 =	sadd.s32 $0x200, s20;
	s2 =	sshrl.u32 s3, $0x2;
	s5 =	sand.u32 $0xFFFFF800, s5;
	v22 =	vand.u32 $0xFFFF, v21  }
0x423: {  	s2 =	sand.u32 $0x1, s2;
	s20 =	sadd.s32 s5, s18  }
0x424: {  	v23 =	vand.u32 $0xFFFF, v8;
	v24 =	vld.idx.msk [tilespmem:v12+s14+$0x0], $0xffff;
	s24 =	sand.u32 $0x7FFFF0, s3;
	p1 =	seq.s32 s2, $0x1;
	p2 =	seq.s32 s20, $0x0  }
0x425: {  	v12 =	vld.idx.msk [tilespmem:v20+s14+$0x0], $0xffff;
	[tilespmem:s23+$0x10] =	vst v19;
	s5 =	sadd.s32 s24, s3;
	p1 =	por !p1, !p2  }
0x426: {  	v25 =	vand.u32 $0xFFFF, v9;
	s2 =	simm.s32 $0x1;
	v17 =	vld.idx.msk [tilespmem:v17+s14+$0x0], $0xffff;
	s5 =	sshrl.u32 s5, $0x3;
	p1 =	por !p1, !p1  }
0x427: {  	s2 =	simm.s32 @!p1 $0x0;
	v22 =	vld.idx.msk [tilespmem:v22+s14+$0x0], $0xffff;
	[smem:$0x7EB] =	sst s29;
	s29 =	sadd.s32 $0x180, s18  }
0x428: {  	v19 =	vand.u32 $0xFFFF, v4;
	s24 =	sadd.s32 $0x180, s20;
	s5 =	ssub.s32 s5, s2;
	s2 =	sand.u32 $0x380, s29  }
0x429: {  	v23 =	vld.idx.msk [tilespmem:v23+s14+$0x0], $0xffff;
	s29 =	sand.u32 $0x1C00, s24;
	s24 =	sadd.s32 $0x1D140, s7;
	[smem:$0x7EC] =	sst s2  }
0x42a: {  	[smem:$0x7F1] =	sst s24;
	s2 =	sor.u32 s2, s29  }
0x42b: {  	v25 =	vld.idx.msk [tilespmem:v25+s14+$0x0], $0xffff;
	[smem:$0x7ED] =	sst s2  }
0x42c: {  	v20 =	vadd.s32 s12, v2;
	s29 =	sadd.s32 $0x80, s20;
	[tilespmem:s22+$0x10] =	vst v18  }
0x42d: {  	v21 =	vshrl.u32 v21, $0x10;
	s7 =	sand.u32 $0x1C00, s29;
	s29 =	sadd.s32 $0x80, s18;
	v18 =	vld.idx.msk [tilespmem:v19+s14+$0x0], $0xffff;
	[tilespmem:s24+$0x10] =	vst v24  }
0x42e: {  	s30 =	sadd.s32 $0x100, s20;
	v15 =	vld.idx.msk [tilespmem:v15+s14+$0x0], $0xffff;
	[smem:$0x7F2] =	sst s31;
	s31 =	sand.u32 $0x280, s29  }
0x42f: {  	s29 =	sand.u32 $0x1C00, s30;
	s30 =	sadd.s32 $0x100, s18;
	[smem:$0x7F3] =	sst s0  }
0x430: {  	s24 =	simm.s32 $0x1A900;
	[tilespmem:s2+$0x1D140] =	vst v22;
	s30 =	sand.u32 $0x300, s30;
	s2 =	sor.u32 s31, s7  }
0x431: {  	s5 =	sshll.u32 s5, $0xC;
	v19 =	vld.idx.msk [tilespmem:v20+s24+$0x0], $0xffff;
	[smem:$0x7EE] =	sst s2;
	s7 =	sor.u32 s30, s29  }
0x432: {  	s5 =	sshra.s32 s5, $0x2;
	s18 =	sand.u32 $0x200, s18;
	v21 =	vld.idx.msk [tilespmem:v21+s14+$0x0], $0xffff;
	[smem:$0x7EF] =	sst s7  }
0x433: {  	v8 =	vshrl.u32 v8, $0x10;
	s24 =	sld [smem:$0x7EB];
	s29 =	sor.u32 s18, s5;
	[tilespmem:s2+$0x1D140] =	vst v23  }
0x434: {  	[smem:$0x7F0] =	sst s29  }
0x435: {  	v9 =	vshrl.u32 v9, $0x10;
	[tilespmem:s7+$0x1D140] =	vst v25  }
0x436: {  	v4 =	vshrl.u32 v4, $0x10;
	[tilespmem:s29+$0x1D140] =	vst v18  }
0x437: {  	s0 =	sadd.s32 $0x980, s20;
	[tilespmem:s17+$0x10] =	vst v16  }
0x438: {  	v22 =	vadd.s32 s19, v1;
	s5 =	sand.u32 $0x3C00, s0;
	v8 =	vld.idx.msk [tilespmem:v8+s14+$0x0], $0xffff;
	s0 =	sld [smem:$0x7EC]  }
0x439: {  	v18 =	vadd.s32 s9, v1  }
0x43a: {  	s2 =	sadd.s32 $0x880, s20;
	s7 =	sadd.s32 $0x900, s20;
	v9 =	vld.idx.msk [tilespmem:v9+s14+$0x0], $0xffff  }
0x43b: {  	v20 =	vadd.s32 s24, v2;
	s2 =	sand.u32 $0x3C00, s2;
	v4 =	vld.idx.msk [tilespmem:v4+s14+$0x0], $0xffff;
	s7 =	sand.u32 $0x3C00, s7;
	[tilespmem:s25+$0x10] =	vst v15;
	s29 =	sor.u32 s0, s5  }
0x43c: {  	s2 =	sor.u32 s31, s2;
	v11 =	vld.idx.msk [tilespmem:v11+s14+$0x0], $0xffff;
	v15 =	vand.u32 $0xFFFF, v19;
	s7 =	sor.u32 s30, s7;
	s30 =	simm.s32 $0x1A900;
	[tilespmem:s29+$0x1D140] =	vst v21  }
0x43d: {  	v16 =	vadd.s32 s6, v1;
	[tilespmem:s2+$0x1D140] =	vst v8;
	v21 =	vld.idx.msk [tilespmem:v22+s30+$0x0], $0xffff  }
0x43e: {  	[tilespmem:s16+$0x10] =	vst v17;
	v17 =	vadd.s32 s3, v1;
	v8 =	vld.idx.msk [tilespmem:v18+s30+$0x0], $0xffff  }
0x43f: {  	s20 =	sadd.s32 $0x800, s20;
	s5 =	simm.s32 $0x1A900  }
0x440: {  	v20 =	vld.idx.msk [tilespmem:v20+s5+$0x0], $0xffff;
	s5 =	sand.u32 $0x3C00, s20  }
0x441: {  	v23 =	vadd.s32 s10, v2;
	s5 =	sor.u32 s18, s5;
	[tilespmem:s7+$0x1D140] =	vst v9;
	v15 =	vld.idx.msk [tilespmem:v15+s14+$0x0], $0xffff  }
0x442: {  	[tilespmem:s5+$0x1D140] =	vst v4;
	v4 =	vld.idx.msk [tilespmem:v16+s30+$0x0], $0xffff;
	v18 =	vand.u32 $0xFFFF, v21  }
0x443: {  	[tilespmem:s13+$0x10] =	vst v11;
	v16 =	vld.idx.msk [tilespmem:v17+s30+$0x0], $0xffff;
	v11 =	vand.u32 $0xFFFF, v8;
	_ =	sdelay $0x2  }
0x444: {  	[tilespmem:s11+$0x30] =	vst v10;
	v10 =	vld.idx.msk [tilespmem:v23+s30+$0x0], $0xffff;
	v9 =	vadd.s32 s4, v2  }
0x445: {  	[tilespmem:s26+$0x20] =	vst v15;
	v22 =	vand.u32 $0xFFFF, v4;
	v18 =	vld.idx.msk [tilespmem:v18+s14+$0x0], $0xffff  }
0x446: {  	s31 =	sld [smem:$0x7ED];
	v23 =	vand.u32 $0xFFFF, v16;
	v11 =	vld.idx.msk [tilespmem:v11+s14+$0x0], $0xffff  }
0x447: {  	v19 =	vshrl.u32 v19, $0x10;
	s11 =	sld [smem:$0x7EE]  }
0x448: {  	v17 =	vand.u32 $0xFFFF, v20  }
0x449: {  	v9 =	vld.idx.msk [tilespmem:v9+s30+$0x0], $0xffff;
	v21 =	vshrl.u32 v21, $0x10;
	s18 =	sadd.s32 $0x1D140, s31  }
0x44a: {  	v8 =	vshrl.u32 v8, $0x10;
	s31 =	sadd.s32 $0x1D140, s11;
	v22 =	vld.idx.msk [tilespmem:v22+s14+$0x0], $0xffff;
	[tilespmem:s18+$0x10] =	vst v18  }
0x44b: {  	v4 =	vshrl.u32 v4, $0x10;
	v23 =	vld.idx.msk [tilespmem:v23+s14+$0x0], $0xffff;
	s20 =	sld [smem:$0x7EF];
	[tilespmem:s31+$0x10] =	vst v11  }
0x44c: {  	v19 =	vld.idx.msk [tilespmem:v19+s14+$0x0], $0xffff;
	v15 =	vshrl.u32 v16, $0x10;
	s11 =	sld [smem:$0x7F0]  }
0x44d: {  	v52 =	vand.u32 $0xFFFF, v10;
	v17 =	vld.idx.msk [tilespmem:v17+s14+$0x0], $0xffff  }
0x44e: {  	v16 =	vand.u32 $0xFFFF, v9;
	v18 =	vshrl.u32 v20, $0x10;
	v20 =	vld.idx.msk [tilespmem:v21+s14+$0x0], $0xffff;
	s20 =	sadd.s32 $0x1D140, s20  }
0x44f: {  	v8 =	vld.idx.msk [tilespmem:v8+s14+$0x0], $0xffff;
	s11 =	sadd.s32 $0x1D140, s11;
	[tilespmem:s20+$0x10] =	vst v22  }
0x450: {  	v11 =	vadd.s32 s19, v2;
	[tilespmem:s11+$0x10] =	vst v23;
	v4 =	vld.idx.msk [tilespmem:v4+s14+$0x0], $0xffff  }
0x451: {  	v21 =	vadd.s32 s9, v2;
	v15 =	vld.idx.msk [tilespmem:v15+s14+$0x0], $0xffff  }
0x452: {  	s29 =	sadd.s32 $0x1D140, s29;
	v24 =	vld.idx.msk [tilespmem:v52+s14+$0x0], $0xffff;
	[tilespmem:s23+$0x20] =	vst v17;
	v22 =	vadd.s32 s6, v2  }
0x453: {  	s0 =	sadd.s32 $0x1D140, s2;
	v16 =	vld.idx.msk [tilespmem:v16+s14+$0x0], $0xffff;
	v17 =	vadd.s32 s3, v2;
	[tilespmem:s29+$0x10] =	vst v20  }
0x454: {  	v18 =	vld.idx.msk [tilespmem:v18+s14+$0x0], $0xffff;
	v20 =	vadd.s32 s12, v3;
	s12 =	sadd.s32 $0x1D140, s7;
	[tilespmem:s0+$0x10] =	vst v8  }
0x455: {  	s5 =	sadd.s32 $0x1D140, s5;
	v11 =	vld.idx.msk [tilespmem:v11+s30+$0x0], $0xffff;
	[tilespmem:s12+$0x10] =	vst v4  }
0x456: {  	v8 =	vld.idx.msk [tilespmem:v21+s30+$0x0], $0xffff;
	[tilespmem:s5+$0x10] =	vst v15  }
0x457: {  	v23 =	vand.u32 $0xFFFF, v6;
	v4 =	vshrl.u32 v10, $0x10;
	v10 =	vld.idx.msk [tilespmem:v22+s30+$0x0], $0xffff;
	s7 =	sld [smem:$0x7F1]  }
0x458: {  	v15 =	vld.idx.msk [tilespmem:v17+s30+$0x0], $0xffff  }
0x459: {  	v9 =	vshrl.u32 v9, $0x10;
	[tilespmem:s8+$0x30] =	vst v12  }
0x45a: {  	v14 =	vld.idx.msk [tilespmem:v14+s14+$0x0], $0xffff;
	[tilespmem:s7+$0x20] =	vst v19;
	v19 =	vand.u32 $0xFFFF, v11  }
0x45b: {  	[tilespmem:s22+$0x20] =	vst v24;
	v12 =	vld.idx.msk [tilespmem:v20+s30+$0x0], $0xffff;
	v20 =	vand.u32 $0xFFFF, v8  }
0x45c: {  	v21 =	vld.idx.msk [tilespmem:v23+s14+$0x0], $0xffff;
	[tilespmem:s17+$0x20] =	vst v16;
	v16 =	vand.u32 $0xFFFF, v10  }
0x45d: {  	[tilespmem:s16+$0x20] =	vst v18;
	v4 =	vld.idx.msk [tilespmem:v4+s14+$0x0], $0xffff;
	v18 =	vand.u32 $0xFFFF, v15  }
0x45e: {  	v17 =	vadd.s32 s24, v3;
	v9 =	vld.idx.msk [tilespmem:v9+s14+$0x0], $0xffff  }
0x45f: {  	v22 =	vadd.s32 s10, v3;
	v19 =	vld.idx.msk [tilespmem:v19+s14+$0x0], $0xffff  }
0x460: {  	v11 =	vshrl.u32 v11, $0x10;
	v20 =	vld.idx.msk [tilespmem:v20+s14+$0x0], $0xffff  }
0x461: {  	v8 =	vshrl.u32 v8, $0x10;
	v16 =	vld.idx.msk [tilespmem:v16+s14+$0x0], $0xffff  }
0x462: {  	[tilespmem:s25+$0x20] =	vst v4;
	v4 =	vshrl.u32 v10, $0x10;
	v10 =	vld.idx.msk [tilespmem:v18+s14+$0x0], $0xffff  }
0x463: {  	v17 =	vld.idx.msk [tilespmem:v17+s30+$0x0], $0xffff;
	v15 =	vshrl.u32 v15, $0x10  }
0x464: {  	v18 =	vld.idx.msk [tilespmem:v22+s30+$0x0], $0xffff;
	[tilespmem:s18+$0x20] =	vst v19  }
0x465: {  	v22 =	vadd.s32 s4, v3;
	v11 =	vld.idx.msk [tilespmem:v11+s14+$0x0], $0xffff;
	[tilespmem:s31+$0x20] =	vst v20  }
0x466: {  	[tilespmem:s20+$0x20] =	vst v16;
	v8 =	vld.idx.msk [tilespmem:v8+s14+$0x0], $0xffff  }
0x467: {  	v23 =	vand.u32 $0xFFFF, v12;
	v4 =	vld.idx.msk [tilespmem:v4+s14+$0x0], $0xffff;
	[tilespmem:s11+$0x20] =	vst v10  }
0x468: {  	[tilespmem:s13+$0x20] =	vst v9;
	v20 =	vadd.s32 s19, v3;
	v9 =	vld.idx.msk [tilespmem:v15+s14+$0x0], $0xffff  }
0x469: {  	v13 =	vld.idx.msk [tilespmem:v13+s14+$0x0], $0xffff;
	v10 =	vadd.s32 s6, v3  }
0x46a: {  	v16 =	vadd.s32 s9, v3;
	v22 =	vld.idx.msk [tilespmem:v22+s30+$0x0], $0xffff;
	[tilespmem:s29+$0x20] =	vst v11  }
0x46b: {  	v7 =	vld.idx.msk [tilespmem:v7+s14+$0x0], $0xffff;
	v19 =	vand.u32 $0xFFFF, v17;
	[tilespmem:s0+$0x20] =	vst v8  }
0x46c: {  	v23 =	vld.idx.msk [tilespmem:v23+s14+$0x0], $0xffff;
	v15 =	vadd.s32 s3, v3;
	[tilespmem:s12+$0x20] =	vst v4  }
0x46d: {  	v11 =	vld.idx.msk [tilespmem:v20+s30+$0x0], $0xffff;
	[tilespmem:s5+$0x20] =	vst v9  }
0x46e: {  	v8 =	vshrl.u32 v12, $0x10;
	v10 =	vld.idx.msk [tilespmem:v10+s30+$0x0], $0xffff;
	s24 =	sld [smem:$0x7F2]  }
0x46f: {  	v12 =	vld.idx.msk [tilespmem:v16+s30+$0x0], $0xffff;
	v9 =	vand.u32 $0xFFFF, v22  }
0x470: {  	v19 =	vld.idx.msk [tilespmem:v19+s14+$0x0], $0xffff;
	v4 =	vand.u32 $0xFFFF, v18  }
0x471: {  	v6 =	vshrl.u32 v6, $0x10;
	[tilespmem:s24+$0x30] =	vst v14;
	v14 =	vld.idx.msk [tilespmem:v15+s30+$0x0], $0xffff  }
0x472: {  	v16 =	vand.u32 $0xFFFF, v11;
	s3 =	sld [smem:$0x7F3];
	v5 =	vld.idx.msk [tilespmem:v5+s14+$0x0], $0xffff;
	[tilespmem:s26+$0x30] =	vst v23  }
0x473: {  	[tilespmem:s21+$0x30] =	vst v7;
	v7 =	vand.u32 $0xFFFF, v10;
	v8 =	vld.idx.msk [tilespmem:v8+s14+$0x0], $0xffff  }
0x474: {  	[tilespmem:s1+$0x30] =	vst v13;
	v13 =	vand.u32 $0xFFFF, v12;
	v9 =	vld.idx.msk [tilespmem:v9+s14+$0x0], $0xffff  }
0x475: {  	v15 =	vshrl.u32 v17, $0x10;
	v4 =	vld.idx.msk [tilespmem:v4+s14+$0x0], $0xffff;
	[tilespmem:s3+$0x30] =	vst v21  }
0x476: {  	[tilespmem:s23+$0x30] =	vst v19;
	v6 =	vld.idx.msk [tilespmem:v6+s14+$0x0], $0xffff;
	v17 =	vand.u32 $0xFFFF, v14  }
0x477: {  	v16 =	vld.idx.msk [tilespmem:v16+s14+$0x0], $0xffff;
	[tilespmem:s28+$0x30] =	vst v5;
	v5 =	vshrl.u32 v18, $0x10  }
0x478: {  	v7 =	vld.idx.msk [tilespmem:v7+s14+$0x0], $0xffff;
	[tilespmem:s7+$0x30] =	vst v8;
	v8 =	vshrl.u32 v11, $0x10  }
0x479: {  	[tilespmem:s17+$0x30] =	vst v9;
	v9 =	vshrl.u32 v10, $0x10;
	v11 =	vld.idx.msk [tilespmem:v13+s14+$0x0], $0xffff  }
0x47a: {  	v15 =	vld.idx.msk [tilespmem:v15+s14+$0x0], $0xffff;
	[tilespmem:s22+$0x30] =	vst v4;
	v4 =	vshrl.u32 v12, $0x10  }
0x47b: {  	[tilespmem:s15+$0x30] =	vst v6;
	v6 =	vshrl.u32 v22, $0x10;
	v10 =	vld.idx.msk [tilespmem:v17+s14+$0x0], $0xffff  }
0x47c: {  	v12 =	vshrl.u32 v14, $0x10;
	[tilespmem:s18+$0x30] =	vst v16;
	v5 =	vld.idx.msk [tilespmem:v5+s14+$0x0], $0xffff  }
0x47d: {  	[tilespmem:s20+$0x30] =	vst v7;
	v8 =	vld.idx.msk [tilespmem:v8+s14+$0x0], $0xffff  }
0x47e: {  	[tilespmem:s31+$0x30] =	vst v11;
	v7 =	vld.idx.msk [tilespmem:v9+s14+$0x0], $0xffff  }
0x47f: {  	[tilespmem:s16+$0x30] =	vst v15;
	v4 =	vld.idx.msk [tilespmem:v4+s14+$0x0], $0xffff  }
0x480: {  	v6 =	vld.idx.msk [tilespmem:v6+s14+$0x0], $0xffff;
	[tilespmem:s11+$0x30] =	vst v10  }
0x481: {  	[tilespmem:s25+$0x30] =	vst v5;
	v5 =	vld.idx.msk [tilespmem:v12+s14+$0x0], $0xffff  }
0x482: {  	[tilespmem:s29+$0x30] =	vst v8  }
0x483: {  	[tilespmem:s12+$0x30] =	vst v7  }
0x484: {  	[tilespmem:s0+$0x30] =	vst v4  }
0x485: {  	[tilespmem:s13+$0x30] =	vst v6  }
0x486: {  	s31 =	simm.s32 $0x18900;
	[tilespmem:s5+$0x30] =	vst v5  }
0x487: {  	v4 =	vld [tilespmem:s31+$0x3A0]  }
0x488: {  	v5 =	vld [tilespmem:s31+$0x3B0]  }
0x489: {  	v6 =	vld [tilespmem:s31+$0x3F0]  }
0x48a: {  	v7 =	vld [tilespmem:s31+$0x3E0]  }
0x48b: {  	v8 =	vld [tilespmem:s31+$0x10]  }
0x48c: {  	v9 =	vld [tilespmem:s31+$0x50]  }
0x48d: {  	v10 =	vld [tilespmem:s31+$0x20]  }
0x48e: {  	v11 =	vld [tilespmem:s31+$0x3C0]  }
0x48f: {  	v12 =	vld [tilespmem:s31+$0x380]  }
0x490: {  	v13 =	vld [tilespmem:s31+$0x390]  }
0x491: {  	v14 =	vld [tilespmem:s31+$0x3D0]  }
0x492: {  	v15 =	vld [tilespmem:s31+$0x30]  }
0x493: {  	v16 =	vld [tilespmem:s31+$0x70]  }
0x494: {  	v17 =	vld [tilespmem:s31+$0x80]  }
0x495: {  	v18 =	vld [tilespmem:s31+$0x90]  }
0x496: {  	v19 =	vld [tilespmem:s31+$0xD0]  }
0x497: {  	v20 =	vld [tilespmem:s31+$0xA0]  }
0x498: {  	v21 =	vld [tilespmem:s31+$0xB0]  }
0x499: {  	v22 =	vld [tilespmem:s31+$0xF0]  }
0x49a: {  	v23 =	vld [tilespmem:s31+$0x100]  }
0x49b: {  	v24 =	vld [tilespmem:s31+$0x110]  }
0x49c: {  	v25 =	vld [tilespmem:s31+$0x150]  }
0x49d: {  	v26 =	vld [tilespmem:s31+$0x120]  }
0x49e: {  	v27 =	vld [tilespmem:s31+$0x130]  }
0x49f: {  	v28 =	vld [tilespmem:s31+$0x170]  }
0x4a0: {  	v29 =	vld [tilespmem:s31+$0x180]  }
0x4a1: {  	v30 =	vld [tilespmem:s31+$0x190]  }
0x4a2: {  	v31 =	vld [tilespmem:s31+$0x1D0]  }
0x4a3: {  	v32 =	vld [tilespmem:s31+$0x1A0]  }
0x4a4: {  	v33 =	vld [tilespmem:s31+$0x1B0]  }
0x4a5: {  	v34 =	vld [tilespmem:s31+$0x1F0]  }
0x4a6: {  	v35 =	vld [tilespmem:s31+$0x200]  }
0x4a7: {  	v36 =	vld [tilespmem:s31+$0x210]  }
0x4a8: {  	v37 =	vld [tilespmem:s31+$0x250]  }
0x4a9: {  	v38 =	vld [tilespmem:s31+$0x220]  }
0x4aa: {  	v39 =	vld [tilespmem:s31+$0x230];
	v4 =	vshll.u32 v4, $0x8  }
0x4ab: {  	v40 =	vld [tilespmem:s31+$0x280];
	v5 =	vshll.u32 v5, $0x18;
	v6 =	vshll.u32 v6, $0x10;
	v17 =	vshll.u32 v17, $0x8  }
0x4ac: {  	v59 =	vld [tilespmem:s31+$0x60];
	v53 =	vshll.u32 v26, $0x8;
	v29 =	vshll.u32 v29, $0x8;
	v32 =	vshll.u32 v32, $0x8  }
0x4ad: {  	v54 =	vld [tilespmem:s31+$0x350];
	v35 =	vshll.u32 v35, $0x8;
	v4 =	vadd.s32 v7, v4;
	v5 =	vadd.s32 v5, v6  }
0x4ae: {  	v56 =	vld [tilespmem:s31+$0x320];
	v7 =	vshll.u32 v8, $0x18;
	v8 =	vor.u32 v4, v5;
	v4 =	vshll.u32 v9, $0x10  }
0x4af: {  	v58 =	vld [tilespmem:s31+$0x40];
	v9 =	vshll.u32 v10, $0x8;
	v5 =	vshll.u32 v12, $0x8;
	v12 =	vshll.u32 v14, $0x10  }
0x4b0: {  	s0 =	simm.s32 $0x1A984;
	v61 =	vld [tilespmem:s31+$0xC0];
	v14 =	vshll.u32 v15, $0x18;
	v5 =	vadd.s32 v11, v5;
	v11 =	vshll.u32 v13, $0x18  }
0x4b1: {  	v6 =	vld [tilespmem:s31+$0x270];
	[tilespmem:s0+$0x73] =	vst v8;
	v8 =	vadd.s32 v59, v9;
	v11 =	vadd.s32 v11, v12;
	v12 =	vshll.u32 v16, $0x10  }
0x4b2: {  	v42 =	vld [tilespmem:s31+$0xE0];
	v16 =	vadd.s32 v7, v4;
	v4 =	vshll.u32 v18, $0x18;
	v18 =	vshll.u32 v20, $0x8  }
0x4b3: {  	v43 =	vld [tilespmem:s31+$0x140];
	v41 =	vor.u32 v5, v11;
	v14 =	vadd.s32 v14, v12;
	v5 =	vshll.u32 v19, $0x10  }
0x4b4: {  	v62 =	vld [tilespmem:s31+$0x1E0];
	v12 =	vshll.u32 v21, $0x18;
	v19 =	vshll.u32 v22, $0x10;
	v22 =	vshll.u32 v23, $0x8  }
0x4b5: {  	v10 =	vld [tilespmem:s31+$0x290];
	v21 =	vadd.s32 v4, v5;
	v19 =	vadd.s32 v12, v19;
	v4 =	vshll.u32 v24, $0x18  }
0x4b6: {  	v13 =	vld [tilespmem:s31+$0x2D0];
	v5 =	vshll.u32 v25, $0x10;
	v6 =	vshll.u32 v6, $0x10;
	v8 =	vor.u32 v8, v14  }
0x4b7: {  	v7 =	vld [tilespmem:s31+$0x2B0];
	v14 =	vadd.s32 v61, v17;
	v55 =	vadd.s32 v4, v5;
	v4 =	vshll.u32 v27, $0x18  }
0x4b8: {  	v12 =	vld [tilespmem:s31+$0x0];
	v5 =	vshll.u32 v28, $0x10;
	[tilespmem:s0+$0xFFFFFF8C] =	vst v8;
	v8 =	vadd.s32 v42, v18;
	v14 =	vor.u32 v14, v21  }
0x4b9: {  	v11 =	vld [tilespmem:s31+$0x2F0];
	v28 =	vadd.s32 v4, v5;
	v4 =	vshll.u32 v30, $0x18;
	v5 =	vshll.u32 v31, $0x10  }
0x4ba: {  	v20 =	vld [tilespmem:s31+$0x300];
	v31 =	vadd.s32 v4, v5;
	v4 =	vshll.u32 v33, $0x18;
	v5 =	vshll.u32 v34, $0x10  }
0x4bb: {  	v15 =	vld [tilespmem:s31+$0x2A0];
	v33 =	vadd.s32 v4, v5;
	v4 =	vshll.u32 v36, $0x18;
	v5 =	vshll.u32 v37, $0x10  }
0x4bc: {  	v9 =	vld [tilespmem:s31+$0x160];
	v18 =	vadd.s32 v43, v22;
	v4 =	vadd.s32 v4, v5;
	v5 =	vshll.u32 v39, $0x18  }
0x4bd: {  	v23 =	vld [tilespmem:s31+$0x310];
	v5 =	vadd.s32 v5, v6;
	v6 =	vshll.u32 v10, $0x18;
	v10 =	vshll.u32 v13, $0x10  }
0x4be: {  	v57 =	vld [tilespmem:s31+$0x330];
	v7 =	vshll.u32 v7, $0x18;
	v6 =	vadd.s32 v6, v10;
	v10 =	vshll.u32 v11, $0x10  }
0x4bf: {  	v13 =	vshll.u32 v20, $0x8;
	v20 =	vld [tilespmem:s31+$0x1C0];
	v7 =	vadd.s32 v7, v10;
	v10 =	vshll.u32 v12, $0x8  }
0x4c0: {  	v60 =	vld [tilespmem:s31+$0x370];
	v21 =	vadd.s32 v62, v32;
	[tilespmem:s0+$0xFFFFFF9D] =	vst v14;
	v14 =	vor.u32 v8, v19;
	v34 =	vadd.s32 v58, v10  }
0x4c1: {  	v63 =	vld [tilespmem:s31+$0x240];
	[tilespmem:s0+$0xFFFFFFAD] =	vst v14;
	v14 =	vadd.s32 v9, v53;
	v12 =	vshll.u32 v15, $0x8;
	v15 =	vor.u32 v34, v16  }
0x4c2: {  	v8 =	vld [tilespmem:s31+$0x260];
	v23 =	vshll.u32 v23, $0x18;
	v14 =	vor.u32 v14, v28;
	[tilespmem:s0+$0xFFFFFF7C] =	vst v15;
	v15 =	vshll.u32 v54, $0x10  }
0x4c3: {  	[tilespmem:s0+$0x63] =	vst v41;
	v9 =	vld [tilespmem:s31+$0x2C0];
	v21 =	vor.u32 v21, v33;
	v17 =	vadd.s32 v23, v15;
	v15 =	vor.u32 v18, v55  }
0x4c4: {  	v11 =	vshll.u32 v40, $0x8;
	v10 =	vshll.u32 v38, $0x8;
	v19 =	vadd.s32 v20, v29;
	[tilespmem:s0+$0xFFFFFFBE] =	vst v15;
	v15 =	vld [tilespmem:s31+$0x2E0]  }
0x4c5: {  	[tilespmem:s0+$0xFFFFFFCE] =	vst v14;
	v14 =	vld [tilespmem:s31+$0x340];
	v20 =	vshll.u32 v60, $0x10;
	v18 =	vshll.u32 v57, $0x18;
	v19 =	vor.u32 v19, v31  }
0x4c6: {  	s2 =	simm.s32 $0x18D00;
	s1 =	simm.s32 $0x0;
	v16 =	vshll.u32 v56, $0x8;
	v18 =	vadd.s32 v18, v20;
	[tilespmem:s0+$0xFFFFFFDF] =	vst v19;
	v20 =	vadd.s32 v63, v35;
	v19 =	vld [tilespmem:s31+$0x360]  }
.LBB2_19:
0x4c7: {  	v22 =	vld [tilespmem:s2+$0x3A0];
	[tilespmem:s0+$0xFFFFFFEF] =	vst v21;
	v8 =	vadd.s32 v8, v10;
	v4 =	vor.u32 v20, v4  }
0x4c8: {  	v10 =	vld [tilespmem:s2+$0x3B0];
	[tilespmem:s0+$0x0] =	vst v4;
	v4 =	vor.u32 v8, v5;
	v5 =	vadd.s32 v9, v11  }
0x4c9: {  	s1 =	sadd.s32 $0x8, s1;
	v8 =	vld [tilespmem:s2+$0x3F0];
	[tilespmem:s0+$0x10] =	vst v4;
	v4 =	vadd.s32 v15, v12;
	v5 =	vor.u32 v5, v6  }
0x4ca: {  	p1 =	slt.u32 s1, $0x38;
	v6 =	vld [tilespmem:s2+$0x3E0];
	[tilespmem:s0+$0x21] =	vst v5;
	v4 =	vor.u32 v4, v7;
	v5 =	vadd.s32 v14, v13  }
0x4cb: {  	v7 =	vld [tilespmem:s2+$0x10];
	[tilespmem:s0+$0x31] =	vst v4;
	v4 =	vadd.s32 v19, v16;
	v5 =	vor.u32 v5, v17  }
0x4cc: {  	v9 =	vld [tilespmem:s2+$0x50];
	[tilespmem:s0+$0x42] =	vst v5;
	v4 =	vor.u32 v4, v18  }
0x4cd: {  	v5 =	vld [tilespmem:s2+$0x20];
	[tilespmem:s0+$0x52] =	vst v4  }
0x4ce: {  	v11 =	vshll.u32 v22, $0x8;
	v10 =	vshll.u32 v10, $0x18;
	v4 =	vld [tilespmem:s2+$0x3C0];
	v8 =	vshll.u32 v8, $0x10  }
0x4cf: {  	v12 =	vld [tilespmem:s2+$0x380];
	v6 =	vadd.s32 v6, v11;
	v8 =	vadd.s32 v10, v8  }
0x4d0: {  	s0 =	sadd.s32 $0x108, s0;
	v7 =	vshll.u32 v7, $0x18;
	v10 =	vld [tilespmem:s2+$0x390];
	v6 =	vor.u32 v6, v8  }
0x4d1: {  	s20 =	simm.s32 $0x0;
	v9 =	vshll.u32 v9, $0x10;
	v11 =	vld [tilespmem:s2+$0x3D0];
	[tilespmem:s0+$0x73] =	vst v6  }
0x4d2: {  	v8 =	vshll.u32 v5, $0x8;
	v5 =	vld [tilespmem:s2+$0x30];
	v9 =	vadd.s32 v7, v9  }
0x4d3: {  	v6 =	vld [tilespmem:s2+$0x70]  }
0x4d4: {  	v7 =	vld [tilespmem:s2+$0x80];
	v12 =	vshll.u32 v12, $0x8  }
0x4d5: {  	v13 =	vld [tilespmem:s2+$0x90];
	v4 =	vadd.s32 v4, v12;
	v10 =	vshll.u32 v10, $0x18  }
0x4d6: {  	v12 =	vld [tilespmem:s2+$0xD0];
	v11 =	vshll.u32 v11, $0x10  }
0x4d7: {  	v5 =	vshll.u32 v5, $0x18;
	v16 =	vld [tilespmem:s2+$0xA0];
	v10 =	vadd.s32 v10, v11  }
0x4d8: {  	v6 =	vshll.u32 v6, $0x10;
	v11 =	vld [tilespmem:s2+$0xB0];
	v4 =	vor.u32 v4, v10  }
0x4d9: {  	v14 =	vadd.s32 v5, v6;
	v15 =	vshll.u32 v7, $0x8;
	v5 =	vld [tilespmem:s2+$0xF0];
	[tilespmem:s0+$0x63] =	vst v4  }
0x4da: {  	v4 =	vshll.u32 v13, $0x18;
	v6 =	vld [tilespmem:s2+$0x100]  }
0x4db: {  	v7 =	vshll.u32 v12, $0x10;
	v10 =	vld [tilespmem:s2+$0x110]  }
0x4dc: {  	v19 =	vshll.u32 v16, $0x8;
	v20 =	vadd.s32 v4, v7;
	v4 =	vld [tilespmem:s2+$0x150]  }
0x4dd: {  	v7 =	vshll.u32 v11, $0x18;
	v11 =	vld [tilespmem:s2+$0x120]  }
0x4de: {  	v5 =	vshll.u32 v5, $0x10;
	v12 =	vld [tilespmem:s2+$0x130]  }
0x4df: {  	v21 =	vadd.s32 v7, v5;
	v22 =	vshll.u32 v6, $0x8;
	v5 =	vld [tilespmem:s2+$0x170]  }
0x4e0: {  	v6 =	vshll.u32 v10, $0x18;
	v7 =	vld [tilespmem:s2+$0x180]  }
0x4e1: {  	v4 =	vshll.u32 v4, $0x10;
	v10 =	vld [tilespmem:s2+$0x190]  }
0x4e2: {  	v23 =	vshll.u32 v11, $0x8;
	v24 =	vadd.s32 v6, v4;
	v4 =	vld [tilespmem:s2+$0x1D0]  }
0x4e3: {  	v6 =	vshll.u32 v12, $0x18;
	v11 =	vld [tilespmem:s2+$0x1A0]  }
0x4e4: {  	v5 =	vshll.u32 v5, $0x10;
	v12 =	vld [tilespmem:s2+$0x1B0]  }
0x4e5: {  	v25 =	vadd.s32 v6, v5;
	v26 =	vshll.u32 v7, $0x8;
	v5 =	vld [tilespmem:s2+$0x1F0]  }
0x4e6: {  	v6 =	vshll.u32 v10, $0x18;
	v7 =	vld [tilespmem:s2+$0x200]  }
0x4e7: {  	v4 =	vshll.u32 v4, $0x10;
	v10 =	vld [tilespmem:s2+$0x210]  }
0x4e8: {  	v27 =	vshll.u32 v11, $0x8;
	v28 =	vadd.s32 v6, v4;
	v4 =	vld [tilespmem:s2+$0x250]  }
0x4e9: {  	v6 =	vshll.u32 v12, $0x18;
	v11 =	vld [tilespmem:s2+$0x220]  }
0x4ea: {  	v5 =	vshll.u32 v5, $0x10;
	v12 =	vld [tilespmem:s2+$0x230]  }
0x4eb: {  	v29 =	vadd.s32 v6, v5;
	v30 =	vshll.u32 v7, $0x8;
	v5 =	vld [tilespmem:s2+$0x270]  }
0x4ec: {  	v6 =	vshll.u32 v10, $0x18;
	v7 =	vld [tilespmem:s2+$0x280]  }
0x4ed: {  	v4 =	vshll.u32 v4, $0x10;
	v13 =	vld [tilespmem:s2+$0x290]  }
0x4ee: {  	v10 =	vshll.u32 v11, $0x8;
	v4 =	vadd.s32 v6, v4;
	v6 =	vld [tilespmem:s2+$0x2D0]  }
0x4ef: {  	v11 =	vshll.u32 v12, $0x18;
	v12 =	vld [tilespmem:s2+$0x2A0]  }
0x4f0: {  	v5 =	vshll.u32 v5, $0x10;
	v16 =	vld [tilespmem:s2+$0x2B0]  }
0x4f1: {  	v5 =	vadd.s32 v11, v5;
	v11 =	vshll.u32 v7, $0x8;
	v7 =	vld [tilespmem:s2+$0x2F0]  }
0x4f2: {  	v13 =	vshll.u32 v13, $0x18;
	v17 =	vld [tilespmem:s2+$0x300]  }
0x4f3: {  	v6 =	vshll.u32 v6, $0x10;
	v18 =	vld [tilespmem:s2+$0x310]  }
0x4f4: {  	v12 =	vshll.u32 v12, $0x8;
	v6 =	vadd.s32 v13, v6;
	v31 =	vld [tilespmem:s2+$0x350]  }
0x4f5: {  	v13 =	vshll.u32 v16, $0x18;
	v16 =	vld [tilespmem:s2+$0x320]  }
0x4f6: {  	v7 =	vshll.u32 v7, $0x10;
	v32 =	vld [tilespmem:s2+$0x330]  }
0x4f7: {  	v7 =	vadd.s32 v13, v7;
	v13 =	vshll.u32 v17, $0x8;
	v33 =	vld [tilespmem:s2+$0x370]  }
0x4f8: {  	v34 =	vld [tilespmem:s2+$0x0];
	v17 =	vshll.u32 v18, $0x18  }
0x4f9: {  	v35 =	vld [tilespmem:s2+$0x40];
	v18 =	vshll.u32 v31, $0x10  }
0x4fa: {  	v31 =	vld [tilespmem:s2+$0x60];
	v16 =	vshll.u32 v16, $0x8;
	v17 =	vadd.s32 v17, v18  }
0x4fb: {  	v36 =	vld [tilespmem:s2+$0xC0];
	v18 =	vshll.u32 v32, $0x18  }
0x4fc: {  	v32 =	vld [tilespmem:s2+$0xE0];
	v33 =	vshll.u32 v33, $0x10  }
0x4fd: {  	v34 =	vshll.u32 v34, $0x8;
	v37 =	vld [tilespmem:s2+$0x140];
	v18 =	vadd.s32 v18, v33  }
0x4fe: {  	v33 =	vadd.s32 v35, v34;
	v34 =	vld [tilespmem:s2+$0x160]  }
0x4ff: {  	v8 =	vadd.s32 v31, v8;
	v9 =	vor.u32 v33, v9;
	v31 =	vld [tilespmem:s2+$0x1C0]  }
0x500: {  	[tilespmem:s0+$0xFFFFFF7C] =	vst v9;
	v8 =	vor.u32 v8, v14;
	v9 =	vadd.s32 v36, v15;
	v14 =	vld [tilespmem:s2+$0x1E0]  }
0x501: {  	[tilespmem:s0+$0xFFFFFF8C] =	vst v8;
	v8 =	vadd.s32 v32, v19;
	v9 =	vor.u32 v9, v20;
	v19 =	vld [tilespmem:s2+$0x240]  }
.Ltmp9:
0x502: {  	[tilespmem:s0+$0xFFFFFF9D] =	vst v9;
	v9 =	vor.u32 v8, v21;
	v15 =	vadd.s32 v37, v22;
	v8 =	vld [tilespmem:s2+$0x260];
	(pc) =	sbr.rel @p1 .LBB2_19-.Ltmp9, $4  }
0x503: {  	[tilespmem:s0+$0xFFFFFFAD] =	vst v9;
	v20 =	vadd.s32 v34, v23;
	v15 =	vor.u32 v15, v24;
	v9 =	vld [tilespmem:s2+$0x2C0]  }
0x504: {  	[tilespmem:s0+$0xFFFFFFBE] =	vst v15;
	v20 =	vor.u32 v20, v25;
	v21 =	vadd.s32 v31, v26;
	v15 =	vld [tilespmem:s2+$0x2E0]  }
0x505: {  	[tilespmem:s0+$0xFFFFFFCE] =	vst v20;
	v20 =	vadd.s32 v14, v27;
	v21 =	vor.u32 v21, v28;
	v14 =	vld [tilespmem:s2+$0x340]  }
0x506: {  	[tilespmem:s0+$0xFFFFFFDF] =	vst v21;
	v21 =	vor.u32 v20, v29;
	v20 =	vadd.s32 v19, v30;
	v19 =	vld [tilespmem:s2+$0x360];
	s2 =	sadd.s32 $0x400, s2  }
0x507: {  	[tilespmem:s0+$0xFFFFFFEF] =	vst v21;
	v8 =	vadd.s32 v8, v10;
	v4 =	vor.u32 v20, v4  }
0x508: {  	s7 =	simm.s32 $0x3;
	[tilespmem:s0+$0x0] =	vst v4;
	v4 =	vor.u32 v8, v5;
	v5 =	vadd.s32 v9, v11  }
0x509: {  	[tilespmem:s0+$0x10] =	vst v4;
	v4 =	vadd.s32 v15, v12;
	v5 =	vor.u32 v5, v6;
	v6 =	vadd.s32 s7, v0  }
0x50a: {  	[tilespmem:s0+$0x21] =	vst v5;
	v4 =	vor.u32 v4, v7;
	v5 =	vadd.s32 v14, v13  }
0x50b: {  	[tilespmem:s0+$0x31] =	vst v4;
	v4 =	vadd.s32 v19, v16;
	v5 =	vor.u32 v5, v17  }
0x50c: {  	s3 =	simm.s32 $0x1;
	[tilespmem:s0+$0x42] =	vst v5;
	v4 =	vor.u32 v4, v18  }
0x50d: {  	s4 =	simm.s32 $0x2;
	[tilespmem:s0+$0x52] =	vst v4;
	v4 =	vadd.s32 s3, v0  }
0x50e: {  	v5 =	vld.idx.msk [tilespmem:v6+s30+$0x0], $0xffff;
	v6 =	vadd.s32 s4, v0;
	_ =	sdelay $0x3  }
0x50f: {  	v7 =	vadd.s32 s20, v0;
	v4 =	vld.idx.msk [tilespmem:v4+s30+$0x0], $0xffff  }
0x510: {  	v8 =	vand.u32 $0xFFFF, v5;
	v6 =	vld.idx.msk [tilespmem:v6+s30+$0x0], $0xffff;
	_ =	sdelay $0x1  }
0x511: {  	s5 =	simm.s32 $0x0  }
0x512: {  	s1 =	sand.u32 $0x7FFFF0, s20;
	s2 =	simm.s32 $0x0;
	s6 =	simm.s32 $0x180  }
0x513: {  	s1 =	sadd.s32 $0x0, s1;
	s2 =	sand.u32 $0x1, s2;
	s0 =	sand.u32 $0xFFFFF800, s5;
	v7 =	vld.idx.msk [tilespmem:v7+s30+$0x0], $0xffff;
	v9 =	vand.u32 $0xFFFF, v4  }
0x514: {  	p1 =	seq.s32 s2, $0x1;
	s1 =	sshrl.u32 s1, $0x3;
	s0 =	sadd.s32 $0x0, s0;
	v8 =	vld.idx.msk [tilespmem:v8+s14+$0x0], $0xffff;
	v10 =	vand.u32 $0xFFFF, v6  }
0x515: {  	s4 =	sand.u32 $0x380, s6;
	s6 =	simm.s32 $0x80;
	s3 =	sadd.s32 $0x180, s0;
	v5 =	vshrl.u32 v5, $0x10  }
0x516: {  	p2 =	seq.s32 s0, $0x0;
	s9 =	sadd.s32 $0x80, s0;
	s8 =	sand.u32 $0x1C00, s3  }
0x517: {  	s10 =	sadd.s32 $0x100, s0;
	s6 =	sand.u32 $0x280, s6;
	s2 =	sor.u32 s4, s8  }
0x518: {  	s11 =	sadd.s32 $0x980, s0;
	p1 =	por !p1, !p2;
	s13 =	sadd.s32 $0x1D140, s2;
	v11 =	vand.u32 $0xFFFF, v7;
	v9 =	vld.idx.msk [tilespmem:v9+s14+$0x0], $0xffff  }
0x519: {  	s3 =	simm.s32 $0x1;
	s9 =	sand.u32 $0x1C00, s9;
	p1 =	por !p1, !p1;
	v4 =	vshrl.u32 v4, $0x10;
	[tilespmem:s13+$0x40] =	vst v8;
	v8 =	vld.idx.msk [tilespmem:v10+s14+$0x0], $0xffff  }
0x51a: {  	s10 =	sand.u32 $0x1C00, s10;
	s8 =	simm.s32 $0x100;
	s3 =	simm.s32 @!p1 $0x0;
	v6 =	vshrl.u32 v6, $0x10;
	v5 =	vld.idx.msk [tilespmem:v5+s14+$0x0], $0xffff  }
0x51b: {  	s8 =	sand.u32 $0x300, s8;
	s1 =	ssub.s32 s1, s3;
	s3 =	sor.u32 s6, s9;
	v10 =	vadd.s32 s7, v1  }
0x51c: {  	s9 =	sand.u32 $0x3C00, s11;
	s15 =	sor.u32 s8, s10;
	s21 =	sadd.s32 $0x1D140, s3  }
0x51d: {  	s12 =	sor.u32 s4, s9;
	s24 =	sadd.s32 $0x1D140, s15;
	v11 =	vld.idx.msk [tilespmem:v11+s14+$0x0], $0xffff;
	[tilespmem:s21+$0x40] =	vst v9  }
0x51e: {  	s1 =	sshll.u32 s1, $0xC;
	v7 =	vshrl.u32 v7, $0x10;
	s11 =	sadd.s32 $0x1D140, s12;
	v4 =	vld.idx.msk [tilespmem:v4+s14+$0x0], $0xffff;
	[tilespmem:s24+$0x40] =	vst v8  }
0x51f: {  	s16 =	sand.u32 $0x200, s20;
	s15 =	simm.s32 $0x1;
	s1 =	sshra.s32 s1, $0x2;
	[tilespmem:s11+$0x40] =	vst v5;
	v6 =	vld.idx.msk [tilespmem:v6+s14+$0x0], $0xffff  }
0x520: {  	s17 =	sadd.s32 $0x880, s0;
	s12 =	simm.s32 $0x2;
	s1 =	sor.u32 s16, s1;
	v5 =	vadd.s32 s15, v1;
	v8 =	vld.idx.msk [tilespmem:v10+s30+$0x0], $0xffff  }
0x521: {  	s19 =	sadd.s32 $0x900, s0;
	s18 =	sand.u32 $0x3C00, s17;
	s2 =	sadd.s32 $0x1D140, s1;
	v9 =	vadd.s32 s12, v1  }
0x522: {  	s22 =	sand.u32 $0x3C00, s19;
	s1 =	sor.u32 s6, s18;
	[tilespmem:s2+$0x40] =	vst v11  }
0x523: {  	s25 =	sor.u32 s8, s22;
	s23 =	sadd.s32 $0x1D140, s1;
	v7 =	vld.idx.msk [tilespmem:v7+s14+$0x0], $0xffff  }
0x524: {  	s0 =	sadd.s32 $0x800, s0;
	s5 =	sadd.s32 $0x1D140, s25;
	v10 =	vadd.s32 s20, v1;
	[tilespmem:s23+$0x40] =	vst v4  }
0x525: {  	s0 =	sand.u32 $0x3C00, s0;
	v4 =	vld.idx.msk [tilespmem:v5+s30+$0x0], $0xffff;
	[tilespmem:s5+$0x40] =	vst v6;
	v5 =	vand.u32 $0xFFFF, v8  }
0x526: {  	s0 =	sor.u32 s16, s0;
	v6 =	vld.idx.msk [tilespmem:v9+s30+$0x0], $0xffff  }
0x527: {  	s1 =	sadd.s32 $0x1D140, s0  }
0x528: {  	s28 =	simm.s32 $0x4;
	[tilespmem:s1+$0x40] =	vst v7  }
0x529: {  	v7 =	vadd.s32 s28, v0;
	v9 =	vld.idx.msk [tilespmem:v10+s30+$0x0], $0xffff  }
0x52a: {  	v10 =	vand.u32 $0xFFFF, v4;
	v5 =	vld.idx.msk [tilespmem:v5+s14+$0x0], $0xffff  }
0x52b: {  	v11 =	vand.u32 $0xFFFF, v6  }
0x52c: {  	s10 =	simm.s32 $0x5;
	v8 =	vshrl.u32 v8, $0x10  }
0x52d: {  	v12 =	vadd.s32 s10, v0  }
0x52e: {  	s4 =	simm.s32 $0x7;
	v7 =	vld.idx.msk [tilespmem:v7+s30+$0x0], $0xffff;
	v13 =	vand.u32 $0xFFFF, v9  }
0x52f: {  	v10 =	vld.idx.msk [tilespmem:v10+s14+$0x0], $0xffff;
	[tilespmem:s13+$0x50] =	vst v5;
	v5 =	vadd.s32 s4, v0  }
0x530: {  	v4 =	vshrl.u32 v4, $0x10;
	v11 =	vld.idx.msk [tilespmem:v11+s14+$0x0], $0xffff  }
0x531: {  	v6 =	vshrl.u32 v6, $0x10;
	v8 =	vld.idx.msk [tilespmem:v8+s14+$0x0], $0xffff  }
0x532: {  	v14 =	vadd.s32 s7, v2;
	v12 =	vld.idx.msk [tilespmem:v12+s30+$0x0], $0xffff  }
0x533: {  	v13 =	vld.idx.msk [tilespmem:v13+s14+$0x0], $0xffff  }
0x534: {  	s29 =	simm.s32 $0x6;
	v9 =	vshrl.u32 v9, $0x10;
	[tilespmem:s21+$0x50] =	vst v10;
	v5 =	vld.idx.msk [tilespmem:v5+s30+$0x0], $0xffff  }
0x535: {  	s26 =	sand.u32 $0x7FFFF0, s28;
	v15 =	vadd.s32 s29, v0;
	s6 =	simm.s32 $0x200;
	v4 =	vld.idx.msk [tilespmem:v4+s14+$0x0], $0xffff;
	[tilespmem:s24+$0x50] =	vst v11  }
0x536: {  	s31 =	simm.s32 $0x1;
	s9 =	sadd.s32 $0x4, s26;
	s16 =	sand.u32 $0xFFFFF800, s6;
	v16 =	vand.u32 $0xFFFF, v7;
	[tilespmem:s11+$0x50] =	vst v8;
	v6 =	vld.idx.msk [tilespmem:v6+s14+$0x0], $0xffff  }
0x537: {  	s3 =	sand.u32 $0x1, s31;
	s8 =	sshrl.u32 s9, $0x3;
	s9 =	sadd.s32 $0x200, s16;
	v10 =	vadd.s32 s15, v2;
	v8 =	vld.idx.msk [tilespmem:v14+s30+$0x0], $0xffff  }
0x538: {  	p5 =	seq.s32 s3, $0x1;
	p6 =	seq.s32 s9, $0x0;
	[tilespmem:s2+$0x50] =	vst v13;
	v13 =	vand.u32 $0xFFFF, v12  }
0x539: {  	s17 =	simm.s32 $0x380;
	p1 =	por !p5, !p6;
	v11 =	vadd.s32 s12, v2;
	v9 =	vld.idx.msk [tilespmem:v9+s14+$0x0], $0xffff  }
0x53a: {  	s3 =	sand.u32 $0x380, s17;
	s17 =	simm.s32 $0x1;
	p1 =	por !p1, !p1;
	v14 =	vld.idx.msk [tilespmem:v15+s30+$0x0], $0xffff;
	v15 =	vand.u32 $0xFFFF, v5;
	[tilespmem:s23+$0x50] =	vst v4  }
0x53b: {  	s17 =	simm.s32 @!p1 $0x0;
	v16 =	vld.idx.msk [tilespmem:v16+s14+$0x0], $0xffff;
	[tilespmem:s5+$0x50] =	vst v6;
	v6 =	vadd.s32 s20, v2  }
0x53c: {  	s15 =	ssub.s32 s8, s17;
	v10 =	vld.idx.msk [tilespmem:v10+s30+$0x0], $0xffff;
	v4 =	vand.u32 $0xFFFF, v8  }
0x53d: {  	s22 =	simm.s32 $0x200;
	s16 =	simm.s32 $0x280;
	v7 =	vshrl.u32 v7, $0x10;
	s15 =	sshll.u32 s15, $0xC;
	v13 =	vld.idx.msk [tilespmem:v13+s14+$0x0], $0xffff  }
0x53e: {  	v20 =	vadd.s32 s7, v3;
	s25 =	sadd.s32 $0x80, s9;
	s7 =	sand.u32 $0x200, s22;
	v12 =	vshrl.u32 v12, $0x10;
	s15 =	sshra.s32 s15, $0x2;
	v11 =	vld.idx.msk [tilespmem:v11+s30+$0x0], $0xffff  }
0x53f: {  	s16 =	sand.u32 $0x280, s16;
	s17 =	sand.u32 $0x1C00, s25;
	s15 =	sor.u32 s7, s15;
	[tilespmem:s1+$0x50] =	vst v9;
	v17 =	vand.u32 $0xFFFF, v14;
	v15 =	vld.idx.msk [tilespmem:v15+s14+$0x0], $0xffff  }
0x540: {  	s18 =	sadd.s32 $0x180, s9;
	s17 =	sor.u32 s16, s17;
	s6 =	sadd.s32 $0x1D140, s15;
	v5 =	vshrl.u32 v5, $0x10;
	v6 =	vld.idx.msk [tilespmem:v6+s30+$0x0], $0xffff  }
0x541: {  	s12 =	sand.u32 $0x1C00, s18;
	s25 =	sadd.s32 $0x1D140, s17;
	[tilespmem:s6+$0x40] =	vst v16;
	v18 =	vand.u32 $0xFFFF, v10;
	v4 =	vld.idx.msk [tilespmem:v4+s14+$0x0], $0xffff  }
0x542: {  	s12 =	sor.u32 s3, s12;
	v7 =	vld.idx.msk [tilespmem:v7+s14+$0x0], $0xffff;
	v8 =	vshrl.u32 v8, $0x10;
	[tilespmem:s25+$0x40] =	vst v13  }
0x543: {  	s0 =	smov.u32 s11;
	s11 =	simm.s32 $0x8;
	s31 =	sadd.s32 $0x1D140, s12;
	v12 =	vld.idx.msk [tilespmem:v12+s14+$0x0], $0xffff;
	v9 =	vand.u32 $0xFFFF, v11  }
0x544: {  	s19 =	sadd.s32 $0x980, s9;
	v19 =	vadd.s32 s11, v0;
	v17 =	vld.idx.msk [tilespmem:v17+s14+$0x0], $0xffff;
	[tilespmem:s31+$0x40] =	vst v15  }
0x545: {  	s26 =	sadd.s32 $0x100, s9;
	s18 =	simm.s32 $0x300;
	s12 =	sand.u32 $0x3C00, s19;
	v14 =	vshrl.u32 v14, $0x10;
	v5 =	vld.idx.msk [tilespmem:v5+s14+$0x0], $0xffff  }
0x546: {  	s18 =	sand.u32 $0x300, s18;
	s12 =	sor.u32 s3, s12;
	s3 =	sand.u32 $0x1C00, s26;
	v15 =	vld.idx.msk [tilespmem:v18+s14+$0x0], $0xffff;
	v13 =	vand.u32 $0xFFFF, v6;
	[tilespmem:s13+$0x60] =	vst v4  }
0x547: {  	s3 =	sor.u32 s18, s3;
	v18 =	vadd.s32 s4, v1;
	v8 =	vld.idx.msk [tilespmem:v8+s14+$0x0], $0xffff  }
0x548: {  	s8 =	sadd.s32 $0x1D140, s3;
	v9 =	vld.idx.msk [tilespmem:v9+s14+$0x0], $0xffff  }
0x549: {  	s26 =	sadd.s32 $0x900, s9;
	s17 =	sadd.s32 $0x1D140, s12;
	v4 =	vld.idx.msk [tilespmem:v19+s30+$0x0], $0xffff;
	[tilespmem:s8+$0x40] =	vst v17  }
0x54a: {  	s26 =	sand.u32 $0x3C00, s26;
	s3 =	smov.u32 s2;
	v10 =	vshrl.u32 v10, $0x10;
	v14 =	vld.idx.msk [tilespmem:v14+s14+$0x0], $0xffff;
	[tilespmem:s17+$0x40] =	vst v5;
	v5 =	vadd.s32 s10, v1;
	s10 =	sadd.s32 $0x880, s9  }
0x54b: {  	s2 =	sadd.s32 $0x800, s9;
	s9 =	smov.u32 s21;
	[tilespmem:s21+$0x60] =	vst v15;
	v13 =	vld.idx.msk [tilespmem:v13+s14+$0x0], $0xffff;
	s12 =	sand.u32 $0x3C00, s10  }
0x54c: {  	v17 =	vadd.s32 s29, v1;
	s21 =	simm.s32 $0x9;
	v16 =	vld.idx.msk [tilespmem:v18+s30+$0x0], $0xffff;
	[tilespmem:s0+$0x60] =	vst v8;
	s12 =	sor.u32 s16, s12;
	s16 =	simm.s32 $0x9  }
0x54d: {  	s26 =	sor.u32 s18, s26;
	v15 =	vadd.s32 s21, v0;
	v20 =	vld.idx.msk [tilespmem:v20+s30+$0x0], $0xffff;
	s4 =	sadd.s32 $0x1D140, s12;
	[dreg:$0xb] =	wrdreg s16  }
0x54e: {  	s26 =	sadd.s32 $0x1D140, s26;
	v8 =	vshrl.u32 v11, $0x10;
	[tilespmem:s4+$0x40] =	vst v12  }
0x54f: {  	s18 =	sand.u32 $0x3C00, s2;
	v11 =	vadd.s32 s28, v1;
	v10 =	vld.idx.msk [tilespmem:v10+s14+$0x0], $0xffff;
	[tilespmem:s26+$0x40] =	vst v14  }
0x550: {  	s7 =	sor.u32 s7, s18;
	v12 =	vshrl.u32 v6, $0x10;
	v18 =	vld.idx.msk [tilespmem:v5+s30+$0x0], $0xffff;
	[dreg:$0xd] =	wrdreg s24  }
0x551: {  	s18 =	simm.s32 $0x1;
	s16 =	sadd.s32 $0x1D140, s7;
	[tilespmem:s24+$0x60] =	vst v9;
	v9 =	vld.idx.msk [tilespmem:v17+s30+$0x0], $0xffff;
	v5 =	vand.u32 $0xFFFF, v16  }
0x552: {  	[tilespmem:s16+$0x40] =	vst v7;
	v7 =	vadd.s32 s18, v3;
	v6 =	vld.idx.msk [tilespmem:v15+s30+$0x0], $0xffff;
	s24 =	simm.s32 $0xA  }
0x553: {  	v14 =	vld.idx.msk [tilespmem:v8+s14+$0x0], $0xffff;
	v15 =	vadd.s32 s24, v0  }
0x554: {  	s21 =	smov.u32 s26;
	s26 =	simm.s32 $0x2;
	[tilespmem:s3+$0x60] =	vst v13;
	v17 =	vld.idx.msk [tilespmem:v11+s30+$0x0], $0xffff;
	v11 =	vand.u32 $0xFFFF, v20  }
0x555: {  	v13 =	vadd.s32 s26, v3;
	v21 =	vld.idx.msk [tilespmem:v12+s14+$0x0], $0xffff;
	[dreg:$0x9] =	wrdreg s23  }
0x556: {  	[tilespmem:s23+$0x60] =	vst v10;
	v10 =	vand.u32 $0xFFFF, v18;
	v22 =	vld.idx.msk [tilespmem:v5+s14+$0x0], $0xffff  }
0x557: {  	v23 =	vand.u32 $0xFFFF, v9;
	v8 =	vld.idx.msk [tilespmem:v7+s30+$0x0], $0xffff;
	[dreg:$0x7] =	wrdreg s5  }
0x558: {  	v12 =	vshrl.u32 v9, $0x10;
	v9 =	vld.idx.msk [tilespmem:v15+s30+$0x0], $0xffff  }
0x559: {  	[tilespmem:s5+$0x60] =	vst v14;
	v7 =	vld.idx.msk [tilespmem:v11+s14+$0x0], $0xffff  }
0x55a: {  	s19 =	smov.u32 s13;
	s15 =	simm.s32 $0x7;
	s13 =	smov.u32 s6;
	v19 =	vshrl.u32 v16, $0x10;
	v5 =	vld.idx.msk [tilespmem:v13+s30+$0x0], $0xffff  }
0x55b: {  	s6 =	simm.s32 $0x5;
	s10 =	smov.u32 s4;
	s4 =	simm.s32 $0xB;
	v16 =	vand.u32 $0xFFFF, v4;
	v13 =	vshrl.u32 v18, $0x10;
	v11 =	vshrl.u32 v17, $0x10;
	[tilespmem:s1+$0x60] =	vst v21;
	v14 =	vld.idx.msk [tilespmem:v10+s14+$0x0], $0xffff  }
0x55c: {  	s26 =	simm.s32 $0xA;
	s23 =	smov.u32 s31;
	s5 =	simm.s32 $0xC;
	v18 =	vand.u32 $0xFFFF, v17;
	v17 =	vshrl.u32 v20, $0x10;
	v10 =	vadd.s32 s20, v3;
	v15 =	vld.idx.msk [tilespmem:v23+s14+$0x0], $0xffff;
	[tilespmem:s31+$0x50] =	vst v22  }
.LBB2_21:
0x55d: {  	_ =	sdelay $0x2  }
0x55e: {  	v20 =	vadd.s32 s4, v0;
	v19 =	vld.idx.msk [tilespmem:v19+s14+$0x0], $0xffff  }
0x55f: {  	v18 =	vld.idx.msk [tilespmem:v18+s14+$0x0], $0xffff  }
0x560: {  	v10 =	vld.idx.msk [tilespmem:v10+s30+$0x0], $0xffff  }
0x561: {  	[tilespmem:s19+$0x70] =	vst v7;
	v22 =	vshrl.u32 v5, $0x10;
	v23 =	vand.u32 $0xFFFF, v5;
	v5 =	vld.idx.msk [tilespmem:v16+s14+$0x0], $0xffff  }
0x562: {  	v7 =	vadd.s32 s15, v2;
	v17 =	vld.idx.msk [tilespmem:v17+s14+$0x0], $0xffff  }
0x563: {  	v21 =	vshrl.u32 v8, $0x10;
	v8 =	vand.u32 $0xFFFF, v8;
	[tilespmem:s25+$0x50] =	vst v14;
	v14 =	vld.idx.msk [tilespmem:v20+s30+$0x0], $0xffff  }
0x564: {  	[tilespmem:s8+$0x50] =	vst v15;
	v13 =	vld.idx.msk [tilespmem:v13+s14+$0x0], $0xffff  }
0x565: {  	v15 =	vand.u32 $0xFFFF, v6;
	[tilespmem:s13+$0x50] =	vst v18;
	v12 =	vld.idx.msk [tilespmem:v12+s14+$0x0], $0xffff  }
0x566: {  	[dreg:$0x17] =	wrdreg s29;
	v16 =	vadd.s32 s6, v2;
	[tilespmem:s17+$0x50] =	vst v19;
	v11 =	vld.idx.msk [tilespmem:v11+s14+$0x0], $0xffff  }
0x567: {  	[dreg:$0x11] =	wrdreg s1;
	v7 =	vld.idx.msk [tilespmem:v7+s30+$0x0], $0xffff  }
0x568: {  	[dreg:$0xf] =	wrdreg s28;
	s31 =	smov.u32 s23;
	v8 =	vld.idx.msk [tilespmem:v8+s14+$0x0], $0xffff;
	[tilespmem:s0+$0x70] =	vst v17;
	v17 =	vshrl.u32 v10, $0x10;
	v10 =	vand.u32 $0xFFFF, v10  }
0x569: {  	s24 =	smov.u32 s13;
	s12 =	smov.u32 s6;
	s1 =	smov.u32 s17;
	v18 =	vadd.s32 s29, v2;
	v20 =	vld.idx.msk [tilespmem:v23+s14+$0x0], $0xffff  }
0x56a: {  	s2 =	smov.u32 s10;
	s7 =	sand.u32 $0x7FFFF0, s11;
	s23 =	smov.u32 s15;
	v15 =	vld.idx.msk [tilespmem:v15+s14+$0x0], $0xffff;
	v19 =	vand.u32 $0xFFFF, v14;
	[tilespmem:s10+$0x50] =	vst v13  }
0x56b: {  	s18 =	sshll.u32 s11, $0x7;
	s22 =	sadd.s32 $0x200, s22;
	s7 =	sadd.s32 s7, s11;
	v13 =	vld.idx.msk [tilespmem:v16+s30+$0x0], $0xffff  }
0x56c: {  	v58 =	vadd.s32 s28, v2;
	s20 =	sadd.s32 $0x180, s22;
	s28 =	sshrl.u32 s7, $0x3;
	s6 =	sand.u32 $0xFFFFF800, s18  }
0x56d: {  	s15 =	smov.u32 s21;
	s19 =	rddreg [dreg:$0xd];
	s7 =	sadd.s32 s6, s22;
	[tilespmem:s21+$0x50] =	vst v12;
	v16 =	vand.u32 $0xFFFF, v7;
	v10 =	vld.idx.msk [tilespmem:v10+s14+$0x0], $0xffff  }
0x56e: {  	s13 =	sand.u32 $0x380, s20;
	s6 =	rddreg [dreg:$0x9];
	s0 =	sshrl.u32 s11, $0x2;
	[tilespmem:s16+$0x50] =	vst v11;
	v11 =	vld.idx.msk [tilespmem:v18+s30+$0x0], $0xffff  }
0x56f: {  	p3 =	seq.s32 s7, $0x0;
	s29 =	sadd.s32 $0x100, s7;
	s17 =	sand.u32 $0x1, s0;
	[tilespmem:s9+$0x70] =	vst v8;
	v8 =	vand.u32 $0xFFFF, v9;
	v12 =	vld.idx.msk [tilespmem:v19+s14+$0x0], $0xffff  }
0x570: {  	s10 =	sadd.s32 $0x100, s22;
	s21 =	sadd.s32 $0x180, s7;
	p2 =	seq.s32 s17, $0x1;
	[tilespmem:s19+$0x70] =	vst v20;
	v20 =	vld.idx.msk [tilespmem:v21+s14+$0x0], $0xffff;
	v19 =	vshrl.u32 v13, $0x10;
	v13 =	vand.u32 $0xFFFF, v13  }
0x571: {  	s0 =	sadd.s32 $0x80, s7;
	s18 =	sand.u32 $0x300, s10;
	p2 =	por !p2, !p3;
	v18 =	vld.idx.msk [tilespmem:v58+s30+$0x0], $0xffff  }
0x572: {  	v14 =	vshrl.u32 v14, $0x10;
	s9 =	sadd.s32 $0x80, s22;
	p2 =	por !p2, !p2;
	s19 =	sand.u32 $0x1C00, s21;
	v16 =	vld.idx.msk [tilespmem:v16+s14+$0x0], $0xffff  }
0x573: {  	s21 =	sand.u32 $0x1C00, s0;
	s0 =	simm.s32 $0x1A900;
	s19 =	sor.u32 s13, s19;
	[tilespmem:s3+$0x70] =	vst v10;
	v10 =	vld.idx.msk [tilespmem:v22+s14+$0x0], $0xffff;
	v59 =	vshrl.u32 v11, $0x10;
	v11 =	vand.u32 $0xFFFF, v11  }
0x574: {  	v7 =	vshrl.u32 v7, $0x10;
	s20 =	sadd.s32 $0x1D140, s19;
	v8 =	vld.idx.msk [tilespmem:v8+s14+$0x0], $0xffff;
	s3 =	smov.u32 s4;
	s4 =	simm.s32 $0x1  }
0x575: {  	v6 =	vshrl.u32 v6, $0x10;
	s30 =	sand.u32 $0x200, s22;
	s19 =	smov.u32 s31;
	[tilespmem:s20+$0x40] =	vst v12;
	s4 =	simm.s32 @!p2 $0x0;
	v13 =	vld.idx.msk [tilespmem:v13+s14+$0x0], $0xffff  }
0x576: {  	v60 =	vadd.s32 s5, v0;
	v17 =	vld.idx.msk [tilespmem:v17+s14+$0x0], $0xffff;
	[tilespmem:s6+$0x70] =	vst v20;
	s4 =	ssub.s32 s28, s4;
	s28 =	sand.u32 $0x1C00, s29;
	s29 =	sand.u32 $0x280, s9  }
0x577: {  	v9 =	vshrl.u32 v9, $0x10;
	v12 =	vld.idx.msk [tilespmem:v14+s14+$0x0], $0xffff;
	s9 =	rddreg [dreg:$0x7];
	s4 =	sshll.u32 s4, $0xC;
	s17 =	sor.u32 s29, s21;
	[tilespmem:s31+$0x60] =	vst v16  }
0x578: {  	v14 =	vshrl.u32 v18, $0x10;
	v18 =	vand.u32 $0xFFFF, v18;
	s6 =	sadd.s32 $0x800, s7;
	s4 =	sshra.s32 s4, $0x2;
	s31 =	sadd.s32 $0x1D140, s17;
	v11 =	vld.idx.msk [tilespmem:v11+s14+$0x0], $0xffff;
	[tilespmem:s9+$0x70] =	vst v10  }
0x579: {  	s21 =	sor.u32 s18, s28;
	s28 =	sadd.s32 $0x980, s7;
	v16 =	vadd.s32 s3, v1;
	s4 =	sor.u32 s30, s4;
	v7 =	vld.idx.msk [tilespmem:v7+s14+$0x0], $0xffff;
	[tilespmem:s31+$0x40] =	vst v15  }
0x57a: {  	v20 =	vshrl.u32 v4, $0x10;
	s10 =	sadd.s32 $0x1D140, s4;
	s4 =	sand.u32 $0x3C00, s28;
	s28 =	sadd.s32 $0x1D140, s21;
	v6 =	vld.idx.msk [tilespmem:v6+s14+$0x0], $0xffff;
	[tilespmem:s25+$0x60] =	vst v13  }
0x57b: {  	v4 =	vld.idx.msk [tilespmem:v60+s0+$0x0], $0xffff;
	s0 =	smov.u32 s1;
	s1 =	sand.u32 $0x3C00, s6;
	v10 =	vadd.s32 s23, v3;
	s4 =	sor.u32 s13, s4;
	[tilespmem:s28+$0x40] =	vst v8  }
0x57c: {  	s9 =	sadd.s32 $0x880, s7;
	s23 =	rddreg [dreg:$0xb];
	[tilespmem:s10+$0x40] =	vst v5;
	s17 =	sadd.s32 $0x1D140, s4;
	v8 =	vld.idx.msk [tilespmem:v9+s14+$0x0], $0xffff  }
0x57d: {  	s1 =	sor.u32 s30, s1;
	s30 =	simm.s32 $0x1A900;
	s13 =	sand.u32 $0x3C00, s9;
	v5 =	vadd.s32 s23, v1;
	v13 =	vld.idx.msk [tilespmem:v18+s14+$0x0], $0xffff;
	[tilespmem:s17+$0x40] =	vst v12  }
0x57e: {  	s7 =	sadd.s32 $0x900, s7;
	v15 =	vadd.s32 s26, v1;
	s4 =	sor.u32 s29, s13;
	v9 =	vld.idx.msk [tilespmem:v16+s30+$0x0], $0xffff  }
0x57f: {  	s7 =	sand.u32 $0x3C00, s7;
	v12 =	vld.idx.msk [tilespmem:v20+s14+$0x0], $0xffff;
	s21 =	sadd.s32 $0x1D140, s4;
	[tilespmem:s0+$0x60] =	vst v7  }
0x580: {  	s7 =	sor.u32 s18, s7;
	s29 =	sadd.s32 $0x1, s5;
	v7 =	vadd.s32 s11, v1;
	v10 =	vld.idx.msk [tilespmem:v10+s30+$0x0], $0xffff;
	[tilespmem:s21+$0x40] =	vst v6  }
0x581: {  	s7 =	sadd.s32 $0x1D140, s7;
	[tilespmem:s8+$0x60] =	vst v11;
	v11 =	vadd.s32 s29, v0;
	v16 =	vld.idx.msk [tilespmem:v19+s14+$0x0], $0xffff  }
0x582: {  	s6 =	rddreg [dreg:$0x11];
	s18 =	sadd.s32 $0x1D140, s1;
	v5 =	vld.idx.msk [tilespmem:v5+s30+$0x0], $0xffff;
	[tilespmem:s7+$0x40] =	vst v8  }
0x583: {  	s1 =	smov.u32 s16;
	s16 =	smov.u32 s18;
	[tilespmem:s6+$0x70] =	vst v17;
	v8 =	vld.idx.msk [tilespmem:v15+s30+$0x0], $0xffff;
	v15 =	vand.u32 $0xFFFF, v9  }
0x584: {  	v17 =	vadd.s32 s12, v3;
	s12 =	rddreg [dreg:$0x17];
	[tilespmem:s16+$0x40] =	vst v12;
	v18 =	vld.idx.msk [tilespmem:v59+s14+$0x0], $0xffff  }
0x585: {  	s18 =	sadd.s32 $0x2, s5;
	s4 =	smov.u32 s26;
	s26 =	smov.u32 s24;
	v61 =	vadd.s32 s12, v3;
	v20 =	vld.idx.msk [tilespmem:v7+s30+$0x0], $0xffff  }
0x586: {  	s9 =	smov.u32 s25;
	s25 =	smov.u32 s31;
	s31 =	smov.u32 s2;
	v62 =	vadd.s32 s18, v0;
	v6 =	vld.idx.msk [tilespmem:v11+s30+$0x0], $0xffff;
	[tilespmem:s26+$0x60] =	vst v13  }
0x587: {  	p1 =	slt.u32 s5, $0x1C;
	s13 =	smov.u32 s10;
	[dreg:$0x9] =	wrdreg s31;
	v7 =	vand.u32 $0xFFFF, v10;
	v63 =	vld.idx.msk [tilespmem:v14+s14+$0x0], $0xffff  }
0x588: {  	s24 =	smov.u32 s8;
	s8 =	smov.u32 s28;
	s28 =	smov.u32 s15;
	[tilespmem:s31+$0x60] =	vst v16;
	v14 =	vand.u32 $0xFFFF, v5;
	v24 =	vld.idx.msk [tilespmem:v15+s14+$0x0], $0xffff  }
0x589: {  	s6 =	smov.u32 s23;
	s23 =	smov.u32 s20;
	[dreg:$0xd] =	wrdreg s24;
	v12 =	vshrl.u32 v8, $0x10;
	[tilespmem:s28+$0x60] =	vst v18;
	v15 =	vand.u32 $0xFFFF, v8;
	v8 =	vld.idx.msk [tilespmem:v17+s30+$0x0], $0xffff  }
.Ltmp10:
0x58a: {  	s10 =	smov.u32 s21;
	s15 =	smov.u32 s3;
	v13 =	vshrl.u32 v5, $0x10;
	v5 =	vld.idx.msk [tilespmem:v61+s30+$0x0], $0xffff;
	(pc) =	sbr.rel @p1 .LBB2_21-.Ltmp10, $4  }
0x58b: {  	s21 =	smov.u32 s7;
	[dreg:$0x7] =	wrdreg s28;
	s7 =	smov.u32 s29;
	v19 =	vshrl.u32 v9, $0x10;
	v9 =	vld.idx.msk [tilespmem:v62+s30+$0x0], $0xffff  }
0x58c: {  	s3 =	smov.u32 s26;
	s29 =	smov.u32 s4;
	[dreg:$0xb] =	wrdreg s7;
	v7 =	vld.idx.msk [tilespmem:v7+s14+$0x0], $0xffff  }
0x58d: {  	s31 =	rddreg [dreg:$0xf];
	v16 =	vand.u32 $0xFFFF, v4;
	s28 =	smov.u32 s11;
	s11 =	smov.u32 s5;
	v11 =	vshrl.u32 v20, $0x10;
	[tilespmem:s1+$0x60] =	vst v63;
	v14 =	vld.idx.msk [tilespmem:v14+s14+$0x0], $0xffff  }
0x58e: {  	s26 =	smov.u32 s18;
	s5 =	sadd.s32 $0x4, s5;
	v18 =	vand.u32 $0xFFFF, v20;
	v17 =	vshrl.u32 v10, $0x10;
	v10 =	vadd.s32 s31, v3;
	s4 =	sadd.s32 $0x3, s11;
	v15 =	vld.idx.msk [tilespmem:v15+s14+$0x0], $0xffff;
	[tilespmem:s20+$0x50] =	vst v24  }
0x58f: {  	v20 =	vadd.s32 s4, v0;
	_ =	sdelay $0x2  }
0x590: {  	s5 =	sshll.u32 s11, $0x7  }
0x591: {  	s7 =	sadd.s32 $0x200, s22;
	s18 =	sshrl.u32 s11, $0x2;
	s20 =	sand.u32 $0x7FFFF0, s11  }
0x592: {  	s12 =	smov.u32 s28;
	s28 =	simm.s32 $0x1;
	s5 =	sand.u32 $0xFFFFF800, s5;
	v20 =	vld.idx.msk [tilespmem:v20+s30+$0x0], $0xffff  }
0x593: {  	s18 =	sand.u32 $0x1, s18;
	s2 =	sadd.s32 s20, s11;
	s22 =	sadd.s32 $0x180, s7  }
0x594: {  	v19 =	vld.idx.msk [tilespmem:v19+s14+$0x0], $0xffff;
	v22 =	vand.u32 $0xFFFF, v6;
	s5 =	sadd.s32 s5, s7;
	p1 =	seq.s32 s18, $0x1;
	s2 =	sshrl.u32 s2, $0x3  }
0x595: {  	v18 =	vld.idx.msk [tilespmem:v18+s14+$0x0], $0xffff;
	v40 =	vand.u32 $0xFFFF, v9;
	s18 =	sand.u32 $0x380, s22;
	p2 =	seq.s32 s5, $0x0;
	s24 =	sadd.s32 $0x180, s5  }
0x596: {  	v10 =	vld.idx.msk [tilespmem:v10+s30+$0x0], $0xffff;
	[tilespmem:s19+$0x70] =	vst v7;
	s31 =	sadd.s32 $0x80, s5;
	s19 =	sadd.s32 $0x100, s5;
	p1 =	por !p1, !p2  }
0x597: {  	v16 =	vld.idx.msk [tilespmem:v16+s14+$0x0], $0xffff;
	s22 =	sand.u32 $0x1C00, s24;
	s24 =	sadd.s32 $0x80, s7;
	p1 =	por !p1, !p1;
	v21 =	vand.u32 $0xFFFF, v20  }
0x598: {  	v23 =	vadd.s32 s15, v2;
	v7 =	vld.idx.msk [tilespmem:v17+s14+$0x0], $0xffff;
	s22 =	sor.u32 s18, s22;
	s30 =	sadd.s32 $0x100, s7;
	s28 =	simm.s32 @!p1 $0x0  }
0x599: {  	v22 =	vld.idx.msk [tilespmem:v22+s14+$0x0], $0xffff;
	s20 =	sadd.s32 $0x1D140, s22;
	s22 =	sand.u32 $0x1C00, s31;
	s31 =	simm.s32 $0x1A900  }
0x59a: {  	[tilespmem:s25+$0x50] =	vst v14;
	v41 =	vld.idx.msk [tilespmem:v40+s14+$0x0], $0xffff;
	s30 =	sand.u32 $0x300, s30;
	s2 =	ssub.s32 s2, s28;
	s28 =	sand.u32 $0x1C00, s19  }
0x59b: {  	v43 =	vshrl.u32 v9, $0x10;
	v13 =	vld.idx.msk [tilespmem:v13+s14+$0x0], $0xffff;
	[tilespmem:s17+$0x50] =	vst v19;
	s19 =	smov.u32 s29;
	s29 =	sand.u32 $0x280, s24;
	s2 =	sshll.u32 s2, $0xC  }
0x59c: {  	v4 =	vshrl.u32 v4, $0x10;
	s24 =	sor.u32 s29, s22;
	s28 =	sor.u32 s30, s28;
	v21 =	vld.idx.msk [tilespmem:v21+s14+$0x0], $0xffff;
	[smem:$0x7EA] =	sst s0  }
0x59d: {  	s2 =	sshra.s32 s2, $0x2;
	s24 =	sadd.s32 $0x1D140, s24;
	v20 =	vshrl.u32 v20, $0x10;
	[tilespmem:s8+$0x50] =	vst v15;
	v44 =	vld.idx.msk [tilespmem:v23+s31+$0x0], $0xffff;
	s31 =	sand.u32 $0x200, s7  }
0x59e: {  	v42 =	vshrl.u32 v6, $0x10;
	s22 =	sadd.s32 $0x1D140, s28;
	s0 =	smov.u32 s6;
	[tilespmem:s24+$0x40] =	vst v22;
	s2 =	sor.u32 s31, s2  }
0x59f: {  	v45 =	vadd.s32 s6, v2;
	s6 =	sadd.s32 $0x880, s5;
	[tilespmem:s22+$0x40] =	vst v41;
	s7 =	sadd.s32 $0x1D140, s2;
	s2 =	sadd.s32 $0x980, s5  }
0x5a0: {  	s28 =	sand.u32 $0x3C00, s6;
	v9 =	vld.idx.msk [tilespmem:v43+s14+$0x0], $0xffff;
	s2 =	sand.u32 $0x3C00, s2;
	[tilespmem:s7+$0x40] =	vst v16  }
0x5a1: {  	v49 =	vadd.s32 s26, v1;
	[tilespmem:s20+$0x40] =	vst v21;
	s2 =	sor.u32 s18, s2;
	s18 =	sor.u32 s29, s28;
	v4 =	vld.idx.msk [tilespmem:v4+s14+$0x0], $0xffff;
	s28 =	sadd.s32 $0x900, s5  }
0x5a2: {  	v50 =	vadd.s32 s11, v1;
	s5 =	sadd.s32 $0x800, s5;
	v46 =	vld.idx.msk [tilespmem:v20+s14+$0x0], $0xffff;
	s6 =	rddreg [dreg:$0xb];
	s28 =	sand.u32 $0x3C00, s28  }
0x5a3: {  	v47 =	vadd.s32 s4, v1;
	v6 =	vld.idx.msk [tilespmem:v42+s14+$0x0], $0xffff;
	[tilespmem:s13+$0x50] =	vst v18;
	s29 =	sadd.s32 $0x1D140, s2;
	s5 =	sand.u32 $0x3C00, s5;
	s2 =	sor.u32 s30, s28  }
0x5a4: {  	[tilespmem:s10+$0x50] =	vst v13;
	v48 =	vadd.s32 s6, v1;
	s31 =	sor.u32 s31, s5;
	s2 =	sadd.s32 $0x1D140, s2  }
0x5a5: {  	v11 =	vld.idx.msk [tilespmem:v11+s14+$0x0], $0xffff;
	s30 =	simm.s32 $0x1A900;
	s28 =	sadd.s32 $0x1D140, s18;
	s18 =	sadd.s32 $0x1D140, s31;
	[tilespmem:s2+$0x40] =	vst v9  }
0x5a6: {  	v16 =	vld.idx.msk [tilespmem:v49+s30+$0x0], $0xffff;
	[tilespmem:s18+$0x40] =	vst v4  }
0x5a7: {  	v4 =	vand.u32 $0xFFFF, v44;
	[tilespmem:s29+$0x40] =	vst v46;
	v13 =	vld.idx.msk [tilespmem:v50+s30+$0x0], $0xffff  }
0x5a8: {  	[tilespmem:s28+$0x40] =	vst v6;
	v20 =	vld.idx.msk [tilespmem:v47+s30+$0x0], $0xffff  }
0x5a9: {  	v14 =	vld.idx.msk [tilespmem:v48+s30+$0x0], $0xffff  }
0x5aa: {  	v54 =	vadd.s32 s12, v2  }
0x5ab: {  	v17 =	vld.idx.msk [tilespmem:v45+s30+$0x0], $0xffff;
	v58 =	vand.u32 $0xFFFF, v16  }
0x5ac: {  	v4 =	vld.idx.msk [tilespmem:v4+s14+$0x0], $0xffff;
	v59 =	vand.u32 $0xFFFF, v13  }
0x5ad: {  	v56 =	vand.u32 $0xFFFF, v20  }
0x5ae: {  	v12 =	vld.idx.msk [tilespmem:v12+s14+$0x0], $0xffff;
	[tilespmem:s16+$0x50] =	vst v11;
	v57 =	vand.u32 $0xFFFF, v14  }
0x5af: {  	v52 =	vadd.s32 s19, v2;
	v9 =	vld.idx.msk [tilespmem:v54+s30+$0x0], $0xffff  }
0x5b0: {  	v55 =	vand.u32 $0xFFFF, v17;
	v22 =	vld.idx.msk [tilespmem:v58+s14+$0x0], $0xffff  }
0x5b1: {  	[tilespmem:s23+$0x60] =	vst v4;
	v4 =	vshrl.u32 v16, $0x10;
	v60 =	vld.idx.msk [tilespmem:v59+s14+$0x0], $0xffff  }
0x5b2: {  	v13 =	vshrl.u32 v13, $0x10;
	v21 =	vld.idx.msk [tilespmem:v56+s14+$0x0], $0xffff  }
0x5b3: {  	[tilespmem:s21+$0x50] =	vst v12;
	v20 =	vshrl.u32 v20, $0x10;
	v11 =	vld.idx.msk [tilespmem:v57+s14+$0x0], $0xffff  }
0x5b4: {  	v19 =	vld.idx.msk [tilespmem:v52+s30+$0x0], $0xffff;
	v14 =	vshrl.u32 v14, $0x10  }
0x5b5: {  	v15 =	vshrl.u32 v44, $0x10;
	v12 =	vld.idx.msk [tilespmem:v55+s14+$0x0], $0xffff;
	[tilespmem:s22+$0x50] =	vst v22  }
0x5b6: {  	v61 =	vand.u32 $0xFFFF, v9;
	[tilespmem:s7+$0x50] =	vst v60;
	v4 =	vld.idx.msk [tilespmem:v4+s14+$0x0], $0xffff  }
0x5b7: {  	v25 =	vadd.s32 s26, v2;
	[tilespmem:s20+$0x50] =	vst v21;
	v13 =	vld.idx.msk [tilespmem:v13+s14+$0x0], $0xffff  }
0x5b8: {  	v27 =	vadd.s32 s11, v2;
	[tilespmem:s24+$0x50] =	vst v11;
	v20 =	vld.idx.msk [tilespmem:v20+s14+$0x0], $0xffff  }
0x5b9: {  	v62 =	vadd.s32 s4, v2;
	v14 =	vld.idx.msk [tilespmem:v14+s14+$0x0], $0xffff  }
0x5ba: {  	v63 =	vadd.s32 s6, v2;
	v15 =	vld.idx.msk [tilespmem:v15+s14+$0x0], $0xffff  }
0x5bb: {  	v51 =	vand.u32 $0xFFFF, v8;
	v26 =	vld.idx.msk [tilespmem:v61+s14+$0x0], $0xffff;
	[tilespmem:s2+$0x50] =	vst v4  }
0x5bc: {  	v53 =	vand.u32 $0xFFFF, v5;
	[tilespmem:s18+$0x50] =	vst v13;
	v31 =	vld.idx.msk [tilespmem:v25+s30+$0x0], $0xffff  }
0x5bd: {  	v17 =	vshrl.u32 v17, $0x10;
	[tilespmem:s29+$0x50] =	vst v20;
	v32 =	vld.idx.msk [tilespmem:v27+s30+$0x0], $0xffff  }
0x5be: {  	v24 =	vand.u32 $0xFFFF, v19;
	[tilespmem:s28+$0x50] =	vst v14;
	v11 =	vld.idx.msk [tilespmem:v62+s30+$0x0], $0xffff  }
0x5bf: {  	v28 =	vadd.s32 s15, v3;
	v16 =	vld.idx.msk [tilespmem:v63+s30+$0x0], $0xffff  }
0x5c0: {  	v18 =	vld.idx.msk [tilespmem:v51+s14+$0x0], $0xffff;
	v9 =	vshrl.u32 v9, $0x10  }
0x5c1: {  	v6 =	vld.idx.msk [tilespmem:v53+s14+$0x0], $0xffff;
	[tilespmem:s25+$0x60] =	vst v12;
	v37 =	vand.u32 $0xFFFF, v31  }
0x5c2: {  	v17 =	vld.idx.msk [tilespmem:v17+s14+$0x0], $0xffff;
	v38 =	vand.u32 $0xFFFF, v32  }
0x5c3: {  	v24 =	vld.idx.msk [tilespmem:v24+s14+$0x0], $0xffff;
	[tilespmem:s17+$0x60] =	vst v15;
	v35 =	vand.u32 $0xFFFF, v11  }
0x5c4: {  	v34 =	vld.idx.msk [tilespmem:v28+s30+$0x0], $0xffff;
	[tilespmem:s13+$0x60] =	vst v26;
	v36 =	vand.u32 $0xFFFF, v16  }
0x5c5: {  	v33 =	vadd.s32 s0, v3;
	v9 =	vld.idx.msk [tilespmem:v9+s14+$0x0], $0xffff  }
0x5c6: {  	v4 =	vshrl.u32 v19, $0x10;
	v12 =	vld.idx.msk [tilespmem:v37+s14+$0x0], $0xffff  }
0x5c7: {  	[tilespmem:s10+$0x60] =	vst v17;
	v13 =	vshrl.u32 v31, $0x10;
	v17 =	vld.idx.msk [tilespmem:v38+s14+$0x0], $0xffff  }
0x5c8: {  	[tilespmem:s9+$0x70] =	vst v18;
	v15 =	vshrl.u32 v32, $0x10;
	v18 =	vld.idx.msk [tilespmem:v35+s14+$0x0], $0xffff  }
0x5c9: {  	v11 =	vshrl.u32 v11, $0x10;
	v21 =	vld.idx.msk [tilespmem:v36+s14+$0x0], $0xffff  }
0x5ca: {  	[tilespmem:s8+$0x60] =	vst v24;
	v19 =	vld.idx.msk [tilespmem:v33+s30+$0x0], $0xffff;
	v16 =	vshrl.u32 v16, $0x10  }
0x5cb: {  	v29 =	vand.u32 $0xFFFF, v10;
	v4 =	vld.idx.msk [tilespmem:v4+s14+$0x0], $0xffff;
	[tilespmem:s22+$0x60] =	vst v12  }
0x5cc: {  	v39 =	vand.u32 $0xFFFF, v34;
	v13 =	vld.idx.msk [tilespmem:v13+s14+$0x0], $0xffff;
	[tilespmem:s7+$0x60] =	vst v17  }
0x5cd: {  	v30 =	vshrl.u32 v8, $0x10;
	[tilespmem:s20+$0x60] =	vst v18;
	v47 =	vld.idx.msk [tilespmem:v15+s14+$0x0], $0xffff  }
0x5ce: {  	v40 =	vadd.s32 s19, v3;
	[tilespmem:s24+$0x60] =	vst v21;
	v11 =	vld.idx.msk [tilespmem:v11+s14+$0x0], $0xffff  }
0x5cf: {  	v41 =	vadd.s32 s12, v3;
	[tilespmem:s16+$0x60] =	vst v9;
	v44 =	vld.idx.msk [tilespmem:v16+s14+$0x0], $0xffff  }
0x5d0: {  	v14 =	vld.idx.msk [tilespmem:v29+s14+$0x0], $0xffff;
	v42 =	vand.u32 $0xFFFF, v19;
	[tilespmem:s21+$0x60] =	vst v4  }
0x5d1: {  	v43 =	vadd.s32 s4, v3;
	v4 =	vld.idx.msk [tilespmem:v39+s14+$0x0], $0xffff;
	[tilespmem:s2+$0x60] =	vst v13  }
0x5d2: {  	v45 =	vadd.s32 s6, v3;
	v8 =	vld.idx.msk [tilespmem:v30+s14+$0x0], $0xffff;
	[tilespmem:s18+$0x60] =	vst v47  }
0x5d3: {  	v46 =	vadd.s32 s26, v3;
	v23 =	vld.idx.msk [tilespmem:v40+s30+$0x0], $0xffff;
	[tilespmem:s29+$0x60] =	vst v11  }
0x5d4: {  	v48 =	vadd.s32 s11, v3;
	v22 =	vld.idx.msk [tilespmem:v41+s30+$0x0], $0xffff;
	[tilespmem:s28+$0x60] =	vst v44  }
0x5d5: {  	v5 =	vshrl.u32 v5, $0x10;
	v18 =	vld.idx.msk [tilespmem:v42+s14+$0x0], $0xffff;
	s19 =	rddreg [dreg:$0xd];
	[tilespmem:s3+$0x70] =	vst v14  }
0x5d6: {  	v10 =	vshrl.u32 v10, $0x10;
	v11 =	vld.idx.msk [tilespmem:v43+s30+$0x0], $0xffff;
	[tilespmem:s23+$0x70] =	vst v4  }
0x5d7: {  	v49 =	vshrl.u32 v34, $0x10;
	v16 =	vld.idx.msk [tilespmem:v45+s30+$0x0], $0xffff;
	[tilespmem:s19+$0x70] =	vst v6  }
0x5d8: {  	v50 =	vand.u32 $0xFFFF, v23;
	v17 =	vld.idx.msk [tilespmem:v46+s30+$0x0], $0xffff;
	s0 =	sld [smem:$0x7EA]  }
0x5d9: {  	v51 =	vand.u32 $0xFFFF, v22;
	v9 =	vld.idx.msk [tilespmem:v48+s30+$0x0], $0xffff  }
0x5da: {  	v52 =	vshrl.u32 v19, $0x10;
	v5 =	vld.idx.msk [tilespmem:v5+s14+$0x0], $0xffff  }
0x5db: {  	v4 =	vld.idx.msk [tilespmem:v10+s14+$0x0], $0xffff;
	v53 =	vand.u32 $0xFFFF, v11;
	[tilespmem:s0+$0x70] =	vst v7  }
0x5dc: {  	v54 =	vld.idx.msk [tilespmem:v49+s14+$0x0], $0xffff;
	v55 =	vand.u32 $0xFFFF, v16;
	s0 =	rddreg [dreg:$0x9];
	[tilespmem:s25+$0x70] =	vst v18  }
0x5dd: {  	v56 =	vld.idx.msk [tilespmem:v50+s14+$0x0], $0xffff;
	v57 =	vand.u32 $0xFFFF, v17;
	[tilespmem:s0+$0x70] =	vst v8  }
0x5de: {  	v6 =	vld.idx.msk [tilespmem:v51+s14+$0x0], $0xffff;
	v15 =	vand.u32 $0xFFFF, v9;
	s0 =	rddreg [dreg:$0x7]  }
0x5df: {  	v14 =	vld.idx.msk [tilespmem:v52+s14+$0x0], $0xffff;
	[tilespmem:s0+$0x70] =	vst v5;
	v5 =	vshrl.u32 v23, $0x10  }
0x5e0: {  	[tilespmem:s1+$0x70] =	vst v4;
	v4 =	vshrl.u32 v22, $0x10;
	v10 =	vld.idx.msk [tilespmem:v53+s14+$0x0], $0xffff  }
0x5e1: {  	v58 =	vshrl.u32 v11, $0x10;
	[tilespmem:s17+$0x70] =	vst v54;
	v59 =	vld.idx.msk [tilespmem:v55+s14+$0x0], $0xffff  }
0x5e2: {  	v60 =	vshrl.u32 v16, $0x10;
	[tilespmem:s8+$0x70] =	vst v56;
	v61 =	vld.idx.msk [tilespmem:v57+s14+$0x0], $0xffff  }
0x5e3: {  	v62 =	vshrl.u32 v17, $0x10;
	[tilespmem:s13+$0x70] =	vst v6;
	v63 =	vld.idx.msk [tilespmem:v15+s14+$0x0], $0xffff  }
0x5e4: {  	v9 =	vshrl.u32 v9, $0x10;
	[tilespmem:s10+$0x70] =	vst v14;
	v5 =	vld.idx.msk [tilespmem:v5+s14+$0x0], $0xffff  }
0x5e5: {  	v4 =	vld.idx.msk [tilespmem:v4+s14+$0x0], $0xffff;
	[tilespmem:s20+$0x70] =	vst v10  }
0x5e6: {  	[tilespmem:s24+$0x70] =	vst v59;
	v7 =	vld.idx.msk [tilespmem:v58+s14+$0x0], $0xffff  }
0x5e7: {  	[tilespmem:s22+$0x70] =	vst v61;
	v8 =	vld.idx.msk [tilespmem:v60+s14+$0x0], $0xffff  }
0x5e8: {  	[tilespmem:s7+$0x70] =	vst v63;
	v6 =	vld.idx.msk [tilespmem:v62+s14+$0x0], $0xffff  }
0x5e9: {  	[tilespmem:s21+$0x70] =	vst v5;
	v5 =	vld.idx.msk [tilespmem:v9+s14+$0x0], $0xffff  }
0x5ea: {  	[tilespmem:s16+$0x70] =	vst v4  }
0x5eb: {  	[tilespmem:s29+$0x70] =	vst v7  }
0x5ec: {  	s0 =	rddreg [dreg:$0x1f];
	[tilespmem:s28+$0x70] =	vst v8  }
0x5ed: {  	s1 =	rddreg [dreg:$0x1a];
	[tilespmem:s2+$0x70] =	vst v6  }
0x5ee: {  	[tilespmem:s18+$0x70] =	vst v5  }
0x5ef: {  	s31 =	rddreg [dreg:$0x1e]  }
0x5f0: {  	s4 =	sadd.s32 $0x1, s31  }
0x5f1: {  	p1 =	sne.s32 s4, $0x19  }
.Ltmp11:
0x5f2: {  	s0 =	sshll.u32 s0, $0x12;
	(pc) =	sbr.rel @p1 .LBB2_2-.Ltmp11, $4  }
0x5f3: {  	s0 =	sor.u32 s1, s0  }
0x5f4: {  	s26 =	simm.s32 $0x400;
	s0 =	sshrl.u32 s0, $0x3;
	s25 =	rddreg [dreg:$0x18]  }
0x5f5: {  	s29 =	simm.s32 $0x1D140;
	s28 =	simm.s32 $0x8000;
	s0 =	sadd.s32 s25, s0  }
0x5f6: {  	[hbm4b:s0+s26] =	stream.strided.scatter [tilespmem:s29], [sflag:$0x5], $0x2000, s28, s26, $0x200038;
	[tilespmem:$0x1F140] =	vst v63  }
0x5f7: {  	_ =	strace $0x90000049;
	s0 =	simm.s32 $0x4  }
0x5f8: {  	_ =	swait.ge [sflag:s0], $0x2000  }
0x5f9: {  	[sflag:s0] =	ssyncset.done $0x0  }
0x5fa: {  	s1 =	simm.s32 $0x5;
	[sflag:s0] =	ssyncadd.s32 $0xFFFFE000  }
0x5fb: {  	_ =	swait.ge [sflag:s1], $0x2000  }
0x5fc: {  	s2 =	rddreg [dreg:$0x1d]  }
0x5fd: {  	s31 =	rddreg [dreg:$0x1b];
	s2 =	sadd.s32 $0x1, s2  }
0x5fe: {  	p1 =	sne.s32 s2, s31  }
.Ltmp12:
0x5ff: {  	_ = 	snop;
	(pc) =	sbr.rel @p1 .LBB2_1-.Ltmp12, $3  }
0x600: {  	_ =	sdelay $0x1  }
0x601: {  	[sflag:s1] =	ssyncset.done $0x0  }
0x602: {  	[sflag:s1] =	ssyncadd.s32 $0xFFFFE000  }
0x603: {  	_ =	sfence.sel $0x180000  }
0x604: {  	[bflag:$0x0] =	sbarrier.arrive $0xFFFF  }
0x605: {  	_ =	strace $0x90000047  }
0x606: {  	[bflag:$0x2] =	sbarrier.arrive $0xFFFF  }
0x607: {  	s0 =	rddreg [dreg:$0x5]  }
0x608: {  	s0 =	sadd.s32 @!p0 $0x100000, s0  }
0x609: {  	[sflag:s0] =	ssyncadd.tile.s32 @!p0 $0x1;
	_ =	shalt  }
.Lfunc_end2:
_tile_overlayer_lowered:
.L_overlay_start_2:
0x60a: {  	(tag) =	ssettag $0x2  }
0x60b: {  	s0 =	rddreg [dreg:$0x0];
	s2 =	stileid.u32  }
0x60c: {  	s1 =	rddreg [dreg:$0x1];
	p0 =	sne.s32 s2, $0x0  }
0x60d: {  	s3 =	rddreg [dreg:$0x2];
	[bflag:$0x3] =	sbarrier.arrive $0xFFFF;
	s2 =	simm.s32 @!p0 $0x1C06  }
0x60e: {  	[timem:s3], [sflag:s2] =	dma.local @!p0 [hbm:s0], s1  }
0x60f: {  	s0 =	simm.s32 @!p0 $0x6  }
0x610: {  	_ =	swait.ge @!p0 [sflag:s0], s1  }
0x611: {  	s1 =	ssub.s32 @!p0 $0x0, s1;
	[sflag:s0] =	ssyncset.done @!p0 $0x0  }
0x612: {  	[sflag:s0] =	ssyncadd.s32 @!p0 s1  }
0x613: {  	[bflag:$0x3] =	sbarrier.arrive $0xFFFF  }
0x614: {  	_ =	shalt  }

</sc_bundles>
